<compile_context>
chip_gen: v7x
topology: tpu7x:2x2x1
jax: 0.10.2.dev20260603
libtpu: 0.0.44.dev20260713+nightly
codegen_flags: <defaults>
</compile_context>

<pallas_src>
import functools

import jax
import jax.numpy as jnp
from jax import lax
from jax.experimental import pallas as pl
from jax.experimental.pallas import tpu as pltpu
from jax.experimental.pallas import tpu_sc as plsc

NC = 2
NS = 16
LANES = 16
CHUNK = 64
NBUF = 3
SPLIT = 1


def _mesh():
    return plsc.VectorSubcoreMesh(
        core_axis_name="c", subcore_axis_name="s",
        num_cores=NC, num_subcores=NS)


def _sc_agg(N, D, R, CH):
    RPC = R // NC
    SLOP = (-N) % (NS * 8)
    ZR = (N + SLOP) // NS
    RW = (N // NS) // 8 * 8
    TAIL = N - NS * RW

    scratch = dict(
        s_shared=pltpu.VMEM_SHARED((N + SLOP, D), jnp.float32),
        src_v=pltpu.VMEM((CH, CHUNK), jnp.int32),
        dst_v=pltpu.VMEM((CH, CHUNK), jnp.int32),
        rows_v=pltpu.VMEM((NBUF, CHUNK, D), jnp.float32),
        sem=pltpu.SemaphoreType.DMA((NBUF, SPLIT)),
    )

    def body(h_hbm, src_hbm, dst_hbm, z128_hbm, s_out, **scr):
        s_shared, src_v, dst_v, rows_v, sem = (
            scr["s_shared"], scr["src_v"], scr["dst_v"], scr["rows_v"],
            scr["sem"])
        c = lax.axis_index("c")
        s = lax.axis_index("s")

        SUB = CHUNK // SPLIT

        def start_gather(j, slot):
            for k in range(SPLIT):
                pltpu.async_copy(
                    h_hbm.at[src_v.at[j, pl.ds(k * SUB, SUB)]],
                    rows_v.at[slot, pl.ds(k * SUB, SUB)], sem.at[slot, k])

        def wait_gather(j, slot):
            for k in range(SPLIT):
                pltpu.make_async_copy(
                    h_hbm.at[src_v.at[j, pl.ds(k * SUB, SUB)]],
                    rows_v.at[slot, pl.ds(k * SUB, SUB)],
                    sem.at[slot, k]).wait()

        for rr in range(RPC):
            r = c * RPC + rr
            pltpu.sync_copy(z128_hbm, rows_v.at[0])
            zbase = s * ZR
            for t in range(ZR // CHUNK):
                pltpu.sync_copy(rows_v.at[0],
                                s_shared.at[pl.ds(zbase + t * CHUNK, CHUNK)])
            rem = ZR % CHUNK
            if rem:
                pltpu.sync_copy(
                    rows_v.at[0, pl.ds(0, rem)],
                    s_shared.at[pl.ds(zbase + (ZR // CHUNK) * CHUNK, rem)])
            pltpu.sync_copy(src_hbm.at[r, s], src_v)
            pltpu.sync_copy(dst_hbm.at[r, s], dst_v)
            plsc.subcore_barrier()

            for p in range(NBUF - 1):
                start_gather(p, p)

            def chunk_body(j, carry):
                slot = lax.rem(j, NBUF)

                @pl.when(j + NBUF - 1 < CH)
                def _():
                    start_gather(j + NBUF - 1, lax.rem(j + NBUF - 1, NBUF))

                wait_gather(j, slot)
                pltpu.sync_copy(rows_v.at[slot], s_shared.at[dst_v.at[j]],
                                add=True)
                return carry

            lax.fori_loop(0, CH, chunk_body, 0)
            plsc.subcore_barrier()

            pltpu.sync_copy(s_shared.at[pl.ds(s * RW, RW)],
                            s_out.at[r, pl.ds(s * RW, RW)])
            if TAIL:
                @pl.when(s == NS - 1)
                def _():
                    pltpu.sync_copy(s_shared.at[pl.ds(NS * RW, TAIL)],
                                    s_out.at[r, pl.ds(NS * RW, TAIL)])
            plsc.subcore_barrier()

    return pl.kernel(
        body, out_type=jax.ShapeDtypeStruct((R, N, D), jnp.float32),
        mesh=_mesh(), scratch_types=scratch)


def _sc_counts(N, D, R, CH):
    RPC = R // NC
    SLOP = (-N) % (NS * 8)
    ZR = (N + SLOP) // NS
    RW = (N // NS) // 8 * 8
    TAIL = N - NS * RW

    scratch = dict(
        c_shared=pltpu.VMEM_SHARED((N + SLOP, D), jnp.float32),
        dst_v=pltpu.VMEM((CH, CHUNK), jnp.int32),
        ones_v=pltpu.VMEM((CHUNK, D), jnp.float32),
    )

    def body(dst_hbm, z128_hbm, o128_hbm, c_out, **scr):
        c_shared, dst_v, ones_v = (
            scr["c_shared"], scr["dst_v"], scr["ones_v"])
        c = lax.axis_index("c")
        s = lax.axis_index("s")

        for rr in range(RPC):
            r = c * RPC + rr
            pltpu.sync_copy(z128_hbm, ones_v)
            zbase = s * ZR
            for t in range(ZR // CHUNK):
                pltpu.sync_copy(ones_v,
                                c_shared.at[pl.ds(zbase + t * CHUNK, CHUNK)])
            rem = ZR % CHUNK
            if rem:
                pltpu.sync_copy(
                    ones_v.at[pl.ds(0, rem)],
                    c_shared.at[pl.ds(zbase + (ZR // CHUNK) * CHUNK, rem)])
            pltpu.sync_copy(dst_hbm.at[r, s], dst_v)
            pltpu.sync_copy(o128_hbm, ones_v)
            plsc.subcore_barrier()

            def chunk_body(j, carry):
                pltpu.sync_copy(ones_v, c_shared.at[dst_v.at[j]], add=True)
                return carry

            lax.fori_loop(0, CH, chunk_body, 0)
            plsc.subcore_barrier()

            pltpu.sync_copy(c_shared.at[pl.ds(s * RW, RW)],
                            c_out.at[r, pl.ds(s * RW, RW)])
            if TAIL:
                @pl.when(s == NS - 1)
                def _():
                    pltpu.sync_copy(c_shared.at[pl.ds(NS * RW, TAIL)],
                                    c_out.at[r, pl.ds(NS * RW, TAIL)])
            plsc.subcore_barrier()

    return pl.kernel(
        body, out_type=jax.ShapeDtypeStruct((R, N, D), jnp.float32),
        mesh=_mesh(), scratch_types=scratch)


def _dense_body(R, act, h_ref, s_ref, c_ref, wroot_ref, wrel_ref, b_ref,
                sc_ref, beta_ref, out_ref):
    h = h_ref[...]
    acc = jax.lax.dot(h, wroot_ref[...],
                      preferred_element_type=jnp.float32) + b_ref[...]
    for r in range(R):
        inv = 1.0 / jnp.maximum(c_ref[r, :, 0:1], 1.0)
        acc = acc + jax.lax.dot(s_ref[r] * inv, wrel_ref[r],
                                preferred_element_type=jnp.float32)
    if act:
        acc = acc * sc_ref[...] + beta_ref[...]
        acc = jnp.where(acc > 0, acc, jnp.exp(jnp.minimum(acc, 0.0)) - 1.0)
    out_ref[...] = acc


def _dense(N, D_IN, D_OUT, R, act, blk):
    grid = N // blk
    return pl.pallas_call(
        functools.partial(_dense_body, R, act),
        grid=(grid,),
        in_specs=[
            pl.BlockSpec((blk, D_IN), lambda i: (i, 0)),
            pl.BlockSpec((R, blk, D_IN), lambda i: (0, i, 0)),
            pl.BlockSpec((R, blk, D_IN), lambda i: (0, i, 0)),
            pl.BlockSpec((D_IN, D_OUT), lambda i: (0, 0)),
            pl.BlockSpec((R, D_IN, D_OUT), lambda i: (0, 0, 0)),
            pl.BlockSpec((1, D_OUT), lambda i: (0, 0)),
            pl.BlockSpec((1, D_OUT), lambda i: (0, 0)),
            pl.BlockSpec((1, D_OUT), lambda i: (0, 0)),
        ],
        out_specs=pl.BlockSpec((blk, D_OUT), lambda i: (i, 0)),
        out_shape=jax.ShapeDtypeStruct((N, D_OUT), jnp.float32),
    )


def kernel(rel_edges, emb, W_rel0, W_root0, b0, gamma, beta, W_rel1,
           W_root1, b1):
    R, _, E = rel_edges.shape
    N, D = emb.shape
    D_H = W_rel0.shape[2]
    D_OUT = W_rel1.shape[2]

    per_w = -(-E // (NS * 128)) * 128
    CH = per_w // CHUNK
    EP = NS * per_w
    src = rel_edges[:, 0, :].astype(jnp.int32)
    dst = rel_edges[:, 1, :].astype(jnp.int32)
    src = jnp.pad(src, ((0, 0), (0, EP - E))).reshape(R, NS, CH, CHUNK)
    dst = jnp.pad(dst, ((0, 0), (0, EP - E)),
                  constant_values=N).reshape(R, NS, CH, CHUNK)

    z128 = jnp.zeros((CHUNK, D), jnp.float32)
    o128 = jnp.ones((CHUNK, D), jnp.float32)

    bn_scale = (gamma / jnp.sqrt(1.0 + 1e-5)).reshape(1, D_H)
    bn_shift = beta.reshape(1, D_H)
    b0_2 = b0.reshape(1, D_H)
    b1_2 = b1.reshape(1, D_OUT)

    cnt = _sc_counts(N, D, R, CH)(dst, z128, o128)
    S0 = _sc_agg(N, D, R, CH)(emb, src, dst, z128)
    h1 = _dense(N, D, D_H, R, True, 1000)(
        emb, S0, cnt, W_root0, W_rel0, b0_2, bn_scale, bn_shift)
    S1 = _sc_agg(N, D_H, R, CH)(h1, src, dst, z128)
    out = _dense(N, D_H, D_OUT, R, False, 1000)(
        h1, S1, cnt, W_root1, W_rel1, b1_2, bn_scale, bn_shift)
    return out

# --- scband reference (transcript-rebuilt; emitter-appended) ---
"""Pipeline reference for scband-rgcnencoder-41412074668232 (READ-ONLY COPY).

The authoritative reference and input builder live on the scoring server;
editing this copy changes nothing except your own understanding.
"""

import jax, jax.numpy as jnp
import numpy as np

N = 10000
D_IN = 128
D_H = 128
D_OUT = 128
R = 4
E = 80000


def _rgcn_layer(h, rel_edges, W_rel, W_root, bias):
    # PyG-style RGCNConv: out = x @ root + bias + sum_r mean_{j in N_r(i)} (x_j @ W_r)
    n = h.shape[0]
    out = h @ W_root + bias
    for r in range(W_rel.shape[0]):
        src = rel_edges[r, 0]
        dst = rel_edges[r, 1]
        msg = jnp.take(h, src, axis=0) @ W_rel[r]
        agg = jax.ops.segment_sum(msg, dst, num_segments=n)
        cnt = jax.ops.segment_sum(jnp.ones((dst.shape[0],), dtype=h.dtype), dst, num_segments=n)
        out = out + agg / jnp.maximum(cnt, 1.0)[:, None]
    return out


def setup_inputs(seed: int = 0) -> dict:
    key = jax.random.key(seed)
    ks = jax.random.split(key, 10)
    return {
        "rel_edges": jax.random.randint(ks[0], (R, 2, E), 0, N),
        "emb": jax.random.normal(ks[1], (N, D_IN), dtype=jnp.float32) * 0.05,
        "W_rel0": jax.random.normal(ks[2], (R, D_IN, D_H), dtype=jnp.float32) * (1.0 / np.sqrt(D_IN)),
        "W_root0": jax.random.normal(ks[3], (D_IN, D_H), dtype=jnp.float32) * (1.0 / np.sqrt(D_IN)),
        "b0": jax.random.normal(ks[4], (D_H,), dtype=jnp.float32) * 0.01,
        "gamma": jnp.ones((D_H,), dtype=jnp.float32),
        "beta": jnp.zeros((D_H,), dtype=jnp.float32),
        "W_rel1": jax.random.normal(ks[5], (R, D_H, D_OUT), dtype=jnp.float32) * (1.0 / np.sqrt(D_H)),
        "W_root1": jax.random.normal(ks[6], (D_H, D_OUT), dtype=jnp.float32) * (1.0 / np.sqrt(D_H)),
        "b1": jax.random.normal(ks[7], (D_OUT,), dtype=jnp.float32) * 0.01,
    }


def reference(rel_edges, emb, W_rel0, W_root0, b0, gamma, beta, W_rel1, W_root1, b1):
    # Layer 0: RGCNConv(in_dim, hidden)
    h = _rgcn_layer(emb, rel_edges, W_rel0, W_root0, b0)
    # BatchNorm1d in eval mode (running_mean=0, running_var=1)
    h = h * (gamma / jnp.sqrt(1.0 + 1e-5)) + beta
    # ELU activation; dropout is identity in eval mode
    h = jax.nn.elu(h)
    # Layer 1: RGCNConv(hidden, out_dim)
    h = _rgcn_layer(h, rel_edges, W_rel1, W_root1, b1)
    return h

if __name__ == "__main__":
    import jax
    _d = setup_inputs()
    print(jax.jit(kernel)(*tuple(_d.values())))

</pallas_src>

<mosaic_0001>
#map = affine_map<(d0, d1) -> (0, 0)>
#map1 = affine_map<(d0, d1) -> (0, 0, 0, 0)>
#map2 = affine_map<(d0, d1) -> (0, 0, 0)>
module attributes {stable_mosaic.version = 14 : i64} {
  func.func @body(%arg0: i32, %arg1: i32, %arg2: memref<10000x128xf32, #tpu.memory_space<hbm>>, %arg3: memref<4x16x80x64xi32, #tpu.memory_space<hbm>>, %arg4: memref<4x16x80x64xi32, #tpu.memory_space<hbm>>, %arg5: memref<64x128xf32, #tpu.memory_space<hbm>>, %arg6: memref<4x10000x128xf32, #tpu.memory_space<hbm>>, %arg7: memref<80x64xi32, #tpu.memory_space<vmem>>, %arg8: memref<3x64x128xf32, #tpu.memory_space<vmem>>, %arg9: memref<10112x128xf32, #tpu.memory_space<vmem_shared>>, %arg10: memref<3x1x!tpu.dma_semaphore, #tpu.memory_space<semaphore_mem>>, %arg11: memref<80x64xi32, #tpu.memory_space<vmem>>) attributes {dimension_semantics = [#tpu.dimension_semantics<core_parallel>, #tpu.dimension_semantics<subcore_parallel>], iteration_bounds = array<i64: 2, 16>, scalar_prefetch = 0 : i64, scratch_operands = 5 : i64, tpu.core_type = #tpu.core_type<sc_vector_subcore>, window_params = [{transform_indices = #map}, {transform_indices = #map1}, {transform_indices = #map1}, {transform_indices = #map}, {transform_indices = #map2}]} {
    %mul3A = arith.constant 2 : i32
    %mul3A_0 = arith.muli %arg0, %mul3A : i32
    %add3A = arith.constant 0 : i32
    %add3A_1 = arith.addi %mul3A_0, %add3A : i32
    %run_scoped3A = arith.constant 0 : i32
    "tpu.region"() ({
      %run_scoped3A_165 = tpu.sem_alloc : memref<!tpu.dma_semaphore, #tpu.memory_space<semaphore_mem>>
      %dma_start3A_166 = arith.constant 0 : i32
      %dma_start3A_167 = arith.constant 0 : i32
      %dma_start3A_168 = tpu.memref_slice %arg8[%run_scoped3A, %dma_start3A_166, %dma_start3A_167] : memref<3x64x128xf32, #tpu.memory_space<vmem>> -> memref<1x64x128xf32, #tpu.memory_space<vmem>>
      %dma_start3A_169 = tpu.memref_squeeze %dma_start3A_168 : memref<1x64x128xf32, #tpu.memory_space<vmem>> -> memref<64x128xf32, #tpu.memory_space<vmem>>
      %dma_start3A_170 = arith.constant 0 : i32
      %dma_start3A_171 = arith.constant 0 : i32
      %dma_start3A_172 = tpu.memref_slice %arg8[%run_scoped3A, %dma_start3A_170, %dma_start3A_171] : memref<3x64x128xf32, #tpu.memory_space<vmem>> -> memref<1x64x128xf32, #tpu.memory_space<vmem>>
      %dma_start3A_173 = tpu.memref_squeeze %dma_start3A_172 : memref<1x64x128xf32, #tpu.memory_space<vmem>> -> memref<64x128xf32, #tpu.memory_space<vmem>>
      tpu.enqueue_dma source(%arg5 : memref<64x128xf32, #tpu.memory_space<hbm>>) target(%dma_start3A_173 : memref<64x128xf32, #tpu.memory_space<vmem>>) target_semaphore(%run_scoped3A_165 : memref<!tpu.dma_semaphore, #tpu.memory_space<semaphore_mem>>)
      %dma_wait3A = arith.constant 0 : i32
      %dma_wait3A_174 = arith.constant 0 : i32
      %dma_wait3A_175 = tpu.memref_slice %arg8[%run_scoped3A, %dma_wait3A, %dma_wait3A_174] : memref<3x64x128xf32, #tpu.memory_space<vmem>> -> memref<1x64x128xf32, #tpu.memory_space<vmem>>
      %dma_wait3A_176 = tpu.memref_squeeze %dma_wait3A_175 : memref<1x64x128xf32, #tpu.memory_space<vmem>> -> memref<64x128xf32, #tpu.memory_space<vmem>>
      %dma_wait3A_177 = arith.constant 0 : i32
      %dma_wait3A_178 = arith.constant 0 : i32
      %dma_wait3A_179 = tpu.memref_slice %arg8[%run_scoped3A, %dma_wait3A_177, %dma_wait3A_178] : memref<3x64x128xf32, #tpu.memory_space<vmem>> -> memref<1x64x128xf32, #tpu.memory_space<vmem>>
      %dma_wait3A_180 = tpu.memref_squeeze %dma_wait3A_179 : memref<1x64x128xf32, #tpu.memory_space<vmem>> -> memref<64x128xf32, #tpu.memory_space<vmem>>
      tpu.wait_dma2 semaphore(%run_scoped3A_165 : memref<!tpu.dma_semaphore, #tpu.memory_space<semaphore_mem>>) src(%arg5 : memref<64x128xf32, #tpu.memory_space<hbm>>) dst(%dma_wait3A_180 : memref<64x128xf32, #tpu.memory_space<vmem>>)
      tpu.yield
    }) : () -> ()
    %mul3A_2 = arith.constant 632 : i32
    %mul3A_3 = arith.muli %arg1, %mul3A_2 : i32
    %add3A_4 = arith.constant 0 : i32
    %add3A_5 = arith.addi %mul3A_3, %add3A_4 : i32
    %run_scoped3A_6 = arith.constant 0 : i32
    "tpu.region"() ({
      %run_scoped3A_165 = tpu.sem_alloc : memref<!tpu.dma_semaphore, #tpu.memory_space<semaphore_mem>>
      %dma_start3A_166 = arith.constant 0 : i32
      %dma_start3A_167 = arith.constant 0 : i32
      %dma_start3A_168 = tpu.memref_slice %arg8[%run_scoped3A_6, %dma_start3A_166, %dma_start3A_167] : memref<3x64x128xf32, #tpu.memory_space<vmem>> -> memref<1x64x128xf32, #tpu.memory_space<vmem>>
      %dma_start3A_169 = tpu.memref_squeeze %dma_start3A_168 : memref<1x64x128xf32, #tpu.memory_space<vmem>> -> memref<64x128xf32, #tpu.memory_space<vmem>>
      %dma_start3A_170 = arith.constant 0 : i32
      %dma_start3A_171 = tpu.memref_slice %arg9[%add3A_5, %dma_start3A_170] : memref<10112x128xf32, #tpu.memory_space<vmem_shared>> -> memref<64x128xf32, #tpu.memory_space<vmem_shared>>
      %dma_start3A_172 = arith.constant 0 : i32
      %dma_start3A_173 = tpu.memref_slice %arg9[%add3A_5, %dma_start3A_172] : memref<10112x128xf32, #tpu.memory_space<vmem_shared>> -> memref<64x128xf32, #tpu.memory_space<vmem_shared>>
      %dma_start3A_174 = arith.constant 0 : i32
      %dma_start3A_175 = arith.constant 0 : i32
      %dma_start3A_176 = tpu.memref_slice %arg8[%run_scoped3A_6, %dma_start3A_174, %dma_start3A_175] : memref<3x64x128xf32, #tpu.memory_space<vmem>> -> memref<1x64x128xf32, #tpu.memory_space<vmem>>
      %dma_start3A_177 = tpu.memref_squeeze %dma_start3A_176 : memref<1x64x128xf32, #tpu.memory_space<vmem>> -> memref<64x128xf32, #tpu.memory_space<vmem>>
      tpu.enqueue_dma source(%dma_start3A_177 : memref<64x128xf32, #tpu.memory_space<vmem>>) target(%dma_start3A_173 : memref<64x128xf32, #tpu.memory_space<vmem_shared>>) target_semaphore(%run_scoped3A_165 : memref<!tpu.dma_semaphore, #tpu.memory_space<semaphore_mem>>)
      %dma_wait3A = arith.constant 0 : i32
      %dma_wait3A_178 = arith.constant 0 : i32
      %dma_wait3A_179 = tpu.memref_slice %arg8[%run_scoped3A_6, %dma_wait3A, %dma_wait3A_178] : memref<3x64x128xf32, #tpu.memory_space<vmem>> -> memref<1x64x128xf32, #tpu.memory_space<vmem>>
      %dma_wait3A_180 = tpu.memref_squeeze %dma_wait3A_179 : memref<1x64x128xf32, #tpu.memory_space<vmem>> -> memref<64x128xf32, #tpu.memory_space<vmem>>
      %dma_wait3A_181 = arith.constant 0 : i32
      %dma_wait3A_182 = tpu.memref_slice %arg9[%add3A_5, %dma_wait3A_181] : memref<10112x128xf32, #tpu.memory_space<vmem_shared>> -> memref<64x128xf32, #tpu.memory_space<vmem_shared>>
      %dma_wait3A_183 = arith.constant 0 : i32
      %dma_wait3A_184 = tpu.memref_slice %arg9[%add3A_5, %dma_wait3A_183] : memref<10112x128xf32, #tpu.memory_space<vmem_shared>> -> memref<64x128xf32, #tpu.memory_space<vmem_shared>>
      %dma_wait3A_185 = arith.constant 0 : i32
      %dma_wait3A_186 = arith.constant 0 : i32
      %dma_wait3A_187 = tpu.memref_slice %arg8[%run_scoped3A_6, %dma_wait3A_185, %dma_wait3A_186] : memref<3x64x128xf32, #tpu.memory_space<vmem>> -> memref<1x64x128xf32, #tpu.memory_space<vmem>>
      %dma_wait3A_188 = tpu.memref_squeeze %dma_wait3A_187 : memref<1x64x128xf32, #tpu.memory_space<vmem>> -> memref<64x128xf32, #tpu.memory_space<vmem>>
      tpu.wait_dma2 semaphore(%run_scoped3A_165 : memref<!tpu.dma_semaphore, #tpu.memory_space<semaphore_mem>>) src(%dma_wait3A_188 : memref<64x128xf32, #tpu.memory_space<vmem>>) dst(%dma_wait3A_184 : memref<64x128xf32, #tpu.memory_space<vmem_shared>>)
      tpu.yield
    }) : () -> ()
    %add3A_7 = arith.constant 64 : i32
    %add3A_8 = arith.addi %mul3A_3, %add3A_7 : i32
    %run_scoped3A_9 = arith.constant 0 : i32
    "tpu.region"() ({
      %run_scoped3A_165 = tpu.sem_alloc : memref<!tpu.dma_semaphore, #tpu.memory_space<semaphore_mem>>
      %dma_start3A_166 = arith.constant 0 : i32
      %dma_start3A_167 = arith.constant 0 : i32
      %dma_start3A_168 = tpu.memref_slice %arg8[%run_scoped3A_9, %dma_start3A_166, %dma_start3A_167] : memref<3x64x128xf32, #tpu.memory_space<vmem>> -> memref<1x64x128xf32, #tpu.memory_space<vmem>>
      %dma_start3A_169 = tpu.memref_squeeze %dma_start3A_168 : memref<1x64x128xf32, #tpu.memory_space<vmem>> -> memref<64x128xf32, #tpu.memory_space<vmem>>
      %dma_start3A_170 = arith.constant 0 : i32
      %dma_start3A_171 = tpu.memref_slice %arg9[%add3A_8, %dma_start3A_170] : memref<10112x128xf32, #tpu.memory_space<vmem_shared>> -> memref<64x128xf32, #tpu.memory_space<vmem_shared>>
      %dma_start3A_172 = arith.constant 0 : i32
      %dma_start3A_173 = tpu.memref_slice %arg9[%add3A_8, %dma_start3A_172] : memref<10112x128xf32, #tpu.memory_space<vmem_shared>> -> memref<64x128xf32, #tpu.memory_space<vmem_shared>>
      %dma_start3A_174 = arith.constant 0 : i32
      %dma_start3A_175 = arith.constant 0 : i32
      %dma_start3A_176 = tpu.memref_slice %arg8[%run_scoped3A_9, %dma_start3A_174, %dma_start3A_175] : memref<3x64x128xf32, #tpu.memory_space<vmem>> -> memref<1x64x128xf32, #tpu.memory_space<vmem>>
      %dma_start3A_177 = tpu.memref_squeeze %dma_start3A_176 : memref<1x64x128xf32, #tpu.memory_space<vmem>> -> memref<64x128xf32, #tpu.memory_space<vmem>>
      tpu.enqueue_dma source(%dma_start3A_177 : memref<64x128xf32, #tpu.memory_space<vmem>>) target(%dma_start3A_173 : memref<64x128xf32, #tpu.memory_space<vmem_shared>>) target_semaphore(%run_scoped3A_165 : memref<!tpu.dma_semaphore, #tpu.memory_space<semaphore_mem>>)
      %dma_wait3A = arith.constant 0 : i32
      %dma_wait3A_178 = arith.constant 0 : i32
      %dma_wait3A_179 = tpu.memref_slice %arg8[%run_scoped3A_9, %dma_wait3A, %dma_wait3A_178] : memref<3x64x128xf32, #tpu.memory_space<vmem>> -> memref<1x64x128xf32, #tpu.memory_space<vmem>>
      %dma_wait3A_180 = tpu.memref_squeeze %dma_wait3A_179 : memref<1x64x128xf32, #tpu.memory_space<vmem>> -> memref<64x128xf32, #tpu.memory_space<vmem>>
      %dma_wait3A_181 = arith.constant 0 : i32
      %dma_wait3A_182 = tpu.memref_slice %arg9[%add3A_8, %dma_wait3A_181] : memref<10112x128xf32, #tpu.memory_space<vmem_shared>> -> memref<64x128xf32, #tpu.memory_space<vmem_shared>>
      %dma_wait3A_183 = arith.constant 0 : i32
      %dma_wait3A_184 = tpu.memref_slice %arg9[%add3A_8, %dma_wait3A_183] : memref<10112x128xf32, #tpu.memory_space<vmem_shared>> -> memref<64x128xf32, #tpu.memory_space<vmem_shared>>
      %dma_wait3A_185 = arith.constant 0 : i32
      %dma_wait3A_186 = arith.constant 0 : i32
      %dma_wait3A_187 = tpu.memref_slice %arg8[%run_scoped3A_9, %dma_wait3A_185, %dma_wait3A_186] : memref<3x64x128xf32, #tpu.memory_space<vmem>> -> memref<1x64x128xf32, #tpu.memory_space<vmem>>
      %dma_wait3A_188 = tpu.memref_squeeze %dma_wait3A_187 : memref<1x64x128xf32, #tpu.memory_space<vmem>> -> memref<64x128xf32, #tpu.memory_space<vmem>>
      tpu.wait_dma2 semaphore(%run_scoped3A_165 : memref<!tpu.dma_semaphore, #tpu.memory_space<semaphore_mem>>) src(%dma_wait3A_188 : memref<64x128xf32, #tpu.memory_space<vmem>>) dst(%dma_wait3A_184 : memref<64x128xf32, #tpu.memory_space<vmem_shared>>)
      tpu.yield
    }) : () -> ()
    %add3A_10 = arith.constant 128 : i32
    %add3A_11 = arith.addi %mul3A_3, %add3A_10 : i32
    %run_scoped3A_12 = arith.constant 0 : i32
    "tpu.region"() ({
      %run_scoped3A_165 = tpu.sem_alloc : memref<!tpu.dma_semaphore, #tpu.memory_space<semaphore_mem>>
      %dma_start3A_166 = arith.constant 0 : i32
      %dma_start3A_167 = arith.constant 0 : i32
      %dma_start3A_168 = tpu.memref_slice %arg8[%run_scoped3A_12, %dma_start3A_166, %dma_start3A_167] : memref<3x64x128xf32, #tpu.memory_space<vmem>> -> memref<1x64x128xf32, #tpu.memory_space<vmem>>
      %dma_start3A_169 = tpu.memref_squeeze %dma_start3A_168 : memref<1x64x128xf32, #tpu.memory_space<vmem>> -> memref<64x128xf32, #tpu.memory_space<vmem>>
      %dma_start3A_170 = arith.constant 0 : i32
      %dma_start3A_171 = tpu.memref_slice %arg9[%add3A_11, %dma_start3A_170] : memref<10112x128xf32, #tpu.memory_space<vmem_shared>> -> memref<64x128xf32, #tpu.memory_space<vmem_shared>>
      %dma_start3A_172 = arith.constant 0 : i32
      %dma_start3A_173 = tpu.memref_slice %arg9[%add3A_11, %dma_start3A_172] : memref<10112x128xf32, #tpu.memory_space<vmem_shared>> -> memref<64x128xf32, #tpu.memory_space<vmem_shared>>
      %dma_start3A_174 = arith.constant 0 : i32
      %dma_start3A_175 = arith.constant 0 : i32
      %dma_start3A_176 = tpu.memref_slice %arg8[%run_scoped3A_12, %dma_start3A_174, %dma_start3A_175] : memref<3x64x128xf32, #tpu.memory_space<vmem>> -> memref<1x64x128xf32, #tpu.memory_space<vmem>>
      %dma_start3A_177 = tpu.memref_squeeze %dma_start3A_176 : memref<1x64x128xf32, #tpu.memory_space<vmem>> -> memref<64x128xf32, #tpu.memory_space<vmem>>
      tpu.enqueue_dma source(%dma_start3A_177 : memref<64x128xf32, #tpu.memory_space<vmem>>) target(%dma_start3A_173 : memref<64x128xf32, #tpu.memory_space<vmem_shared>>) target_semaphore(%run_scoped3A_165 : memref<!tpu.dma_semaphore, #tpu.memory_space<semaphore_mem>>)
      %dma_wait3A = arith.constant 0 : i32
      %dma_wait3A_178 = arith.constant 0 : i32
      %dma_wait3A_179 = tpu.memref_slice %arg8[%run_scoped3A_12, %dma_wait3A, %dma_wait3A_178] : memref<3x64x128xf32, #tpu.memory_space<vmem>> -> memref<1x64x128xf32, #tpu.memory_space<vmem>>
      %dma_wait3A_180 = tpu.memref_squeeze %dma_wait3A_179 : memref<1x64x128xf32, #tpu.memory_space<vmem>> -> memref<64x128xf32, #tpu.memory_space<vmem>>
      %dma_wait3A_181 = arith.constant 0 : i32
      %dma_wait3A_182 = tpu.memref_slice %arg9[%add3A_11, %dma_wait3A_181] : memref<10112x128xf32, #tpu.memory_space<vmem_shared>> -> memref<64x128xf32, #tpu.memory_space<vmem_shared>>
      %dma_wait3A_183 = arith.constant 0 : i32
      %dma_wait3A_184 = tpu.memref_slice %arg9[%add3A_11, %dma_wait3A_183] : memref<10112x128xf32, #tpu.memory_space<vmem_shared>> -> memref<64x128xf32, #tpu.memory_space<vmem_shared>>
      %dma_wait3A_185 = arith.constant 0 : i32
      %dma_wait3A_186 = arith.constant 0 : i32
      %dma_wait3A_187 = tpu.memref_slice %arg8[%run_scoped3A_12, %dma_wait3A_185, %dma_wait3A_186] : memref<3x64x128xf32, #tpu.memory_space<vmem>> -> memref<1x64x128xf32, #tpu.memory_space<vmem>>
      %dma_wait3A_188 = tpu.memref_squeeze %dma_wait3A_187 : memref<1x64x128xf32, #tpu.memory_space<vmem>> -> memref<64x128xf32, #tpu.memory_space<vmem>>
      tpu.wait_dma2 semaphore(%run_scoped3A_165 : memref<!tpu.dma_semaphore, #tpu.memory_space<semaphore_mem>>) src(%dma_wait3A_188 : memref<64x128xf32, #tpu.memory_space<vmem>>) dst(%dma_wait3A_184 : memref<64x128xf32, #tpu.memory_space<vmem_shared>>)
      tpu.yield
    }) : () -> ()
    %add3A_13 = arith.constant 192 : i32
    %add3A_14 = arith.addi %mul3A_3, %add3A_13 : i32
    %run_scoped3A_15 = arith.constant 0 : i32
    "tpu.region"() ({
      %run_scoped3A_165 = tpu.sem_alloc : memref<!tpu.dma_semaphore, #tpu.memory_space<semaphore_mem>>
      %dma_start3A_166 = arith.constant 0 : i32
      %dma_start3A_167 = arith.constant 0 : i32
      %dma_start3A_168 = tpu.memref_slice %arg8[%run_scoped3A_15, %dma_start3A_166, %dma_start3A_167] : memref<3x64x128xf32, #tpu.memory_space<vmem>> -> memref<1x64x128xf32, #tpu.memory_space<vmem>>
      %dma_start3A_169 = tpu.memref_squeeze %dma_start3A_168 : memref<1x64x128xf32, #tpu.memory_space<vmem>> -> memref<64x128xf32, #tpu.memory_space<vmem>>
      %dma_start3A_170 = arith.constant 0 : i32
      %dma_start3A_171 = tpu.memref_slice %arg9[%add3A_14, %dma_start3A_170] : memref<10112x128xf32, #tpu.memory_space<vmem_shared>> -> memref<64x128xf32, #tpu.memory_space<vmem_shared>>
      %dma_start3A_172 = arith.constant 0 : i32
      %dma_start3A_173 = tpu.memref_slice %arg9[%add3A_14, %dma_start3A_172] : memref<10112x128xf32, #tpu.memory_space<vmem_shared>> -> memref<64x128xf32, #tpu.memory_space<vmem_shared>>
      %dma_start3A_174 = arith.constant 0 : i32
      %dma_start3A_175 = arith.constant 0 : i32
      %dma_start3A_176 = tpu.memref_slice %arg8[%run_scoped3A_15, %dma_start3A_174, %dma_start3A_175] : memref<3x64x128xf32, #tpu.memory_space<vmem>> -> memref<1x64x128xf32, #tpu.memory_space<vmem>>
      %dma_start3A_177 = tpu.memref_squeeze %dma_start3A_176 : memref<1x64x128xf32, #tpu.memory_space<vmem>> -> memref<64x128xf32, #tpu.memory_space<vmem>>
      tpu.enqueue_dma source(%dma_start3A_177 : memref<64x128xf32, #tpu.memory_space<vmem>>) target(%dma_start3A_173 : memref<64x128xf32, #tpu.memory_space<vmem_shared>>) target_semaphore(%run_scoped3A_165 : memref<!tpu.dma_semaphore, #tpu.memory_space<semaphore_mem>>)
      %dma_wait3A = arith.constant 0 : i32
      %dma_wait3A_178 = arith.constant 0 : i32
      %dma_wait3A_179 = tpu.memref_slice %arg8[%run_scoped3A_15, %dma_wait3A, %dma_wait3A_178] : memref<3x64x128xf32, #tpu.memory_space<vmem>> -> memref<1x64x128xf32, #tpu.memory_space<vmem>>
      %dma_wait3A_180 = tpu.memref_squeeze %dma_wait3A_179 : memref<1x64x128xf32, #tpu.memory_space<vmem>> -> memref<64x128xf32, #tpu.memory_space<vmem>>
      %dma_wait3A_181 = arith.constant 0 : i32
      %dma_wait3A_182 = tpu.memref_slice %arg9[%add3A_14, %dma_wait3A_181] : memref<10112x128xf32, #tpu.memory_space<vmem_shared>> -> memref<64x128xf32, #tpu.memory_space<vmem_shared>>
      %dma_wait3A_183 = arith.constant 0 : i32
      %dma_wait3A_184 = tpu.memref_slice %arg9[%add3A_14, %dma_wait3A_183] : memref<10112x128xf32, #tpu.memory_space<vmem_shared>> -> memref<64x128xf32, #tpu.memory_space<vmem_shared>>
      %dma_wait3A_185 = arith.constant 0 : i32
      %dma_wait3A_186 = arith.constant 0 : i32
      %dma_wait3A_187 = tpu.memref_slice %arg8[%run_scoped3A_15, %dma_wait3A_185, %dma_wait3A_186] : memref<3x64x128xf32, #tpu.memory_space<vmem>> -> memref<1x64x128xf32, #tpu.memory_space<vmem>>
      %dma_wait3A_188 = tpu.memref_squeeze %dma_wait3A_187 : memref<1x64x128xf32, #tpu.memory_space<vmem>> -> memref<64x128xf32, #tpu.memory_space<vmem>>
      tpu.wait_dma2 semaphore(%run_scoped3A_165 : memref<!tpu.dma_semaphore, #tpu.memory_space<semaphore_mem>>) src(%dma_wait3A_188 : memref<64x128xf32, #tpu.memory_space<vmem>>) dst(%dma_wait3A_184 : memref<64x128xf32, #tpu.memory_space<vmem_shared>>)
      tpu.yield
    }) : () -> ()
    %add3A_16 = arith.constant 256 : i32
    %add3A_17 = arith.addi %mul3A_3, %add3A_16 : i32
    %run_scoped3A_18 = arith.constant 0 : i32
    "tpu.region"() ({
      %run_scoped3A_165 = tpu.sem_alloc : memref<!tpu.dma_semaphore, #tpu.memory_space<semaphore_mem>>
      %dma_start3A_166 = arith.constant 0 : i32
      %dma_start3A_167 = arith.constant 0 : i32
      %dma_start3A_168 = tpu.memref_slice %arg8[%run_scoped3A_18, %dma_start3A_166, %dma_start3A_167] : memref<3x64x128xf32, #tpu.memory_space<vmem>> -> memref<1x64x128xf32, #tpu.memory_space<vmem>>
      %dma_start3A_169 = tpu.memref_squeeze %dma_start3A_168 : memref<1x64x128xf32, #tpu.memory_space<vmem>> -> memref<64x128xf32, #tpu.memory_space<vmem>>
      %dma_start3A_170 = arith.constant 0 : i32
      %dma_start3A_171 = tpu.memref_slice %arg9[%add3A_17, %dma_start3A_170] : memref<10112x128xf32, #tpu.memory_space<vmem_shared>> -> memref<64x128xf32, #tpu.memory_space<vmem_shared>>
      %dma_start3A_172 = arith.constant 0 : i32
      %dma_start3A_173 = tpu.memref_slice %arg9[%add3A_17, %dma_start3A_172] : memref<10112x128xf32, #tpu.memory_space<vmem_shared>> -> memref<64x128xf32, #tpu.memory_space<vmem_shared>>
      %dma_start3A_174 = arith.constant 0 : i32
      %dma_start3A_175 = arith.constant 0 : i32
      %dma_start3A_176 = tpu.memref_slice %arg8[%run_scoped3A_18, %dma_start3A_174, %dma_start3A_175] : memref<3x64x128xf32, #tpu.memory_space<vmem>> -> memref<1x64x128xf32, #tpu.memory_space<vmem>>
      %dma_start3A_177 = tpu.memref_squeeze %dma_start3A_176 : memref<1x64x128xf32, #tpu.memory_space<vmem>> -> memref<64x128xf32, #tpu.memory_space<vmem>>
      tpu.enqueue_dma source(%dma_start3A_177 : memref<64x128xf32, #tpu.memory_space<vmem>>) target(%dma_start3A_173 : memref<64x128xf32, #tpu.memory_space<vmem_shared>>) target_semaphore(%run_scoped3A_165 : memref<!tpu.dma_semaphore, #tpu.memory_space<semaphore_mem>>)
      %dma_wait3A = arith.constant 0 : i32
      %dma_wait3A_178 = arith.constant 0 : i32
      %dma_wait3A_179 = tpu.memref_slice %arg8[%run_scoped3A_18, %dma_wait3A, %dma_wait3A_178] : memref<3x64x128xf32, #tpu.memory_space<vmem>> -> memref<1x64x128xf32, #tpu.memory_space<vmem>>
      %dma_wait3A_180 = tpu.memref_squeeze %dma_wait3A_179 : memref<1x64x128xf32, #tpu.memory_space<vmem>> -> memref<64x128xf32, #tpu.memory_space<vmem>>
      %dma_wait3A_181 = arith.constant 0 : i32
      %dma_wait3A_182 = tpu.memref_slice %arg9[%add3A_17, %dma_wait3A_181] : memref<10112x128xf32, #tpu.memory_space<vmem_shared>> -> memref<64x128xf32, #tpu.memory_space<vmem_shared>>
      %dma_wait3A_183 = arith.constant 0 : i32
      %dma_wait3A_184 = tpu.memref_slice %arg9[%add3A_17, %dma_wait3A_183] : memref<10112x128xf32, #tpu.memory_space<vmem_shared>> -> memref<64x128xf32, #tpu.memory_space<vmem_shared>>
      %dma_wait3A_185 = arith.constant 0 : i32
      %dma_wait3A_186 = arith.constant 0 : i32
      %dma_wait3A_187 = tpu.memref_slice %arg8[%run_scoped3A_18, %dma_wait3A_185, %dma_wait3A_186] : memref<3x64x128xf32, #tpu.memory_space<vmem>> -> memref<1x64x128xf32, #tpu.memory_space<vmem>>
      %dma_wait3A_188 = tpu.memref_squeeze %dma_wait3A_187 : memref<1x64x128xf32, #tpu.memory_space<vmem>> -> memref<64x128xf32, #tpu.memory_space<vmem>>
      tpu.wait_dma2 semaphore(%run_scoped3A_165 : memref<!tpu.dma_semaphore, #tpu.memory_space<semaphore_mem>>) src(%dma_wait3A_188 : memref<64x128xf32, #tpu.memory_space<vmem>>) dst(%dma_wait3A_184 : memref<64x128xf32, #tpu.memory_space<vmem_shared>>)
      tpu.yield
    }) : () -> ()
    %add3A_19 = arith.constant 320 : i32
    %add3A_20 = arith.addi %mul3A_3, %add3A_19 : i32
    %run_scoped3A_21 = arith.constant 0 : i32
    "tpu.region"() ({
      %run_scoped3A_165 = tpu.sem_alloc : memref<!tpu.dma_semaphore, #tpu.memory_space<semaphore_mem>>
      %dma_start3A_166 = arith.constant 0 : i32
      %dma_start3A_167 = arith.constant 0 : i32
      %dma_start3A_168 = tpu.memref_slice %arg8[%run_scoped3A_21, %dma_start3A_166, %dma_start3A_167] : memref<3x64x128xf32, #tpu.memory_space<vmem>> -> memref<1x64x128xf32, #tpu.memory_space<vmem>>
      %dma_start3A_169 = tpu.memref_squeeze %dma_start3A_168 : memref<1x64x128xf32, #tpu.memory_space<vmem>> -> memref<64x128xf32, #tpu.memory_space<vmem>>
      %dma_start3A_170 = arith.constant 0 : i32
      %dma_start3A_171 = tpu.memref_slice %arg9[%add3A_20, %dma_start3A_170] : memref<10112x128xf32, #tpu.memory_space<vmem_shared>> -> memref<64x128xf32, #tpu.memory_space<vmem_shared>>
      %dma_start3A_172 = arith.constant 0 : i32
      %dma_start3A_173 = tpu.memref_slice %arg9[%add3A_20, %dma_start3A_172] : memref<10112x128xf32, #tpu.memory_space<vmem_shared>> -> memref<64x128xf32, #tpu.memory_space<vmem_shared>>
      %dma_start3A_174 = arith.constant 0 : i32
      %dma_start3A_175 = arith.constant 0 : i32
      %dma_start3A_176 = tpu.memref_slice %arg8[%run_scoped3A_21, %dma_start3A_174, %dma_start3A_175] : memref<3x64x128xf32, #tpu.memory_space<vmem>> -> memref<1x64x128xf32, #tpu.memory_space<vmem>>
      %dma_start3A_177 = tpu.memref_squeeze %dma_start3A_176 : memref<1x64x128xf32, #tpu.memory_space<vmem>> -> memref<64x128xf32, #tpu.memory_space<vmem>>
      tpu.enqueue_dma source(%dma_start3A_177 : memref<64x128xf32, #tpu.memory_space<vmem>>) target(%dma_start3A_173 : memref<64x128xf32, #tpu.memory_space<vmem_shared>>) target_semaphore(%run_scoped3A_165 : memref<!tpu.dma_semaphore, #tpu.memory_space<semaphore_mem>>)
      %dma_wait3A = arith.constant 0 : i32
      %dma_wait3A_178 = arith.constant 0 : i32
      %dma_wait3A_179 = tpu.memref_slice %arg8[%run_scoped3A_21, %dma_wait3A, %dma_wait3A_178] : memref<3x64x128xf32, #tpu.memory_space<vmem>> -> memref<1x64x128xf32, #tpu.memory_space<vmem>>
      %dma_wait3A_180 = tpu.memref_squeeze %dma_wait3A_179 : memref<1x64x128xf32, #tpu.memory_space<vmem>> -> memref<64x128xf32, #tpu.memory_space<vmem>>
      %dma_wait3A_181 = arith.constant 0 : i32
      %dma_wait3A_182 = tpu.memref_slice %arg9[%add3A_20, %dma_wait3A_181] : memref<10112x128xf32, #tpu.memory_space<vmem_shared>> -> memref<64x128xf32, #tpu.memory_space<vmem_shared>>
      %dma_wait3A_183 = arith.constant 0 : i32
      %dma_wait3A_184 = tpu.memref_slice %arg9[%add3A_20, %dma_wait3A_183] : memref<10112x128xf32, #tpu.memory_space<vmem_shared>> -> memref<64x128xf32, #tpu.memory_space<vmem_shared>>
      %dma_wait3A_185 = arith.constant 0 : i32
      %dma_wait3A_186 = arith.constant 0 : i32
      %dma_wait3A_187 = tpu.memref_slice %arg8[%run_scoped3A_21, %dma_wait3A_185, %dma_wait3A_186] : memref<3x64x128xf32, #tpu.memory_space<vmem>> -> memref<1x64x128xf32, #tpu.memory_space<vmem>>
      %dma_wait3A_188 = tpu.memref_squeeze %dma_wait3A_187 : memref<1x64x128xf32, #tpu.memory_space<vmem>> -> memref<64x128xf32, #tpu.memory_space<vmem>>
      tpu.wait_dma2 semaphore(%run_scoped3A_165 : memref<!tpu.dma_semaphore, #tpu.memory_space<semaphore_mem>>) src(%dma_wait3A_188 : memref<64x128xf32, #tpu.memory_space<vmem>>) dst(%dma_wait3A_184 : memref<64x128xf32, #tpu.memory_space<vmem_shared>>)
      tpu.yield
    }) : () -> ()
    %add3A_22 = arith.constant 384 : i32
    %add3A_23 = arith.addi %mul3A_3, %add3A_22 : i32
    %run_scoped3A_24 = arith.constant 0 : i32
    "tpu.region"() ({
      %run_scoped3A_165 = tpu.sem_alloc : memref<!tpu.dma_semaphore, #tpu.memory_space<semaphore_mem>>
      %dma_start3A_166 = arith.constant 0 : i32
      %dma_start3A_167 = arith.constant 0 : i32
      %dma_start3A_168 = tpu.memref_slice %arg8[%run_scoped3A_24, %dma_start3A_166, %dma_start3A_167] : memref<3x64x128xf32, #tpu.memory_space<vmem>> -> memref<1x64x128xf32, #tpu.memory_space<vmem>>
      %dma_start3A_169 = tpu.memref_squeeze %dma_start3A_168 : memref<1x64x128xf32, #tpu.memory_space<vmem>> -> memref<64x128xf32, #tpu.memory_space<vmem>>
      %dma_start3A_170 = arith.constant 0 : i32
      %dma_start3A_171 = tpu.memref_slice %arg9[%add3A_23, %dma_start3A_170] : memref<10112x128xf32, #tpu.memory_space<vmem_shared>> -> memref<64x128xf32, #tpu.memory_space<vmem_shared>>
      %dma_start3A_172 = arith.constant 0 : i32
      %dma_start3A_173 = tpu.memref_slice %arg9[%add3A_23, %dma_start3A_172] : memref<10112x128xf32, #tpu.memory_space<vmem_shared>> -> memref<64x128xf32, #tpu.memory_space<vmem_shared>>
      %dma_start3A_174 = arith.constant 0 : i32
      %dma_start3A_175 = arith.constant 0 : i32
      %dma_start3A_176 = tpu.memref_slice %arg8[%run_scoped3A_24, %dma_start3A_174, %dma_start3A_175] : memref<3x64x128xf32, #tpu.memory_space<vmem>> -> memref<1x64x128xf32, #tpu.memory_space<vmem>>
      %dma_start3A_177 = tpu.memref_squeeze %dma_start3A_176 : memref<1x64x128xf32, #tpu.memory_space<vmem>> -> memref<64x128xf32, #tpu.memory_space<vmem>>
      tpu.enqueue_dma source(%dma_start3A_177 : memref<64x128xf32, #tpu.memory_space<vmem>>) target(%dma_start3A_173 : memref<64x128xf32, #tpu.memory_space<vmem_shared>>) target_semaphore(%run_scoped3A_165 : memref<!tpu.dma_semaphore, #tpu.memory_space<semaphore_mem>>)
      %dma_wait3A = arith.constant 0 : i32
      %dma_wait3A_178 = arith.constant 0 : i32
      %dma_wait3A_179 = tpu.memref_slice %arg8[%run_scoped3A_24, %dma_wait3A, %dma_wait3A_178] : memref<3x64x128xf32, #tpu.memory_space<vmem>> -> memref<1x64x128xf32, #tpu.memory_space<vmem>>
      %dma_wait3A_180 = tpu.memref_squeeze %dma_wait3A_179 : memref<1x64x128xf32, #tpu.memory_space<vmem>> -> memref<64x128xf32, #tpu.memory_space<vmem>>
      %dma_wait3A_181 = arith.constant 0 : i32
      %dma_wait3A_182 = tpu.memref_slice %arg9[%add3A_23, %dma_wait3A_181] : memref<10112x128xf32, #tpu.memory_space<vmem_shared>> -> memref<64x128xf32, #tpu.memory_space<vmem_shared>>
      %dma_wait3A_183 = arith.constant 0 : i32
      %dma_wait3A_184 = tpu.memref_slice %arg9[%add3A_23, %dma_wait3A_183] : memref<10112x128xf32, #tpu.memory_space<vmem_shared>> -> memref<64x128xf32, #tpu.memory_space<vmem_shared>>
      %dma_wait3A_185 = arith.constant 0 : i32
      %dma_wait3A_186 = arith.constant 0 : i32
      %dma_wait3A_187 = tpu.memref_slice %arg8[%run_scoped3A_24, %dma_wait3A_185, %dma_wait3A_186] : memref<3x64x128xf32, #tpu.memory_space<vmem>> -> memref<1x64x128xf32, #tpu.memory_space<vmem>>
      %dma_wait3A_188 = tpu.memref_squeeze %dma_wait3A_187 : memref<1x64x128xf32, #tpu.memory_space<vmem>> -> memref<64x128xf32, #tpu.memory_space<vmem>>
      tpu.wait_dma2 semaphore(%run_scoped3A_165 : memref<!tpu.dma_semaphore, #tpu.memory_space<semaphore_mem>>) src(%dma_wait3A_188 : memref<64x128xf32, #tpu.memory_space<vmem>>) dst(%dma_wait3A_184 : memref<64x128xf32, #tpu.memory_space<vmem_shared>>)
      tpu.yield
    }) : () -> ()
    %add3A_25 = arith.constant 448 : i32
    %add3A_26 = arith.addi %mul3A_3, %add3A_25 : i32
    %run_scoped3A_27 = arith.constant 0 : i32
    "tpu.region"() ({
      %run_scoped3A_165 = tpu.sem_alloc : memref<!tpu.dma_semaphore, #tpu.memory_space<semaphore_mem>>
      %dma_start3A_166 = arith.constant 0 : i32
      %dma_start3A_167 = arith.constant 0 : i32
      %dma_start3A_168 = tpu.memref_slice %arg8[%run_scoped3A_27, %dma_start3A_166, %dma_start3A_167] : memref<3x64x128xf32, #tpu.memory_space<vmem>> -> memref<1x64x128xf32, #tpu.memory_space<vmem>>
      %dma_start3A_169 = tpu.memref_squeeze %dma_start3A_168 : memref<1x64x128xf32, #tpu.memory_space<vmem>> -> memref<64x128xf32, #tpu.memory_space<vmem>>
      %dma_start3A_170 = arith.constant 0 : i32
      %dma_start3A_171 = tpu.memref_slice %arg9[%add3A_26, %dma_start3A_170] : memref<10112x128xf32, #tpu.memory_space<vmem_shared>> -> memref<64x128xf32, #tpu.memory_space<vmem_shared>>
      %dma_start3A_172 = arith.constant 0 : i32
      %dma_start3A_173 = tpu.memref_slice %arg9[%add3A_26, %dma_start3A_172] : memref<10112x128xf32, #tpu.memory_space<vmem_shared>> -> memref<64x128xf32, #tpu.memory_space<vmem_shared>>
      %dma_start3A_174 = arith.constant 0 : i32
      %dma_start3A_175 = arith.constant 0 : i32
      %dma_start3A_176 = tpu.memref_slice %arg8[%run_scoped3A_27, %dma_start3A_174, %dma_start3A_175] : memref<3x64x128xf32, #tpu.memory_space<vmem>> -> memref<1x64x128xf32, #tpu.memory_space<vmem>>
      %dma_start3A_177 = tpu.memref_squeeze %dma_start3A_176 : memref<1x64x128xf32, #tpu.memory_space<vmem>> -> memref<64x128xf32, #tpu.memory_space<vmem>>
      tpu.enqueue_dma source(%dma_start3A_177 : memref<64x128xf32, #tpu.memory_space<vmem>>) target(%dma_start3A_173 : memref<64x128xf32, #tpu.memory_space<vmem_shared>>) target_semaphore(%run_scoped3A_165 : memref<!tpu.dma_semaphore, #tpu.memory_space<semaphore_mem>>)
      %dma_wait3A = arith.constant 0 : i32
      %dma_wait3A_178 = arith.constant 0 : i32
      %dma_wait3A_179 = tpu.memref_slice %arg8[%run_scoped3A_27, %dma_wait3A, %dma_wait3A_178] : memref<3x64x128xf32, #tpu.memory_space<vmem>> -> memref<1x64x128xf32, #tpu.memory_space<vmem>>
      %dma_wait3A_180 = tpu.memref_squeeze %dma_wait3A_179 : memref<1x64x128xf32, #tpu.memory_space<vmem>> -> memref<64x128xf32, #tpu.memory_space<vmem>>
      %dma_wait3A_181 = arith.constant 0 : i32
      %dma_wait3A_182 = tpu.memref_slice %arg9[%add3A_26, %dma_wait3A_181] : memref<10112x128xf32, #tpu.memory_space<vmem_shared>> -> memref<64x128xf32, #tpu.memory_space<vmem_shared>>
      %dma_wait3A_183 = arith.constant 0 : i32
      %dma_wait3A_184 = tpu.memref_slice %arg9[%add3A_26, %dma_wait3A_183] : memref<10112x128xf32, #tpu.memory_space<vmem_shared>> -> memref<64x128xf32, #tpu.memory_space<vmem_shared>>
      %dma_wait3A_185 = arith.constant 0 : i32
      %dma_wait3A_186 = arith.constant 0 : i32
      %dma_wait3A_187 = tpu.memref_slice %arg8[%run_scoped3A_27, %dma_wait3A_185, %dma_wait3A_186] : memref<3x64x128xf32, #tpu.memory_space<vmem>> -> memref<1x64x128xf32, #tpu.memory_space<vmem>>
      %dma_wait3A_188 = tpu.memref_squeeze %dma_wait3A_187 : memref<1x64x128xf32, #tpu.memory_space<vmem>> -> memref<64x128xf32, #tpu.memory_space<vmem>>
      tpu.wait_dma2 semaphore(%run_scoped3A_165 : memref<!tpu.dma_semaphore, #tpu.memory_space<semaphore_mem>>) src(%dma_wait3A_188 : memref<64x128xf32, #tpu.memory_space<vmem>>) dst(%dma_wait3A_184 : memref<64x128xf32, #tpu.memory_space<vmem_shared>>)
      tpu.yield
    }) : () -> ()
    %add3A_28 = arith.constant 512 : i32
    %add3A_29 = arith.addi %mul3A_3, %add3A_28 : i32
    %run_scoped3A_30 = arith.constant 0 : i32
    "tpu.region"() ({
      %run_scoped3A_165 = tpu.sem_alloc : memref<!tpu.dma_semaphore, #tpu.memory_space<semaphore_mem>>
      %dma_start3A_166 = arith.constant 0 : i32
      %dma_start3A_167 = arith.constant 0 : i32
      %dma_start3A_168 = tpu.memref_slice %arg8[%run_scoped3A_30, %dma_start3A_166, %dma_start3A_167] : memref<3x64x128xf32, #tpu.memory_space<vmem>> -> memref<1x64x128xf32, #tpu.memory_space<vmem>>
      %dma_start3A_169 = tpu.memref_squeeze %dma_start3A_168 : memref<1x64x128xf32, #tpu.memory_space<vmem>> -> memref<64x128xf32, #tpu.memory_space<vmem>>
      %dma_start3A_170 = arith.constant 0 : i32
      %dma_start3A_171 = tpu.memref_slice %arg9[%add3A_29, %dma_start3A_170] : memref<10112x128xf32, #tpu.memory_space<vmem_shared>> -> memref<64x128xf32, #tpu.memory_space<vmem_shared>>
      %dma_start3A_172 = arith.constant 0 : i32
      %dma_start3A_173 = tpu.memref_slice %arg9[%add3A_29, %dma_start3A_172] : memref<10112x128xf32, #tpu.memory_space<vmem_shared>> -> memref<64x128xf32, #tpu.memory_space<vmem_shared>>
      %dma_start3A_174 = arith.constant 0 : i32
      %dma_start3A_175 = arith.constant 0 : i32
      %dma_start3A_176 = tpu.memref_slice %arg8[%run_scoped3A_30, %dma_start3A_174, %dma_start3A_175] : memref<3x64x128xf32, #tpu.memory_space<vmem>> -> memref<1x64x128xf32, #tpu.memory_space<vmem>>
      %dma_start3A_177 = tpu.memref_squeeze %dma_start3A_176 : memref<1x64x128xf32, #tpu.memory_space<vmem>> -> memref<64x128xf32, #tpu.memory_space<vmem>>
      tpu.enqueue_dma source(%dma_start3A_177 : memref<64x128xf32, #tpu.memory_space<vmem>>) target(%dma_start3A_173 : memref<64x128xf32, #tpu.memory_space<vmem_shared>>) target_semaphore(%run_scoped3A_165 : memref<!tpu.dma_semaphore, #tpu.memory_space<semaphore_mem>>)
      %dma_wait3A = arith.constant 0 : i32
      %dma_wait3A_178 = arith.constant 0 : i32
      %dma_wait3A_179 = tpu.memref_slice %arg8[%run_scoped3A_30, %dma_wait3A, %dma_wait3A_178] : memref<3x64x128xf32, #tpu.memory_space<vmem>> -> memref<1x64x128xf32, #tpu.memory_space<vmem>>
      %dma_wait3A_180 = tpu.memref_squeeze %dma_wait3A_179 : memref<1x64x128xf32, #tpu.memory_space<vmem>> -> memref<64x128xf32, #tpu.memory_space<vmem>>
      %dma_wait3A_181 = arith.constant 0 : i32
      %dma_wait3A_182 = tpu.memref_slice %arg9[%add3A_29, %dma_wait3A_181] : memref<10112x128xf32, #tpu.memory_space<vmem_shared>> -> memref<64x128xf32, #tpu.memory_space<vmem_shared>>
      %dma_wait3A_183 = arith.constant 0 : i32
      %dma_wait3A_184 = tpu.memref_slice %arg9[%add3A_29, %dma_wait3A_183] : memref<10112x128xf32, #tpu.memory_space<vmem_shared>> -> memref<64x128xf32, #tpu.memory_space<vmem_shared>>
      %dma_wait3A_185 = arith.constant 0 : i32
      %dma_wait3A_186 = arith.constant 0 : i32
      %dma_wait3A_187 = tpu.memref_slice %arg8[%run_scoped3A_30, %dma_wait3A_185, %dma_wait3A_186] : memref<3x64x128xf32, #tpu.memory_space<vmem>> -> memref<1x64x128xf32, #tpu.memory_space<vmem>>
      %dma_wait3A_188 = tpu.memref_squeeze %dma_wait3A_187 : memref<1x64x128xf32, #tpu.memory_space<vmem>> -> memref<64x128xf32, #tpu.memory_space<vmem>>
      tpu.wait_dma2 semaphore(%run_scoped3A_165 : memref<!tpu.dma_semaphore, #tpu.memory_space<semaphore_mem>>) src(%dma_wait3A_188 : memref<64x128xf32, #tpu.memory_space<vmem>>) dst(%dma_wait3A_184 : memref<64x128xf32, #tpu.memory_space<vmem_shared>>)
      tpu.yield
    }) : () -> ()
    %add3A_31 = arith.constant 576 : i32
    %add3A_32 = arith.addi %mul3A_3, %add3A_31 : i32
    %run_scoped3A_33 = arith.constant 0 : i32
    "tpu.region"() ({
      %run_scoped3A_165 = tpu.sem_alloc : memref<!tpu.dma_semaphore, #tpu.memory_space<semaphore_mem>>
      %dma_start3A_166 = arith.constant 0 : i32
      %dma_start3A_167 = arith.constant 0 : i32
      %dma_start3A_168 = tpu.memref_slice %arg8[%run_scoped3A_33, %dma_start3A_166, %dma_start3A_167] : memref<3x64x128xf32, #tpu.memory_space<vmem>> -> memref<1x56x128xf32, #tpu.memory_space<vmem>>
      %dma_start3A_169 = tpu.memref_squeeze %dma_start3A_168 : memref<1x56x128xf32, #tpu.memory_space<vmem>> -> memref<56x128xf32, #tpu.memory_space<vmem>>
      %dma_start3A_170 = arith.constant 0 : i32
      %dma_start3A_171 = tpu.memref_slice %arg9[%add3A_32, %dma_start3A_170] : memref<10112x128xf32, #tpu.memory_space<vmem_shared>> -> memref<56x128xf32, #tpu.memory_space<vmem_shared>>
      %dma_start3A_172 = arith.constant 0 : i32
      %dma_start3A_173 = tpu.memref_slice %arg9[%add3A_32, %dma_start3A_172] : memref<10112x128xf32, #tpu.memory_space<vmem_shared>> -> memref<56x128xf32, #tpu.memory_space<vmem_shared>>
      %dma_start3A_174 = arith.constant 0 : i32
      %dma_start3A_175 = arith.constant 0 : i32
      %dma_start3A_176 = tpu.memref_slice %arg8[%run_scoped3A_33, %dma_start3A_174, %dma_start3A_175] : memref<3x64x128xf32, #tpu.memory_space<vmem>> -> memref<1x56x128xf32, #tpu.memory_space<vmem>>
      %dma_start3A_177 = tpu.memref_squeeze %dma_start3A_176 : memref<1x56x128xf32, #tpu.memory_space<vmem>> -> memref<56x128xf32, #tpu.memory_space<vmem>>
      tpu.enqueue_dma source(%dma_start3A_177 : memref<56x128xf32, #tpu.memory_space<vmem>>) target(%dma_start3A_173 : memref<56x128xf32, #tpu.memory_space<vmem_shared>>) target_semaphore(%run_scoped3A_165 : memref<!tpu.dma_semaphore, #tpu.memory_space<semaphore_mem>>)
      %dma_wait3A = arith.constant 0 : i32
      %dma_wait3A_178 = arith.constant 0 : i32
      %dma_wait3A_179 = tpu.memref_slice %arg8[%run_scoped3A_33, %dma_wait3A, %dma_wait3A_178] : memref<3x64x128xf32, #tpu.memory_space<vmem>> -> memref<1x56x128xf32, #tpu.memory_space<vmem>>
      %dma_wait3A_180 = tpu.memref_squeeze %dma_wait3A_179 : memref<1x56x128xf32, #tpu.memory_space<vmem>> -> memref<56x128xf32, #tpu.memory_space<vmem>>
      %dma_wait3A_181 = arith.constant 0 : i32
      %dma_wait3A_182 = tpu.memref_slice %arg9[%add3A_32, %dma_wait3A_181] : memref<10112x128xf32, #tpu.memory_space<vmem_shared>> -> memref<56x128xf32, #tpu.memory_space<vmem_shared>>
      %dma_wait3A_183 = arith.constant 0 : i32
      %dma_wait3A_184 = tpu.memref_slice %arg9[%add3A_32, %dma_wait3A_183] : memref<10112x128xf32, #tpu.memory_space<vmem_shared>> -> memref<56x128xf32, #tpu.memory_space<vmem_shared>>
      %dma_wait3A_185 = arith.constant 0 : i32
      %dma_wait3A_186 = arith.constant 0 : i32
      %dma_wait3A_187 = tpu.memref_slice %arg8[%run_scoped3A_33, %dma_wait3A_185, %dma_wait3A_186] : memref<3x64x128xf32, #tpu.memory_space<vmem>> -> memref<1x56x128xf32, #tpu.memory_space<vmem>>
      %dma_wait3A_188 = tpu.memref_squeeze %dma_wait3A_187 : memref<1x56x128xf32, #tpu.memory_space<vmem>> -> memref<56x128xf32, #tpu.memory_space<vmem>>
      tpu.wait_dma2 semaphore(%run_scoped3A_165 : memref<!tpu.dma_semaphore, #tpu.memory_space<semaphore_mem>>) src(%dma_wait3A_188 : memref<56x128xf32, #tpu.memory_space<vmem>>) dst(%dma_wait3A_184 : memref<56x128xf32, #tpu.memory_space<vmem_shared>>)
      tpu.yield
    }) : () -> ()
    "tpu.region"() ({
      %run_scoped3A_165 = tpu.sem_alloc : memref<!tpu.dma_semaphore, #tpu.memory_space<semaphore_mem>>
      %dma_start3A_166 = arith.constant 0 : i32
      %dma_start3A_167 = arith.constant 0 : i32
      %dma_start3A_168 = tpu.memref_slice %arg3[%add3A_1, %arg1, %dma_start3A_166, %dma_start3A_167] : memref<4x16x80x64xi32, #tpu.memory_space<hbm>> -> memref<1x1x80x64xi32, #tpu.memory_space<hbm>>
      %dma_start3A_169 = tpu.memref_squeeze %dma_start3A_168 : memref<1x1x80x64xi32, #tpu.memory_space<hbm>> -> memref<80x64xi32, #tpu.memory_space<hbm>>
      %dma_start3A_170 = arith.constant 0 : i32
      %dma_start3A_171 = arith.constant 0 : i32
      %dma_start3A_172 = tpu.memref_slice %arg3[%add3A_1, %arg1, %dma_start3A_170, %dma_start3A_171] : memref<4x16x80x64xi32, #tpu.memory_space<hbm>> -> memref<1x1x80x64xi32, #tpu.memory_space<hbm>>
      %dma_start3A_173 = tpu.memref_squeeze %dma_start3A_172 : memref<1x1x80x64xi32, #tpu.memory_space<hbm>> -> memref<80x64xi32, #tpu.memory_space<hbm>>
      tpu.enqueue_dma source(%dma_start3A_173 : memref<80x64xi32, #tpu.memory_space<hbm>>) target(%arg11 : memref<80x64xi32, #tpu.memory_space<vmem>>) target_semaphore(%run_scoped3A_165 : memref<!tpu.dma_semaphore, #tpu.memory_space<semaphore_mem>>)
      %dma_wait3A = arith.constant 0 : i32
      %dma_wait3A_174 = arith.constant 0 : i32
      %dma_wait3A_175 = tpu.memref_slice %arg3[%add3A_1, %arg1, %dma_wait3A, %dma_wait3A_174] : memref<4x16x80x64xi32, #tpu.memory_space<hbm>> -> memref<1x1x80x64xi32, #tpu.memory_space<hbm>>
      %dma_wait3A_176 = tpu.memref_squeeze %dma_wait3A_175 : memref<1x1x80x64xi32, #tpu.memory_space<hbm>> -> memref<80x64xi32, #tpu.memory_space<hbm>>
      %dma_wait3A_177 = arith.constant 0 : i32
      %dma_wait3A_178 = arith.constant 0 : i32
      %dma_wait3A_179 = tpu.memref_slice %arg3[%add3A_1, %arg1, %dma_wait3A_177, %dma_wait3A_178] : memref<4x16x80x64xi32, #tpu.memory_space<hbm>> -> memref<1x1x80x64xi32, #tpu.memory_space<hbm>>
      %dma_wait3A_180 = tpu.memref_squeeze %dma_wait3A_179 : memref<1x1x80x64xi32, #tpu.memory_space<hbm>> -> memref<80x64xi32, #tpu.memory_space<hbm>>
      tpu.wait_dma2 semaphore(%run_scoped3A_165 : memref<!tpu.dma_semaphore, #tpu.memory_space<semaphore_mem>>) src(%dma_wait3A_180 : memref<80x64xi32, #tpu.memory_space<hbm>>) dst(%arg11 : memref<80x64xi32, #tpu.memory_space<vmem>>)
      tpu.yield
    }) : () -> ()
    "tpu.region"() ({
      %run_scoped3A_165 = tpu.sem_alloc : memref<!tpu.dma_semaphore, #tpu.memory_space<semaphore_mem>>
      %dma_start3A_166 = arith.constant 0 : i32
      %dma_start3A_167 = arith.constant 0 : i32
      %dma_start3A_168 = tpu.memref_slice %arg4[%add3A_1, %arg1, %dma_start3A_166, %dma_start3A_167] : memref<4x16x80x64xi32, #tpu.memory_space<hbm>> -> memref<1x1x80x64xi32, #tpu.memory_space<hbm>>
      %dma_start3A_169 = tpu.memref_squeeze %dma_start3A_168 : memref<1x1x80x64xi32, #tpu.memory_space<hbm>> -> memref<80x64xi32, #tpu.memory_space<hbm>>
      %dma_start3A_170 = arith.constant 0 : i32
      %dma_start3A_171 = arith.constant 0 : i32
      %dma_start3A_172 = tpu.memref_slice %arg4[%add3A_1, %arg1, %dma_start3A_170, %dma_start3A_171] : memref<4x16x80x64xi32, #tpu.memory_space<hbm>> -> memref<1x1x80x64xi32, #tpu.memory_space<hbm>>
      %dma_start3A_173 = tpu.memref_squeeze %dma_start3A_172 : memref<1x1x80x64xi32, #tpu.memory_space<hbm>> -> memref<80x64xi32, #tpu.memory_space<hbm>>
      tpu.enqueue_dma source(%dma_start3A_173 : memref<80x64xi32, #tpu.memory_space<hbm>>) target(%arg7 : memref<80x64xi32, #tpu.memory_space<vmem>>) target_semaphore(%run_scoped3A_165 : memref<!tpu.dma_semaphore, #tpu.memory_space<semaphore_mem>>)
      %dma_wait3A = arith.constant 0 : i32
      %dma_wait3A_174 = arith.constant 0 : i32
      %dma_wait3A_175 = tpu.memref_slice %arg4[%add3A_1, %arg1, %dma_wait3A, %dma_wait3A_174] : memref<4x16x80x64xi32, #tpu.memory_space<hbm>> -> memref<1x1x80x64xi32, #tpu.memory_space<hbm>>
      %dma_wait3A_176 = tpu.memref_squeeze %dma_wait3A_175 : memref<1x1x80x64xi32, #tpu.memory_space<hbm>> -> memref<80x64xi32, #tpu.memory_space<hbm>>
      %dma_wait3A_177 = arith.constant 0 : i32
      %dma_wait3A_178 = arith.constant 0 : i32
      %dma_wait3A_179 = tpu.memref_slice %arg4[%add3A_1, %arg1, %dma_wait3A_177, %dma_wait3A_178] : memref<4x16x80x64xi32, #tpu.memory_space<hbm>> -> memref<1x1x80x64xi32, #tpu.memory_space<hbm>>
      %dma_wait3A_180 = tpu.memref_squeeze %dma_wait3A_179 : memref<1x1x80x64xi32, #tpu.memory_space<hbm>> -> memref<80x64xi32, #tpu.memory_space<hbm>>
      tpu.wait_dma2 semaphore(%run_scoped3A_165 : memref<!tpu.dma_semaphore, #tpu.memory_space<semaphore_mem>>) src(%dma_wait3A_180 : memref<80x64xi32, #tpu.memory_space<hbm>>) dst(%arg7 : memref<80x64xi32, #tpu.memory_space<vmem>>)
      tpu.yield
    }) : () -> ()
    %barrier3A = arith.constant 0 : index
    tpu.barrier barrier_id(%barrier3A)
    %dma_start3A = arith.constant 0 : i32
    %dma_start3A_34 = arith.constant 0 : i32
    %dma_start3A_35 = arith.constant 0 : i32
    %dma_start3A_36 = arith.constant 0 : i32
    %dma_start3A_37 = arith.constant 0 : i32
    %dma_start3A_38 = arith.constant 0 : i32
    %dma_start3A_39 = tpu.memref_slice %arg8[%dma_start3A_34, %dma_start3A_37, %dma_start3A_38] : memref<3x64x128xf32, #tpu.memory_space<vmem>> -> memref<1x64x128xf32, #tpu.memory_space<vmem>>
    %dma_start3A_40 = tpu.memref_squeeze %dma_start3A_39 : memref<1x64x128xf32, #tpu.memory_space<vmem>> -> memref<64x128xf32, #tpu.memory_space<vmem>>
    %dma_start3A_41 = arith.constant 0 : i32
    %dma_start3A_42 = tpu.memref_slice %arg11[%dma_start3A, %dma_start3A_41] : memref<80x64xi32, #tpu.memory_space<vmem>> -> memref<1x64xi32, #tpu.memory_space<vmem>>
    %dma_start3A_43 = tpu.memref_squeeze %dma_start3A_42 : memref<1x64xi32, #tpu.memory_space<vmem>> -> memref<64xi32, #tpu.memory_space<vmem>>
    %dma_start3A_44 = arith.constant 0 : i32
    %dma_start3A_45 = arith.constant 0 : i32
    %dma_start3A_46 = tpu.memref_slice %arg2[%dma_start3A_44, %dma_start3A_45] : memref<10000x128xf32, #tpu.memory_space<hbm>> -> memref<10000x128xf32, #tpu.memory_space<hbm>>
    %dma_start3A_47 = tpu.memref_slice %arg10[%dma_start3A_35, %dma_start3A_36] : memref<3x1x!tpu.dma_semaphore, #tpu.memory_space<semaphore_mem>> -> memref<1x1x!tpu.dma_semaphore, #tpu.memory_space<semaphore_mem>>
    %dma_start3A_48 = tpu.memref_squeeze %dma_start3A_47 : memref<1x1x!tpu.dma_semaphore, #tpu.memory_space<semaphore_mem>> -> memref<!tpu.dma_semaphore, #tpu.memory_space<semaphore_mem>>
    tpu.enqueue_indirect_dma source(%dma_start3A_46 : memref<10000x128xf32, #tpu.memory_space<hbm>>) target(%dma_start3A_40 : memref<64x128xf32, #tpu.memory_space<vmem>>) offsets(%dma_start3A_43 : memref<64xi32, #tpu.memory_space<vmem>>) semaphore(%dma_start3A_48 : memref<!tpu.dma_semaphore, #tpu.memory_space<semaphore_mem>>)
    %dma_start3A_49 = arith.constant 1 : i32
    %dma_start3A_50 = arith.constant 1 : i32
    %dma_start3A_51 = arith.constant 1 : i32
    %dma_start3A_52 = arith.constant 0 : i32
    %dma_start3A_53 = arith.constant 0 : i32
    %dma_start3A_54 = arith.constant 0 : i32
    %dma_start3A_55 = tpu.memref_slice %arg8[%dma_start3A_50, %dma_start3A_53, %dma_start3A_54] : memref<3x64x128xf32, #tpu.memory_space<vmem>> -> memref<1x64x128xf32, #tpu.memory_space<vmem>>
    %dma_start3A_56 = tpu.memref_squeeze %dma_start3A_55 : memref<1x64x128xf32, #tpu.memory_space<vmem>> -> memref<64x128xf32, #tpu.memory_space<vmem>>
    %dma_start3A_57 = arith.constant 0 : i32
    %dma_start3A_58 = tpu.memref_slice %arg11[%dma_start3A_49, %dma_start3A_57] : memref<80x64xi32, #tpu.memory_space<vmem>> -> memref<1x64xi32, #tpu.memory_space<vmem>>
    %dma_start3A_59 = tpu.memref_squeeze %dma_start3A_58 : memref<1x64xi32, #tpu.memory_space<vmem>> -> memref<64xi32, #tpu.memory_space<vmem>>
    %dma_start3A_60 = arith.constant 0 : i32
    %dma_start3A_61 = arith.constant 0 : i32
    %dma_start3A_62 = tpu.memref_slice %arg2[%dma_start3A_60, %dma_start3A_61] : memref<10000x128xf32, #tpu.memory_space<hbm>> -> memref<10000x128xf32, #tpu.memory_space<hbm>>
    %dma_start3A_63 = tpu.memref_slice %arg10[%dma_start3A_51, %dma_start3A_52] : memref<3x1x!tpu.dma_semaphore, #tpu.memory_space<semaphore_mem>> -> memref<1x1x!tpu.dma_semaphore, #tpu.memory_space<semaphore_mem>>
    %dma_start3A_64 = tpu.memref_squeeze %dma_start3A_63 : memref<1x1x!tpu.dma_semaphore, #tpu.memory_space<semaphore_mem>> -> memref<!tpu.dma_semaphore, #tpu.memory_space<semaphore_mem>>
    tpu.enqueue_indirect_dma source(%dma_start3A_62 : memref<10000x128xf32, #tpu.memory_space<hbm>>) target(%dma_start3A_56 : memref<64x128xf32, #tpu.memory_space<vmem>>) offsets(%dma_start3A_59 : memref<64xi32, #tpu.memory_space<vmem>>) semaphore(%dma_start3A_64 : memref<!tpu.dma_semaphore, #tpu.memory_space<semaphore_mem>>)
    %scan3A = arith.constant 0 : i32
    %scan3A_65 = arith.constant 0 : i32
    %scan3A_66 = arith.constant 80 : i32
    %scan3A_67 = arith.addi %scan3A_65, %scan3A_66 : i32
    %scan3A_68 = arith.constant 1 : i32
    scf.for %scan3A_165 = %scan3A_65 to %scan3A_67 step %scan3A_68  : i32 {
      %rem3A = arith.constant 3 : i32
      %rem3A_166 = arith.remsi %scan3A_165, %rem3A : i32
      %add3A_167 = arith.constant 3 : i32
      %add3A_168 = arith.addi %scan3A_165, %add3A_167 : i32
      %sub3A = arith.constant 1 : i32
      %sub3A_169 = arith.subi %add3A_168, %sub3A : i32
      %lt3A = arith.constant 80 : i32
      %lt3A_170 = arith.cmpi slt, %sub3A_169, %lt3A : i32
      %convert_element_type3A_171 = arith.extui %lt3A_170 : i1 to i32
      %cond3A_172 = arith.constant 0 : i32
      %cond3A_173 = arith.cmpi ne, %convert_element_type3A_171, %cond3A_172 : i32
      scf.if %cond3A_173 {
        %add3A_186 = arith.constant 3 : i32
        %add3A_187 = arith.addi %scan3A_165, %add3A_186 : i32
        %sub3A_188 = arith.constant 1 : i32
        %sub3A_189 = arith.subi %add3A_187, %sub3A_188 : i32
        %add3A_190 = arith.constant 3 : i32
        %add3A_191 = arith.addi %scan3A_165, %add3A_190 : i32
        %sub3A_192 = arith.constant 1 : i32
        %sub3A_193 = arith.subi %add3A_191, %sub3A_192 : i32
        %rem3A_194 = arith.constant 3 : i32
        %rem3A_195 = arith.remsi %sub3A_193, %rem3A_194 : i32
        %dma_start3A_196 = arith.constant 0 : i32
        %dma_start3A_197 = arith.constant 0 : i32
        %dma_start3A_198 = arith.constant 0 : i32
        %dma_start3A_199 = tpu.memref_slice %arg8[%rem3A_195, %dma_start3A_197, %dma_start3A_198] : memref<3x64x128xf32, #tpu.memory_space<vmem>> -> memref<1x64x128xf32, #tpu.memory_space<vmem>>
        %dma_start3A_200 = tpu.memref_squeeze %dma_start3A_199 : memref<1x64x128xf32, #tpu.memory_space<vmem>> -> memref<64x128xf32, #tpu.memory_space<vmem>>
        %dma_start3A_201 = arith.constant 0 : i32
        %dma_start3A_202 = tpu.memref_slice %arg11[%sub3A_189, %dma_start3A_201] : memref<80x64xi32, #tpu.memory_space<vmem>> -> memref<1x64xi32, #tpu.memory_space<vmem>>
        %dma_start3A_203 = tpu.memref_squeeze %dma_start3A_202 : memref<1x64xi32, #tpu.memory_space<vmem>> -> memref<64xi32, #tpu.memory_space<vmem>>
        %dma_start3A_204 = arith.constant 0 : i32
        %dma_start3A_205 = arith.constant 0 : i32
        %dma_start3A_206 = tpu.memref_slice %arg2[%dma_start3A_204, %dma_start3A_205] : memref<10000x128xf32, #tpu.memory_space<hbm>> -> memref<10000x128xf32, #tpu.memory_space<hbm>>
        %dma_start3A_207 = tpu.memref_slice %arg10[%rem3A_195, %dma_start3A_196] : memref<3x1x!tpu.dma_semaphore, #tpu.memory_space<semaphore_mem>> -> memref<1x1x!tpu.dma_semaphore, #tpu.memory_space<semaphore_mem>>
        %dma_start3A_208 = tpu.memref_squeeze %dma_start3A_207 : memref<1x1x!tpu.dma_semaphore, #tpu.memory_space<semaphore_mem>> -> memref<!tpu.dma_semaphore, #tpu.memory_space<semaphore_mem>>
        tpu.enqueue_indirect_dma source(%dma_start3A_206 : memref<10000x128xf32, #tpu.memory_space<hbm>>) target(%dma_start3A_200 : memref<64x128xf32, #tpu.memory_space<vmem>>) offsets(%dma_start3A_203 : memref<64xi32, #tpu.memory_space<vmem>>) semaphore(%dma_start3A_208 : memref<!tpu.dma_semaphore, #tpu.memory_space<semaphore_mem>>)
      } else {
      }
      %dma_wait3A = arith.constant 0 : i32
      %dma_wait3A_174 = arith.constant 0 : i32
      %dma_wait3A_175 = arith.constant 0 : i32
      %dma_wait3A_176 = tpu.memref_slice %arg8[%rem3A_166, %dma_wait3A_174, %dma_wait3A_175] : memref<3x64x128xf32, #tpu.memory_space<vmem>> -> memref<1x64x128xf32, #tpu.memory_space<vmem>>
      %dma_wait3A_177 = tpu.memref_squeeze %dma_wait3A_176 : memref<1x64x128xf32, #tpu.memory_space<vmem>> -> memref<64x128xf32, #tpu.memory_space<vmem>>
      %dma_wait3A_178 = arith.constant 0 : i32
      %dma_wait3A_179 = tpu.memref_slice %arg11[%scan3A_165, %dma_wait3A_178] : memref<80x64xi32, #tpu.memory_space<vmem>> -> memref<1x64xi32, #tpu.memory_space<vmem>>
      %dma_wait3A_180 = tpu.memref_squeeze %dma_wait3A_179 : memref<1x64xi32, #tpu.memory_space<vmem>> -> memref<64xi32, #tpu.memory_space<vmem>>
      %dma_wait3A_181 = arith.constant 0 : i32
      %dma_wait3A_182 = arith.constant 0 : i32
      %dma_wait3A_183 = tpu.memref_slice %arg2[%dma_wait3A_181, %dma_wait3A_182] : memref<10000x128xf32, #tpu.memory_space<hbm>> -> memref<10000x128xf32, #tpu.memory_space<hbm>>
      %dma_wait3A_184 = tpu.memref_slice %arg10[%rem3A_166, %dma_wait3A] : memref<3x1x!tpu.dma_semaphore, #tpu.memory_space<semaphore_mem>> -> memref<1x1x!tpu.dma_semaphore, #tpu.memory_space<semaphore_mem>>
      %dma_wait3A_185 = tpu.memref_squeeze %dma_wait3A_184 : memref<1x1x!tpu.dma_semaphore, #tpu.memory_space<semaphore_mem>> -> memref<!tpu.dma_semaphore, #tpu.memory_space<semaphore_mem>>
      tpu.wait_indirect_dma semaphore(%dma_wait3A_185 : memref<!tpu.dma_semaphore, #tpu.memory_space<semaphore_mem>>) src(%dma_wait3A_183 : memref<10000x128xf32, #tpu.memory_space<hbm>>) dst(%dma_wait3A_177 : memref<64x128xf32, #tpu.memory_space<vmem>>)
      "tpu.region"() ({
        %run_scoped3A_186 = tpu.sem_alloc : memref<!tpu.dma_semaphore, #tpu.memory_space<semaphore_mem>>
        %dma_start3A_187 = arith.constant 0 : i32
        %dma_start3A_188 = arith.constant 0 : i32
        %dma_start3A_189 = tpu.memref_slice %arg8[%rem3A_166, %dma_start3A_187, %dma_start3A_188] : memref<3x64x128xf32, #tpu.memory_space<vmem>> -> memref<1x64x128xf32, #tpu.memory_space<vmem>>
        %dma_start3A_190 = tpu.memref_squeeze %dma_start3A_189 : memref<1x64x128xf32, #tpu.memory_space<vmem>> -> memref<64x128xf32, #tpu.memory_space<vmem>>
        %dma_start3A_191 = arith.constant 0 : i32
        %dma_start3A_192 = tpu.memref_slice %arg7[%scan3A_165, %dma_start3A_191] : memref<80x64xi32, #tpu.memory_space<vmem>> -> memref<1x64xi32, #tpu.memory_space<vmem>>
        %dma_start3A_193 = tpu.memref_squeeze %dma_start3A_192 : memref<1x64xi32, #tpu.memory_space<vmem>> -> memref<64xi32, #tpu.memory_space<vmem>>
        %dma_start3A_194 = arith.constant 0 : i32
        %dma_start3A_195 = arith.constant 0 : i32
        %dma_start3A_196 = tpu.memref_slice %arg9[%dma_start3A_194, %dma_start3A_195] : memref<10112x128xf32, #tpu.memory_space<vmem_shared>> -> memref<10112x128xf32, #tpu.memory_space<vmem_shared>>
        tpu.enqueue_indirect_dma source(%dma_start3A_190 : memref<64x128xf32, #tpu.memory_space<vmem>>) target(%dma_start3A_196 : memref<10112x128xf32, #tpu.memory_space<vmem_shared>>) offsets(%dma_start3A_193 : memref<64xi32, #tpu.memory_space<vmem>>) semaphore(%run_scoped3A_186 : memref<!tpu.dma_semaphore, #tpu.memory_space<semaphore_mem>>) {add = true}
        %dma_wait3A_197 = arith.constant 0 : i32
        %dma_wait3A_198 = arith.constant 0 : i32
        %dma_wait3A_199 = tpu.memref_slice %arg8[%rem3A_166, %dma_wait3A_197, %dma_wait3A_198] : memref<3x64x128xf32, #tpu.memory_space<vmem>> -> memref<1x64x128xf32, #tpu.memory_space<vmem>>
        %dma_wait3A_200 = tpu.memref_squeeze %dma_wait3A_199 : memref<1x64x128xf32, #tpu.memory_space<vmem>> -> memref<64x128xf32, #tpu.memory_space<vmem>>
        %dma_wait3A_201 = arith.constant 0 : i32
        %dma_wait3A_202 = tpu.memref_slice %arg7[%scan3A_165, %dma_wait3A_201] : memref<80x64xi32, #tpu.memory_space<vmem>> -> memref<1x64xi32, #tpu.memory_space<vmem>>
        %dma_wait3A_203 = tpu.memref_squeeze %dma_wait3A_202 : memref<1x64xi32, #tpu.memory_space<vmem>> -> memref<64xi32, #tpu.memory_space<vmem>>
        %dma_wait3A_204 = arith.constant 0 : i32
        %dma_wait3A_205 = arith.constant 0 : i32
        %dma_wait3A_206 = tpu.memref_slice %arg9[%dma_wait3A_204, %dma_wait3A_205] : memref<10112x128xf32, #tpu.memory_space<vmem_shared>> -> memref<10112x128xf32, #tpu.memory_space<vmem_shared>>
        tpu.wait_indirect_dma semaphore(%run_scoped3A_186 : memref<!tpu.dma_semaphore, #tpu.memory_space<semaphore_mem>>) src(%dma_wait3A_200 : memref<64x128xf32, #tpu.memory_space<vmem>>) dst(%dma_wait3A_206 : memref<10112x128xf32, #tpu.memory_space<vmem_shared>>)
        tpu.yield
      }) : () -> ()
    }
    %scan3A_69 = arith.constant 80 : i32
    %barrier3A_70 = arith.constant 0 : index
    tpu.barrier barrier_id(%barrier3A_70)
    %mul3A_71 = arith.constant 624 : i32
    %mul3A_72 = arith.muli %arg1, %mul3A_71 : i32
    %mul3A_73 = arith.constant 624 : i32
    %mul3A_74 = arith.muli %arg1, %mul3A_73 : i32
    "tpu.region"() ({
      %run_scoped3A_165 = tpu.sem_alloc : memref<!tpu.dma_semaphore, #tpu.memory_space<semaphore_mem>>
      %dma_start3A_166 = arith.constant 0 : i32
      %dma_start3A_167 = tpu.memref_slice %arg6[%add3A_1, %mul3A_74, %dma_start3A_166] : memref<4x10000x128xf32, #tpu.memory_space<hbm>> -> memref<1x624x128xf32, #tpu.memory_space<hbm>>
      %dma_start3A_168 = tpu.memref_squeeze %dma_start3A_167 : memref<1x624x128xf32, #tpu.memory_space<hbm>> -> memref<624x128xf32, #tpu.memory_space<hbm>>
      %dma_start3A_169 = arith.constant 0 : i32
      %dma_start3A_170 = tpu.memref_slice %arg9[%mul3A_72, %dma_start3A_169] : memref<10112x128xf32, #tpu.memory_space<vmem_shared>> -> memref<624x128xf32, #tpu.memory_space<vmem_shared>>
      tpu.enqueue_dma source(%dma_start3A_170 : memref<624x128xf32, #tpu.memory_space<vmem_shared>>) target(%dma_start3A_168 : memref<624x128xf32, #tpu.memory_space<hbm>>) target_semaphore(%run_scoped3A_165 : memref<!tpu.dma_semaphore, #tpu.memory_space<semaphore_mem>>)
      %dma_wait3A = arith.constant 0 : i32
      %dma_wait3A_171 = tpu.memref_slice %arg6[%add3A_1, %mul3A_74, %dma_wait3A] : memref<4x10000x128xf32, #tpu.memory_space<hbm>> -> memref<1x624x128xf32, #tpu.memory_space<hbm>>
      %dma_wait3A_172 = tpu.memref_squeeze %dma_wait3A_171 : memref<1x624x128xf32, #tpu.memory_space<hbm>> -> memref<624x128xf32, #tpu.memory_space<hbm>>
      %dma_wait3A_173 = arith.constant 0 : i32
      %dma_wait3A_174 = tpu.memref_slice %arg9[%mul3A_72, %dma_wait3A_173] : memref<10112x128xf32, #tpu.memory_space<vmem_shared>> -> memref<624x128xf32, #tpu.memory_space<vmem_shared>>
      tpu.wait_dma2 semaphore(%run_scoped3A_165 : memref<!tpu.dma_semaphore, #tpu.memory_space<semaphore_mem>>) src(%dma_wait3A_174 : memref<624x128xf32, #tpu.memory_space<vmem_shared>>) dst(%dma_wait3A_172 : memref<624x128xf32, #tpu.memory_space<hbm>>)
      tpu.yield
    }) : () -> ()
    %eq3A = arith.constant 15 : i32
    %eq3A_75 = arith.cmpi eq, %arg1, %eq3A : i32
    %convert_element_type3A = arith.extui %eq3A_75 : i1 to i32
    %cond3A = arith.constant 0 : i32
    %cond3A_76 = arith.cmpi ne, %convert_element_type3A, %cond3A : i32
    scf.if %cond3A_76 {
      "tpu.region"() ({
        %run_scoped3A_165 = tpu.sem_alloc : memref<!tpu.dma_semaphore, #tpu.memory_space<semaphore_mem>>
        %dma_start3A_166 = arith.constant 9984 : i32
        %dma_start3A_167 = arith.constant 0 : i32
        %dma_start3A_168 = tpu.memref_slice %arg6[%add3A_1, %dma_start3A_166, %dma_start3A_167] : memref<4x10000x128xf32, #tpu.memory_space<hbm>> -> memref<1x16x128xf32, #tpu.memory_space<hbm>>
        %dma_start3A_169 = tpu.memref_squeeze %dma_start3A_168 : memref<1x16x128xf32, #tpu.memory_space<hbm>> -> memref<16x128xf32, #tpu.memory_space<hbm>>
        %dma_start3A_170 = arith.constant 9984 : i32
        %dma_start3A_171 = arith.constant 0 : i32
        %dma_start3A_172 = tpu.memref_slice %arg9[%dma_start3A_170, %dma_start3A_171] : memref<10112x128xf32, #tpu.memory_space<vmem_shared>> -> memref<16x128xf32, #tpu.memory_space<vmem_shared>>
        tpu.enqueue_dma source(%dma_start3A_172 : memref<16x128xf32, #tpu.memory_space<vmem_shared>>) target(%dma_start3A_169 : memref<16x128xf32, #tpu.memory_space<hbm>>) target_semaphore(%run_scoped3A_165 : memref<!tpu.dma_semaphore, #tpu.memory_space<semaphore_mem>>)
        %dma_wait3A = arith.constant 9984 : i32
        %dma_wait3A_173 = arith.constant 0 : i32
        %dma_wait3A_174 = tpu.memref_slice %arg6[%add3A_1, %dma_wait3A, %dma_wait3A_173] : memref<4x10000x128xf32, #tpu.memory_space<hbm>> -> memref<1x16x128xf32, #tpu.memory_space<hbm>>
        %dma_wait3A_175 = tpu.memref_squeeze %dma_wait3A_174 : memref<1x16x128xf32, #tpu.memory_space<hbm>> -> memref<16x128xf32, #tpu.memory_space<hbm>>
        %dma_wait3A_176 = arith.constant 9984 : i32
        %dma_wait3A_177 = arith.constant 0 : i32
        %dma_wait3A_178 = tpu.memref_slice %arg9[%dma_wait3A_176, %dma_wait3A_177] : memref<10112x128xf32, #tpu.memory_space<vmem_shared>> -> memref<16x128xf32, #tpu.memory_space<vmem_shared>>
        tpu.wait_dma2 semaphore(%run_scoped3A_165 : memref<!tpu.dma_semaphore, #tpu.memory_space<semaphore_mem>>) src(%dma_wait3A_178 : memref<16x128xf32, #tpu.memory_space<vmem_shared>>) dst(%dma_wait3A_175 : memref<16x128xf32, #tpu.memory_space<hbm>>)
        tpu.yield
      }) : () -> ()
    } else {
    }
    %barrier3A_77 = arith.constant 0 : index
    tpu.barrier barrier_id(%barrier3A_77)
    %mul3A_78 = arith.constant 2 : i32
    %mul3A_79 = arith.muli %arg0, %mul3A_78 : i32
    %add3A_80 = arith.constant 1 : i32
    %add3A_81 = arith.addi %mul3A_79, %add3A_80 : i32
    %run_scoped3A_82 = arith.constant 0 : i32
    "tpu.region"() ({
      %run_scoped3A_165 = tpu.sem_alloc : memref<!tpu.dma_semaphore, #tpu.memory_space<semaphore_mem>>
      %dma_start3A_166 = arith.constant 0 : i32
      %dma_start3A_167 = arith.constant 0 : i32
      %dma_start3A_168 = tpu.memref_slice %arg8[%run_scoped3A_82, %dma_start3A_166, %dma_start3A_167] : memref<3x64x128xf32, #tpu.memory_space<vmem>> -> memref<1x64x128xf32, #tpu.memory_space<vmem>>
      %dma_start3A_169 = tpu.memref_squeeze %dma_start3A_168 : memref<1x64x128xf32, #tpu.memory_space<vmem>> -> memref<64x128xf32, #tpu.memory_space<vmem>>
      %dma_start3A_170 = arith.constant 0 : i32
      %dma_start3A_171 = arith.constant 0 : i32
      %dma_start3A_172 = tpu.memref_slice %arg8[%run_scoped3A_82, %dma_start3A_170, %dma_start3A_171] : memref<3x64x128xf32, #tpu.memory_space<vmem>> -> memref<1x64x128xf32, #tpu.memory_space<vmem>>
      %dma_start3A_173 = tpu.memref_squeeze %dma_start3A_172 : memref<1x64x128xf32, #tpu.memory_space<vmem>> -> memref<64x128xf32, #tpu.memory_space<vmem>>
      tpu.enqueue_dma source(%arg5 : memref<64x128xf32, #tpu.memory_space<hbm>>) target(%dma_start3A_173 : memref<64x128xf32, #tpu.memory_space<vmem>>) target_semaphore(%run_scoped3A_165 : memref<!tpu.dma_semaphore, #tpu.memory_space<semaphore_mem>>)
      %dma_wait3A = arith.constant 0 : i32
      %dma_wait3A_174 = arith.constant 0 : i32
      %dma_wait3A_175 = tpu.memref_slice %arg8[%run_scoped3A_82, %dma_wait3A, %dma_wait3A_174] : memref<3x64x128xf32, #tpu.memory_space<vmem>> -> memref<1x64x128xf32, #tpu.memory_space<vmem>>
      %dma_wait3A_176 = tpu.memref_squeeze %dma_wait3A_175 : memref<1x64x128xf32, #tpu.memory_space<vmem>> -> memref<64x128xf32, #tpu.memory_space<vmem>>
      %dma_wait3A_177 = arith.constant 0 : i32
      %dma_wait3A_178 = arith.constant 0 : i32
      %dma_wait3A_179 = tpu.memref_slice %arg8[%run_scoped3A_82, %dma_wait3A_177, %dma_wait3A_178] : memref<3x64x128xf32, #tpu.memory_space<vmem>> -> memref<1x64x128xf32, #tpu.memory_space<vmem>>
      %dma_wait3A_180 = tpu.memref_squeeze %dma_wait3A_179 : memref<1x64x128xf32, #tpu.memory_space<vmem>> -> memref<64x128xf32, #tpu.memory_space<vmem>>
      tpu.wait_dma2 semaphore(%run_scoped3A_165 : memref<!tpu.dma_semaphore, #tpu.memory_space<semaphore_mem>>) src(%arg5 : memref<64x128xf32, #tpu.memory_space<hbm>>) dst(%dma_wait3A_180 : memref<64x128xf32, #tpu.memory_space<vmem>>)
      tpu.yield
    }) : () -> ()
    %mul3A_83 = arith.constant 632 : i32
    %mul3A_84 = arith.muli %arg1, %mul3A_83 : i32
    %add3A_85 = arith.constant 0 : i32
    %add3A_86 = arith.addi %mul3A_84, %add3A_85 : i32
    %run_scoped3A_87 = arith.constant 0 : i32
    "tpu.region"() ({
      %run_scoped3A_165 = tpu.sem_alloc : memref<!tpu.dma_semaphore, #tpu.memory_space<semaphore_mem>>
      %dma_start3A_166 = arith.constant 0 : i32
      %dma_start3A_167 = arith.constant 0 : i32
      %dma_start3A_168 = tpu.memref_slice %arg8[%run_scoped3A_87, %dma_start3A_166, %dma_start3A_167] : memref<3x64x128xf32, #tpu.memory_space<vmem>> -> memref<1x64x128xf32, #tpu.memory_space<vmem>>
      %dma_start3A_169 = tpu.memref_squeeze %dma_start3A_168 : memref<1x64x128xf32, #tpu.memory_space<vmem>> -> memref<64x128xf32, #tpu.memory_space<vmem>>
      %dma_start3A_170 = arith.constant 0 : i32
      %dma_start3A_171 = tpu.memref_slice %arg9[%add3A_86, %dma_start3A_170] : memref<10112x128xf32, #tpu.memory_space<vmem_shared>> -> memref<64x128xf32, #tpu.memory_space<vmem_shared>>
      %dma_start3A_172 = arith.constant 0 : i32
      %dma_start3A_173 = tpu.memref_slice %arg9[%add3A_86, %dma_start3A_172] : memref<10112x128xf32, #tpu.memory_space<vmem_shared>> -> memref<64x128xf32, #tpu.memory_space<vmem_shared>>
      %dma_start3A_174 = arith.constant 0 : i32
      %dma_start3A_175 = arith.constant 0 : i32
      %dma_start3A_176 = tpu.memref_slice %arg8[%run_scoped3A_87, %dma_start3A_174, %dma_start3A_175] : memref<3x64x128xf32, #tpu.memory_space<vmem>> -> memref<1x64x128xf32, #tpu.memory_space<vmem>>
      %dma_start3A_177 = tpu.memref_squeeze %dma_start3A_176 : memref<1x64x128xf32, #tpu.memory_space<vmem>> -> memref<64x128xf32, #tpu.memory_space<vmem>>
      tpu.enqueue_dma source(%dma_start3A_177 : memref<64x128xf32, #tpu.memory_space<vmem>>) target(%dma_start3A_173 : memref<64x128xf32, #tpu.memory_space<vmem_shared>>) target_semaphore(%run_scoped3A_165 : memref<!tpu.dma_semaphore, #tpu.memory_space<semaphore_mem>>)
      %dma_wait3A = arith.constant 0 : i32
      %dma_wait3A_178 = arith.constant 0 : i32
      %dma_wait3A_179 = tpu.memref_slice %arg8[%run_scoped3A_87, %dma_wait3A, %dma_wait3A_178] : memref<3x64x128xf32, #tpu.memory_space<vmem>> -> memref<1x64x128xf32, #tpu.memory_space<vmem>>
      %dma_wait3A_180 = tpu.memref_squeeze %dma_wait3A_179 : memref<1x64x128xf32, #tpu.memory_space<vmem>> -> memref<64x128xf32, #tpu.memory_space<vmem>>
      %dma_wait3A_181 = arith.constant 0 : i32
      %dma_wait3A_182 = tpu.memref_slice %arg9[%add3A_86, %dma_wait3A_181] : memref<10112x128xf32, #tpu.memory_space<vmem_shared>> -> memref<64x128xf32, #tpu.memory_space<vmem_shared>>
      %dma_wait3A_183 = arith.constant 0 : i32
      %dma_wait3A_184 = tpu.memref_slice %arg9[%add3A_86, %dma_wait3A_183] : memref<10112x128xf32, #tpu.memory_space<vmem_shared>> -> memref<64x128xf32, #tpu.memory_space<vmem_shared>>
      %dma_wait3A_185 = arith.constant 0 : i32
      %dma_wait3A_186 = arith.constant 0 : i32
      %dma_wait3A_187 = tpu.memref_slice %arg8[%run_scoped3A_87, %dma_wait3A_185, %dma_wait3A_186] : memref<3x64x128xf32, #tpu.memory_space<vmem>> -> memref<1x64x128xf32, #tpu.memory_space<vmem>>
      %dma_wait3A_188 = tpu.memref_squeeze %dma_wait3A_187 : memref<1x64x128xf32, #tpu.memory_space<vmem>> -> memref<64x128xf32, #tpu.memory_space<vmem>>
      tpu.wait_dma2 semaphore(%run_scoped3A_165 : memref<!tpu.dma_semaphore, #tpu.memory_space<semaphore_mem>>) src(%dma_wait3A_188 : memref<64x128xf32, #tpu.memory_space<vmem>>) dst(%dma_wait3A_184 : memref<64x128xf32, #tpu.memory_space<vmem_shared>>)
      tpu.yield
    }) : () -> ()
    %add3A_88 = arith.constant 64 : i32
    %add3A_89 = arith.addi %mul3A_84, %add3A_88 : i32
    %run_scoped3A_90 = arith.constant 0 : i32
    "tpu.region"() ({
      %run_scoped3A_165 = tpu.sem_alloc : memref<!tpu.dma_semaphore, #tpu.memory_space<semaphore_mem>>
      %dma_start3A_166 = arith.constant 0 : i32
      %dma_start3A_167 = arith.constant 0 : i32
      %dma_start3A_168 = tpu.memref_slice %arg8[%run_scoped3A_90, %dma_start3A_166, %dma_start3A_167] : memref<3x64x128xf32, #tpu.memory_space<vmem>> -> memref<1x64x128xf32, #tpu.memory_space<vmem>>
      %dma_start3A_169 = tpu.memref_squeeze %dma_start3A_168 : memref<1x64x128xf32, #tpu.memory_space<vmem>> -> memref<64x128xf32, #tpu.memory_space<vmem>>
      %dma_start3A_170 = arith.constant 0 : i32
      %dma_start3A_171 = tpu.memref_slice %arg9[%add3A_89, %dma_start3A_170] : memref<10112x128xf32, #tpu.memory_space<vmem_shared>> -> memref<64x128xf32, #tpu.memory_space<vmem_shared>>
      %dma_start3A_172 = arith.constant 0 : i32
      %dma_start3A_173 = tpu.memref_slice %arg9[%add3A_89, %dma_start3A_172] : memref<10112x128xf32, #tpu.memory_space<vmem_shared>> -> memref<64x128xf32, #tpu.memory_space<vmem_shared>>
      %dma_start3A_174 = arith.constant 0 : i32
      %dma_start3A_175 = arith.constant 0 : i32
      %dma_start3A_176 = tpu.memref_slice %arg8[%run_scoped3A_90, %dma_start3A_174, %dma_start3A_175] : memref<3x64x128xf32, #tpu.memory_space<vmem>> -> memref<1x64x128xf32, #tpu.memory_space<vmem>>
      %dma_start3A_177 = tpu.memref_squeeze %dma_start3A_176 : memref<1x64x128xf32, #tpu.memory_space<vmem>> -> memref<64x128xf32, #tpu.memory_space<vmem>>
      tpu.enqueue_dma source(%dma_start3A_177 : memref<64x128xf32, #tpu.memory_space<vmem>>) target(%dma_start3A_173 : memref<64x128xf32, #tpu.memory_space<vmem_shared>>) target_semaphore(%run_scoped3A_165 : memref<!tpu.dma_semaphore, #tpu.memory_space<semaphore_mem>>)
      %dma_wait3A = arith.constant 0 : i32
      %dma_wait3A_178 = arith.constant 0 : i32
      %dma_wait3A_179 = tpu.memref_slice %arg8[%run_scoped3A_90, %dma_wait3A, %dma_wait3A_178] : memref<3x64x128xf32, #tpu.memory_space<vmem>> -> memref<1x64x128xf32, #tpu.memory_space<vmem>>
      %dma_wait3A_180 = tpu.memref_squeeze %dma_wait3A_179 : memref<1x64x128xf32, #tpu.memory_space<vmem>> -> memref<64x128xf32, #tpu.memory_space<vmem>>
      %dma_wait3A_181 = arith.constant 0 : i32
      %dma_wait3A_182 = tpu.memref_slice %arg9[%add3A_89, %dma_wait3A_181] : memref<10112x128xf32, #tpu.memory_space<vmem_shared>> -> memref<64x128xf32, #tpu.memory_space<vmem_shared>>
      %dma_wait3A_183 = arith.constant 0 : i32
      %dma_wait3A_184 = tpu.memref_slice %arg9[%add3A_89, %dma_wait3A_183] : memref<10112x128xf32, #tpu.memory_space<vmem_shared>> -> memref<64x128xf32, #tpu.memory_space<vmem_shared>>
      %dma_wait3A_185 = arith.constant 0 : i32
      %dma_wait3A_186 = arith.constant 0 : i32
      %dma_wait3A_187 = tpu.memref_slice %arg8[%run_scoped3A_90, %dma_wait3A_185, %dma_wait3A_186] : memref<3x64x128xf32, #tpu.memory_space<vmem>> -> memref<1x64x128xf32, #tpu.memory_space<vmem>>
      %dma_wait3A_188 = tpu.memref_squeeze %dma_wait3A_187 : memref<1x64x128xf32, #tpu.memory_space<vmem>> -> memref<64x128xf32, #tpu.memory_space<vmem>>
      tpu.wait_dma2 semaphore(%run_scoped3A_165 : memref<!tpu.dma_semaphore, #tpu.memory_space<semaphore_mem>>) src(%dma_wait3A_188 : memref<64x128xf32, #tpu.memory_space<vmem>>) dst(%dma_wait3A_184 : memref<64x128xf32, #tpu.memory_space<vmem_shared>>)
      tpu.yield
    }) : () -> ()
    %add3A_91 = arith.constant 128 : i32
    %add3A_92 = arith.addi %mul3A_84, %add3A_91 : i32
    %run_scoped3A_93 = arith.constant 0 : i32
    "tpu.region"() ({
      %run_scoped3A_165 = tpu.sem_alloc : memref<!tpu.dma_semaphore, #tpu.memory_space<semaphore_mem>>
      %dma_start3A_166 = arith.constant 0 : i32
      %dma_start3A_167 = arith.constant 0 : i32
      %dma_start3A_168 = tpu.memref_slice %arg8[%run_scoped3A_93, %dma_start3A_166, %dma_start3A_167] : memref<3x64x128xf32, #tpu.memory_space<vmem>> -> memref<1x64x128xf32, #tpu.memory_space<vmem>>
      %dma_start3A_169 = tpu.memref_squeeze %dma_start3A_168 : memref<1x64x128xf32, #tpu.memory_space<vmem>> -> memref<64x128xf32, #tpu.memory_space<vmem>>
      %dma_start3A_170 = arith.constant 0 : i32
      %dma_start3A_171 = tpu.memref_slice %arg9[%add3A_92, %dma_start3A_170] : memref<10112x128xf32, #tpu.memory_space<vmem_shared>> -> memref<64x128xf32, #tpu.memory_space<vmem_shared>>
      %dma_start3A_172 = arith.constant 0 : i32
      %dma_start3A_173 = tpu.memref_slice %arg9[%add3A_92, %dma_start3A_172] : memref<10112x128xf32, #tpu.memory_space<vmem_shared>> -> memref<64x128xf32, #tpu.memory_space<vmem_shared>>
      %dma_start3A_174 = arith.constant 0 : i32
      %dma_start3A_175 = arith.constant 0 : i32
      %dma_start3A_176 = tpu.memref_slice %arg8[%run_scoped3A_93, %dma_start3A_174, %dma_start3A_175] : memref<3x64x128xf32, #tpu.memory_space<vmem>> -> memref<1x64x128xf32, #tpu.memory_space<vmem>>
      %dma_start3A_177 = tpu.memref_squeeze %dma_start3A_176 : memref<1x64x128xf32, #tpu.memory_space<vmem>> -> memref<64x128xf32, #tpu.memory_space<vmem>>
      tpu.enqueue_dma source(%dma_start3A_177 : memref<64x128xf32, #tpu.memory_space<vmem>>) target(%dma_start3A_173 : memref<64x128xf32, #tpu.memory_space<vmem_shared>>) target_semaphore(%run_scoped3A_165 : memref<!tpu.dma_semaphore, #tpu.memory_space<semaphore_mem>>)
      %dma_wait3A = arith.constant 0 : i32
      %dma_wait3A_178 = arith.constant 0 : i32
      %dma_wait3A_179 = tpu.memref_slice %arg8[%run_scoped3A_93, %dma_wait3A, %dma_wait3A_178] : memref<3x64x128xf32, #tpu.memory_space<vmem>> -> memref<1x64x128xf32, #tpu.memory_space<vmem>>
      %dma_wait3A_180 = tpu.memref_squeeze %dma_wait3A_179 : memref<1x64x128xf32, #tpu.memory_space<vmem>> -> memref<64x128xf32, #tpu.memory_space<vmem>>
      %dma_wait3A_181 = arith.constant 0 : i32
      %dma_wait3A_182 = tpu.memref_slice %arg9[%add3A_92, %dma_wait3A_181] : memref<10112x128xf32, #tpu.memory_space<vmem_shared>> -> memref<64x128xf32, #tpu.memory_space<vmem_shared>>
      %dma_wait3A_183 = arith.constant 0 : i32
      %dma_wait3A_184 = tpu.memref_slice %arg9[%add3A_92, %dma_wait3A_183] : memref<10112x128xf32, #tpu.memory_space<vmem_shared>> -> memref<64x128xf32, #tpu.memory_space<vmem_shared>>
      %dma_wait3A_185 = arith.constant 0 : i32
      %dma_wait3A_186 = arith.constant 0 : i32
      %dma_wait3A_187 = tpu.memref_slice %arg8[%run_scoped3A_93, %dma_wait3A_185, %dma_wait3A_186] : memref<3x64x128xf32, #tpu.memory_space<vmem>> -> memref<1x64x128xf32, #tpu.memory_space<vmem>>
      %dma_wait3A_188 = tpu.memref_squeeze %dma_wait3A_187 : memref<1x64x128xf32, #tpu.memory_space<vmem>> -> memref<64x128xf32, #tpu.memory_space<vmem>>
      tpu.wait_dma2 semaphore(%run_scoped3A_165 : memref<!tpu.dma_semaphore, #tpu.memory_space<semaphore_mem>>) src(%dma_wait3A_188 : memref<64x128xf32, #tpu.memory_space<vmem>>) dst(%dma_wait3A_184 : memref<64x128xf32, #tpu.memory_space<vmem_shared>>)
      tpu.yield
    }) : () -> ()
    %add3A_94 = arith.constant 192 : i32
    %add3A_95 = arith.addi %mul3A_84, %add3A_94 : i32
    %run_scoped3A_96 = arith.constant 0 : i32
    "tpu.region"() ({
      %run_scoped3A_165 = tpu.sem_alloc : memref<!tpu.dma_semaphore, #tpu.memory_space<semaphore_mem>>
      %dma_start3A_166 = arith.constant 0 : i32
      %dma_start3A_167 = arith.constant 0 : i32
      %dma_start3A_168 = tpu.memref_slice %arg8[%run_scoped3A_96, %dma_start3A_166, %dma_start3A_167] : memref<3x64x128xf32, #tpu.memory_space<vmem>> -> memref<1x64x128xf32, #tpu.memory_space<vmem>>
      %dma_start3A_169 = tpu.memref_squeeze %dma_start3A_168 : memref<1x64x128xf32, #tpu.memory_space<vmem>> -> memref<64x128xf32, #tpu.memory_space<vmem>>
      %dma_start3A_170 = arith.constant 0 : i32
      %dma_start3A_171 = tpu.memref_slice %arg9[%add3A_95, %dma_start3A_170] : memref<10112x128xf32, #tpu.memory_space<vmem_shared>> -> memref<64x128xf32, #tpu.memory_space<vmem_shared>>
      %dma_start3A_172 = arith.constant 0 : i32
      %dma_start3A_173 = tpu.memref_slice %arg9[%add3A_95, %dma_start3A_172] : memref<10112x128xf32, #tpu.memory_space<vmem_shared>> -> memref<64x128xf32, #tpu.memory_space<vmem_shared>>
      %dma_start3A_174 = arith.constant 0 : i32
      %dma_start3A_175 = arith.constant 0 : i32
      %dma_start3A_176 = tpu.memref_slice %arg8[%run_scoped3A_96, %dma_start3A_174, %dma_start3A_175] : memref<3x64x128xf32, #tpu.memory_space<vmem>> -> memref<1x64x128xf32, #tpu.memory_space<vmem>>
      %dma_start3A_177 = tpu.memref_squeeze %dma_start3A_176 : memref<1x64x128xf32, #tpu.memory_space<vmem>> -> memref<64x128xf32, #tpu.memory_space<vmem>>
      tpu.enqueue_dma source(%dma_start3A_177 : memref<64x128xf32, #tpu.memory_space<vmem>>) target(%dma_start3A_173 : memref<64x128xf32, #tpu.memory_space<vmem_shared>>) target_semaphore(%run_scoped3A_165 : memref<!tpu.dma_semaphore, #tpu.memory_space<semaphore_mem>>)
      %dma_wait3A = arith.constant 0 : i32
      %dma_wait3A_178 = arith.constant 0 : i32
      %dma_wait3A_179 = tpu.memref_slice %arg8[%run_scoped3A_96, %dma_wait3A, %dma_wait3A_178] : memref<3x64x128xf32, #tpu.memory_space<vmem>> -> memref<1x64x128xf32, #tpu.memory_space<vmem>>
      %dma_wait3A_180 = tpu.memref_squeeze %dma_wait3A_179 : memref<1x64x128xf32, #tpu.memory_space<vmem>> -> memref<64x128xf32, #tpu.memory_space<vmem>>
      %dma_wait3A_181 = arith.constant 0 : i32
      %dma_wait3A_182 = tpu.memref_slice %arg9[%add3A_95, %dma_wait3A_181] : memref<10112x128xf32, #tpu.memory_space<vmem_shared>> -> memref<64x128xf32, #tpu.memory_space<vmem_shared>>
      %dma_wait3A_183 = arith.constant 0 : i32
      %dma_wait3A_184 = tpu.memref_slice %arg9[%add3A_95, %dma_wait3A_183] : memref<10112x128xf32, #tpu.memory_space<vmem_shared>> -> memref<64x128xf32, #tpu.memory_space<vmem_shared>>
      %dma_wait3A_185 = arith.constant 0 : i32
      %dma_wait3A_186 = arith.constant 0 : i32
      %dma_wait3A_187 = tpu.memref_slice %arg8[%run_scoped3A_96, %dma_wait3A_185, %dma_wait3A_186] : memref<3x64x128xf32, #tpu.memory_space<vmem>> -> memref<1x64x128xf32, #tpu.memory_space<vmem>>
      %dma_wait3A_188 = tpu.memref_squeeze %dma_wait3A_187 : memref<1x64x128xf32, #tpu.memory_space<vmem>> -> memref<64x128xf32, #tpu.memory_space<vmem>>
      tpu.wait_dma2 semaphore(%run_scoped3A_165 : memref<!tpu.dma_semaphore, #tpu.memory_space<semaphore_mem>>) src(%dma_wait3A_188 : memref<64x128xf32, #tpu.memory_space<vmem>>) dst(%dma_wait3A_184 : memref<64x128xf32, #tpu.memory_space<vmem_shared>>)
      tpu.yield
    }) : () -> ()
    %add3A_97 = arith.constant 256 : i32
    %add3A_98 = arith.addi %mul3A_84, %add3A_97 : i32
    %run_scoped3A_99 = arith.constant 0 : i32
    "tpu.region"() ({
      %run_scoped3A_165 = tpu.sem_alloc : memref<!tpu.dma_semaphore, #tpu.memory_space<semaphore_mem>>
      %dma_start3A_166 = arith.constant 0 : i32
      %dma_start3A_167 = arith.constant 0 : i32
      %dma_start3A_168 = tpu.memref_slice %arg8[%run_scoped3A_99, %dma_start3A_166, %dma_start3A_167] : memref<3x64x128xf32, #tpu.memory_space<vmem>> -> memref<1x64x128xf32, #tpu.memory_space<vmem>>
      %dma_start3A_169 = tpu.memref_squeeze %dma_start3A_168 : memref<1x64x128xf32, #tpu.memory_space<vmem>> -> memref<64x128xf32, #tpu.memory_space<vmem>>
      %dma_start3A_170 = arith.constant 0 : i32
      %dma_start3A_171 = tpu.memref_slice %arg9[%add3A_98, %dma_start3A_170] : memref<10112x128xf32, #tpu.memory_space<vmem_shared>> -> memref<64x128xf32, #tpu.memory_space<vmem_shared>>
      %dma_start3A_172 = arith.constant 0 : i32
      %dma_start3A_173 = tpu.memref_slice %arg9[%add3A_98, %dma_start3A_172] : memref<10112x128xf32, #tpu.memory_space<vmem_shared>> -> memref<64x128xf32, #tpu.memory_space<vmem_shared>>
      %dma_start3A_174 = arith.constant 0 : i32
      %dma_start3A_175 = arith.constant 0 : i32
      %dma_start3A_176 = tpu.memref_slice %arg8[%run_scoped3A_99, %dma_start3A_174, %dma_start3A_175] : memref<3x64x128xf32, #tpu.memory_space<vmem>> -> memref<1x64x128xf32, #tpu.memory_space<vmem>>
      %dma_start3A_177 = tpu.memref_squeeze %dma_start3A_176 : memref<1x64x128xf32, #tpu.memory_space<vmem>> -> memref<64x128xf32, #tpu.memory_space<vmem>>
      tpu.enqueue_dma source(%dma_start3A_177 : memref<64x128xf32, #tpu.memory_space<vmem>>) target(%dma_start3A_173 : memref<64x128xf32, #tpu.memory_space<vmem_shared>>) target_semaphore(%run_scoped3A_165 : memref<!tpu.dma_semaphore, #tpu.memory_space<semaphore_mem>>)
      %dma_wait3A = arith.constant 0 : i32
      %dma_wait3A_178 = arith.constant 0 : i32
      %dma_wait3A_179 = tpu.memref_slice %arg8[%run_scoped3A_99, %dma_wait3A, %dma_wait3A_178] : memref<3x64x128xf32, #tpu.memory_space<vmem>> -> memref<1x64x128xf32, #tpu.memory_space<vmem>>
      %dma_wait3A_180 = tpu.memref_squeeze %dma_wait3A_179 : memref<1x64x128xf32, #tpu.memory_space<vmem>> -> memref<64x128xf32, #tpu.memory_space<vmem>>
      %dma_wait3A_181 = arith.constant 0 : i32
      %dma_wait3A_182 = tpu.memref_slice %arg9[%add3A_98, %dma_wait3A_181] : memref<10112x128xf32, #tpu.memory_space<vmem_shared>> -> memref<64x128xf32, #tpu.memory_space<vmem_shared>>
      %dma_wait3A_183 = arith.constant 0 : i32
      %dma_wait3A_184 = tpu.memref_slice %arg9[%add3A_98, %dma_wait3A_183] : memref<10112x128xf32, #tpu.memory_space<vmem_shared>> -> memref<64x128xf32, #tpu.memory_space<vmem_shared>>
      %dma_wait3A_185 = arith.constant 0 : i32
      %dma_wait3A_186 = arith.constant 0 : i32
      %dma_wait3A_187 = tpu.memref_slice %arg8[%run_scoped3A_99, %dma_wait3A_185, %dma_wait3A_186] : memref<3x64x128xf32, #tpu.memory_space<vmem>> -> memref<1x64x128xf32, #tpu.memory_space<vmem>>
      %dma_wait3A_188 = tpu.memref_squeeze %dma_wait3A_187 : memref<1x64x128xf32, #tpu.memory_space<vmem>> -> memref<64x128xf32, #tpu.memory_space<vmem>>
      tpu.wait_dma2 semaphore(%run_scoped3A_165 : memref<!tpu.dma_semaphore, #tpu.memory_space<semaphore_mem>>) src(%dma_wait3A_188 : memref<64x128xf32, #tpu.memory_space<vmem>>) dst(%dma_wait3A_184 : memref<64x128xf32, #tpu.memory_space<vmem_shared>>)
      tpu.yield
    }) : () -> ()
    %add3A_100 = arith.constant 320 : i32
    %add3A_101 = arith.addi %mul3A_84, %add3A_100 : i32
    %run_scoped3A_102 = arith.constant 0 : i32
    "tpu.region"() ({
      %run_scoped3A_165 = tpu.sem_alloc : memref<!tpu.dma_semaphore, #tpu.memory_space<semaphore_mem>>
      %dma_start3A_166 = arith.constant 0 : i32
      %dma_start3A_167 = arith.constant 0 : i32
      %dma_start3A_168 = tpu.memref_slice %arg8[%run_scoped3A_102, %dma_start3A_166, %dma_start3A_167] : memref<3x64x128xf32, #tpu.memory_space<vmem>> -> memref<1x64x128xf32, #tpu.memory_space<vmem>>
      %dma_start3A_169 = tpu.memref_squeeze %dma_start3A_168 : memref<1x64x128xf32, #tpu.memory_space<vmem>> -> memref<64x128xf32, #tpu.memory_space<vmem>>
      %dma_start3A_170 = arith.constant 0 : i32
      %dma_start3A_171 = tpu.memref_slice %arg9[%add3A_101, %dma_start3A_170] : memref<10112x128xf32, #tpu.memory_space<vmem_shared>> -> memref<64x128xf32, #tpu.memory_space<vmem_shared>>
      %dma_start3A_172 = arith.constant 0 : i32
      %dma_start3A_173 = tpu.memref_slice %arg9[%add3A_101, %dma_start3A_172] : memref<10112x128xf32, #tpu.memory_space<vmem_shared>> -> memref<64x128xf32, #tpu.memory_space<vmem_shared>>
      %dma_start3A_174 = arith.constant 0 : i32
      %dma_start3A_175 = arith.constant 0 : i32
      %dma_start3A_176 = tpu.memref_slice %arg8[%run_scoped3A_102, %dma_start3A_174, %dma_start3A_175] : memref<3x64x128xf32, #tpu.memory_space<vmem>> -> memref<1x64x128xf32, #tpu.memory_space<vmem>>
      %dma_start3A_177 = tpu.memref_squeeze %dma_start3A_176 : memref<1x64x128xf32, #tpu.memory_space<vmem>> -> memref<64x128xf32, #tpu.memory_space<vmem>>
      tpu.enqueue_dma source(%dma_start3A_177 : memref<64x128xf32, #tpu.memory_space<vmem>>) target(%dma_start3A_173 : memref<64x128xf32, #tpu.memory_space<vmem_shared>>) target_semaphore(%run_scoped3A_165 : memref<!tpu.dma_semaphore, #tpu.memory_space<semaphore_mem>>)
      %dma_wait3A = arith.constant 0 : i32
      %dma_wait3A_178 = arith.constant 0 : i32
      %dma_wait3A_179 = tpu.memref_slice %arg8[%run_scoped3A_102, %dma_wait3A, %dma_wait3A_178] : memref<3x64x128xf32, #tpu.memory_space<vmem>> -> memref<1x64x128xf32, #tpu.memory_space<vmem>>
      %dma_wait3A_180 = tpu.memref_squeeze %dma_wait3A_179 : memref<1x64x128xf32, #tpu.memory_space<vmem>> -> memref<64x128xf32, #tpu.memory_space<vmem>>
      %dma_wait3A_181 = arith.constant 0 : i32
      %dma_wait3A_182 = tpu.memref_slice %arg9[%add3A_101, %dma_wait3A_181] : memref<10112x128xf32, #tpu.memory_space<vmem_shared>> -> memref<64x128xf32, #tpu.memory_space<vmem_shared>>
      %dma_wait3A_183 = arith.constant 0 : i32
      %dma_wait3A_184 = tpu.memref_slice %arg9[%add3A_101, %dma_wait3A_183] : memref<10112x128xf32, #tpu.memory_space<vmem_shared>> -> memref<64x128xf32, #tpu.memory_space<vmem_shared>>
      %dma_wait3A_185 = arith.constant 0 : i32
      %dma_wait3A_186 = arith.constant 0 : i32
      %dma_wait3A_187 = tpu.memref_slice %arg8[%run_scoped3A_102, %dma_wait3A_185, %dma_wait3A_186] : memref<3x64x128xf32, #tpu.memory_space<vmem>> -> memref<1x64x128xf32, #tpu.memory_space<vmem>>
      %dma_wait3A_188 = tpu.memref_squeeze %dma_wait3A_187 : memref<1x64x128xf32, #tpu.memory_space<vmem>> -> memref<64x128xf32, #tpu.memory_space<vmem>>
      tpu.wait_dma2 semaphore(%run_scoped3A_165 : memref<!tpu.dma_semaphore, #tpu.memory_space<semaphore_mem>>) src(%dma_wait3A_188 : memref<64x128xf32, #tpu.memory_space<vmem>>) dst(%dma_wait3A_184 : memref<64x128xf32, #tpu.memory_space<vmem_shared>>)
      tpu.yield
    }) : () -> ()
    %add3A_103 = arith.constant 384 : i32
    %add3A_104 = arith.addi %mul3A_84, %add3A_103 : i32
    %run_scoped3A_105 = arith.constant 0 : i32
    "tpu.region"() ({
      %run_scoped3A_165 = tpu.sem_alloc : memref<!tpu.dma_semaphore, #tpu.memory_space<semaphore_mem>>
      %dma_start3A_166 = arith.constant 0 : i32
      %dma_start3A_167 = arith.constant 0 : i32
      %dma_start3A_168 = tpu.memref_slice %arg8[%run_scoped3A_105, %dma_start3A_166, %dma_start3A_167] : memref<3x64x128xf32, #tpu.memory_space<vmem>> -> memref<1x64x128xf32, #tpu.memory_space<vmem>>
      %dma_start3A_169 = tpu.memref_squeeze %dma_start3A_168 : memref<1x64x128xf32, #tpu.memory_space<vmem>> -> memref<64x128xf32, #tpu.memory_space<vmem>>
      %dma_start3A_170 = arith.constant 0 : i32
      %dma_start3A_171 = tpu.memref_slice %arg9[%add3A_104, %dma_start3A_170] : memref<10112x128xf32, #tpu.memory_space<vmem_shared>> -> memref<64x128xf32, #tpu.memory_space<vmem_shared>>
      %dma_start3A_172 = arith.constant 0 : i32
      %dma_start3A_173 = tpu.memref_slice %arg9[%add3A_104, %dma_start3A_172] : memref<10112x128xf32, #tpu.memory_space<vmem_shared>> -> memref<64x128xf32, #tpu.memory_space<vmem_shared>>
      %dma_start3A_174 = arith.constant 0 : i32
      %dma_start3A_175 = arith.constant 0 : i32
      %dma_start3A_176 = tpu.memref_slice %arg8[%run_scoped3A_105, %dma_start3A_174, %dma_start3A_175] : memref<3x64x128xf32, #tpu.memory_space<vmem>> -> memref<1x64x128xf32, #tpu.memory_space<vmem>>
      %dma_start3A_177 = tpu.memref_squeeze %dma_start3A_176 : memref<1x64x128xf32, #tpu.memory_space<vmem>> -> memref<64x128xf32, #tpu.memory_space<vmem>>
      tpu.enqueue_dma source(%dma_start3A_177 : memref<64x128xf32, #tpu.memory_space<vmem>>) target(%dma_start3A_173 : memref<64x128xf32, #tpu.memory_space<vmem_shared>>) target_semaphore(%run_scoped3A_165 : memref<!tpu.dma_semaphore, #tpu.memory_space<semaphore_mem>>)
      %dma_wait3A = arith.constant 0 : i32
      %dma_wait3A_178 = arith.constant 0 : i32
      %dma_wait3A_179 = tpu.memref_slice %arg8[%run_scoped3A_105, %dma_wait3A, %dma_wait3A_178] : memref<3x64x128xf32, #tpu.memory_space<vmem>> -> memref<1x64x128xf32, #tpu.memory_space<vmem>>
      %dma_wait3A_180 = tpu.memref_squeeze %dma_wait3A_179 : memref<1x64x128xf32, #tpu.memory_space<vmem>> -> memref<64x128xf32, #tpu.memory_space<vmem>>
      %dma_wait3A_181 = arith.constant 0 : i32
      %dma_wait3A_182 = tpu.memref_slice %arg9[%add3A_104, %dma_wait3A_181] : memref<10112x128xf32, #tpu.memory_space<vmem_shared>> -> memref<64x128xf32, #tpu.memory_space<vmem_shared>>
      %dma_wait3A_183 = arith.constant 0 : i32
      %dma_wait3A_184 = tpu.memref_slice %arg9[%add3A_104, %dma_wait3A_183] : memref<10112x128xf32, #tpu.memory_space<vmem_shared>> -> memref<64x128xf32, #tpu.memory_space<vmem_shared>>
      %dma_wait3A_185 = arith.constant 0 : i32
      %dma_wait3A_186 = arith.constant 0 : i32
      %dma_wait3A_187 = tpu.memref_slice %arg8[%run_scoped3A_105, %dma_wait3A_185, %dma_wait3A_186] : memref<3x64x128xf32, #tpu.memory_space<vmem>> -> memref<1x64x128xf32, #tpu.memory_space<vmem>>
      %dma_wait3A_188 = tpu.memref_squeeze %dma_wait3A_187 : memref<1x64x128xf32, #tpu.memory_space<vmem>> -> memref<64x128xf32, #tpu.memory_space<vmem>>
      tpu.wait_dma2 semaphore(%run_scoped3A_165 : memref<!tpu.dma_semaphore, #tpu.memory_space<semaphore_mem>>) src(%dma_wait3A_188 : memref<64x128xf32, #tpu.memory_space<vmem>>) dst(%dma_wait3A_184 : memref<64x128xf32, #tpu.memory_space<vmem_shared>>)
      tpu.yield
    }) : () -> ()
    %add3A_106 = arith.constant 448 : i32
    %add3A_107 = arith.addi %mul3A_84, %add3A_106 : i32
    %run_scoped3A_108 = arith.constant 0 : i32
    "tpu.region"() ({
      %run_scoped3A_165 = tpu.sem_alloc : memref<!tpu.dma_semaphore, #tpu.memory_space<semaphore_mem>>
      %dma_start3A_166 = arith.constant 0 : i32
      %dma_start3A_167 = arith.constant 0 : i32
      %dma_start3A_168 = tpu.memref_slice %arg8[%run_scoped3A_108, %dma_start3A_166, %dma_start3A_167] : memref<3x64x128xf32, #tpu.memory_space<vmem>> -> memref<1x64x128xf32, #tpu.memory_space<vmem>>
      %dma_start3A_169 = tpu.memref_squeeze %dma_start3A_168 : memref<1x64x128xf32, #tpu.memory_space<vmem>> -> memref<64x128xf32, #tpu.memory_space<vmem>>
      %dma_start3A_170 = arith.constant 0 : i32
      %dma_start3A_171 = tpu.memref_slice %arg9[%add3A_107, %dma_start3A_170] : memref<10112x128xf32, #tpu.memory_space<vmem_shared>> -> memref<64x128xf32, #tpu.memory_space<vmem_shared>>
      %dma_start3A_172 = arith.constant 0 : i32
      %dma_start3A_173 = tpu.memref_slice %arg9[%add3A_107, %dma_start3A_172] : memref<10112x128xf32, #tpu.memory_space<vmem_shared>> -> memref<64x128xf32, #tpu.memory_space<vmem_shared>>
      %dma_start3A_174 = arith.constant 0 : i32
      %dma_start3A_175 = arith.constant 0 : i32
      %dma_start3A_176 = tpu.memref_slice %arg8[%run_scoped3A_108, %dma_start3A_174, %dma_start3A_175] : memref<3x64x128xf32, #tpu.memory_space<vmem>> -> memref<1x64x128xf32, #tpu.memory_space<vmem>>
      %dma_start3A_177 = tpu.memref_squeeze %dma_start3A_176 : memref<1x64x128xf32, #tpu.memory_space<vmem>> -> memref<64x128xf32, #tpu.memory_space<vmem>>
      tpu.enqueue_dma source(%dma_start3A_177 : memref<64x128xf32, #tpu.memory_space<vmem>>) target(%dma_start3A_173 : memref<64x128xf32, #tpu.memory_space<vmem_shared>>) target_semaphore(%run_scoped3A_165 : memref<!tpu.dma_semaphore, #tpu.memory_space<semaphore_mem>>)
      %dma_wait3A = arith.constant 0 : i32
      %dma_wait3A_178 = arith.constant 0 : i32
      %dma_wait3A_179 = tpu.memref_slice %arg8[%run_scoped3A_108, %dma_wait3A, %dma_wait3A_178] : memref<3x64x128xf32, #tpu.memory_space<vmem>> -> memref<1x64x128xf32, #tpu.memory_space<vmem>>
      %dma_wait3A_180 = tpu.memref_squeeze %dma_wait3A_179 : memref<1x64x128xf32, #tpu.memory_space<vmem>> -> memref<64x128xf32, #tpu.memory_space<vmem>>
      %dma_wait3A_181 = arith.constant 0 : i32
      %dma_wait3A_182 = tpu.memref_slice %arg9[%add3A_107, %dma_wait3A_181] : memref<10112x128xf32, #tpu.memory_space<vmem_shared>> -> memref<64x128xf32, #tpu.memory_space<vmem_shared>>
      %dma_wait3A_183 = arith.constant 0 : i32
      %dma_wait3A_184 = tpu.memref_slice %arg9[%add3A_107, %dma_wait3A_183] : memref<10112x128xf32, #tpu.memory_space<vmem_shared>> -> memref<64x128xf32, #tpu.memory_space<vmem_shared>>
      %dma_wait3A_185 = arith.constant 0 : i32
      %dma_wait3A_186 = arith.constant 0 : i32
      %dma_wait3A_187 = tpu.memref_slice %arg8[%run_scoped3A_108, %dma_wait3A_185, %dma_wait3A_186] : memref<3x64x128xf32, #tpu.memory_space<vmem>> -> memref<1x64x128xf32, #tpu.memory_space<vmem>>
      %dma_wait3A_188 = tpu.memref_squeeze %dma_wait3A_187 : memref<1x64x128xf32, #tpu.memory_space<vmem>> -> memref<64x128xf32, #tpu.memory_space<vmem>>
      tpu.wait_dma2 semaphore(%run_scoped3A_165 : memref<!tpu.dma_semaphore, #tpu.memory_space<semaphore_mem>>) src(%dma_wait3A_188 : memref<64x128xf32, #tpu.memory_space<vmem>>) dst(%dma_wait3A_184 : memref<64x128xf32, #tpu.memory_space<vmem_shared>>)
      tpu.yield
    }) : () -> ()
    %add3A_109 = arith.constant 512 : i32
    %add3A_110 = arith.addi %mul3A_84, %add3A_109 : i32
    %run_scoped3A_111 = arith.constant 0 : i32
    "tpu.region"() ({
      %run_scoped3A_165 = tpu.sem_alloc : memref<!tpu.dma_semaphore, #tpu.memory_space<semaphore_mem>>
      %dma_start3A_166 = arith.constant 0 : i32
      %dma_start3A_167 = arith.constant 0 : i32
      %dma_start3A_168 = tpu.memref_slice %arg8[%run_scoped3A_111, %dma_start3A_166, %dma_start3A_167] : memref<3x64x128xf32, #tpu.memory_space<vmem>> -> memref<1x64x128xf32, #tpu.memory_space<vmem>>
      %dma_start3A_169 = tpu.memref_squeeze %dma_start3A_168 : memref<1x64x128xf32, #tpu.memory_space<vmem>> -> memref<64x128xf32, #tpu.memory_space<vmem>>
      %dma_start3A_170 = arith.constant 0 : i32
      %dma_start3A_171 = tpu.memref_slice %arg9[%add3A_110, %dma_start3A_170] : memref<10112x128xf32, #tpu.memory_space<vmem_shared>> -> memref<64x128xf32, #tpu.memory_space<vmem_shared>>
      %dma_start3A_172 = arith.constant 0 : i32
      %dma_start3A_173 = tpu.memref_slice %arg9[%add3A_110, %dma_start3A_172] : memref<10112x128xf32, #tpu.memory_space<vmem_shared>> -> memref<64x128xf32, #tpu.memory_space<vmem_shared>>
      %dma_start3A_174 = arith.constant 0 : i32
      %dma_start3A_175 = arith.constant 0 : i32
      %dma_start3A_176 = tpu.memref_slice %arg8[%run_scoped3A_111, %dma_start3A_174, %dma_start3A_175] : memref<3x64x128xf32, #tpu.memory_space<vmem>> -> memref<1x64x128xf32, #tpu.memory_space<vmem>>
      %dma_start3A_177 = tpu.memref_squeeze %dma_start3A_176 : memref<1x64x128xf32, #tpu.memory_space<vmem>> -> memref<64x128xf32, #tpu.memory_space<vmem>>
      tpu.enqueue_dma source(%dma_start3A_177 : memref<64x128xf32, #tpu.memory_space<vmem>>) target(%dma_start3A_173 : memref<64x128xf32, #tpu.memory_space<vmem_shared>>) target_semaphore(%run_scoped3A_165 : memref<!tpu.dma_semaphore, #tpu.memory_space<semaphore_mem>>)
      %dma_wait3A = arith.constant 0 : i32
      %dma_wait3A_178 = arith.constant 0 : i32
      %dma_wait3A_179 = tpu.memref_slice %arg8[%run_scoped3A_111, %dma_wait3A, %dma_wait3A_178] : memref<3x64x128xf32, #tpu.memory_space<vmem>> -> memref<1x64x128xf32, #tpu.memory_space<vmem>>
      %dma_wait3A_180 = tpu.memref_squeeze %dma_wait3A_179 : memref<1x64x128xf32, #tpu.memory_space<vmem>> -> memref<64x128xf32, #tpu.memory_space<vmem>>
      %dma_wait3A_181 = arith.constant 0 : i32
      %dma_wait3A_182 = tpu.memref_slice %arg9[%add3A_110, %dma_wait3A_181] : memref<10112x128xf32, #tpu.memory_space<vmem_shared>> -> memref<64x128xf32, #tpu.memory_space<vmem_shared>>
      %dma_wait3A_183 = arith.constant 0 : i32
      %dma_wait3A_184 = tpu.memref_slice %arg9[%add3A_110, %dma_wait3A_183] : memref<10112x128xf32, #tpu.memory_space<vmem_shared>> -> memref<64x128xf32, #tpu.memory_space<vmem_shared>>
      %dma_wait3A_185 = arith.constant 0 : i32
      %dma_wait3A_186 = arith.constant 0 : i32
      %dma_wait3A_187 = tpu.memref_slice %arg8[%run_scoped3A_111, %dma_wait3A_185, %dma_wait3A_186] : memref<3x64x128xf32, #tpu.memory_space<vmem>> -> memref<1x64x128xf32, #tpu.memory_space<vmem>>
      %dma_wait3A_188 = tpu.memref_squeeze %dma_wait3A_187 : memref<1x64x128xf32, #tpu.memory_space<vmem>> -> memref<64x128xf32, #tpu.memory_space<vmem>>
      tpu.wait_dma2 semaphore(%run_scoped3A_165 : memref<!tpu.dma_semaphore, #tpu.memory_space<semaphore_mem>>) src(%dma_wait3A_188 : memref<64x128xf32, #tpu.memory_space<vmem>>) dst(%dma_wait3A_184 : memref<64x128xf32, #tpu.memory_space<vmem_shared>>)
      tpu.yield
    }) : () -> ()
    %add3A_112 = arith.constant 576 : i32
    %add3A_113 = arith.addi %mul3A_84, %add3A_112 : i32
    %run_scoped3A_114 = arith.constant 0 : i32
    "tpu.region"() ({
      %run_scoped3A_165 = tpu.sem_alloc : memref<!tpu.dma_semaphore, #tpu.memory_space<semaphore_mem>>
      %dma_start3A_166 = arith.constant 0 : i32
      %dma_start3A_167 = arith.constant 0 : i32
      %dma_start3A_168 = tpu.memref_slice %arg8[%run_scoped3A_114, %dma_start3A_166, %dma_start3A_167] : memref<3x64x128xf32, #tpu.memory_space<vmem>> -> memref<1x56x128xf32, #tpu.memory_space<vmem>>
      %dma_start3A_169 = tpu.memref_squeeze %dma_start3A_168 : memref<1x56x128xf32, #tpu.memory_space<vmem>> -> memref<56x128xf32, #tpu.memory_space<vmem>>
      %dma_start3A_170 = arith.constant 0 : i32
      %dma_start3A_171 = tpu.memref_slice %arg9[%add3A_113, %dma_start3A_170] : memref<10112x128xf32, #tpu.memory_space<vmem_shared>> -> memref<56x128xf32, #tpu.memory_space<vmem_shared>>
      %dma_start3A_172 = arith.constant 0 : i32
      %dma_start3A_173 = tpu.memref_slice %arg9[%add3A_113, %dma_start3A_172] : memref<10112x128xf32, #tpu.memory_space<vmem_shared>> -> memref<56x128xf32, #tpu.memory_space<vmem_shared>>
      %dma_start3A_174 = arith.constant 0 : i32
      %dma_start3A_175 = arith.constant 0 : i32
      %dma_start3A_176 = tpu.memref_slice %arg8[%run_scoped3A_114, %dma_start3A_174, %dma_start3A_175] : memref<3x64x128xf32, #tpu.memory_space<vmem>> -> memref<1x56x128xf32, #tpu.memory_space<vmem>>
      %dma_start3A_177 = tpu.memref_squeeze %dma_start3A_176 : memref<1x56x128xf32, #tpu.memory_space<vmem>> -> memref<56x128xf32, #tpu.memory_space<vmem>>
      tpu.enqueue_dma source(%dma_start3A_177 : memref<56x128xf32, #tpu.memory_space<vmem>>) target(%dma_start3A_173 : memref<56x128xf32, #tpu.memory_space<vmem_shared>>) target_semaphore(%run_scoped3A_165 : memref<!tpu.dma_semaphore, #tpu.memory_space<semaphore_mem>>)
      %dma_wait3A = arith.constant 0 : i32
      %dma_wait3A_178 = arith.constant 0 : i32
      %dma_wait3A_179 = tpu.memref_slice %arg8[%run_scoped3A_114, %dma_wait3A, %dma_wait3A_178] : memref<3x64x128xf32, #tpu.memory_space<vmem>> -> memref<1x56x128xf32, #tpu.memory_space<vmem>>
      %dma_wait3A_180 = tpu.memref_squeeze %dma_wait3A_179 : memref<1x56x128xf32, #tpu.memory_space<vmem>> -> memref<56x128xf32, #tpu.memory_space<vmem>>
      %dma_wait3A_181 = arith.constant 0 : i32
      %dma_wait3A_182 = tpu.memref_slice %arg9[%add3A_113, %dma_wait3A_181] : memref<10112x128xf32, #tpu.memory_space<vmem_shared>> -> memref<56x128xf32, #tpu.memory_space<vmem_shared>>
      %dma_wait3A_183 = arith.constant 0 : i32
      %dma_wait3A_184 = tpu.memref_slice %arg9[%add3A_113, %dma_wait3A_183] : memref<10112x128xf32, #tpu.memory_space<vmem_shared>> -> memref<56x128xf32, #tpu.memory_space<vmem_shared>>
      %dma_wait3A_185 = arith.constant 0 : i32
      %dma_wait3A_186 = arith.constant 0 : i32
      %dma_wait3A_187 = tpu.memref_slice %arg8[%run_scoped3A_114, %dma_wait3A_185, %dma_wait3A_186] : memref<3x64x128xf32, #tpu.memory_space<vmem>> -> memref<1x56x128xf32, #tpu.memory_space<vmem>>
      %dma_wait3A_188 = tpu.memref_squeeze %dma_wait3A_187 : memref<1x56x128xf32, #tpu.memory_space<vmem>> -> memref<56x128xf32, #tpu.memory_space<vmem>>
      tpu.wait_dma2 semaphore(%run_scoped3A_165 : memref<!tpu.dma_semaphore, #tpu.memory_space<semaphore_mem>>) src(%dma_wait3A_188 : memref<56x128xf32, #tpu.memory_space<vmem>>) dst(%dma_wait3A_184 : memref<56x128xf32, #tpu.memory_space<vmem_shared>>)
      tpu.yield
    }) : () -> ()
    "tpu.region"() ({
      %run_scoped3A_165 = tpu.sem_alloc : memref<!tpu.dma_semaphore, #tpu.memory_space<semaphore_mem>>
      %dma_start3A_166 = arith.constant 0 : i32
      %dma_start3A_167 = arith.constant 0 : i32
      %dma_start3A_168 = tpu.memref_slice %arg3[%add3A_81, %arg1, %dma_start3A_166, %dma_start3A_167] : memref<4x16x80x64xi32, #tpu.memory_space<hbm>> -> memref<1x1x80x64xi32, #tpu.memory_space<hbm>>
      %dma_start3A_169 = tpu.memref_squeeze %dma_start3A_168 : memref<1x1x80x64xi32, #tpu.memory_space<hbm>> -> memref<80x64xi32, #tpu.memory_space<hbm>>
      %dma_start3A_170 = arith.constant 0 : i32
      %dma_start3A_171 = arith.constant 0 : i32
      %dma_start3A_172 = tpu.memref_slice %arg3[%add3A_81, %arg1, %dma_start3A_170, %dma_start3A_171] : memref<4x16x80x64xi32, #tpu.memory_space<hbm>> -> memref<1x1x80x64xi32, #tpu.memory_space<hbm>>
      %dma_start3A_173 = tpu.memref_squeeze %dma_start3A_172 : memref<1x1x80x64xi32, #tpu.memory_space<hbm>> -> memref<80x64xi32, #tpu.memory_space<hbm>>
      tpu.enqueue_dma source(%dma_start3A_173 : memref<80x64xi32, #tpu.memory_space<hbm>>) target(%arg11 : memref<80x64xi32, #tpu.memory_space<vmem>>) target_semaphore(%run_scoped3A_165 : memref<!tpu.dma_semaphore, #tpu.memory_space<semaphore_mem>>)
      %dma_wait3A = arith.constant 0 : i32
      %dma_wait3A_174 = arith.constant 0 : i32
      %dma_wait3A_175 = tpu.memref_slice %arg3[%add3A_81, %arg1, %dma_wait3A, %dma_wait3A_174] : memref<4x16x80x64xi32, #tpu.memory_space<hbm>> -> memref<1x1x80x64xi32, #tpu.memory_space<hbm>>
      %dma_wait3A_176 = tpu.memref_squeeze %dma_wait3A_175 : memref<1x1x80x64xi32, #tpu.memory_space<hbm>> -> memref<80x64xi32, #tpu.memory_space<hbm>>
      %dma_wait3A_177 = arith.constant 0 : i32
      %dma_wait3A_178 = arith.constant 0 : i32
      %dma_wait3A_179 = tpu.memref_slice %arg3[%add3A_81, %arg1, %dma_wait3A_177, %dma_wait3A_178] : memref<4x16x80x64xi32, #tpu.memory_space<hbm>> -> memref<1x1x80x64xi32, #tpu.memory_space<hbm>>
      %dma_wait3A_180 = tpu.memref_squeeze %dma_wait3A_179 : memref<1x1x80x64xi32, #tpu.memory_space<hbm>> -> memref<80x64xi32, #tpu.memory_space<hbm>>
      tpu.wait_dma2 semaphore(%run_scoped3A_165 : memref<!tpu.dma_semaphore, #tpu.memory_space<semaphore_mem>>) src(%dma_wait3A_180 : memref<80x64xi32, #tpu.memory_space<hbm>>) dst(%arg11 : memref<80x64xi32, #tpu.memory_space<vmem>>)
      tpu.yield
    }) : () -> ()
    "tpu.region"() ({
      %run_scoped3A_165 = tpu.sem_alloc : memref<!tpu.dma_semaphore, #tpu.memory_space<semaphore_mem>>
      %dma_start3A_166 = arith.constant 0 : i32
      %dma_start3A_167 = arith.constant 0 : i32
      %dma_start3A_168 = tpu.memref_slice %arg4[%add3A_81, %arg1, %dma_start3A_166, %dma_start3A_167] : memref<4x16x80x64xi32, #tpu.memory_space<hbm>> -> memref<1x1x80x64xi32, #tpu.memory_space<hbm>>
      %dma_start3A_169 = tpu.memref_squeeze %dma_start3A_168 : memref<1x1x80x64xi32, #tpu.memory_space<hbm>> -> memref<80x64xi32, #tpu.memory_space<hbm>>
      %dma_start3A_170 = arith.constant 0 : i32
      %dma_start3A_171 = arith.constant 0 : i32
      %dma_start3A_172 = tpu.memref_slice %arg4[%add3A_81, %arg1, %dma_start3A_170, %dma_start3A_171] : memref<4x16x80x64xi32, #tpu.memory_space<hbm>> -> memref<1x1x80x64xi32, #tpu.memory_space<hbm>>
      %dma_start3A_173 = tpu.memref_squeeze %dma_start3A_172 : memref<1x1x80x64xi32, #tpu.memory_space<hbm>> -> memref<80x64xi32, #tpu.memory_space<hbm>>
      tpu.enqueue_dma source(%dma_start3A_173 : memref<80x64xi32, #tpu.memory_space<hbm>>) target(%arg7 : memref<80x64xi32, #tpu.memory_space<vmem>>) target_semaphore(%run_scoped3A_165 : memref<!tpu.dma_semaphore, #tpu.memory_space<semaphore_mem>>)
      %dma_wait3A = arith.constant 0 : i32
      %dma_wait3A_174 = arith.constant 0 : i32
      %dma_wait3A_175 = tpu.memref_slice %arg4[%add3A_81, %arg1, %dma_wait3A, %dma_wait3A_174] : memref<4x16x80x64xi32, #tpu.memory_space<hbm>> -> memref<1x1x80x64xi32, #tpu.memory_space<hbm>>
      %dma_wait3A_176 = tpu.memref_squeeze %dma_wait3A_175 : memref<1x1x80x64xi32, #tpu.memory_space<hbm>> -> memref<80x64xi32, #tpu.memory_space<hbm>>
      %dma_wait3A_177 = arith.constant 0 : i32
      %dma_wait3A_178 = arith.constant 0 : i32
      %dma_wait3A_179 = tpu.memref_slice %arg4[%add3A_81, %arg1, %dma_wait3A_177, %dma_wait3A_178] : memref<4x16x80x64xi32, #tpu.memory_space<hbm>> -> memref<1x1x80x64xi32, #tpu.memory_space<hbm>>
      %dma_wait3A_180 = tpu.memref_squeeze %dma_wait3A_179 : memref<1x1x80x64xi32, #tpu.memory_space<hbm>> -> memref<80x64xi32, #tpu.memory_space<hbm>>
      tpu.wait_dma2 semaphore(%run_scoped3A_165 : memref<!tpu.dma_semaphore, #tpu.memory_space<semaphore_mem>>) src(%dma_wait3A_180 : memref<80x64xi32, #tpu.memory_space<hbm>>) dst(%arg7 : memref<80x64xi32, #tpu.memory_space<vmem>>)
      tpu.yield
    }) : () -> ()
    %barrier3A_115 = arith.constant 0 : index
    tpu.barrier barrier_id(%barrier3A_115)
    %dma_start3A_116 = arith.constant 0 : i32
    %dma_start3A_117 = arith.constant 0 : i32
    %dma_start3A_118 = arith.constant 0 : i32
    %dma_start3A_119 = arith.constant 0 : i32
    %dma_start3A_120 = arith.constant 0 : i32
    %dma_start3A_121 = arith.constant 0 : i32
    %dma_start3A_122 = tpu.memref_slice %arg8[%dma_start3A_117, %dma_start3A_120, %dma_start3A_121] : memref<3x64x128xf32, #tpu.memory_space<vmem>> -> memref<1x64x128xf32, #tpu.memory_space<vmem>>
    %dma_start3A_123 = tpu.memref_squeeze %dma_start3A_122 : memref<1x64x128xf32, #tpu.memory_space<vmem>> -> memref<64x128xf32, #tpu.memory_space<vmem>>
    %dma_start3A_124 = arith.constant 0 : i32
    %dma_start3A_125 = tpu.memref_slice %arg11[%dma_start3A_116, %dma_start3A_124] : memref<80x64xi32, #tpu.memory_space<vmem>> -> memref<1x64xi32, #tpu.memory_space<vmem>>
    %dma_start3A_126 = tpu.memref_squeeze %dma_start3A_125 : memref<1x64xi32, #tpu.memory_space<vmem>> -> memref<64xi32, #tpu.memory_space<vmem>>
    %dma_start3A_127 = arith.constant 0 : i32
    %dma_start3A_128 = arith.constant 0 : i32
    %dma_start3A_129 = tpu.memref_slice %arg2[%dma_start3A_127, %dma_start3A_128] : memref<10000x128xf32, #tpu.memory_space<hbm>> -> memref<10000x128xf32, #tpu.memory_space<hbm>>
    %dma_start3A_130 = tpu.memref_slice %arg10[%dma_start3A_118, %dma_start3A_119] : memref<3x1x!tpu.dma_semaphore, #tpu.memory_space<semaphore_mem>> -> memref<1x1x!tpu.dma_semaphore, #tpu.memory_space<semaphore_mem>>
    %dma_start3A_131 = tpu.memref_squeeze %dma_start3A_130 : memref<1x1x!tpu.dma_semaphore, #tpu.memory_space<semaphore_mem>> -> memref<!tpu.dma_semaphore, #tpu.memory_space<semaphore_mem>>
    tpu.enqueue_indirect_dma source(%dma_start3A_129 : memref<10000x128xf32, #tpu.memory_space<hbm>>) target(%dma_start3A_123 : memref<64x128xf32, #tpu.memory_space<vmem>>) offsets(%dma_start3A_126 : memref<64xi32, #tpu.memory_space<vmem>>) semaphore(%dma_start3A_131 : memref<!tpu.dma_semaphore, #tpu.memory_space<semaphore_mem>>)
    %dma_start3A_132 = arith.constant 1 : i32
    %dma_start3A_133 = arith.constant 1 : i32
    %dma_start3A_134 = arith.constant 1 : i32
    %dma_start3A_135 = arith.constant 0 : i32
    %dma_start3A_136 = arith.constant 0 : i32
    %dma_start3A_137 = arith.constant 0 : i32
    %dma_start3A_138 = tpu.memref_slice %arg8[%dma_start3A_133, %dma_start3A_136, %dma_start3A_137] : memref<3x64x128xf32, #tpu.memory_space<vmem>> -> memref<1x64x128xf32, #tpu.memory_space<vmem>>
    %dma_start3A_139 = tpu.memref_squeeze %dma_start3A_138 : memref<1x64x128xf32, #tpu.memory_space<vmem>> -> memref<64x128xf32, #tpu.memory_space<vmem>>
    %dma_start3A_140 = arith.constant 0 : i32
    %dma_start3A_141 = tpu.memref_slice %arg11[%dma_start3A_132, %dma_start3A_140] : memref<80x64xi32, #tpu.memory_space<vmem>> -> memref<1x64xi32, #tpu.memory_space<vmem>>
    %dma_start3A_142 = tpu.memref_squeeze %dma_start3A_141 : memref<1x64xi32, #tpu.memory_space<vmem>> -> memref<64xi32, #tpu.memory_space<vmem>>
    %dma_start3A_143 = arith.constant 0 : i32
    %dma_start3A_144 = arith.constant 0 : i32
    %dma_start3A_145 = tpu.memref_slice %arg2[%dma_start3A_143, %dma_start3A_144] : memref<10000x128xf32, #tpu.memory_space<hbm>> -> memref<10000x128xf32, #tpu.memory_space<hbm>>
    %dma_start3A_146 = tpu.memref_slice %arg10[%dma_start3A_134, %dma_start3A_135] : memref<3x1x!tpu.dma_semaphore, #tpu.memory_space<semaphore_mem>> -> memref<1x1x!tpu.dma_semaphore, #tpu.memory_space<semaphore_mem>>
    %dma_start3A_147 = tpu.memref_squeeze %dma_start3A_146 : memref<1x1x!tpu.dma_semaphore, #tpu.memory_space<semaphore_mem>> -> memref<!tpu.dma_semaphore, #tpu.memory_space<semaphore_mem>>
    tpu.enqueue_indirect_dma source(%dma_start3A_145 : memref<10000x128xf32, #tpu.memory_space<hbm>>) target(%dma_start3A_139 : memref<64x128xf32, #tpu.memory_space<vmem>>) offsets(%dma_start3A_142 : memref<64xi32, #tpu.memory_space<vmem>>) semaphore(%dma_start3A_147 : memref<!tpu.dma_semaphore, #tpu.memory_space<semaphore_mem>>)
    %scan3A_148 = arith.constant 0 : i32
    %scan3A_149 = arith.constant 0 : i32
    %scan3A_150 = arith.constant 80 : i32
    %scan3A_151 = arith.addi %scan3A_149, %scan3A_150 : i32
    %scan3A_152 = arith.constant 1 : i32
    scf.for %scan3A_165 = %scan3A_149 to %scan3A_151 step %scan3A_152  : i32 {
      %rem3A = arith.constant 3 : i32
      %rem3A_166 = arith.remsi %scan3A_165, %rem3A : i32
      %add3A_167 = arith.constant 3 : i32
      %add3A_168 = arith.addi %scan3A_165, %add3A_167 : i32
      %sub3A = arith.constant 1 : i32
      %sub3A_169 = arith.subi %add3A_168, %sub3A : i32
      %lt3A = arith.constant 80 : i32
      %lt3A_170 = arith.cmpi slt, %sub3A_169, %lt3A : i32
      %convert_element_type3A_171 = arith.extui %lt3A_170 : i1 to i32
      %cond3A_172 = arith.constant 0 : i32
      %cond3A_173 = arith.cmpi ne, %convert_element_type3A_171, %cond3A_172 : i32
      scf.if %cond3A_173 {
        %add3A_186 = arith.constant 3 : i32
        %add3A_187 = arith.addi %scan3A_165, %add3A_186 : i32
        %sub3A_188 = arith.constant 1 : i32
        %sub3A_189 = arith.subi %add3A_187, %sub3A_188 : i32
        %add3A_190 = arith.constant 3 : i32
        %add3A_191 = arith.addi %scan3A_165, %add3A_190 : i32
        %sub3A_192 = arith.constant 1 : i32
        %sub3A_193 = arith.subi %add3A_191, %sub3A_192 : i32
        %rem3A_194 = arith.constant 3 : i32
        %rem3A_195 = arith.remsi %sub3A_193, %rem3A_194 : i32
        %dma_start3A_196 = arith.constant 0 : i32
        %dma_start3A_197 = arith.constant 0 : i32
        %dma_start3A_198 = arith.constant 0 : i32
        %dma_start3A_199 = tpu.memref_slice %arg8[%rem3A_195, %dma_start3A_197, %dma_start3A_198] : memref<3x64x128xf32, #tpu.memory_space<vmem>> -> memref<1x64x128xf32, #tpu.memory_space<vmem>>
        %dma_start3A_200 = tpu.memref_squeeze %dma_start3A_199 : memref<1x64x128xf32, #tpu.memory_space<vmem>> -> memref<64x128xf32, #tpu.memory_space<vmem>>
        %dma_start3A_201 = arith.constant 0 : i32
        %dma_start3A_202 = tpu.memref_slice %arg11[%sub3A_189, %dma_start3A_201] : memref<80x64xi32, #tpu.memory_space<vmem>> -> memref<1x64xi32, #tpu.memory_space<vmem>>
        %dma_start3A_203 = tpu.memref_squeeze %dma_start3A_202 : memref<1x64xi32, #tpu.memory_space<vmem>> -> memref<64xi32, #tpu.memory_space<vmem>>
        %dma_start3A_204 = arith.constant 0 : i32
        %dma_start3A_205 = arith.constant 0 : i32
        %dma_start3A_206 = tpu.memref_slice %arg2[%dma_start3A_204, %dma_start3A_205] : memref<10000x128xf32, #tpu.memory_space<hbm>> -> memref<10000x128xf32, #tpu.memory_space<hbm>>
        %dma_start3A_207 = tpu.memref_slice %arg10[%rem3A_195, %dma_start3A_196] : memref<3x1x!tpu.dma_semaphore, #tpu.memory_space<semaphore_mem>> -> memref<1x1x!tpu.dma_semaphore, #tpu.memory_space<semaphore_mem>>
        %dma_start3A_208 = tpu.memref_squeeze %dma_start3A_207 : memref<1x1x!tpu.dma_semaphore, #tpu.memory_space<semaphore_mem>> -> memref<!tpu.dma_semaphore, #tpu.memory_space<semaphore_mem>>
        tpu.enqueue_indirect_dma source(%dma_start3A_206 : memref<10000x128xf32, #tpu.memory_space<hbm>>) target(%dma_start3A_200 : memref<64x128xf32, #tpu.memory_space<vmem>>) offsets(%dma_start3A_203 : memref<64xi32, #tpu.memory_space<vmem>>) semaphore(%dma_start3A_208 : memref<!tpu.dma_semaphore, #tpu.memory_space<semaphore_mem>>)
      } else {
      }
      %dma_wait3A = arith.constant 0 : i32
      %dma_wait3A_174 = arith.constant 0 : i32
      %dma_wait3A_175 = arith.constant 0 : i32
      %dma_wait3A_176 = tpu.memref_slice %arg8[%rem3A_166, %dma_wait3A_174, %dma_wait3A_175] : memref<3x64x128xf32, #tpu.memory_space<vmem>> -> memref<1x64x128xf32, #tpu.memory_space<vmem>>
      %dma_wait3A_177 = tpu.memref_squeeze %dma_wait3A_176 : memref<1x64x128xf32, #tpu.memory_space<vmem>> -> memref<64x128xf32, #tpu.memory_space<vmem>>
      %dma_wait3A_178 = arith.constant 0 : i32
      %dma_wait3A_179 = tpu.memref_slice %arg11[%scan3A_165, %dma_wait3A_178] : memref<80x64xi32, #tpu.memory_space<vmem>> -> memref<1x64xi32, #tpu.memory_space<vmem>>
      %dma_wait3A_180 = tpu.memref_squeeze %dma_wait3A_179 : memref<1x64xi32, #tpu.memory_space<vmem>> -> memref<64xi32, #tpu.memory_space<vmem>>
      %dma_wait3A_181 = arith.constant 0 : i32
      %dma_wait3A_182 = arith.constant 0 : i32
      %dma_wait3A_183 = tpu.memref_slice %arg2[%dma_wait3A_181, %dma_wait3A_182] : memref<10000x128xf32, #tpu.memory_space<hbm>> -> memref<10000x128xf32, #tpu.memory_space<hbm>>
      %dma_wait3A_184 = tpu.memref_slice %arg10[%rem3A_166, %dma_wait3A] : memref<3x1x!tpu.dma_semaphore, #tpu.memory_space<semaphore_mem>> -> memref<1x1x!tpu.dma_semaphore, #tpu.memory_space<semaphore_mem>>
      %dma_wait3A_185 = tpu.memref_squeeze %dma_wait3A_184 : memref<1x1x!tpu.dma_semaphore, #tpu.memory_space<semaphore_mem>> -> memref<!tpu.dma_semaphore, #tpu.memory_space<semaphore_mem>>
      tpu.wait_indirect_dma semaphore(%dma_wait3A_185 : memref<!tpu.dma_semaphore, #tpu.memory_space<semaphore_mem>>) src(%dma_wait3A_183 : memref<10000x128xf32, #tpu.memory_space<hbm>>) dst(%dma_wait3A_177 : memref<64x128xf32, #tpu.memory_space<vmem>>)
      "tpu.region"() ({
        %run_scoped3A_186 = tpu.sem_alloc : memref<!tpu.dma_semaphore, #tpu.memory_space<semaphore_mem>>
        %dma_start3A_187 = arith.constant 0 : i32
        %dma_start3A_188 = arith.constant 0 : i32
        %dma_start3A_189 = tpu.memref_slice %arg8[%rem3A_166, %dma_start3A_187, %dma_start3A_188] : memref<3x64x128xf32, #tpu.memory_space<vmem>> -> memref<1x64x128xf32, #tpu.memory_space<vmem>>
        %dma_start3A_190 = tpu.memref_squeeze %dma_start3A_189 : memref<1x64x128xf32, #tpu.memory_space<vmem>> -> memref<64x128xf32, #tpu.memory_space<vmem>>
        %dma_start3A_191 = arith.constant 0 : i32
        %dma_start3A_192 = tpu.memref_slice %arg7[%scan3A_165, %dma_start3A_191] : memref<80x64xi32, #tpu.memory_space<vmem>> -> memref<1x64xi32, #tpu.memory_space<vmem>>
        %dma_start3A_193 = tpu.memref_squeeze %dma_start3A_192 : memref<1x64xi32, #tpu.memory_space<vmem>> -> memref<64xi32, #tpu.memory_space<vmem>>
        %dma_start3A_194 = arith.constant 0 : i32
        %dma_start3A_195 = arith.constant 0 : i32
        %dma_start3A_196 = tpu.memref_slice %arg9[%dma_start3A_194, %dma_start3A_195] : memref<10112x128xf32, #tpu.memory_space<vmem_shared>> -> memref<10112x128xf32, #tpu.memory_space<vmem_shared>>
        tpu.enqueue_indirect_dma source(%dma_start3A_190 : memref<64x128xf32, #tpu.memory_space<vmem>>) target(%dma_start3A_196 : memref<10112x128xf32, #tpu.memory_space<vmem_shared>>) offsets(%dma_start3A_193 : memref<64xi32, #tpu.memory_space<vmem>>) semaphore(%run_scoped3A_186 : memref<!tpu.dma_semaphore, #tpu.memory_space<semaphore_mem>>) {add = true}
        %dma_wait3A_197 = arith.constant 0 : i32
        %dma_wait3A_198 = arith.constant 0 : i32
        %dma_wait3A_199 = tpu.memref_slice %arg8[%rem3A_166, %dma_wait3A_197, %dma_wait3A_198] : memref<3x64x128xf32, #tpu.memory_space<vmem>> -> memref<1x64x128xf32, #tpu.memory_space<vmem>>
        %dma_wait3A_200 = tpu.memref_squeeze %dma_wait3A_199 : memref<1x64x128xf32, #tpu.memory_space<vmem>> -> memref<64x128xf32, #tpu.memory_space<vmem>>
        %dma_wait3A_201 = arith.constant 0 : i32
        %dma_wait3A_202 = tpu.memref_slice %arg7[%scan3A_165, %dma_wait3A_201] : memref<80x64xi32, #tpu.memory_space<vmem>> -> memref<1x64xi32, #tpu.memory_space<vmem>>
        %dma_wait3A_203 = tpu.memref_squeeze %dma_wait3A_202 : memref<1x64xi32, #tpu.memory_space<vmem>> -> memref<64xi32, #tpu.memory_space<vmem>>
        %dma_wait3A_204 = arith.constant 0 : i32
        %dma_wait3A_205 = arith.constant 0 : i32
        %dma_wait3A_206 = tpu.memref_slice %arg9[%dma_wait3A_204, %dma_wait3A_205] : memref<10112x128xf32, #tpu.memory_space<vmem_shared>> -> memref<10112x128xf32, #tpu.memory_space<vmem_shared>>
        tpu.wait_indirect_dma semaphore(%run_scoped3A_186 : memref<!tpu.dma_semaphore, #tpu.memory_space<semaphore_mem>>) src(%dma_wait3A_200 : memref<64x128xf32, #tpu.memory_space<vmem>>) dst(%dma_wait3A_206 : memref<10112x128xf32, #tpu.memory_space<vmem_shared>>)
        tpu.yield
      }) : () -> ()
    }
    %scan3A_153 = arith.constant 80 : i32
    %barrier3A_154 = arith.constant 0 : index
    tpu.barrier barrier_id(%barrier3A_154)
    %mul3A_155 = arith.constant 624 : i32
    %mul3A_156 = arith.muli %arg1, %mul3A_155 : i32
    %mul3A_157 = arith.constant 624 : i32
    %mul3A_158 = arith.muli %arg1, %mul3A_157 : i32
    "tpu.region"() ({
      %run_scoped3A_165 = tpu.sem_alloc : memref<!tpu.dma_semaphore, #tpu.memory_space<semaphore_mem>>
      %dma_start3A_166 = arith.constant 0 : i32
      %dma_start3A_167 = tpu.memref_slice %arg6[%add3A_81, %mul3A_158, %dma_start3A_166] : memref<4x10000x128xf32, #tpu.memory_space<hbm>> -> memref<1x624x128xf32, #tpu.memory_space<hbm>>
      %dma_start3A_168 = tpu.memref_squeeze %dma_start3A_167 : memref<1x624x128xf32, #tpu.memory_space<hbm>> -> memref<624x128xf32, #tpu.memory_space<hbm>>
      %dma_start3A_169 = arith.constant 0 : i32
      %dma_start3A_170 = tpu.memref_slice %arg9[%mul3A_156, %dma_start3A_169] : memref<10112x128xf32, #tpu.memory_space<vmem_shared>> -> memref<624x128xf32, #tpu.memory_space<vmem_shared>>
      tpu.enqueue_dma source(%dma_start3A_170 : memref<624x128xf32, #tpu.memory_space<vmem_shared>>) target(%dma_start3A_168 : memref<624x128xf32, #tpu.memory_space<hbm>>) target_semaphore(%run_scoped3A_165 : memref<!tpu.dma_semaphore, #tpu.memory_space<semaphore_mem>>)
      %dma_wait3A = arith.constant 0 : i32
      %dma_wait3A_171 = tpu.memref_slice %arg6[%add3A_81, %mul3A_158, %dma_wait3A] : memref<4x10000x128xf32, #tpu.memory_space<hbm>> -> memref<1x624x128xf32, #tpu.memory_space<hbm>>
      %dma_wait3A_172 = tpu.memref_squeeze %dma_wait3A_171 : memref<1x624x128xf32, #tpu.memory_space<hbm>> -> memref<624x128xf32, #tpu.memory_space<hbm>>
      %dma_wait3A_173 = arith.constant 0 : i32
      %dma_wait3A_174 = tpu.memref_slice %arg9[%mul3A_156, %dma_wait3A_173] : memref<10112x128xf32, #tpu.memory_space<vmem_shared>> -> memref<624x128xf32, #tpu.memory_space<vmem_shared>>
      tpu.wait_dma2 semaphore(%run_scoped3A_165 : memref<!tpu.dma_semaphore, #tpu.memory_space<semaphore_mem>>) src(%dma_wait3A_174 : memref<624x128xf32, #tpu.memory_space<vmem_shared>>) dst(%dma_wait3A_172 : memref<624x128xf32, #tpu.memory_space<hbm>>)
      tpu.yield
    }) : () -> ()
    %eq3A_159 = arith.constant 15 : i32
    %eq3A_160 = arith.cmpi eq, %arg1, %eq3A_159 : i32
    %convert_element_type3A_161 = arith.extui %eq3A_160 : i1 to i32
    %cond3A_162 = arith.constant 0 : i32
    %cond3A_163 = arith.cmpi ne, %convert_element_type3A_161, %cond3A_162 : i32
    scf.if %cond3A_163 {
      "tpu.region"() ({
        %run_scoped3A_165 = tpu.sem_alloc : memref<!tpu.dma_semaphore, #tpu.memory_space<semaphore_mem>>
        %dma_start3A_166 = arith.constant 9984 : i32
        %dma_start3A_167 = arith.constant 0 : i32
        %dma_start3A_168 = tpu.memref_slice %arg6[%add3A_81, %dma_start3A_166, %dma_start3A_167] : memref<4x10000x128xf32, #tpu.memory_space<hbm>> -> memref<1x16x128xf32, #tpu.memory_space<hbm>>
        %dma_start3A_169 = tpu.memref_squeeze %dma_start3A_168 : memref<1x16x128xf32, #tpu.memory_space<hbm>> -> memref<16x128xf32, #tpu.memory_space<hbm>>
        %dma_start3A_170 = arith.constant 9984 : i32
        %dma_start3A_171 = arith.constant 0 : i32
        %dma_start3A_172 = tpu.memref_slice %arg9[%dma_start3A_170, %dma_start3A_171] : memref<10112x128xf32, #tpu.memory_space<vmem_shared>> -> memref<16x128xf32, #tpu.memory_space<vmem_shared>>
        tpu.enqueue_dma source(%dma_start3A_172 : memref<16x128xf32, #tpu.memory_space<vmem_shared>>) target(%dma_start3A_169 : memref<16x128xf32, #tpu.memory_space<hbm>>) target_semaphore(%run_scoped3A_165 : memref<!tpu.dma_semaphore, #tpu.memory_space<semaphore_mem>>)
        %dma_wait3A = arith.constant 9984 : i32
        %dma_wait3A_173 = arith.constant 0 : i32
        %dma_wait3A_174 = tpu.memref_slice %arg6[%add3A_81, %dma_wait3A, %dma_wait3A_173] : memref<4x10000x128xf32, #tpu.memory_space<hbm>> -> memref<1x16x128xf32, #tpu.memory_space<hbm>>
        %dma_wait3A_175 = tpu.memref_squeeze %dma_wait3A_174 : memref<1x16x128xf32, #tpu.memory_space<hbm>> -> memref<16x128xf32, #tpu.memory_space<hbm>>
        %dma_wait3A_176 = arith.constant 9984 : i32
        %dma_wait3A_177 = arith.constant 0 : i32
        %dma_wait3A_178 = tpu.memref_slice %arg9[%dma_wait3A_176, %dma_wait3A_177] : memref<10112x128xf32, #tpu.memory_space<vmem_shared>> -> memref<16x128xf32, #tpu.memory_space<vmem_shared>>
        tpu.wait_dma2 semaphore(%run_scoped3A_165 : memref<!tpu.dma_semaphore, #tpu.memory_space<semaphore_mem>>) src(%dma_wait3A_178 : memref<16x128xf32, #tpu.memory_space<vmem_shared>>) dst(%dma_wait3A_175 : memref<16x128xf32, #tpu.memory_space<hbm>>)
        tpu.yield
      }) : () -> ()
    } else {
    }
    %barrier3A_164 = arith.constant 0 : index
    tpu.barrier barrier_id(%barrier3A_164)
    return
  }
}

#map = affine_map<(d0, d1) -> (0, 0, 0, 0)>
#map1 = affine_map<(d0, d1) -> (0, 0)>
#map2 = affine_map<(d0, d1) -> (0, 0, 0)>
module attributes {stable_mosaic.version = 14 : i64} {
  func.func @body(%arg0: i32, %arg1: i32, %arg2: memref<4x16x80x64xi32, #tpu.memory_space<hbm>>, %arg3: memref<64x128xf32, #tpu.memory_space<hbm>>, %arg4: memref<64x128xf32, #tpu.memory_space<hbm>>, %arg5: memref<4x10000x128xf32, #tpu.memory_space<hbm>>, %arg6: memref<10112x128xf32, #tpu.memory_space<vmem_shared>>, %arg7: memref<80x64xi32, #tpu.memory_space<vmem>>, %arg8: memref<64x128xf32, #tpu.memory_space<vmem>>) attributes {dimension_semantics = [#tpu.dimension_semantics<core_parallel>, #tpu.dimension_semantics<subcore_parallel>], iteration_bounds = array<i64: 2, 16>, scalar_prefetch = 0 : i64, scratch_operands = 3 : i64, tpu.core_type = #tpu.core_type<sc_vector_subcore>, window_params = [{transform_indices = #map}, {transform_indices = #map1}, {transform_indices = #map1}, {transform_indices = #map2}]} {
    %mul3A = arith.constant 2 : i32
    %mul3A_0 = arith.muli %arg0, %mul3A : i32
    %add3A = arith.constant 0 : i32
    %add3A_1 = arith.addi %mul3A_0, %add3A : i32
    "tpu.region"() ({
      %run_scoped3A = tpu.sem_alloc : memref<!tpu.dma_semaphore, #tpu.memory_space<semaphore_mem>>
      tpu.enqueue_dma source(%arg3 : memref<64x128xf32, #tpu.memory_space<hbm>>) target(%arg8 : memref<64x128xf32, #tpu.memory_space<vmem>>) target_semaphore(%run_scoped3A : memref<!tpu.dma_semaphore, #tpu.memory_space<semaphore_mem>>)
      tpu.wait_dma2 semaphore(%run_scoped3A : memref<!tpu.dma_semaphore, #tpu.memory_space<semaphore_mem>>) src(%arg3 : memref<64x128xf32, #tpu.memory_space<hbm>>) dst(%arg8 : memref<64x128xf32, #tpu.memory_space<vmem>>)
      tpu.yield
    }) : () -> ()
    %mul3A_2 = arith.constant 632 : i32
    %mul3A_3 = arith.muli %arg1, %mul3A_2 : i32
    %add3A_4 = arith.constant 0 : i32
    %add3A_5 = arith.addi %mul3A_3, %add3A_4 : i32
    "tpu.region"() ({
      %run_scoped3A = tpu.sem_alloc : memref<!tpu.dma_semaphore, #tpu.memory_space<semaphore_mem>>
      %dma_start3A = arith.constant 0 : i32
      %dma_start3A_81 = tpu.memref_slice %arg6[%add3A_5, %dma_start3A] : memref<10112x128xf32, #tpu.memory_space<vmem_shared>> -> memref<64x128xf32, #tpu.memory_space<vmem_shared>>
      %dma_start3A_82 = arith.constant 0 : i32
      %dma_start3A_83 = tpu.memref_slice %arg6[%add3A_5, %dma_start3A_82] : memref<10112x128xf32, #tpu.memory_space<vmem_shared>> -> memref<64x128xf32, #tpu.memory_space<vmem_shared>>
      tpu.enqueue_dma source(%arg8 : memref<64x128xf32, #tpu.memory_space<vmem>>) target(%dma_start3A_83 : memref<64x128xf32, #tpu.memory_space<vmem_shared>>) target_semaphore(%run_scoped3A : memref<!tpu.dma_semaphore, #tpu.memory_space<semaphore_mem>>)
      %dma_wait3A = arith.constant 0 : i32
      %dma_wait3A_84 = tpu.memref_slice %arg6[%add3A_5, %dma_wait3A] : memref<10112x128xf32, #tpu.memory_space<vmem_shared>> -> memref<64x128xf32, #tpu.memory_space<vmem_shared>>
      %dma_wait3A_85 = arith.constant 0 : i32
      %dma_wait3A_86 = tpu.memref_slice %arg6[%add3A_5, %dma_wait3A_85] : memref<10112x128xf32, #tpu.memory_space<vmem_shared>> -> memref<64x128xf32, #tpu.memory_space<vmem_shared>>
      tpu.wait_dma2 semaphore(%run_scoped3A : memref<!tpu.dma_semaphore, #tpu.memory_space<semaphore_mem>>) src(%arg8 : memref<64x128xf32, #tpu.memory_space<vmem>>) dst(%dma_wait3A_86 : memref<64x128xf32, #tpu.memory_space<vmem_shared>>)
      tpu.yield
    }) : () -> ()
    %add3A_6 = arith.constant 64 : i32
    %add3A_7 = arith.addi %mul3A_3, %add3A_6 : i32
    "tpu.region"() ({
      %run_scoped3A = tpu.sem_alloc : memref<!tpu.dma_semaphore, #tpu.memory_space<semaphore_mem>>
      %dma_start3A = arith.constant 0 : i32
      %dma_start3A_81 = tpu.memref_slice %arg6[%add3A_7, %dma_start3A] : memref<10112x128xf32, #tpu.memory_space<vmem_shared>> -> memref<64x128xf32, #tpu.memory_space<vmem_shared>>
      %dma_start3A_82 = arith.constant 0 : i32
      %dma_start3A_83 = tpu.memref_slice %arg6[%add3A_7, %dma_start3A_82] : memref<10112x128xf32, #tpu.memory_space<vmem_shared>> -> memref<64x128xf32, #tpu.memory_space<vmem_shared>>
      tpu.enqueue_dma source(%arg8 : memref<64x128xf32, #tpu.memory_space<vmem>>) target(%dma_start3A_83 : memref<64x128xf32, #tpu.memory_space<vmem_shared>>) target_semaphore(%run_scoped3A : memref<!tpu.dma_semaphore, #tpu.memory_space<semaphore_mem>>)
      %dma_wait3A = arith.constant 0 : i32
      %dma_wait3A_84 = tpu.memref_slice %arg6[%add3A_7, %dma_wait3A] : memref<10112x128xf32, #tpu.memory_space<vmem_shared>> -> memref<64x128xf32, #tpu.memory_space<vmem_shared>>
      %dma_wait3A_85 = arith.constant 0 : i32
      %dma_wait3A_86 = tpu.memref_slice %arg6[%add3A_7, %dma_wait3A_85] : memref<10112x128xf32, #tpu.memory_space<vmem_shared>> -> memref<64x128xf32, #tpu.memory_space<vmem_shared>>
      tpu.wait_dma2 semaphore(%run_scoped3A : memref<!tpu.dma_semaphore, #tpu.memory_space<semaphore_mem>>) src(%arg8 : memref<64x128xf32, #tpu.memory_space<vmem>>) dst(%dma_wait3A_86 : memref<64x128xf32, #tpu.memory_space<vmem_shared>>)
      tpu.yield
    }) : () -> ()
    %add3A_8 = arith.constant 128 : i32
    %add3A_9 = arith.addi %mul3A_3, %add3A_8 : i32
    "tpu.region"() ({
      %run_scoped3A = tpu.sem_alloc : memref<!tpu.dma_semaphore, #tpu.memory_space<semaphore_mem>>
      %dma_start3A = arith.constant 0 : i32
      %dma_start3A_81 = tpu.memref_slice %arg6[%add3A_9, %dma_start3A] : memref<10112x128xf32, #tpu.memory_space<vmem_shared>> -> memref<64x128xf32, #tpu.memory_space<vmem_shared>>
      %dma_start3A_82 = arith.constant 0 : i32
      %dma_start3A_83 = tpu.memref_slice %arg6[%add3A_9, %dma_start3A_82] : memref<10112x128xf32, #tpu.memory_space<vmem_shared>> -> memref<64x128xf32, #tpu.memory_space<vmem_shared>>
      tpu.enqueue_dma source(%arg8 : memref<64x128xf32, #tpu.memory_space<vmem>>) target(%dma_start3A_83 : memref<64x128xf32, #tpu.memory_space<vmem_shared>>) target_semaphore(%run_scoped3A : memref<!tpu.dma_semaphore, #tpu.memory_space<semaphore_mem>>)
      %dma_wait3A = arith.constant 0 : i32
      %dma_wait3A_84 = tpu.memref_slice %arg6[%add3A_9, %dma_wait3A] : memref<10112x128xf32, #tpu.memory_space<vmem_shared>> -> memref<64x128xf32, #tpu.memory_space<vmem_shared>>
      %dma_wait3A_85 = arith.constant 0 : i32
      %dma_wait3A_86 = tpu.memref_slice %arg6[%add3A_9, %dma_wait3A_85] : memref<10112x128xf32, #tpu.memory_space<vmem_shared>> -> memref<64x128xf32, #tpu.memory_space<vmem_shared>>
      tpu.wait_dma2 semaphore(%run_scoped3A : memref<!tpu.dma_semaphore, #tpu.memory_space<semaphore_mem>>) src(%arg8 : memref<64x128xf32, #tpu.memory_space<vmem>>) dst(%dma_wait3A_86 : memref<64x128xf32, #tpu.memory_space<vmem_shared>>)
      tpu.yield
    }) : () -> ()
    %add3A_10 = arith.constant 192 : i32
    %add3A_11 = arith.addi %mul3A_3, %add3A_10 : i32
    "tpu.region"() ({
      %run_scoped3A = tpu.sem_alloc : memref<!tpu.dma_semaphore, #tpu.memory_space<semaphore_mem>>
      %dma_start3A = arith.constant 0 : i32
      %dma_start3A_81 = tpu.memref_slice %arg6[%add3A_11, %dma_start3A] : memref<10112x128xf32, #tpu.memory_space<vmem_shared>> -> memref<64x128xf32, #tpu.memory_space<vmem_shared>>
      %dma_start3A_82 = arith.constant 0 : i32
      %dma_start3A_83 = tpu.memref_slice %arg6[%add3A_11, %dma_start3A_82] : memref<10112x128xf32, #tpu.memory_space<vmem_shared>> -> memref<64x128xf32, #tpu.memory_space<vmem_shared>>
      tpu.enqueue_dma source(%arg8 : memref<64x128xf32, #tpu.memory_space<vmem>>) target(%dma_start3A_83 : memref<64x128xf32, #tpu.memory_space<vmem_shared>>) target_semaphore(%run_scoped3A : memref<!tpu.dma_semaphore, #tpu.memory_space<semaphore_mem>>)
      %dma_wait3A = arith.constant 0 : i32
      %dma_wait3A_84 = tpu.memref_slice %arg6[%add3A_11, %dma_wait3A] : memref<10112x128xf32, #tpu.memory_space<vmem_shared>> -> memref<64x128xf32, #tpu.memory_space<vmem_shared>>
      %dma_wait3A_85 = arith.constant 0 : i32
      %dma_wait3A_86 = tpu.memref_slice %arg6[%add3A_11, %dma_wait3A_85] : memref<10112x128xf32, #tpu.memory_space<vmem_shared>> -> memref<64x128xf32, #tpu.memory_space<vmem_shared>>
      tpu.wait_dma2 semaphore(%run_scoped3A : memref<!tpu.dma_semaphore, #tpu.memory_space<semaphore_mem>>) src(%arg8 : memref<64x128xf32, #tpu.memory_space<vmem>>) dst(%dma_wait3A_86 : memref<64x128xf32, #tpu.memory_space<vmem_shared>>)
      tpu.yield
    }) : () -> ()
    %add3A_12 = arith.constant 256 : i32
    %add3A_13 = arith.addi %mul3A_3, %add3A_12 : i32
    "tpu.region"() ({
      %run_scoped3A = tpu.sem_alloc : memref<!tpu.dma_semaphore, #tpu.memory_space<semaphore_mem>>
      %dma_start3A = arith.constant 0 : i32
      %dma_start3A_81 = tpu.memref_slice %arg6[%add3A_13, %dma_start3A] : memref<10112x128xf32, #tpu.memory_space<vmem_shared>> -> memref<64x128xf32, #tpu.memory_space<vmem_shared>>
      %dma_start3A_82 = arith.constant 0 : i32
      %dma_start3A_83 = tpu.memref_slice %arg6[%add3A_13, %dma_start3A_82] : memref<10112x128xf32, #tpu.memory_space<vmem_shared>> -> memref<64x128xf32, #tpu.memory_space<vmem_shared>>
      tpu.enqueue_dma source(%arg8 : memref<64x128xf32, #tpu.memory_space<vmem>>) target(%dma_start3A_83 : memref<64x128xf32, #tpu.memory_space<vmem_shared>>) target_semaphore(%run_scoped3A : memref<!tpu.dma_semaphore, #tpu.memory_space<semaphore_mem>>)
      %dma_wait3A = arith.constant 0 : i32
      %dma_wait3A_84 = tpu.memref_slice %arg6[%add3A_13, %dma_wait3A] : memref<10112x128xf32, #tpu.memory_space<vmem_shared>> -> memref<64x128xf32, #tpu.memory_space<vmem_shared>>
      %dma_wait3A_85 = arith.constant 0 : i32
      %dma_wait3A_86 = tpu.memref_slice %arg6[%add3A_13, %dma_wait3A_85] : memref<10112x128xf32, #tpu.memory_space<vmem_shared>> -> memref<64x128xf32, #tpu.memory_space<vmem_shared>>
      tpu.wait_dma2 semaphore(%run_scoped3A : memref<!tpu.dma_semaphore, #tpu.memory_space<semaphore_mem>>) src(%arg8 : memref<64x128xf32, #tpu.memory_space<vmem>>) dst(%dma_wait3A_86 : memref<64x128xf32, #tpu.memory_space<vmem_shared>>)
      tpu.yield
    }) : () -> ()
    %add3A_14 = arith.constant 320 : i32
    %add3A_15 = arith.addi %mul3A_3, %add3A_14 : i32
    "tpu.region"() ({
      %run_scoped3A = tpu.sem_alloc : memref<!tpu.dma_semaphore, #tpu.memory_space<semaphore_mem>>
      %dma_start3A = arith.constant 0 : i32
      %dma_start3A_81 = tpu.memref_slice %arg6[%add3A_15, %dma_start3A] : memref<10112x128xf32, #tpu.memory_space<vmem_shared>> -> memref<64x128xf32, #tpu.memory_space<vmem_shared>>
      %dma_start3A_82 = arith.constant 0 : i32
      %dma_start3A_83 = tpu.memref_slice %arg6[%add3A_15, %dma_start3A_82] : memref<10112x128xf32, #tpu.memory_space<vmem_shared>> -> memref<64x128xf32, #tpu.memory_space<vmem_shared>>
      tpu.enqueue_dma source(%arg8 : memref<64x128xf32, #tpu.memory_space<vmem>>) target(%dma_start3A_83 : memref<64x128xf32, #tpu.memory_space<vmem_shared>>) target_semaphore(%run_scoped3A : memref<!tpu.dma_semaphore, #tpu.memory_space<semaphore_mem>>)
      %dma_wait3A = arith.constant 0 : i32
      %dma_wait3A_84 = tpu.memref_slice %arg6[%add3A_15, %dma_wait3A] : memref<10112x128xf32, #tpu.memory_space<vmem_shared>> -> memref<64x128xf32, #tpu.memory_space<vmem_shared>>
      %dma_wait3A_85 = arith.constant 0 : i32
      %dma_wait3A_86 = tpu.memref_slice %arg6[%add3A_15, %dma_wait3A_85] : memref<10112x128xf32, #tpu.memory_space<vmem_shared>> -> memref<64x128xf32, #tpu.memory_space<vmem_shared>>
      tpu.wait_dma2 semaphore(%run_scoped3A : memref<!tpu.dma_semaphore, #tpu.memory_space<semaphore_mem>>) src(%arg8 : memref<64x128xf32, #tpu.memory_space<vmem>>) dst(%dma_wait3A_86 : memref<64x128xf32, #tpu.memory_space<vmem_shared>>)
      tpu.yield
    }) : () -> ()
    %add3A_16 = arith.constant 384 : i32
    %add3A_17 = arith.addi %mul3A_3, %add3A_16 : i32
    "tpu.region"() ({
      %run_scoped3A = tpu.sem_alloc : memref<!tpu.dma_semaphore, #tpu.memory_space<semaphore_mem>>
      %dma_start3A = arith.constant 0 : i32
      %dma_start3A_81 = tpu.memref_slice %arg6[%add3A_17, %dma_start3A] : memref<10112x128xf32, #tpu.memory_space<vmem_shared>> -> memref<64x128xf32, #tpu.memory_space<vmem_shared>>
      %dma_start3A_82 = arith.constant 0 : i32
      %dma_start3A_83 = tpu.memref_slice %arg6[%add3A_17, %dma_start3A_82] : memref<10112x128xf32, #tpu.memory_space<vmem_shared>> -> memref<64x128xf32, #tpu.memory_space<vmem_shared>>
      tpu.enqueue_dma source(%arg8 : memref<64x128xf32, #tpu.memory_space<vmem>>) target(%dma_start3A_83 : memref<64x128xf32, #tpu.memory_space<vmem_shared>>) target_semaphore(%run_scoped3A : memref<!tpu.dma_semaphore, #tpu.memory_space<semaphore_mem>>)
      %dma_wait3A = arith.constant 0 : i32
      %dma_wait3A_84 = tpu.memref_slice %arg6[%add3A_17, %dma_wait3A] : memref<10112x128xf32, #tpu.memory_space<vmem_shared>> -> memref<64x128xf32, #tpu.memory_space<vmem_shared>>
      %dma_wait3A_85 = arith.constant 0 : i32
      %dma_wait3A_86 = tpu.memref_slice %arg6[%add3A_17, %dma_wait3A_85] : memref<10112x128xf32, #tpu.memory_space<vmem_shared>> -> memref<64x128xf32, #tpu.memory_space<vmem_shared>>
      tpu.wait_dma2 semaphore(%run_scoped3A : memref<!tpu.dma_semaphore, #tpu.memory_space<semaphore_mem>>) src(%arg8 : memref<64x128xf32, #tpu.memory_space<vmem>>) dst(%dma_wait3A_86 : memref<64x128xf32, #tpu.memory_space<vmem_shared>>)
      tpu.yield
    }) : () -> ()
    %add3A_18 = arith.constant 448 : i32
    %add3A_19 = arith.addi %mul3A_3, %add3A_18 : i32
    "tpu.region"() ({
      %run_scoped3A = tpu.sem_alloc : memref<!tpu.dma_semaphore, #tpu.memory_space<semaphore_mem>>
      %dma_start3A = arith.constant 0 : i32
      %dma_start3A_81 = tpu.memref_slice %arg6[%add3A_19, %dma_start3A] : memref<10112x128xf32, #tpu.memory_space<vmem_shared>> -> memref<64x128xf32, #tpu.memory_space<vmem_shared>>
      %dma_start3A_82 = arith.constant 0 : i32
      %dma_start3A_83 = tpu.memref_slice %arg6[%add3A_19, %dma_start3A_82] : memref<10112x128xf32, #tpu.memory_space<vmem_shared>> -> memref<64x128xf32, #tpu.memory_space<vmem_shared>>
      tpu.enqueue_dma source(%arg8 : memref<64x128xf32, #tpu.memory_space<vmem>>) target(%dma_start3A_83 : memref<64x128xf32, #tpu.memory_space<vmem_shared>>) target_semaphore(%run_scoped3A : memref<!tpu.dma_semaphore, #tpu.memory_space<semaphore_mem>>)
      %dma_wait3A = arith.constant 0 : i32
      %dma_wait3A_84 = tpu.memref_slice %arg6[%add3A_19, %dma_wait3A] : memref<10112x128xf32, #tpu.memory_space<vmem_shared>> -> memref<64x128xf32, #tpu.memory_space<vmem_shared>>
      %dma_wait3A_85 = arith.constant 0 : i32
      %dma_wait3A_86 = tpu.memref_slice %arg6[%add3A_19, %dma_wait3A_85] : memref<10112x128xf32, #tpu.memory_space<vmem_shared>> -> memref<64x128xf32, #tpu.memory_space<vmem_shared>>
      tpu.wait_dma2 semaphore(%run_scoped3A : memref<!tpu.dma_semaphore, #tpu.memory_space<semaphore_mem>>) src(%arg8 : memref<64x128xf32, #tpu.memory_space<vmem>>) dst(%dma_wait3A_86 : memref<64x128xf32, #tpu.memory_space<vmem_shared>>)
      tpu.yield
    }) : () -> ()
    %add3A_20 = arith.constant 512 : i32
    %add3A_21 = arith.addi %mul3A_3, %add3A_20 : i32
    "tpu.region"() ({
      %run_scoped3A = tpu.sem_alloc : memref<!tpu.dma_semaphore, #tpu.memory_space<semaphore_mem>>
      %dma_start3A = arith.constant 0 : i32
      %dma_start3A_81 = tpu.memref_slice %arg6[%add3A_21, %dma_start3A] : memref<10112x128xf32, #tpu.memory_space<vmem_shared>> -> memref<64x128xf32, #tpu.memory_space<vmem_shared>>
      %dma_start3A_82 = arith.constant 0 : i32
      %dma_start3A_83 = tpu.memref_slice %arg6[%add3A_21, %dma_start3A_82] : memref<10112x128xf32, #tpu.memory_space<vmem_shared>> -> memref<64x128xf32, #tpu.memory_space<vmem_shared>>
      tpu.enqueue_dma source(%arg8 : memref<64x128xf32, #tpu.memory_space<vmem>>) target(%dma_start3A_83 : memref<64x128xf32, #tpu.memory_space<vmem_shared>>) target_semaphore(%run_scoped3A : memref<!tpu.dma_semaphore, #tpu.memory_space<semaphore_mem>>)
      %dma_wait3A = arith.constant 0 : i32
      %dma_wait3A_84 = tpu.memref_slice %arg6[%add3A_21, %dma_wait3A] : memref<10112x128xf32, #tpu.memory_space<vmem_shared>> -> memref<64x128xf32, #tpu.memory_space<vmem_shared>>
      %dma_wait3A_85 = arith.constant 0 : i32
      %dma_wait3A_86 = tpu.memref_slice %arg6[%add3A_21, %dma_wait3A_85] : memref<10112x128xf32, #tpu.memory_space<vmem_shared>> -> memref<64x128xf32, #tpu.memory_space<vmem_shared>>
      tpu.wait_dma2 semaphore(%run_scoped3A : memref<!tpu.dma_semaphore, #tpu.memory_space<semaphore_mem>>) src(%arg8 : memref<64x128xf32, #tpu.memory_space<vmem>>) dst(%dma_wait3A_86 : memref<64x128xf32, #tpu.memory_space<vmem_shared>>)
      tpu.yield
    }) : () -> ()
    %add3A_22 = arith.constant 576 : i32
    %add3A_23 = arith.addi %mul3A_3, %add3A_22 : i32
    "tpu.region"() ({
      %run_scoped3A = tpu.sem_alloc : memref<!tpu.dma_semaphore, #tpu.memory_space<semaphore_mem>>
      %dma_start3A = arith.constant 0 : i32
      %dma_start3A_81 = arith.constant 0 : i32
      %dma_start3A_82 = tpu.memref_slice %arg8[%dma_start3A, %dma_start3A_81] : memref<64x128xf32, #tpu.memory_space<vmem>> -> memref<56x128xf32, #tpu.memory_space<vmem>>
      %dma_start3A_83 = arith.constant 0 : i32
      %dma_start3A_84 = tpu.memref_slice %arg6[%add3A_23, %dma_start3A_83] : memref<10112x128xf32, #tpu.memory_space<vmem_shared>> -> memref<56x128xf32, #tpu.memory_space<vmem_shared>>
      %dma_start3A_85 = arith.constant 0 : i32
      %dma_start3A_86 = tpu.memref_slice %arg6[%add3A_23, %dma_start3A_85] : memref<10112x128xf32, #tpu.memory_space<vmem_shared>> -> memref<56x128xf32, #tpu.memory_space<vmem_shared>>
      %dma_start3A_87 = arith.constant 0 : i32
      %dma_start3A_88 = arith.constant 0 : i32
      %dma_start3A_89 = tpu.memref_slice %arg8[%dma_start3A_87, %dma_start3A_88] : memref<64x128xf32, #tpu.memory_space<vmem>> -> memref<56x128xf32, #tpu.memory_space<vmem>>
      tpu.enqueue_dma source(%dma_start3A_89 : memref<56x128xf32, #tpu.memory_space<vmem>>) target(%dma_start3A_86 : memref<56x128xf32, #tpu.memory_space<vmem_shared>>) target_semaphore(%run_scoped3A : memref<!tpu.dma_semaphore, #tpu.memory_space<semaphore_mem>>)
      %dma_wait3A = arith.constant 0 : i32
      %dma_wait3A_90 = arith.constant 0 : i32
      %dma_wait3A_91 = tpu.memref_slice %arg8[%dma_wait3A, %dma_wait3A_90] : memref<64x128xf32, #tpu.memory_space<vmem>> -> memref<56x128xf32, #tpu.memory_space<vmem>>
      %dma_wait3A_92 = arith.constant 0 : i32
      %dma_wait3A_93 = tpu.memref_slice %arg6[%add3A_23, %dma_wait3A_92] : memref<10112x128xf32, #tpu.memory_space<vmem_shared>> -> memref<56x128xf32, #tpu.memory_space<vmem_shared>>
      %dma_wait3A_94 = arith.constant 0 : i32
      %dma_wait3A_95 = tpu.memref_slice %arg6[%add3A_23, %dma_wait3A_94] : memref<10112x128xf32, #tpu.memory_space<vmem_shared>> -> memref<56x128xf32, #tpu.memory_space<vmem_shared>>
      %dma_wait3A_96 = arith.constant 0 : i32
      %dma_wait3A_97 = arith.constant 0 : i32
      %dma_wait3A_98 = tpu.memref_slice %arg8[%dma_wait3A_96, %dma_wait3A_97] : memref<64x128xf32, #tpu.memory_space<vmem>> -> memref<56x128xf32, #tpu.memory_space<vmem>>
      tpu.wait_dma2 semaphore(%run_scoped3A : memref<!tpu.dma_semaphore, #tpu.memory_space<semaphore_mem>>) src(%dma_wait3A_98 : memref<56x128xf32, #tpu.memory_space<vmem>>) dst(%dma_wait3A_95 : memref<56x128xf32, #tpu.memory_space<vmem_shared>>)
      tpu.yield
    }) : () -> ()
    "tpu.region"() ({
      %run_scoped3A = tpu.sem_alloc : memref<!tpu.dma_semaphore, #tpu.memory_space<semaphore_mem>>
      %dma_start3A = arith.constant 0 : i32
      %dma_start3A_81 = arith.constant 0 : i32
      %dma_start3A_82 = tpu.memref_slice %arg2[%add3A_1, %arg1, %dma_start3A, %dma_start3A_81] : memref<4x16x80x64xi32, #tpu.memory_space<hbm>> -> memref<1x1x80x64xi32, #tpu.memory_space<hbm>>
      %dma_start3A_83 = tpu.memref_squeeze %dma_start3A_82 : memref<1x1x80x64xi32, #tpu.memory_space<hbm>> -> memref<80x64xi32, #tpu.memory_space<hbm>>
      %dma_start3A_84 = arith.constant 0 : i32
      %dma_start3A_85 = arith.constant 0 : i32
      %dma_start3A_86 = tpu.memref_slice %arg2[%add3A_1, %arg1, %dma_start3A_84, %dma_start3A_85] : memref<4x16x80x64xi32, #tpu.memory_space<hbm>> -> memref<1x1x80x64xi32, #tpu.memory_space<hbm>>
      %dma_start3A_87 = tpu.memref_squeeze %dma_start3A_86 : memref<1x1x80x64xi32, #tpu.memory_space<hbm>> -> memref<80x64xi32, #tpu.memory_space<hbm>>
      tpu.enqueue_dma source(%dma_start3A_87 : memref<80x64xi32, #tpu.memory_space<hbm>>) target(%arg7 : memref<80x64xi32, #tpu.memory_space<vmem>>) target_semaphore(%run_scoped3A : memref<!tpu.dma_semaphore, #tpu.memory_space<semaphore_mem>>)
      %dma_wait3A = arith.constant 0 : i32
      %dma_wait3A_88 = arith.constant 0 : i32
      %dma_wait3A_89 = tpu.memref_slice %arg2[%add3A_1, %arg1, %dma_wait3A, %dma_wait3A_88] : memref<4x16x80x64xi32, #tpu.memory_space<hbm>> -> memref<1x1x80x64xi32, #tpu.memory_space<hbm>>
      %dma_wait3A_90 = tpu.memref_squeeze %dma_wait3A_89 : memref<1x1x80x64xi32, #tpu.memory_space<hbm>> -> memref<80x64xi32, #tpu.memory_space<hbm>>
      %dma_wait3A_91 = arith.constant 0 : i32
      %dma_wait3A_92 = arith.constant 0 : i32
      %dma_wait3A_93 = tpu.memref_slice %arg2[%add3A_1, %arg1, %dma_wait3A_91, %dma_wait3A_92] : memref<4x16x80x64xi32, #tpu.memory_space<hbm>> -> memref<1x1x80x64xi32, #tpu.memory_space<hbm>>
      %dma_wait3A_94 = tpu.memref_squeeze %dma_wait3A_93 : memref<1x1x80x64xi32, #tpu.memory_space<hbm>> -> memref<80x64xi32, #tpu.memory_space<hbm>>
      tpu.wait_dma2 semaphore(%run_scoped3A : memref<!tpu.dma_semaphore, #tpu.memory_space<semaphore_mem>>) src(%dma_wait3A_94 : memref<80x64xi32, #tpu.memory_space<hbm>>) dst(%arg7 : memref<80x64xi32, #tpu.memory_space<vmem>>)
      tpu.yield
    }) : () -> ()
    "tpu.region"() ({
      %run_scoped3A = tpu.sem_alloc : memref<!tpu.dma_semaphore, #tpu.memory_space<semaphore_mem>>
      tpu.enqueue_dma source(%arg4 : memref<64x128xf32, #tpu.memory_space<hbm>>) target(%arg8 : memref<64x128xf32, #tpu.memory_space<vmem>>) target_semaphore(%run_scoped3A : memref<!tpu.dma_semaphore, #tpu.memory_space<semaphore_mem>>)
      tpu.wait_dma2 semaphore(%run_scoped3A : memref<!tpu.dma_semaphore, #tpu.memory_space<semaphore_mem>>) src(%arg4 : memref<64x128xf32, #tpu.memory_space<hbm>>) dst(%arg8 : memref<64x128xf32, #tpu.memory_space<vmem>>)
      tpu.yield
    }) : () -> ()
    %barrier3A = arith.constant 0 : index
    tpu.barrier barrier_id(%barrier3A)
    %scan3A = arith.constant 0 : i32
    %scan3A_24 = arith.constant 0 : i32
    %scan3A_25 = arith.constant 80 : i32
    %scan3A_26 = arith.addi %scan3A_24, %scan3A_25 : i32
    %scan3A_27 = arith.constant 1 : i32
    scf.for %scan3A_81 = %scan3A_24 to %scan3A_26 step %scan3A_27  : i32 {
      "tpu.region"() ({
        %run_scoped3A = tpu.sem_alloc : memref<!tpu.dma_semaphore, #tpu.memory_space<semaphore_mem>>
        %dma_start3A = arith.constant 0 : i32
        %dma_start3A_82 = tpu.memref_slice %arg7[%scan3A_81, %dma_start3A] : memref<80x64xi32, #tpu.memory_space<vmem>> -> memref<1x64xi32, #tpu.memory_space<vmem>>
        %dma_start3A_83 = tpu.memref_squeeze %dma_start3A_82 : memref<1x64xi32, #tpu.memory_space<vmem>> -> memref<64xi32, #tpu.memory_space<vmem>>
        %dma_start3A_84 = arith.constant 0 : i32
        %dma_start3A_85 = arith.constant 0 : i32
        %dma_start3A_86 = tpu.memref_slice %arg6[%dma_start3A_84, %dma_start3A_85] : memref<10112x128xf32, #tpu.memory_space<vmem_shared>> -> memref<10112x128xf32, #tpu.memory_space<vmem_shared>>
        tpu.enqueue_indirect_dma source(%arg8 : memref<64x128xf32, #tpu.memory_space<vmem>>) target(%dma_start3A_86 : memref<10112x128xf32, #tpu.memory_space<vmem_shared>>) offsets(%dma_start3A_83 : memref<64xi32, #tpu.memory_space<vmem>>) semaphore(%run_scoped3A : memref<!tpu.dma_semaphore, #tpu.memory_space<semaphore_mem>>) {add = true}
        %dma_wait3A = arith.constant 0 : i32
        %dma_wait3A_87 = tpu.memref_slice %arg7[%scan3A_81, %dma_wait3A] : memref<80x64xi32, #tpu.memory_space<vmem>> -> memref<1x64xi32, #tpu.memory_space<vmem>>
        %dma_wait3A_88 = tpu.memref_squeeze %dma_wait3A_87 : memref<1x64xi32, #tpu.memory_space<vmem>> -> memref<64xi32, #tpu.memory_space<vmem>>
        %dma_wait3A_89 = arith.constant 0 : i32
        %dma_wait3A_90 = arith.constant 0 : i32
        %dma_wait3A_91 = tpu.memref_slice %arg6[%dma_wait3A_89, %dma_wait3A_90] : memref<10112x128xf32, #tpu.memory_space<vmem_shared>> -> memref<10112x128xf32, #tpu.memory_space<vmem_shared>>
        tpu.wait_indirect_dma semaphore(%run_scoped3A : memref<!tpu.dma_semaphore, #tpu.memory_space<semaphore_mem>>) src(%arg8 : memref<64x128xf32, #tpu.memory_space<vmem>>) dst(%dma_wait3A_91 : memref<10112x128xf32, #tpu.memory_space<vmem_shared>>)
        tpu.yield
      }) : () -> ()
    }
    %scan3A_28 = arith.constant 80 : i32
    %barrier3A_29 = arith.constant 0 : index
    tpu.barrier barrier_id(%barrier3A_29)
    %mul3A_30 = arith.constant 624 : i32
    %mul3A_31 = arith.muli %arg1, %mul3A_30 : i32
    %mul3A_32 = arith.constant 624 : i32
    %mul3A_33 = arith.muli %arg1, %mul3A_32 : i32
    "tpu.region"() ({
      %run_scoped3A = tpu.sem_alloc : memref<!tpu.dma_semaphore, #tpu.memory_space<semaphore_mem>>
      %dma_start3A = arith.constant 0 : i32
      %dma_start3A_81 = tpu.memref_slice %arg5[%add3A_1, %mul3A_33, %dma_start3A] : memref<4x10000x128xf32, #tpu.memory_space<hbm>> -> memref<1x624x128xf32, #tpu.memory_space<hbm>>
      %dma_start3A_82 = tpu.memref_squeeze %dma_start3A_81 : memref<1x624x128xf32, #tpu.memory_space<hbm>> -> memref<624x128xf32, #tpu.memory_space<hbm>>
      %dma_start3A_83 = arith.constant 0 : i32
      %dma_start3A_84 = tpu.memref_slice %arg6[%mul3A_31, %dma_start3A_83] : memref<10112x128xf32, #tpu.memory_space<vmem_shared>> -> memref<624x128xf32, #tpu.memory_space<vmem_shared>>
      tpu.enqueue_dma source(%dma_start3A_84 : memref<624x128xf32, #tpu.memory_space<vmem_shared>>) target(%dma_start3A_82 : memref<624x128xf32, #tpu.memory_space<hbm>>) target_semaphore(%run_scoped3A : memref<!tpu.dma_semaphore, #tpu.memory_space<semaphore_mem>>)
      %dma_wait3A = arith.constant 0 : i32
      %dma_wait3A_85 = tpu.memref_slice %arg5[%add3A_1, %mul3A_33, %dma_wait3A] : memref<4x10000x128xf32, #tpu.memory_space<hbm>> -> memref<1x624x128xf32, #tpu.memory_space<hbm>>
      %dma_wait3A_86 = tpu.memref_squeeze %dma_wait3A_85 : memref<1x624x128xf32, #tpu.memory_space<hbm>> -> memref<624x128xf32, #tpu.memory_space<hbm>>
      %dma_wait3A_87 = arith.constant 0 : i32
      %dma_wait3A_88 = tpu.memref_slice %arg6[%mul3A_31, %dma_wait3A_87] : memref<10112x128xf32, #tpu.memory_space<vmem_shared>> -> memref<624x128xf32, #tpu.memory_space<vmem_shared>>
      tpu.wait_dma2 semaphore(%run_scoped3A : memref<!tpu.dma_semaphore, #tpu.memory_space<semaphore_mem>>) src(%dma_wait3A_88 : memref<624x128xf32, #tpu.memory_space<vmem_shared>>) dst(%dma_wait3A_86 : memref<624x128xf32, #tpu.memory_space<hbm>>)
      tpu.yield
    }) : () -> ()
    %eq3A = arith.constant 15 : i32
    %eq3A_34 = arith.cmpi eq, %arg1, %eq3A : i32
    %convert_element_type3A = arith.extui %eq3A_34 : i1 to i32
    %cond3A = arith.constant 0 : i32
    %cond3A_35 = arith.cmpi ne, %convert_element_type3A, %cond3A : i32
    scf.if %cond3A_35 {
      "tpu.region"() ({
        %run_scoped3A = tpu.sem_alloc : memref<!tpu.dma_semaphore, #tpu.memory_space<semaphore_mem>>
        %dma_start3A = arith.constant 9984 : i32
        %dma_start3A_81 = arith.constant 0 : i32
        %dma_start3A_82 = tpu.memref_slice %arg5[%add3A_1, %dma_start3A, %dma_start3A_81] : memref<4x10000x128xf32, #tpu.memory_space<hbm>> -> memref<1x16x128xf32, #tpu.memory_space<hbm>>
        %dma_start3A_83 = tpu.memref_squeeze %dma_start3A_82 : memref<1x16x128xf32, #tpu.memory_space<hbm>> -> memref<16x128xf32, #tpu.memory_space<hbm>>
        %dma_start3A_84 = arith.constant 9984 : i32
        %dma_start3A_85 = arith.constant 0 : i32
        %dma_start3A_86 = tpu.memref_slice %arg6[%dma_start3A_84, %dma_start3A_85] : memref<10112x128xf32, #tpu.memory_space<vmem_shared>> -> memref<16x128xf32, #tpu.memory_space<vmem_shared>>
        tpu.enqueue_dma source(%dma_start3A_86 : memref<16x128xf32, #tpu.memory_space<vmem_shared>>) target(%dma_start3A_83 : memref<16x128xf32, #tpu.memory_space<hbm>>) target_semaphore(%run_scoped3A : memref<!tpu.dma_semaphore, #tpu.memory_space<semaphore_mem>>)
        %dma_wait3A = arith.constant 9984 : i32
        %dma_wait3A_87 = arith.constant 0 : i32
        %dma_wait3A_88 = tpu.memref_slice %arg5[%add3A_1, %dma_wait3A, %dma_wait3A_87] : memref<4x10000x128xf32, #tpu.memory_space<hbm>> -> memref<1x16x128xf32, #tpu.memory_space<hbm>>
        %dma_wait3A_89 = tpu.memref_squeeze %dma_wait3A_88 : memref<1x16x128xf32, #tpu.memory_space<hbm>> -> memref<16x128xf32, #tpu.memory_space<hbm>>
        %dma_wait3A_90 = arith.constant 9984 : i32
        %dma_wait3A_91 = arith.constant 0 : i32
        %dma_wait3A_92 = tpu.memref_slice %arg6[%dma_wait3A_90, %dma_wait3A_91] : memref<10112x128xf32, #tpu.memory_space<vmem_shared>> -> memref<16x128xf32, #tpu.memory_space<vmem_shared>>
        tpu.wait_dma2 semaphore(%run_scoped3A : memref<!tpu.dma_semaphore, #tpu.memory_space<semaphore_mem>>) src(%dma_wait3A_92 : memref<16x128xf32, #tpu.memory_space<vmem_shared>>) dst(%dma_wait3A_89 : memref<16x128xf32, #tpu.memory_space<hbm>>)
        tpu.yield
      }) : () -> ()
    } else {
    }
    %barrier3A_36 = arith.constant 0 : index
    tpu.barrier barrier_id(%barrier3A_36)
    %mul3A_37 = arith.constant 2 : i32
    %mul3A_38 = arith.muli %arg0, %mul3A_37 : i32
    %add3A_39 = arith.constant 1 : i32
    %add3A_40 = arith.addi %mul3A_38, %add3A_39 : i32
    "tpu.region"() ({
      %run_scoped3A = tpu.sem_alloc : memref<!tpu.dma_semaphore, #tpu.memory_space<semaphore_mem>>
      tpu.enqueue_dma source(%arg3 : memref<64x128xf32, #tpu.memory_space<hbm>>) target(%arg8 : memref<64x128xf32, #tpu.memory_space<vmem>>) target_semaphore(%run_scoped3A : memref<!tpu.dma_semaphore, #tpu.memory_space<semaphore_mem>>)
      tpu.wait_dma2 semaphore(%run_scoped3A : memref<!tpu.dma_semaphore, #tpu.memory_space<semaphore_mem>>) src(%arg3 : memref<64x128xf32, #tpu.memory_space<hbm>>) dst(%arg8 : memref<64x128xf32, #tpu.memory_space<vmem>>)
      tpu.yield
    }) : () -> ()
    %mul3A_41 = arith.constant 632 : i32
    %mul3A_42 = arith.muli %arg1, %mul3A_41 : i32
    %add3A_43 = arith.constant 0 : i32
    %add3A_44 = arith.addi %mul3A_42, %add3A_43 : i32
    "tpu.region"() ({
      %run_scoped3A = tpu.sem_alloc : memref<!tpu.dma_semaphore, #tpu.memory_space<semaphore_mem>>
      %dma_start3A = arith.constant 0 : i32
      %dma_start3A_81 = tpu.memref_slice %arg6[%add3A_44, %dma_start3A] : memref<10112x128xf32, #tpu.memory_space<vmem_shared>> -> memref<64x128xf32, #tpu.memory_space<vmem_shared>>
      %dma_start3A_82 = arith.constant 0 : i32
      %dma_start3A_83 = tpu.memref_slice %arg6[%add3A_44, %dma_start3A_82] : memref<10112x128xf32, #tpu.memory_space<vmem_shared>> -> memref<64x128xf32, #tpu.memory_space<vmem_shared>>
      tpu.enqueue_dma source(%arg8 : memref<64x128xf32, #tpu.memory_space<vmem>>) target(%dma_start3A_83 : memref<64x128xf32, #tpu.memory_space<vmem_shared>>) target_semaphore(%run_scoped3A : memref<!tpu.dma_semaphore, #tpu.memory_space<semaphore_mem>>)
      %dma_wait3A = arith.constant 0 : i32
      %dma_wait3A_84 = tpu.memref_slice %arg6[%add3A_44, %dma_wait3A] : memref<10112x128xf32, #tpu.memory_space<vmem_shared>> -> memref<64x128xf32, #tpu.memory_space<vmem_shared>>
      %dma_wait3A_85 = arith.constant 0 : i32
      %dma_wait3A_86 = tpu.memref_slice %arg6[%add3A_44, %dma_wait3A_85] : memref<10112x128xf32, #tpu.memory_space<vmem_shared>> -> memref<64x128xf32, #tpu.memory_space<vmem_shared>>
      tpu.wait_dma2 semaphore(%run_scoped3A : memref<!tpu.dma_semaphore, #tpu.memory_space<semaphore_mem>>) src(%arg8 : memref<64x128xf32, #tpu.memory_space<vmem>>) dst(%dma_wait3A_86 : memref<64x128xf32, #tpu.memory_space<vmem_shared>>)
      tpu.yield
    }) : () -> ()
    %add3A_45 = arith.constant 64 : i32
    %add3A_46 = arith.addi %mul3A_42, %add3A_45 : i32
    "tpu.region"() ({
      %run_scoped3A = tpu.sem_alloc : memref<!tpu.dma_semaphore, #tpu.memory_space<semaphore_mem>>
      %dma_start3A = arith.constant 0 : i32
      %dma_start3A_81 = tpu.memref_slice %arg6[%add3A_46, %dma_start3A] : memref<10112x128xf32, #tpu.memory_space<vmem_shared>> -> memref<64x128xf32, #tpu.memory_space<vmem_shared>>
      %dma_start3A_82 = arith.constant 0 : i32
      %dma_start3A_83 = tpu.memref_slice %arg6[%add3A_46, %dma_start3A_82] : memref<10112x128xf32, #tpu.memory_space<vmem_shared>> -> memref<64x128xf32, #tpu.memory_space<vmem_shared>>
      tpu.enqueue_dma source(%arg8 : memref<64x128xf32, #tpu.memory_space<vmem>>) target(%dma_start3A_83 : memref<64x128xf32, #tpu.memory_space<vmem_shared>>) target_semaphore(%run_scoped3A : memref<!tpu.dma_semaphore, #tpu.memory_space<semaphore_mem>>)
      %dma_wait3A = arith.constant 0 : i32
      %dma_wait3A_84 = tpu.memref_slice %arg6[%add3A_46, %dma_wait3A] : memref<10112x128xf32, #tpu.memory_space<vmem_shared>> -> memref<64x128xf32, #tpu.memory_space<vmem_shared>>
      %dma_wait3A_85 = arith.constant 0 : i32
      %dma_wait3A_86 = tpu.memref_slice %arg6[%add3A_46, %dma_wait3A_85] : memref<10112x128xf32, #tpu.memory_space<vmem_shared>> -> memref<64x128xf32, #tpu.memory_space<vmem_shared>>
      tpu.wait_dma2 semaphore(%run_scoped3A : memref<!tpu.dma_semaphore, #tpu.memory_space<semaphore_mem>>) src(%arg8 : memref<64x128xf32, #tpu.memory_space<vmem>>) dst(%dma_wait3A_86 : memref<64x128xf32, #tpu.memory_space<vmem_shared>>)
      tpu.yield
    }) : () -> ()
    %add3A_47 = arith.constant 128 : i32
    %add3A_48 = arith.addi %mul3A_42, %add3A_47 : i32
    "tpu.region"() ({
      %run_scoped3A = tpu.sem_alloc : memref<!tpu.dma_semaphore, #tpu.memory_space<semaphore_mem>>
      %dma_start3A = arith.constant 0 : i32
      %dma_start3A_81 = tpu.memref_slice %arg6[%add3A_48, %dma_start3A] : memref<10112x128xf32, #tpu.memory_space<vmem_shared>> -> memref<64x128xf32, #tpu.memory_space<vmem_shared>>
      %dma_start3A_82 = arith.constant 0 : i32
      %dma_start3A_83 = tpu.memref_slice %arg6[%add3A_48, %dma_start3A_82] : memref<10112x128xf32, #tpu.memory_space<vmem_shared>> -> memref<64x128xf32, #tpu.memory_space<vmem_shared>>
      tpu.enqueue_dma source(%arg8 : memref<64x128xf32, #tpu.memory_space<vmem>>) target(%dma_start3A_83 : memref<64x128xf32, #tpu.memory_space<vmem_shared>>) target_semaphore(%run_scoped3A : memref<!tpu.dma_semaphore, #tpu.memory_space<semaphore_mem>>)
      %dma_wait3A = arith.constant 0 : i32
      %dma_wait3A_84 = tpu.memref_slice %arg6[%add3A_48, %dma_wait3A] : memref<10112x128xf32, #tpu.memory_space<vmem_shared>> -> memref<64x128xf32, #tpu.memory_space<vmem_shared>>
      %dma_wait3A_85 = arith.constant 0 : i32
      %dma_wait3A_86 = tpu.memref_slice %arg6[%add3A_48, %dma_wait3A_85] : memref<10112x128xf32, #tpu.memory_space<vmem_shared>> -> memref<64x128xf32, #tpu.memory_space<vmem_shared>>
      tpu.wait_dma2 semaphore(%run_scoped3A : memref<!tpu.dma_semaphore, #tpu.memory_space<semaphore_mem>>) src(%arg8 : memref<64x128xf32, #tpu.memory_space<vmem>>) dst(%dma_wait3A_86 : memref<64x128xf32, #tpu.memory_space<vmem_shared>>)
      tpu.yield
    }) : () -> ()
    %add3A_49 = arith.constant 192 : i32
    %add3A_50 = arith.addi %mul3A_42, %add3A_49 : i32
    "tpu.region"() ({
      %run_scoped3A = tpu.sem_alloc : memref<!tpu.dma_semaphore, #tpu.memory_space<semaphore_mem>>
      %dma_start3A = arith.constant 0 : i32
      %dma_start3A_81 = tpu.memref_slice %arg6[%add3A_50, %dma_start3A] : memref<10112x128xf32, #tpu.memory_space<vmem_shared>> -> memref<64x128xf32, #tpu.memory_space<vmem_shared>>
      %dma_start3A_82 = arith.constant 0 : i32
      %dma_start3A_83 = tpu.memref_slice %arg6[%add3A_50, %dma_start3A_82] : memref<10112x128xf32, #tpu.memory_space<vmem_shared>> -> memref<64x128xf32, #tpu.memory_space<vmem_shared>>
      tpu.enqueue_dma source(%arg8 : memref<64x128xf32, #tpu.memory_space<vmem>>) target(%dma_start3A_83 : memref<64x128xf32, #tpu.memory_space<vmem_shared>>) target_semaphore(%run_scoped3A : memref<!tpu.dma_semaphore, #tpu.memory_space<semaphore_mem>>)
      %dma_wait3A = arith.constant 0 : i32
      %dma_wait3A_84 = tpu.memref_slice %arg6[%add3A_50, %dma_wait3A] : memref<10112x128xf32, #tpu.memory_space<vmem_shared>> -> memref<64x128xf32, #tpu.memory_space<vmem_shared>>
      %dma_wait3A_85 = arith.constant 0 : i32
      %dma_wait3A_86 = tpu.memref_slice %arg6[%add3A_50, %dma_wait3A_85] : memref<10112x128xf32, #tpu.memory_space<vmem_shared>> -> memref<64x128xf32, #tpu.memory_space<vmem_shared>>
      tpu.wait_dma2 semaphore(%run_scoped3A : memref<!tpu.dma_semaphore, #tpu.memory_space<semaphore_mem>>) src(%arg8 : memref<64x128xf32, #tpu.memory_space<vmem>>) dst(%dma_wait3A_86 : memref<64x128xf32, #tpu.memory_space<vmem_shared>>)
      tpu.yield
    }) : () -> ()
    %add3A_51 = arith.constant 256 : i32
    %add3A_52 = arith.addi %mul3A_42, %add3A_51 : i32
    "tpu.region"() ({
      %run_scoped3A = tpu.sem_alloc : memref<!tpu.dma_semaphore, #tpu.memory_space<semaphore_mem>>
      %dma_start3A = arith.constant 0 : i32
      %dma_start3A_81 = tpu.memref_slice %arg6[%add3A_52, %dma_start3A] : memref<10112x128xf32, #tpu.memory_space<vmem_shared>> -> memref<64x128xf32, #tpu.memory_space<vmem_shared>>
      %dma_start3A_82 = arith.constant 0 : i32
      %dma_start3A_83 = tpu.memref_slice %arg6[%add3A_52, %dma_start3A_82] : memref<10112x128xf32, #tpu.memory_space<vmem_shared>> -> memref<64x128xf32, #tpu.memory_space<vmem_shared>>
      tpu.enqueue_dma source(%arg8 : memref<64x128xf32, #tpu.memory_space<vmem>>) target(%dma_start3A_83 : memref<64x128xf32, #tpu.memory_space<vmem_shared>>) target_semaphore(%run_scoped3A : memref<!tpu.dma_semaphore, #tpu.memory_space<semaphore_mem>>)
      %dma_wait3A = arith.constant 0 : i32
      %dma_wait3A_84 = tpu.memref_slice %arg6[%add3A_52, %dma_wait3A] : memref<10112x128xf32, #tpu.memory_space<vmem_shared>> -> memref<64x128xf32, #tpu.memory_space<vmem_shared>>
      %dma_wait3A_85 = arith.constant 0 : i32
      %dma_wait3A_86 = tpu.memref_slice %arg6[%add3A_52, %dma_wait3A_85] : memref<10112x128xf32, #tpu.memory_space<vmem_shared>> -> memref<64x128xf32, #tpu.memory_space<vmem_shared>>
      tpu.wait_dma2 semaphore(%run_scoped3A : memref<!tpu.dma_semaphore, #tpu.memory_space<semaphore_mem>>) src(%arg8 : memref<64x128xf32, #tpu.memory_space<vmem>>) dst(%dma_wait3A_86 : memref<64x128xf32, #tpu.memory_space<vmem_shared>>)
      tpu.yield
    }) : () -> ()
    %add3A_53 = arith.constant 320 : i32
    %add3A_54 = arith.addi %mul3A_42, %add3A_53 : i32
    "tpu.region"() ({
      %run_scoped3A = tpu.sem_alloc : memref<!tpu.dma_semaphore, #tpu.memory_space<semaphore_mem>>
      %dma_start3A = arith.constant 0 : i32
      %dma_start3A_81 = tpu.memref_slice %arg6[%add3A_54, %dma_start3A] : memref<10112x128xf32, #tpu.memory_space<vmem_shared>> -> memref<64x128xf32, #tpu.memory_space<vmem_shared>>
      %dma_start3A_82 = arith.constant 0 : i32
      %dma_start3A_83 = tpu.memref_slice %arg6[%add3A_54, %dma_start3A_82] : memref<10112x128xf32, #tpu.memory_space<vmem_shared>> -> memref<64x128xf32, #tpu.memory_space<vmem_shared>>
      tpu.enqueue_dma source(%arg8 : memref<64x128xf32, #tpu.memory_space<vmem>>) target(%dma_start3A_83 : memref<64x128xf32, #tpu.memory_space<vmem_shared>>) target_semaphore(%run_scoped3A : memref<!tpu.dma_semaphore, #tpu.memory_space<semaphore_mem>>)
      %dma_wait3A = arith.constant 0 : i32
      %dma_wait3A_84 = tpu.memref_slice %arg6[%add3A_54, %dma_wait3A] : memref<10112x128xf32, #tpu.memory_space<vmem_shared>> -> memref<64x128xf32, #tpu.memory_space<vmem_shared>>
      %dma_wait3A_85 = arith.constant 0 : i32
      %dma_wait3A_86 = tpu.memref_slice %arg6[%add3A_54, %dma_wait3A_85] : memref<10112x128xf32, #tpu.memory_space<vmem_shared>> -> memref<64x128xf32, #tpu.memory_space<vmem_shared>>
      tpu.wait_dma2 semaphore(%run_scoped3A : memref<!tpu.dma_semaphore, #tpu.memory_space<semaphore_mem>>) src(%arg8 : memref<64x128xf32, #tpu.memory_space<vmem>>) dst(%dma_wait3A_86 : memref<64x128xf32, #tpu.memory_space<vmem_shared>>)
      tpu.yield
    }) : () -> ()
    %add3A_55 = arith.constant 384 : i32
    %add3A_56 = arith.addi %mul3A_42, %add3A_55 : i32
    "tpu.region"() ({
      %run_scoped3A = tpu.sem_alloc : memref<!tpu.dma_semaphore, #tpu.memory_space<semaphore_mem>>
      %dma_start3A = arith.constant 0 : i32
      %dma_start3A_81 = tpu.memref_slice %arg6[%add3A_56, %dma_start3A] : memref<10112x128xf32, #tpu.memory_space<vmem_shared>> -> memref<64x128xf32, #tpu.memory_space<vmem_shared>>
      %dma_start3A_82 = arith.constant 0 : i32
      %dma_start3A_83 = tpu.memref_slice %arg6[%add3A_56, %dma_start3A_82] : memref<10112x128xf32, #tpu.memory_space<vmem_shared>> -> memref<64x128xf32, #tpu.memory_space<vmem_shared>>
      tpu.enqueue_dma source(%arg8 : memref<64x128xf32, #tpu.memory_space<vmem>>) target(%dma_start3A_83 : memref<64x128xf32, #tpu.memory_space<vmem_shared>>) target_semaphore(%run_scoped3A : memref<!tpu.dma_semaphore, #tpu.memory_space<semaphore_mem>>)
      %dma_wait3A = arith.constant 0 : i32
      %dma_wait3A_84 = tpu.memref_slice %arg6[%add3A_56, %dma_wait3A] : memref<10112x128xf32, #tpu.memory_space<vmem_shared>> -> memref<64x128xf32, #tpu.memory_space<vmem_shared>>
      %dma_wait3A_85 = arith.constant 0 : i32
      %dma_wait3A_86 = tpu.memref_slice %arg6[%add3A_56, %dma_wait3A_85] : memref<10112x128xf32, #tpu.memory_space<vmem_shared>> -> memref<64x128xf32, #tpu.memory_space<vmem_shared>>
      tpu.wait_dma2 semaphore(%run_scoped3A : memref<!tpu.dma_semaphore, #tpu.memory_space<semaphore_mem>>) src(%arg8 : memref<64x128xf32, #tpu.memory_space<vmem>>) dst(%dma_wait3A_86 : memref<64x128xf32, #tpu.memory_space<vmem_shared>>)
      tpu.yield
    }) : () -> ()
    %add3A_57 = arith.constant 448 : i32
    %add3A_58 = arith.addi %mul3A_42, %add3A_57 : i32
    "tpu.region"() ({
      %run_scoped3A = tpu.sem_alloc : memref<!tpu.dma_semaphore, #tpu.memory_space<semaphore_mem>>
      %dma_start3A = arith.constant 0 : i32
      %dma_start3A_81 = tpu.memref_slice %arg6[%add3A_58, %dma_start3A] : memref<10112x128xf32, #tpu.memory_space<vmem_shared>> -> memref<64x128xf32, #tpu.memory_space<vmem_shared>>
      %dma_start3A_82 = arith.constant 0 : i32
      %dma_start3A_83 = tpu.memref_slice %arg6[%add3A_58, %dma_start3A_82] : memref<10112x128xf32, #tpu.memory_space<vmem_shared>> -> memref<64x128xf32, #tpu.memory_space<vmem_shared>>
      tpu.enqueue_dma source(%arg8 : memref<64x128xf32, #tpu.memory_space<vmem>>) target(%dma_start3A_83 : memref<64x128xf32, #tpu.memory_space<vmem_shared>>) target_semaphore(%run_scoped3A : memref<!tpu.dma_semaphore, #tpu.memory_space<semaphore_mem>>)
      %dma_wait3A = arith.constant 0 : i32
      %dma_wait3A_84 = tpu.memref_slice %arg6[%add3A_58, %dma_wait3A] : memref<10112x128xf32, #tpu.memory_space<vmem_shared>> -> memref<64x128xf32, #tpu.memory_space<vmem_shared>>
      %dma_wait3A_85 = arith.constant 0 : i32
      %dma_wait3A_86 = tpu.memref_slice %arg6[%add3A_58, %dma_wait3A_85] : memref<10112x128xf32, #tpu.memory_space<vmem_shared>> -> memref<64x128xf32, #tpu.memory_space<vmem_shared>>
      tpu.wait_dma2 semaphore(%run_scoped3A : memref<!tpu.dma_semaphore, #tpu.memory_space<semaphore_mem>>) src(%arg8 : memref<64x128xf32, #tpu.memory_space<vmem>>) dst(%dma_wait3A_86 : memref<64x128xf32, #tpu.memory_space<vmem_shared>>)
      tpu.yield
    }) : () -> ()
    %add3A_59 = arith.constant 512 : i32
    %add3A_60 = arith.addi %mul3A_42, %add3A_59 : i32
    "tpu.region"() ({
      %run_scoped3A = tpu.sem_alloc : memref<!tpu.dma_semaphore, #tpu.memory_space<semaphore_mem>>
      %dma_start3A = arith.constant 0 : i32
      %dma_start3A_81 = tpu.memref_slice %arg6[%add3A_60, %dma_start3A] : memref<10112x128xf32, #tpu.memory_space<vmem_shared>> -> memref<64x128xf32, #tpu.memory_space<vmem_shared>>
      %dma_start3A_82 = arith.constant 0 : i32
      %dma_start3A_83 = tpu.memref_slice %arg6[%add3A_60, %dma_start3A_82] : memref<10112x128xf32, #tpu.memory_space<vmem_shared>> -> memref<64x128xf32, #tpu.memory_space<vmem_shared>>
      tpu.enqueue_dma source(%arg8 : memref<64x128xf32, #tpu.memory_space<vmem>>) target(%dma_start3A_83 : memref<64x128xf32, #tpu.memory_space<vmem_shared>>) target_semaphore(%run_scoped3A : memref<!tpu.dma_semaphore, #tpu.memory_space<semaphore_mem>>)
      %dma_wait3A = arith.constant 0 : i32
      %dma_wait3A_84 = tpu.memref_slice %arg6[%add3A_60, %dma_wait3A] : memref<10112x128xf32, #tpu.memory_space<vmem_shared>> -> memref<64x128xf32, #tpu.memory_space<vmem_shared>>
      %dma_wait3A_85 = arith.constant 0 : i32
      %dma_wait3A_86 = tpu.memref_slice %arg6[%add3A_60, %dma_wait3A_85] : memref<10112x128xf32, #tpu.memory_space<vmem_shared>> -> memref<64x128xf32, #tpu.memory_space<vmem_shared>>
      tpu.wait_dma2 semaphore(%run_scoped3A : memref<!tpu.dma_semaphore, #tpu.memory_space<semaphore_mem>>) src(%arg8 : memref<64x128xf32, #tpu.memory_space<vmem>>) dst(%dma_wait3A_86 : memref<64x128xf32, #tpu.memory_space<vmem_shared>>)
      tpu.yield
    }) : () -> ()
    %add3A_61 = arith.constant 576 : i32
    %add3A_62 = arith.addi %mul3A_42, %add3A_61 : i32
    "tpu.region"() ({
      %run_scoped3A = tpu.sem_alloc : memref<!tpu.dma_semaphore, #tpu.memory_space<semaphore_mem>>
      %dma_start3A = arith.constant 0 : i32
      %dma_start3A_81 = arith.constant 0 : i32
      %dma_start3A_82 = tpu.memref_slice %arg8[%dma_start3A, %dma_start3A_81] : memref<64x128xf32, #tpu.memory_space<vmem>> -> memref<56x128xf32, #tpu.memory_space<vmem>>
      %dma_start3A_83 = arith.constant 0 : i32
      %dma_start3A_84 = tpu.memref_slice %arg6[%add3A_62, %dma_start3A_83] : memref<10112x128xf32, #tpu.memory_space<vmem_shared>> -> memref<56x128xf32, #tpu.memory_space<vmem_shared>>
      %dma_start3A_85 = arith.constant 0 : i32
      %dma_start3A_86 = tpu.memref_slice %arg6[%add3A_62, %dma_start3A_85] : memref<10112x128xf32, #tpu.memory_space<vmem_shared>> -> memref<56x128xf32, #tpu.memory_space<vmem_shared>>
      %dma_start3A_87 = arith.constant 0 : i32
      %dma_start3A_88 = arith.constant 0 : i32
      %dma_start3A_89 = tpu.memref_slice %arg8[%dma_start3A_87, %dma_start3A_88] : memref<64x128xf32, #tpu.memory_space<vmem>> -> memref<56x128xf32, #tpu.memory_space<vmem>>
      tpu.enqueue_dma source(%dma_start3A_89 : memref<56x128xf32, #tpu.memory_space<vmem>>) target(%dma_start3A_86 : memref<56x128xf32, #tpu.memory_space<vmem_shared>>) target_semaphore(%run_scoped3A : memref<!tpu.dma_semaphore, #tpu.memory_space<semaphore_mem>>)
      %dma_wait3A = arith.constant 0 : i32
      %dma_wait3A_90 = arith.constant 0 : i32
      %dma_wait3A_91 = tpu.memref_slice %arg8[%dma_wait3A, %dma_wait3A_90] : memref<64x128xf32, #tpu.memory_space<vmem>> -> memref<56x128xf32, #tpu.memory_space<vmem>>
      %dma_wait3A_92 = arith.constant 0 : i32
      %dma_wait3A_93 = tpu.memref_slice %arg6[%add3A_62, %dma_wait3A_92] : memref<10112x128xf32, #tpu.memory_space<vmem_shared>> -> memref<56x128xf32, #tpu.memory_space<vmem_shared>>
      %dma_wait3A_94 = arith.constant 0 : i32
      %dma_wait3A_95 = tpu.memref_slice %arg6[%add3A_62, %dma_wait3A_94] : memref<10112x128xf32, #tpu.memory_space<vmem_shared>> -> memref<56x128xf32, #tpu.memory_space<vmem_shared>>
      %dma_wait3A_96 = arith.constant 0 : i32
      %dma_wait3A_97 = arith.constant 0 : i32
      %dma_wait3A_98 = tpu.memref_slice %arg8[%dma_wait3A_96, %dma_wait3A_97] : memref<64x128xf32, #tpu.memory_space<vmem>> -> memref<56x128xf32, #tpu.memory_space<vmem>>
      tpu.wait_dma2 semaphore(%run_scoped3A : memref<!tpu.dma_semaphore, #tpu.memory_space<semaphore_mem>>) src(%dma_wait3A_98 : memref<56x128xf32, #tpu.memory_space<vmem>>) dst(%dma_wait3A_95 : memref<56x128xf32, #tpu.memory_space<vmem_shared>>)
      tpu.yield
    }) : () -> ()
    "tpu.region"() ({
      %run_scoped3A = tpu.sem_alloc : memref<!tpu.dma_semaphore, #tpu.memory_space<semaphore_mem>>
      %dma_start3A = arith.constant 0 : i32
      %dma_start3A_81 = arith.constant 0 : i32
      %dma_start3A_82 = tpu.memref_slice %arg2[%add3A_40, %arg1, %dma_start3A, %dma_start3A_81] : memref<4x16x80x64xi32, #tpu.memory_space<hbm>> -> memref<1x1x80x64xi32, #tpu.memory_space<hbm>>
      %dma_start3A_83 = tpu.memref_squeeze %dma_start3A_82 : memref<1x1x80x64xi32, #tpu.memory_space<hbm>> -> memref<80x64xi32, #tpu.memory_space<hbm>>
      %dma_start3A_84 = arith.constant 0 : i32
      %dma_start3A_85 = arith.constant 0 : i32
      %dma_start3A_86 = tpu.memref_slice %arg2[%add3A_40, %arg1, %dma_start3A_84, %dma_start3A_85] : memref<4x16x80x64xi32, #tpu.memory_space<hbm>> -> memref<1x1x80x64xi32, #tpu.memory_space<hbm>>
      %dma_start3A_87 = tpu.memref_squeeze %dma_start3A_86 : memref<1x1x80x64xi32, #tpu.memory_space<hbm>> -> memref<80x64xi32, #tpu.memory_space<hbm>>
      tpu.enqueue_dma source(%dma_start3A_87 : memref<80x64xi32, #tpu.memory_space<hbm>>) target(%arg7 : memref<80x64xi32, #tpu.memory_space<vmem>>) target_semaphore(%run_scoped3A : memref<!tpu.dma_semaphore, #tpu.memory_space<semaphore_mem>>)
      %dma_wait3A = arith.constant 0 : i32
      %dma_wait3A_88 = arith.constant 0 : i32
      %dma_wait3A_89 = tpu.memref_slice %arg2[%add3A_40, %arg1, %dma_wait3A, %dma_wait3A_88] : memref<4x16x80x64xi32, #tpu.memory_space<hbm>> -> memref<1x1x80x64xi32, #tpu.memory_space<hbm>>
      %dma_wait3A_90 = tpu.memref_squeeze %dma_wait3A_89 : memref<1x1x80x64xi32, #tpu.memory_space<hbm>> -> memref<80x64xi32, #tpu.memory_space<hbm>>
      %dma_wait3A_91 = arith.constant 0 : i32
      %dma_wait3A_92 = arith.constant 0 : i32
      %dma_wait3A_93 = tpu.memref_slice %arg2[%add3A_40, %arg1, %dma_wait3A_91, %dma_wait3A_92] : memref<4x16x80x64xi32, #tpu.memory_space<hbm>> -> memref<1x1x80x64xi32, #tpu.memory_space<hbm>>
      %dma_wait3A_94 = tpu.memref_squeeze %dma_wait3A_93 : memref<1x1x80x64xi32, #tpu.memory_space<hbm>> -> memref<80x64xi32, #tpu.memory_space<hbm>>
      tpu.wait_dma2 semaphore(%run_scoped3A : memref<!tpu.dma_semaphore, #tpu.memory_space<semaphore_mem>>) src(%dma_wait3A_94 : memref<80x64xi32, #tpu.memory_space<hbm>>) dst(%arg7 : memref<80x64xi32, #tpu.memory_space<vmem>>)
      tpu.yield
    }) : () -> ()
    "tpu.region"() ({
      %run_scoped3A = tpu.sem_alloc : memref<!tpu.dma_semaphore, #tpu.memory_space<semaphore_mem>>
      tpu.enqueue_dma source(%arg4 : memref<64x128xf32, #tpu.memory_space<hbm>>) target(%arg8 : memref<64x128xf32, #tpu.memory_space<vmem>>) target_semaphore(%run_scoped3A : memref<!tpu.dma_semaphore, #tpu.memory_space<semaphore_mem>>)
      tpu.wait_dma2 semaphore(%run_scoped3A : memref<!tpu.dma_semaphore, #tpu.memory_space<semaphore_mem>>) src(%arg4 : memref<64x128xf32, #tpu.memory_space<hbm>>) dst(%arg8 : memref<64x128xf32, #tpu.memory_space<vmem>>)
      tpu.yield
    }) : () -> ()
    %barrier3A_63 = arith.constant 0 : index
    tpu.barrier barrier_id(%barrier3A_63)
    %scan3A_64 = arith.constant 0 : i32
    %scan3A_65 = arith.constant 0 : i32
    %scan3A_66 = arith.constant 80 : i32
    %scan3A_67 = arith.addi %scan3A_65, %scan3A_66 : i32
    %scan3A_68 = arith.constant 1 : i32
    scf.for %scan3A_81 = %scan3A_65 to %scan3A_67 step %scan3A_68  : i32 {
      "tpu.region"() ({
        %run_scoped3A = tpu.sem_alloc : memref<!tpu.dma_semaphore, #tpu.memory_space<semaphore_mem>>
        %dma_start3A = arith.constant 0 : i32
        %dma_start3A_82 = tpu.memref_slice %arg7[%scan3A_81, %dma_start3A] : memref<80x64xi32, #tpu.memory_space<vmem>> -> memref<1x64xi32, #tpu.memory_space<vmem>>
        %dma_start3A_83 = tpu.memref_squeeze %dma_start3A_82 : memref<1x64xi32, #tpu.memory_space<vmem>> -> memref<64xi32, #tpu.memory_space<vmem>>
        %dma_start3A_84 = arith.constant 0 : i32
        %dma_start3A_85 = arith.constant 0 : i32
        %dma_start3A_86 = tpu.memref_slice %arg6[%dma_start3A_84, %dma_start3A_85] : memref<10112x128xf32, #tpu.memory_space<vmem_shared>> -> memref<10112x128xf32, #tpu.memory_space<vmem_shared>>
        tpu.enqueue_indirect_dma source(%arg8 : memref<64x128xf32, #tpu.memory_space<vmem>>) target(%dma_start3A_86 : memref<10112x128xf32, #tpu.memory_space<vmem_shared>>) offsets(%dma_start3A_83 : memref<64xi32, #tpu.memory_space<vmem>>) semaphore(%run_scoped3A : memref<!tpu.dma_semaphore, #tpu.memory_space<semaphore_mem>>) {add = true}
        %dma_wait3A = arith.constant 0 : i32
        %dma_wait3A_87 = tpu.memref_slice %arg7[%scan3A_81, %dma_wait3A] : memref<80x64xi32, #tpu.memory_space<vmem>> -> memref<1x64xi32, #tpu.memory_space<vmem>>
        %dma_wait3A_88 = tpu.memref_squeeze %dma_wait3A_87 : memref<1x64xi32, #tpu.memory_space<vmem>> -> memref<64xi32, #tpu.memory_space<vmem>>
        %dma_wait3A_89 = arith.constant 0 : i32
        %dma_wait3A_90 = arith.constant 0 : i32
        %dma_wait3A_91 = tpu.memref_slice %arg6[%dma_wait3A_89, %dma_wait3A_90] : memref<10112x128xf32, #tpu.memory_space<vmem_shared>> -> memref<10112x128xf32, #tpu.memory_space<vmem_shared>>
        tpu.wait_indirect_dma semaphore(%run_scoped3A : memref<!tpu.dma_semaphore, #tpu.memory_space<semaphore_mem>>) src(%arg8 : memref<64x128xf32, #tpu.memory_space<vmem>>) dst(%dma_wait3A_91 : memref<10112x128xf32, #tpu.memory_space<vmem_shared>>)
        tpu.yield
      }) : () -> ()
    }
    %scan3A_69 = arith.constant 80 : i32
    %barrier3A_70 = arith.constant 0 : index
    tpu.barrier barrier_id(%barrier3A_70)
    %mul3A_71 = arith.constant 624 : i32
    %mul3A_72 = arith.muli %arg1, %mul3A_71 : i32
    %mul3A_73 = arith.constant 624 : i32
    %mul3A_74 = arith.muli %arg1, %mul3A_73 : i32
    "tpu.region"() ({
      %run_scoped3A = tpu.sem_alloc : memref<!tpu.dma_semaphore, #tpu.memory_space<semaphore_mem>>
      %dma_start3A = arith.constant 0 : i32
      %dma_start3A_81 = tpu.memref_slice %arg5[%add3A_40, %mul3A_74, %dma_start3A] : memref<4x10000x128xf32, #tpu.memory_space<hbm>> -> memref<1x624x128xf32, #tpu.memory_space<hbm>>
      %dma_start3A_82 = tpu.memref_squeeze %dma_start3A_81 : memref<1x624x128xf32, #tpu.memory_space<hbm>> -> memref<624x128xf32, #tpu.memory_space<hbm>>
      %dma_start3A_83 = arith.constant 0 : i32
      %dma_start3A_84 = tpu.memref_slice %arg6[%mul3A_72, %dma_start3A_83] : memref<10112x128xf32, #tpu.memory_space<vmem_shared>> -> memref<624x128xf32, #tpu.memory_space<vmem_shared>>
      tpu.enqueue_dma source(%dma_start3A_84 : memref<624x128xf32, #tpu.memory_space<vmem_shared>>) target(%dma_start3A_82 : memref<624x128xf32, #tpu.memory_space<hbm>>) target_semaphore(%run_scoped3A : memref<!tpu.dma_semaphore, #tpu.memory_space<semaphore_mem>>)
      %dma_wait3A = arith.constant 0 : i32
      %dma_wait3A_85 = tpu.memref_slice %arg5[%add3A_40, %mul3A_74, %dma_wait3A] : memref<4x10000x128xf32, #tpu.memory_space<hbm>> -> memref<1x624x128xf32, #tpu.memory_space<hbm>>
      %dma_wait3A_86 = tpu.memref_squeeze %dma_wait3A_85 : memref<1x624x128xf32, #tpu.memory_space<hbm>> -> memref<624x128xf32, #tpu.memory_space<hbm>>
      %dma_wait3A_87 = arith.constant 0 : i32
      %dma_wait3A_88 = tpu.memref_slice %arg6[%mul3A_72, %dma_wait3A_87] : memref<10112x128xf32, #tpu.memory_space<vmem_shared>> -> memref<624x128xf32, #tpu.memory_space<vmem_shared>>
      tpu.wait_dma2 semaphore(%run_scoped3A : memref<!tpu.dma_semaphore, #tpu.memory_space<semaphore_mem>>) src(%dma_wait3A_88 : memref<624x128xf32, #tpu.memory_space<vmem_shared>>) dst(%dma_wait3A_86 : memref<624x128xf32, #tpu.memory_space<hbm>>)
      tpu.yield
    }) : () -> ()
    %eq3A_75 = arith.constant 15 : i32
    %eq3A_76 = arith.cmpi eq, %arg1, %eq3A_75 : i32
    %convert_element_type3A_77 = arith.extui %eq3A_76 : i1 to i32
    %cond3A_78 = arith.constant 0 : i32
    %cond3A_79 = arith.cmpi ne, %convert_element_type3A_77, %cond3A_78 : i32
    scf.if %cond3A_79 {
      "tpu.region"() ({
        %run_scoped3A = tpu.sem_alloc : memref<!tpu.dma_semaphore, #tpu.memory_space<semaphore_mem>>
        %dma_start3A = arith.constant 9984 : i32
        %dma_start3A_81 = arith.constant 0 : i32
        %dma_start3A_82 = tpu.memref_slice %arg5[%add3A_40, %dma_start3A, %dma_start3A_81] : memref<4x10000x128xf32, #tpu.memory_space<hbm>> -> memref<1x16x128xf32, #tpu.memory_space<hbm>>
        %dma_start3A_83 = tpu.memref_squeeze %dma_start3A_82 : memref<1x16x128xf32, #tpu.memory_space<hbm>> -> memref<16x128xf32, #tpu.memory_space<hbm>>
        %dma_start3A_84 = arith.constant 9984 : i32
        %dma_start3A_85 = arith.constant 0 : i32
        %dma_start3A_86 = tpu.memref_slice %arg6[%dma_start3A_84, %dma_start3A_85] : memref<10112x128xf32, #tpu.memory_space<vmem_shared>> -> memref<16x128xf32, #tpu.memory_space<vmem_shared>>
        tpu.enqueue_dma source(%dma_start3A_86 : memref<16x128xf32, #tpu.memory_space<vmem_shared>>) target(%dma_start3A_83 : memref<16x128xf32, #tpu.memory_space<hbm>>) target_semaphore(%run_scoped3A : memref<!tpu.dma_semaphore, #tpu.memory_space<semaphore_mem>>)
        %dma_wait3A = arith.constant 9984 : i32
        %dma_wait3A_87 = arith.constant 0 : i32
        %dma_wait3A_88 = tpu.memref_slice %arg5[%add3A_40, %dma_wait3A, %dma_wait3A_87] : memref<4x10000x128xf32, #tpu.memory_space<hbm>> -> memref<1x16x128xf32, #tpu.memory_space<hbm>>
        %dma_wait3A_89 = tpu.memref_squeeze %dma_wait3A_88 : memref<1x16x128xf32, #tpu.memory_space<hbm>> -> memref<16x128xf32, #tpu.memory_space<hbm>>
        %dma_wait3A_90 = arith.constant 9984 : i32
        %dma_wait3A_91 = arith.constant 0 : i32
        %dma_wait3A_92 = tpu.memref_slice %arg6[%dma_wait3A_90, %dma_wait3A_91] : memref<10112x128xf32, #tpu.memory_space<vmem_shared>> -> memref<16x128xf32, #tpu.memory_space<vmem_shared>>
        tpu.wait_dma2 semaphore(%run_scoped3A : memref<!tpu.dma_semaphore, #tpu.memory_space<semaphore_mem>>) src(%dma_wait3A_92 : memref<16x128xf32, #tpu.memory_space<vmem_shared>>) dst(%dma_wait3A_89 : memref<16x128xf32, #tpu.memory_space<hbm>>)
        tpu.yield
      }) : () -> ()
    } else {
    }
    %barrier3A_80 = arith.constant 0 : index
    tpu.barrier barrier_id(%barrier3A_80)
    return
  }
}

#map = affine_map<(d0, d1) -> (0, 0)>
#map1 = affine_map<(d0, d1) -> (0, 0, 0, 0)>
#map2 = affine_map<(d0, d1) -> (0, 0, 0)>
module attributes {stable_mosaic.version = 14 : i64} {
  func.func @body(%arg0: i32, %arg1: i32, %arg2: memref<10000x128xf32, #tpu.memory_space<hbm>>, %arg3: memref<4x16x80x64xi32, #tpu.memory_space<hbm>>, %arg4: memref<4x16x80x64xi32, #tpu.memory_space<hbm>>, %arg5: memref<64x128xf32, #tpu.memory_space<hbm>>, %arg6: memref<4x10000x128xf32, #tpu.memory_space<hbm>>, %arg7: memref<80x64xi32, #tpu.memory_space<vmem>>, %arg8: memref<3x64x128xf32, #tpu.memory_space<vmem>>, %arg9: memref<10112x128xf32, #tpu.memory_space<vmem_shared>>, %arg10: memref<3x1x!tpu.dma_semaphore, #tpu.memory_space<semaphore_mem>>, %arg11: memref<80x64xi32, #tpu.memory_space<vmem>>) attributes {dimension_semantics = [#tpu.dimension_semantics<core_parallel>, #tpu.dimension_semantics<subcore_parallel>], iteration_bounds = array<i64: 2, 16>, scalar_prefetch = 0 : i64, scratch_operands = 5 : i64, tpu.core_type = #tpu.core_type<sc_vector_subcore>, window_params = [{transform_indices = #map}, {transform_indices = #map1}, {transform_indices = #map1}, {transform_indices = #map}, {transform_indices = #map2}]} {
    %mul3A = arith.constant 2 : i32
    %mul3A_0 = arith.muli %arg0, %mul3A : i32
    %add3A = arith.constant 0 : i32
    %add3A_1 = arith.addi %mul3A_0, %add3A : i32
    %run_scoped3A = arith.constant 0 : i32
    "tpu.region"() ({
      %run_scoped3A_165 = tpu.sem_alloc : memref<!tpu.dma_semaphore, #tpu.memory_space<semaphore_mem>>
      %dma_start3A_166 = arith.constant 0 : i32
      %dma_start3A_167 = arith.constant 0 : i32
      %dma_start3A_168 = tpu.memref_slice %arg8[%run_scoped3A, %dma_start3A_166, %dma_start3A_167] : memref<3x64x128xf32, #tpu.memory_space<vmem>> -> memref<1x64x128xf32, #tpu.memory_space<vmem>>
      %dma_start3A_169 = tpu.memref_squeeze %dma_start3A_168 : memref<1x64x128xf32, #tpu.memory_space<vmem>> -> memref<64x128xf32, #tpu.memory_space<vmem>>
      %dma_start3A_170 = arith.constant 0 : i32
      %dma_start3A_171 = arith.constant 0 : i32
      %dma_start3A_172 = tpu.memref_slice %arg8[%run_scoped3A, %dma_start3A_170, %dma_start3A_171] : memref<3x64x128xf32, #tpu.memory_space<vmem>> -> memref<1x64x128xf32, #tpu.memory_space<vmem>>
      %dma_start3A_173 = tpu.memref_squeeze %dma_start3A_172 : memref<1x64x128xf32, #tpu.memory_space<vmem>> -> memref<64x128xf32, #tpu.memory_space<vmem>>
      tpu.enqueue_dma source(%arg5 : memref<64x128xf32, #tpu.memory_space<hbm>>) target(%dma_start3A_173 : memref<64x128xf32, #tpu.memory_space<vmem>>) target_semaphore(%run_scoped3A_165 : memref<!tpu.dma_semaphore, #tpu.memory_space<semaphore_mem>>)
      %dma_wait3A = arith.constant 0 : i32
      %dma_wait3A_174 = arith.constant 0 : i32
      %dma_wait3A_175 = tpu.memref_slice %arg8[%run_scoped3A, %dma_wait3A, %dma_wait3A_174] : memref<3x64x128xf32, #tpu.memory_space<vmem>> -> memref<1x64x128xf32, #tpu.memory_space<vmem>>
      %dma_wait3A_176 = tpu.memref_squeeze %dma_wait3A_175 : memref<1x64x128xf32, #tpu.memory_space<vmem>> -> memref<64x128xf32, #tpu.memory_space<vmem>>
      %dma_wait3A_177 = arith.constant 0 : i32
      %dma_wait3A_178 = arith.constant 0 : i32
      %dma_wait3A_179 = tpu.memref_slice %arg8[%run_scoped3A, %dma_wait3A_177, %dma_wait3A_178] : memref<3x64x128xf32, #tpu.memory_space<vmem>> -> memref<1x64x128xf32, #tpu.memory_space<vmem>>
      %dma_wait3A_180 = tpu.memref_squeeze %dma_wait3A_179 : memref<1x64x128xf32, #tpu.memory_space<vmem>> -> memref<64x128xf32, #tpu.memory_space<vmem>>
      tpu.wait_dma2 semaphore(%run_scoped3A_165 : memref<!tpu.dma_semaphore, #tpu.memory_space<semaphore_mem>>) src(%arg5 : memref<64x128xf32, #tpu.memory_space<hbm>>) dst(%dma_wait3A_180 : memref<64x128xf32, #tpu.memory_space<vmem>>)
      tpu.yield
    }) : () -> ()
    %mul3A_2 = arith.constant 632 : i32
    %mul3A_3 = arith.muli %arg1, %mul3A_2 : i32
    %add3A_4 = arith.constant 0 : i32
    %add3A_5 = arith.addi %mul3A_3, %add3A_4 : i32
    %run_scoped3A_6 = arith.constant 0 : i32
    "tpu.region"() ({
      %run_scoped3A_165 = tpu.sem_alloc : memref<!tpu.dma_semaphore, #tpu.memory_space<semaphore_mem>>
      %dma_start3A_166 = arith.constant 0 : i32
      %dma_start3A_167 = arith.constant 0 : i32
      %dma_start3A_168 = tpu.memref_slice %arg8[%run_scoped3A_6, %dma_start3A_166, %dma_start3A_167] : memref<3x64x128xf32, #tpu.memory_space<vmem>> -> memref<1x64x128xf32, #tpu.memory_space<vmem>>
      %dma_start3A_169 = tpu.memref_squeeze %dma_start3A_168 : memref<1x64x128xf32, #tpu.memory_space<vmem>> -> memref<64x128xf32, #tpu.memory_space<vmem>>
      %dma_start3A_170 = arith.constant 0 : i32
      %dma_start3A_171 = tpu.memref_slice %arg9[%add3A_5, %dma_start3A_170] : memref<10112x128xf32, #tpu.memory_space<vmem_shared>> -> memref<64x128xf32, #tpu.memory_space<vmem_shared>>
      %dma_start3A_172 = arith.constant 0 : i32
      %dma_start3A_173 = tpu.memref_slice %arg9[%add3A_5, %dma_start3A_172] : memref<10112x128xf32, #tpu.memory_space<vmem_shared>> -> memref<64x128xf32, #tpu.memory_space<vmem_shared>>
      %dma_start3A_174 = arith.constant 0 : i32
      %dma_start3A_175 = arith.constant 0 : i32
      %dma_start3A_176 = tpu.memref_slice %arg8[%run_scoped3A_6, %dma_start3A_174, %dma_start3A_175] : memref<3x64x128xf32, #tpu.memory_space<vmem>> -> memref<1x64x128xf32, #tpu.memory_space<vmem>>
      %dma_start3A_177 = tpu.memref_squeeze %dma_start3A_176 : memref<1x64x128xf32, #tpu.memory_space<vmem>> -> memref<64x128xf32, #tpu.memory_space<vmem>>
      tpu.enqueue_dma source(%dma_start3A_177 : memref<64x128xf32, #tpu.memory_space<vmem>>) target(%dma_start3A_173 : memref<64x128xf32, #tpu.memory_space<vmem_shared>>) target_semaphore(%run_scoped3A_165 : memref<!tpu.dma_semaphore, #tpu.memory_space<semaphore_mem>>)
      %dma_wait3A = arith.constant 0 : i32
      %dma_wait3A_178 = arith.constant 0 : i32
      %dma_wait3A_179 = tpu.memref_slice %arg8[%run_scoped3A_6, %dma_wait3A, %dma_wait3A_178] : memref<3x64x128xf32, #tpu.memory_space<vmem>> -> memref<1x64x128xf32, #tpu.memory_space<vmem>>
      %dma_wait3A_180 = tpu.memref_squeeze %dma_wait3A_179 : memref<1x64x128xf32, #tpu.memory_space<vmem>> -> memref<64x128xf32, #tpu.memory_space<vmem>>
      %dma_wait3A_181 = arith.constant 0 : i32
      %dma_wait3A_182 = tpu.memref_slice %arg9[%add3A_5, %dma_wait3A_181] : memref<10112x128xf32, #tpu.memory_space<vmem_shared>> -> memref<64x128xf32, #tpu.memory_space<vmem_shared>>
      %dma_wait3A_183 = arith.constant 0 : i32
      %dma_wait3A_184 = tpu.memref_slice %arg9[%add3A_5, %dma_wait3A_183] : memref<10112x128xf32, #tpu.memory_space<vmem_shared>> -> memref<64x128xf32, #tpu.memory_space<vmem_shared>>
      %dma_wait3A_185 = arith.constant 0 : i32
      %dma_wait3A_186 = arith.constant 0 : i32
      %dma_wait3A_187 = tpu.memref_slice %arg8[%run_scoped3A_6, %dma_wait3A_185, %dma_wait3A_186] : memref<3x64x128xf32, #tpu.memory_space<vmem>> -> memref<1x64x128xf32, #tpu.memory_space<vmem>>
      %dma_wait3A_188 = tpu.memref_squeeze %dma_wait3A_187 : memref<1x64x128xf32, #tpu.memory_space<vmem>> -> memref<64x128xf32, #tpu.memory_space<vmem>>
      tpu.wait_dma2 semaphore(%run_scoped3A_165 : memref<!tpu.dma_semaphore, #tpu.memory_space<semaphore_mem>>) src(%dma_wait3A_188 : memref<64x128xf32, #tpu.memory_space<vmem>>) dst(%dma_wait3A_184 : memref<64x128xf32, #tpu.memory_space<vmem_shared>>)
      tpu.yield
    }) : () -> ()
    %add3A_7 = arith.constant 64 : i32
    %add3A_8 = arith.addi %mul3A_3, %add3A_7 : i32
    %run_scoped3A_9 = arith.constant 0 : i32
    "tpu.region"() ({
      %run_scoped3A_165 = tpu.sem_alloc : memref<!tpu.dma_semaphore, #tpu.memory_space<semaphore_mem>>
      %dma_start3A_166 = arith.constant 0 : i32
      %dma_start3A_167 = arith.constant 0 : i32
      %dma_start3A_168 = tpu.memref_slice %arg8[%run_scoped3A_9, %dma_start3A_166, %dma_start3A_167] : memref<3x64x128xf32, #tpu.memory_space<vmem>> -> memref<1x64x128xf32, #tpu.memory_space<vmem>>
      %dma_start3A_169 = tpu.memref_squeeze %dma_start3A_168 : memref<1x64x128xf32, #tpu.memory_space<vmem>> -> memref<64x128xf32, #tpu.memory_space<vmem>>
      %dma_start3A_170 = arith.constant 0 : i32
      %dma_start3A_171 = tpu.memref_slice %arg9[%add3A_8, %dma_start3A_170] : memref<10112x128xf32, #tpu.memory_space<vmem_shared>> -> memref<64x128xf32, #tpu.memory_space<vmem_shared>>
      %dma_start3A_172 = arith.constant 0 : i32
      %dma_start3A_173 = tpu.memref_slice %arg9[%add3A_8, %dma_start3A_172] : memref<10112x128xf32, #tpu.memory_space<vmem_shared>> -> memref<64x128xf32, #tpu.memory_space<vmem_shared>>
      %dma_start3A_174 = arith.constant 0 : i32
      %dma_start3A_175 = arith.constant 0 : i32
      %dma_start3A_176 = tpu.memref_slice %arg8[%run_scoped3A_9, %dma_start3A_174, %dma_start3A_175] : memref<3x64x128xf32, #tpu.memory_space<vmem>> -> memref<1x64x128xf32, #tpu.memory_space<vmem>>
      %dma_start3A_177 = tpu.memref_squeeze %dma_start3A_176 : memref<1x64x128xf32, #tpu.memory_space<vmem>> -> memref<64x128xf32, #tpu.memory_space<vmem>>
      tpu.enqueue_dma source(%dma_start3A_177 : memref<64x128xf32, #tpu.memory_space<vmem>>) target(%dma_start3A_173 : memref<64x128xf32, #tpu.memory_space<vmem_shared>>) target_semaphore(%run_scoped3A_165 : memref<!tpu.dma_semaphore, #tpu.memory_space<semaphore_mem>>)
      %dma_wait3A = arith.constant 0 : i32
      %dma_wait3A_178 = arith.constant 0 : i32
      %dma_wait3A_179 = tpu.memref_slice %arg8[%run_scoped3A_9, %dma_wait3A, %dma_wait3A_178] : memref<3x64x128xf32, #tpu.memory_space<vmem>> -> memref<1x64x128xf32, #tpu.memory_space<vmem>>
      %dma_wait3A_180 = tpu.memref_squeeze %dma_wait3A_179 : memref<1x64x128xf32, #tpu.memory_space<vmem>> -> memref<64x128xf32, #tpu.memory_space<vmem>>
      %dma_wait3A_181 = arith.constant 0 : i32
      %dma_wait3A_182 = tpu.memref_slice %arg9[%add3A_8, %dma_wait3A_181] : memref<10112x128xf32, #tpu.memory_space<vmem_shared>> -> memref<64x128xf32, #tpu.memory_space<vmem_shared>>
      %dma_wait3A_183 = arith.constant 0 : i32
      %dma_wait3A_184 = tpu.memref_slice %arg9[%add3A_8, %dma_wait3A_183] : memref<10112x128xf32, #tpu.memory_space<vmem_shared>> -> memref<64x128xf32, #tpu.memory_space<vmem_shared>>
      %dma_wait3A_185 = arith.constant 0 : i32
      %dma_wait3A_186 = arith.constant 0 : i32
      %dma_wait3A_187 = tpu.memref_slice %arg8[%run_scoped3A_9, %dma_wait3A_185, %dma_wait3A_186] : memref<3x64x128xf32, #tpu.memory_space<vmem>> -> memref<1x64x128xf32, #tpu.memory_space<vmem>>
      %dma_wait3A_188 = tpu.memref_squeeze %dma_wait3A_187 : memref<1x64x128xf32, #tpu.memory_space<vmem>> -> memref<64x128xf32, #tpu.memory_space<vmem>>
      tpu.wait_dma2 semaphore(%run_scoped3A_165 : memref<!tpu.dma_semaphore, #tpu.memory_space<semaphore_mem>>) src(%dma_wait3A_188 : memref<64x128xf32, #tpu.memory_space<vmem>>) dst(%dma_wait3A_184 : memref<64x128xf32, #tpu.memory_space<vmem_shared>>)
      tpu.yield
    }) : () -> ()
    %add3A_10 = arith.constant 128 : i32
    %add3A_11 = arith.addi %mul3A_3, %add3A_10 : i32
    %run_scoped3A_12 = arith.constant 0 : i32
    "tpu.region"() ({
      %run_scoped3A_165 = tpu.sem_alloc : memref<!tpu.dma_semaphore, #tpu.memory_space<semaphore_mem>>
      %dma_start3A_166 = arith.constant 0 : i32
      %dma_start3A_167 = arith.constant 0 : i32
      %dma_start3A_168 = tpu.memref_slice %arg8[%run_scoped3A_12, %dma_start3A_166, %dma_start3A_167] : memref<3x64x128xf32, #tpu.memory_space<vmem>> -> memref<1x64x128xf32, #tpu.memory_space<vmem>>
      %dma_start3A_169 = tpu.memref_squeeze %dma_start3A_168 : memref<1x64x128xf32, #tpu.memory_space<vmem>> -> memref<64x128xf32, #tpu.memory_space<vmem>>
      %dma_start3A_170 = arith.constant 0 : i32
      %dma_start3A_171 = tpu.memref_slice %arg9[%add3A_11, %dma_start3A_170] : memref<10112x128xf32, #tpu.memory_space<vmem_shared>> -> memref<64x128xf32, #tpu.memory_space<vmem_shared>>
      %dma_start3A_172 = arith.constant 0 : i32
      %dma_start3A_173 = tpu.memref_slice %arg9[%add3A_11, %dma_start3A_172] : memref<10112x128xf32, #tpu.memory_space<vmem_shared>> -> memref<64x128xf32, #tpu.memory_space<vmem_shared>>
      %dma_start3A_174 = arith.constant 0 : i32
      %dma_start3A_175 = arith.constant 0 : i32
      %dma_start3A_176 = tpu.memref_slice %arg8[%run_scoped3A_12, %dma_start3A_174, %dma_start3A_175] : memref<3x64x128xf32, #tpu.memory_space<vmem>> -> memref<1x64x128xf32, #tpu.memory_space<vmem>>
      %dma_start3A_177 = tpu.memref_squeeze %dma_start3A_176 : memref<1x64x128xf32, #tpu.memory_space<vmem>> -> memref<64x128xf32, #tpu.memory_space<vmem>>
      tpu.enqueue_dma source(%dma_start3A_177 : memref<64x128xf32, #tpu.memory_space<vmem>>) target(%dma_start3A_173 : memref<64x128xf32, #tpu.memory_space<vmem_shared>>) target_semaphore(%run_scoped3A_165 : memref<!tpu.dma_semaphore, #tpu.memory_space<semaphore_mem>>)
      %dma_wait3A = arith.constant 0 : i32
      %dma_wait3A_178 = arith.constant 0 : i32
      %dma_wait3A_179 = tpu.memref_slice %arg8[%run_scoped3A_12, %dma_wait3A, %dma_wait3A_178] : memref<3x64x128xf32, #tpu.memory_space<vmem>> -> memref<1x64x128xf32, #tpu.memory_space<vmem>>
      %dma_wait3A_180 = tpu.memref_squeeze %dma_wait3A_179 : memref<1x64x128xf32, #tpu.memory_space<vmem>> -> memref<64x128xf32, #tpu.memory_space<vmem>>
      %dma_wait3A_181 = arith.constant 0 : i32
      %dma_wait3A_182 = tpu.memref_slice %arg9[%add3A_11, %dma_wait3A_181] : memref<10112x128xf32, #tpu.memory_space<vmem_shared>> -> memref<64x128xf32, #tpu.memory_space<vmem_shared>>
      %dma_wait3A_183 = arith.constant 0 : i32
      %dma_wait3A_184 = tpu.memref_slice %arg9[%add3A_11, %dma_wait3A_183] : memref<10112x128xf32, #tpu.memory_space<vmem_shared>> -> memref<64x128xf32, #tpu.memory_space<vmem_shared>>
      %dma_wait3A_185 = arith.constant 0 : i32
      %dma_wait3A_186 = arith.constant 0 : i32
      %dma_wait3A_187 = tpu.memref_slice %arg8[%run_scoped3A_12, %dma_wait3A_185, %dma_wait3A_186] : memref<3x64x128xf32, #tpu.memory_space<vmem>> -> memref<1x64x128xf32, #tpu.memory_space<vmem>>
      %dma_wait3A_188 = tpu.memref_squeeze %dma_wait3A_187 : memref<1x64x128xf32, #tpu.memory_space<vmem>> -> memref<64x128xf32, #tpu.memory_space<vmem>>
      tpu.wait_dma2 semaphore(%run_scoped3A_165 : memref<!tpu.dma_semaphore, #tpu.memory_space<semaphore_mem>>) src(%dma_wait3A_188 : memref<64x128xf32, #tpu.memory_space<vmem>>) dst(%dma_wait3A_184 : memref<64x128xf32, #tpu.memory_space<vmem_shared>>)
      tpu.yield
    }) : () -> ()
    %add3A_13 = arith.constant 192 : i32
    %add3A_14 = arith.addi %mul3A_3, %add3A_13 : i32
    %run_scoped3A_15 = arith.constant 0 : i32
    "tpu.region"() ({
      %run_scoped3A_165 = tpu.sem_alloc : memref<!tpu.dma_semaphore, #tpu.memory_space<semaphore_mem>>
      %dma_start3A_166 = arith.constant 0 : i32
      %dma_start3A_167 = arith.constant 0 : i32
      %dma_start3A_168 = tpu.memref_slice %arg8[%run_scoped3A_15, %dma_start3A_166, %dma_start3A_167] : memref<3x64x128xf32, #tpu.memory_space<vmem>> -> memref<1x64x128xf32, #tpu.memory_space<vmem>>
      %dma_start3A_169 = tpu.memref_squeeze %dma_start3A_168 : memref<1x64x128xf32, #tpu.memory_space<vmem>> -> memref<64x128xf32, #tpu.memory_space<vmem>>
      %dma_start3A_170 = arith.constant 0 : i32
      %dma_start3A_171 = tpu.memref_slice %arg9[%add3A_14, %dma_start3A_170] : memref<10112x128xf32, #tpu.memory_space<vmem_shared>> -> memref<64x128xf32, #tpu.memory_space<vmem_shared>>
      %dma_start3A_172 = arith.constant 0 : i32
      %dma_start3A_173 = tpu.memref_slice %arg9[%add3A_14, %dma_start3A_172] : memref<10112x128xf32, #tpu.memory_space<vmem_shared>> -> memref<64x128xf32, #tpu.memory_space<vmem_shared>>
      %dma_start3A_174 = arith.constant 0 : i32
      %dma_start3A_175 = arith.constant 0 : i32
      %dma_start3A_176 = tpu.memref_slice %arg8[%run_scoped3A_15, %dma_start3A_174, %dma_start3A_175] : memref<3x64x128xf32, #tpu.memory_space<vmem>> -> memref<1x64x128xf32, #tpu.memory_space<vmem>>
      %dma_start3A_177 = tpu.memref_squeeze %dma_start3A_176 : memref<1x64x128xf32, #tpu.memory_space<vmem>> -> memref<64x128xf32, #tpu.memory_space<vmem>>
      tpu.enqueue_dma source(%dma_start3A_177 : memref<64x128xf32, #tpu.memory_space<vmem>>) target(%dma_start3A_173 : memref<64x128xf32, #tpu.memory_space<vmem_shared>>) target_semaphore(%run_scoped3A_165 : memref<!tpu.dma_semaphore, #tpu.memory_space<semaphore_mem>>)
      %dma_wait3A = arith.constant 0 : i32
      %dma_wait3A_178 = arith.constant 0 : i32
      %dma_wait3A_179 = tpu.memref_slice %arg8[%run_scoped3A_15, %dma_wait3A, %dma_wait3A_178] : memref<3x64x128xf32, #tpu.memory_space<vmem>> -> memref<1x64x128xf32, #tpu.memory_space<vmem>>
      %dma_wait3A_180 = tpu.memref_squeeze %dma_wait3A_179 : memref<1x64x128xf32, #tpu.memory_space<vmem>> -> memref<64x128xf32, #tpu.memory_space<vmem>>
      %dma_wait3A_181 = arith.constant 0 : i32
      %dma_wait3A_182 = tpu.memref_slice %arg9[%add3A_14, %dma_wait3A_181] : memref<10112x128xf32, #tpu.memory_space<vmem_shared>> -> memref<64x128xf32, #tpu.memory_space<vmem_shared>>
      %dma_wait3A_183 = arith.constant 0 : i32
      %dma_wait3A_184 = tpu.memref_slice %arg9[%add3A_14, %dma_wait3A_183] : memref<10112x128xf32, #tpu.memory_space<vmem_shared>> -> memref<64x128xf32, #tpu.memory_space<vmem_shared>>
      %dma_wait3A_185 = arith.constant 0 : i32
      %dma_wait3A_186 = arith.constant 0 : i32
      %dma_wait3A_187 = tpu.memref_slice %arg8[%run_scoped3A_15, %dma_wait3A_185, %dma_wait3A_186] : memref<3x64x128xf32, #tpu.memory_space<vmem>> -> memref<1x64x128xf32, #tpu.memory_space<vmem>>
      %dma_wait3A_188 = tpu.memref_squeeze %dma_wait3A_187 : memref<1x64x128xf32, #tpu.memory_space<vmem>> -> memref<64x128xf32, #tpu.memory_space<vmem>>
      tpu.wait_dma2 semaphore(%run_scoped3A_165 : memref<!tpu.dma_semaphore, #tpu.memory_space<semaphore_mem>>) src(%dma_wait3A_188 : memref<64x128xf32, #tpu.memory_space<vmem>>) dst(%dma_wait3A_184 : memref<64x128xf32, #tpu.memory_space<vmem_shared>>)
      tpu.yield
    }) : () -> ()
    %add3A_16 = arith.constant 256 : i32
    %add3A_17 = arith.addi %mul3A_3, %add3A_16 : i32
    %run_scoped3A_18 = arith.constant 0 : i32
    "tpu.region"() ({
      %run_scoped3A_165 = tpu.sem_alloc : memref<!tpu.dma_semaphore, #tpu.memory_space<semaphore_mem>>
      %dma_start3A_166 = arith.constant 0 : i32
      %dma_start3A_167 = arith.constant 0 : i32
      %dma_start3A_168 = tpu.memref_slice %arg8[%run_scoped3A_18, %dma_start3A_166, %dma_start3A_167] : memref<3x64x128xf32, #tpu.memory_space<vmem>> -> memref<1x64x128xf32, #tpu.memory_space<vmem>>
      %dma_start3A_169 = tpu.memref_squeeze %dma_start3A_168 : memref<1x64x128xf32, #tpu.memory_space<vmem>> -> memref<64x128xf32, #tpu.memory_space<vmem>>
      %dma_start3A_170 = arith.constant 0 : i32
      %dma_start3A_171 = tpu.memref_slice %arg9[%add3A_17, %dma_start3A_170] : memref<10112x128xf32, #tpu.memory_space<vmem_shared>> -> memref<64x128xf32, #tpu.memory_space<vmem_shared>>
      %dma_start3A_172 = arith.constant 0 : i32
      %dma_start3A_173 = tpu.memref_slice %arg9[%add3A_17, %dma_start3A_172] : memref<10112x128xf32, #tpu.memory_space<vmem_shared>> -> memref<64x128xf32, #tpu.memory_space<vmem_shared>>
      %dma_start3A_174 = arith.constant 0 : i32
      %dma_start3A_175 = arith.constant 0 : i32
      %dma_start3A_176 = tpu.memref_slice %arg8[%run_scoped3A_18, %dma_start3A_174, %dma_start3A_175] : memref<3x64x128xf32, #tpu.memory_space<vmem>> -> memref<1x64x128xf32, #tpu.memory_space<vmem>>
      %dma_start3A_177 = tpu.memref_squeeze %dma_start3A_176 : memref<1x64x128xf32, #tpu.memory_space<vmem>> -> memref<64x128xf32, #tpu.memory_space<vmem>>
      tpu.enqueue_dma source(%dma_start3A_177 : memref<64x128xf32, #tpu.memory_space<vmem>>) target(%dma_start3A_173 : memref<64x128xf32, #tpu.memory_space<vmem_shared>>) target_semaphore(%run_scoped3A_165 : memref<!tpu.dma_semaphore, #tpu.memory_space<semaphore_mem>>)
      %dma_wait3A = arith.constant 0 : i32
      %dma_wait3A_178 = arith.constant 0 : i32
      %dma_wait3A_179 = tpu.memref_slice %arg8[%run_scoped3A_18, %dma_wait3A, %dma_wait3A_178] : memref<3x64x128xf32, #tpu.memory_space<vmem>> -> memref<1x64x128xf32, #tpu.memory_space<vmem>>
      %dma_wait3A_180 = tpu.memref_squeeze %dma_wait3A_179 : memref<1x64x128xf32, #tpu.memory_space<vmem>> -> memref<64x128xf32, #tpu.memory_space<vmem>>
      %dma_wait3A_181 = arith.constant 0 : i32
      %dma_wait3A_182 = tpu.memref_slice %arg9[%add3A_17, %dma_wait3A_181] : memref<10112x128xf32, #tpu.memory_space<vmem_shared>> -> memref<64x128xf32, #tpu.memory_space<vmem_shared>>
      %dma_wait3A_183 = arith.constant 0 : i32
      %dma_wait3A_184 = tpu.memref_slice %arg9[%add3A_17, %dma_wait3A_183] : memref<10112x128xf32, #tpu.memory_space<vmem_shared>> -> memref<64x128xf32, #tpu.memory_space<vmem_shared>>
      %dma_wait3A_185 = arith.constant 0 : i32
      %dma_wait3A_186 = arith.constant 0 : i32
      %dma_wait3A_187 = tpu.memref_slice %arg8[%run_scoped3A_18, %dma_wait3A_185, %dma_wait3A_186] : memref<3x64x128xf32, #tpu.memory_space<vmem>> -> memref<1x64x128xf32, #tpu.memory_space<vmem>>
      %dma_wait3A_188 = tpu.memref_squeeze %dma_wait3A_187 : memref<1x64x128xf32, #tpu.memory_space<vmem>> -> memref<64x128xf32, #tpu.memory_space<vmem>>
      tpu.wait_dma2 semaphore(%run_scoped3A_165 : memref<!tpu.dma_semaphore, #tpu.memory_space<semaphore_mem>>) src(%dma_wait3A_188 : memref<64x128xf32, #tpu.memory_space<vmem>>) dst(%dma_wait3A_184 : memref<64x128xf32, #tpu.memory_space<vmem_shared>>)
      tpu.yield
    }) : () -> ()
    %add3A_19 = arith.constant 320 : i32
    %add3A_20 = arith.addi %mul3A_3, %add3A_19 : i32
    %run_scoped3A_21 = arith.constant 0 : i32
    "tpu.region"() ({
      %run_scoped3A_165 = tpu.sem_alloc : memref<!tpu.dma_semaphore, #tpu.memory_space<semaphore_mem>>
      %dma_start3A_166 = arith.constant 0 : i32
      %dma_start3A_167 = arith.constant 0 : i32
      %dma_start3A_168 = tpu.memref_slice %arg8[%run_scoped3A_21, %dma_start3A_166, %dma_start3A_167] : memref<3x64x128xf32, #tpu.memory_space<vmem>> -> memref<1x64x128xf32, #tpu.memory_space<vmem>>
      %dma_start3A_169 = tpu.memref_squeeze %dma_start3A_168 : memref<1x64x128xf32, #tpu.memory_space<vmem>> -> memref<64x128xf32, #tpu.memory_space<vmem>>
      %dma_start3A_170 = arith.constant 0 : i32
      %dma_start3A_171 = tpu.memref_slice %arg9[%add3A_20, %dma_start3A_170] : memref<10112x128xf32, #tpu.memory_space<vmem_shared>> -> memref<64x128xf32, #tpu.memory_space<vmem_shared>>
      %dma_start3A_172 = arith.constant 0 : i32
      %dma_start3A_173 = tpu.memref_slice %arg9[%add3A_20, %dma_start3A_172] : memref<10112x128xf32, #tpu.memory_space<vmem_shared>> -> memref<64x128xf32, #tpu.memory_space<vmem_shared>>
      %dma_start3A_174 = arith.constant 0 : i32
      %dma_start3A_175 = arith.constant 0 : i32
      %dma_start3A_176 = tpu.memref_slice %arg8[%run_scoped3A_21, %dma_start3A_174, %dma_start3A_175] : memref<3x64x128xf32, #tpu.memory_space<vmem>> -> memref<1x64x128xf32, #tpu.memory_space<vmem>>
      %dma_start3A_177 = tpu.memref_squeeze %dma_start3A_176 : memref<1x64x128xf32, #tpu.memory_space<vmem>> -> memref<64x128xf32, #tpu.memory_space<vmem>>
      tpu.enqueue_dma source(%dma_start3A_177 : memref<64x128xf32, #tpu.memory_space<vmem>>) target(%dma_start3A_173 : memref<64x128xf32, #tpu.memory_space<vmem_shared>>) target_semaphore(%run_scoped3A_165 : memref<!tpu.dma_semaphore, #tpu.memory_space<semaphore_mem>>)
      %dma_wait3A = arith.constant 0 : i32
      %dma_wait3A_178 = arith.constant 0 : i32
      %dma_wait3A_179 = tpu.memref_slice %arg8[%run_scoped3A_21, %dma_wait3A, %dma_wait3A_178] : memref<3x64x128xf32, #tpu.memory_space<vmem>> -> memref<1x64x128xf32, #tpu.memory_space<vmem>>
      %dma_wait3A_180 = tpu.memref_squeeze %dma_wait3A_179 : memref<1x64x128xf32, #tpu.memory_space<vmem>> -> memref<64x128xf32, #tpu.memory_space<vmem>>
      %dma_wait3A_181 = arith.constant 0 : i32
      %dma_wait3A_182 = tpu.memref_slice %arg9[%add3A_20, %dma_wait3A_181] : memref<10112x128xf32, #tpu.memory_space<vmem_shared>> -> memref<64x128xf32, #tpu.memory_space<vmem_shared>>
      %dma_wait3A_183 = arith.constant 0 : i32
      %dma_wait3A_184 = tpu.memref_slice %arg9[%add3A_20, %dma_wait3A_183] : memref<10112x128xf32, #tpu.memory_space<vmem_shared>> -> memref<64x128xf32, #tpu.memory_space<vmem_shared>>
      %dma_wait3A_185 = arith.constant 0 : i32
      %dma_wait3A_186 = arith.constant 0 : i32
      %dma_wait3A_187 = tpu.memref_slice %arg8[%run_scoped3A_21, %dma_wait3A_185, %dma_wait3A_186] : memref<3x64x128xf32, #tpu.memory_space<vmem>> -> memref<1x64x128xf32, #tpu.memory_space<vmem>>
      %dma_wait3A_188 = tpu.memref_squeeze %dma_wait3A_187 : memref<1x64x128xf32, #tpu.memory_space<vmem>> -> memref<64x128xf32, #tpu.memory_space<vmem>>
      tpu.wait_dma2 semaphore(%run_scoped3A_165 : memref<!tpu.dma_semaphore, #tpu.memory_space<semaphore_mem>>) src(%dma_wait3A_188 : memref<64x128xf32, #tpu.memory_space<vmem>>) dst(%dma_wait3A_184 : memref<64x128xf32, #tpu.memory_space<vmem_shared>>)
      tpu.yield
    }) : () -> ()
    %add3A_22 = arith.constant 384 : i32
    %add3A_23 = arith.addi %mul3A_3, %add3A_22 : i32
    %run_scoped3A_24 = arith.constant 0 : i32
    "tpu.region"() ({
      %run_scoped3A_165 = tpu.sem_alloc : memref<!tpu.dma_semaphore, #tpu.memory_space<semaphore_mem>>
      %dma_start3A_166 = arith.constant 0 : i32
      %dma_start3A_167 = arith.constant 0 : i32
      %dma_start3A_168 = tpu.memref_slice %arg8[%run_scoped3A_24, %dma_start3A_166, %dma_start3A_167] : memref<3x64x128xf32, #tpu.memory_space<vmem>> -> memref<1x64x128xf32, #tpu.memory_space<vmem>>
      %dma_start3A_169 = tpu.memref_squeeze %dma_start3A_168 : memref<1x64x128xf32, #tpu.memory_space<vmem>> -> memref<64x128xf32, #tpu.memory_space<vmem>>
      %dma_start3A_170 = arith.constant 0 : i32
      %dma_start3A_171 = tpu.memref_slice %arg9[%add3A_23, %dma_start3A_170] : memref<10112x128xf32, #tpu.memory_space<vmem_shared>> -> memref<64x128xf32, #tpu.memory_space<vmem_shared>>
      %dma_start3A_172 = arith.constant 0 : i32
      %dma_start3A_173 = tpu.memref_slice %arg9[%add3A_23, %dma_start3A_172] : memref<10112x128xf32, #tpu.memory_space<vmem_shared>> -> memref<64x128xf32, #tpu.memory_space<vmem_shared>>
      %dma_start3A_174 = arith.constant 0 : i32
      %dma_start3A_175 = arith.constant 0 : i32
      %dma_start3A_176 = tpu.memref_slice %arg8[%run_scoped3A_24, %dma_start3A_174, %dma_start3A_175] : memref<3x64x128xf32, #tpu.memory_space<vmem>> -> memref<1x64x128xf32, #tpu.memory_space<vmem>>
      %dma_start3A_177 = tpu.memref_squeeze %dma_start3A_176 : memref<1x64x128xf32, #tpu.memory_space<vmem>> -> memref<64x128xf32, #tpu.memory_space<vmem>>
      tpu.enqueue_dma source(%dma_start3A_177 : memref<64x128xf32, #tpu.memory_space<vmem>>) target(%dma_start3A_173 : memref<64x128xf32, #tpu.memory_space<vmem_shared>>) target_semaphore(%run_scoped3A_165 : memref<!tpu.dma_semaphore, #tpu.memory_space<semaphore_mem>>)
      %dma_wait3A = arith.constant 0 : i32
      %dma_wait3A_178 = arith.constant 0 : i32
      %dma_wait3A_179 = tpu.memref_slice %arg8[%run_scoped3A_24, %dma_wait3A, %dma_wait3A_178] : memref<3x64x128xf32, #tpu.memory_space<vmem>> -> memref<1x64x128xf32, #tpu.memory_space<vmem>>
      %dma_wait3A_180 = tpu.memref_squeeze %dma_wait3A_179 : memref<1x64x128xf32, #tpu.memory_space<vmem>> -> memref<64x128xf32, #tpu.memory_space<vmem>>
      %dma_wait3A_181 = arith.constant 0 : i32
      %dma_wait3A_182 = tpu.memref_slice %arg9[%add3A_23, %dma_wait3A_181] : memref<10112x128xf32, #tpu.memory_space<vmem_shared>> -> memref<64x128xf32, #tpu.memory_space<vmem_shared>>
      %dma_wait3A_183 = arith.constant 0 : i32
      %dma_wait3A_184 = tpu.memref_slice %arg9[%add3A_23, %dma_wait3A_183] : memref<10112x128xf32, #tpu.memory_space<vmem_shared>> -> memref<64x128xf32, #tpu.memory_space<vmem_shared>>
      %dma_wait3A_185 = arith.constant 0 : i32
      %dma_wait3A_186 = arith.constant 0 : i32
      %dma_wait3A_187 = tpu.memref_slice %arg8[%run_scoped3A_24, %dma_wait3A_185, %dma_wait3A_186] : memref<3x64x128xf32, #tpu.memory_space<vmem>> -> memref<1x64x128xf32, #tpu.memory_space<vmem>>
      %dma_wait3A_188 = tpu.memref_squeeze %dma_wait3A_187 : memref<1x64x128xf32, #tpu.memory_space<vmem>> -> memref<64x128xf32, #tpu.memory_space<vmem>>
      tpu.wait_dma2 semaphore(%run_scoped3A_165 : memref<!tpu.dma_semaphore, #tpu.memory_space<semaphore_mem>>) src(%dma_wait3A_188 : memref<64x128xf32, #tpu.memory_space<vmem>>) dst(%dma_wait3A_184 : memref<64x128xf32, #tpu.memory_space<vmem_shared>>)
      tpu.yield
    }) : () -> ()
    %add3A_25 = arith.constant 448 : i32
    %add3A_26 = arith.addi %mul3A_3, %add3A_25 : i32
    %run_scoped3A_27 = arith.constant 0 : i32
    "tpu.region"() ({
      %run_scoped3A_165 = tpu.sem_alloc : memref<!tpu.dma_semaphore, #tpu.memory_space<semaphore_mem>>
      %dma_start3A_166 = arith.constant 0 : i32
      %dma_start3A_167 = arith.constant 0 : i32
      %dma_start3A_168 = tpu.memref_slice %arg8[%run_scoped3A_27, %dma_start3A_166, %dma_start3A_167] : memref<3x64x128xf32, #tpu.memory_space<vmem>> -> memref<1x64x128xf32, #tpu.memory_space<vmem>>
      %dma_start3A_169 = tpu.memref_squeeze %dma_start3A_168 : memref<1x64x128xf32, #tpu.memory_space<vmem>> -> memref<64x128xf32, #tpu.memory_space<vmem>>
      %dma_start3A_170 = arith.constant 0 : i32
      %dma_start3A_171 = tpu.memref_slice %arg9[%add3A_26, %dma_start3A_170] : memref<10112x128xf32, #tpu.memory_space<vmem_shared>> -> memref<64x128xf32, #tpu.memory_space<vmem_shared>>
      %dma_start3A_172 = arith.constant 0 : i32
      %dma_start3A_173 = tpu.memref_slice %arg9[%add3A_26, %dma_start3A_172] : memref<10112x128xf32, #tpu.memory_space<vmem_shared>> -> memref<64x128xf32, #tpu.memory_space<vmem_shared>>
      %dma_start3A_174 = arith.constant 0 : i32
      %dma_start3A_175 = arith.constant 0 : i32
      %dma_start3A_176 = tpu.memref_slice %arg8[%run_scoped3A_27, %dma_start3A_174, %dma_start3A_175] : memref<3x64x128xf32, #tpu.memory_space<vmem>> -> memref<1x64x128xf32, #tpu.memory_space<vmem>>
      %dma_start3A_177 = tpu.memref_squeeze %dma_start3A_176 : memref<1x64x128xf32, #tpu.memory_space<vmem>> -> memref<64x128xf32, #tpu.memory_space<vmem>>
      tpu.enqueue_dma source(%dma_start3A_177 : memref<64x128xf32, #tpu.memory_space<vmem>>) target(%dma_start3A_173 : memref<64x128xf32, #tpu.memory_space<vmem_shared>>) target_semaphore(%run_scoped3A_165 : memref<!tpu.dma_semaphore, #tpu.memory_space<semaphore_mem>>)
      %dma_wait3A = arith.constant 0 : i32
      %dma_wait3A_178 = arith.constant 0 : i32
      %dma_wait3A_179 = tpu.memref_slice %arg8[%run_scoped3A_27, %dma_wait3A, %dma_wait3A_178] : memref<3x64x128xf32, #tpu.memory_space<vmem>> -> memref<1x64x128xf32, #tpu.memory_space<vmem>>
      %dma_wait3A_180 = tpu.memref_squeeze %dma_wait3A_179 : memref<1x64x128xf32, #tpu.memory_space<vmem>> -> memref<64x128xf32, #tpu.memory_space<vmem>>
      %dma_wait3A_181 = arith.constant 0 : i32
      %dma_wait3A_182 = tpu.memref_slice %arg9[%add3A_26, %dma_wait3A_181] : memref<10112x128xf32, #tpu.memory_space<vmem_shared>> -> memref<64x128xf32, #tpu.memory_space<vmem_shared>>
      %dma_wait3A_183 = arith.constant 0 : i32
      %dma_wait3A_184 = tpu.memref_slice %arg9[%add3A_26, %dma_wait3A_183] : memref<10112x128xf32, #tpu.memory_space<vmem_shared>> -> memref<64x128xf32, #tpu.memory_space<vmem_shared>>
      %dma_wait3A_185 = arith.constant 0 : i32
      %dma_wait3A_186 = arith.constant 0 : i32
      %dma_wait3A_187 = tpu.memref_slice %arg8[%run_scoped3A_27, %dma_wait3A_185, %dma_wait3A_186] : memref<3x64x128xf32, #tpu.memory_space<vmem>> -> memref<1x64x128xf32, #tpu.memory_space<vmem>>
      %dma_wait3A_188 = tpu.memref_squeeze %dma_wait3A_187 : memref<1x64x128xf32, #tpu.memory_space<vmem>> -> memref<64x128xf32, #tpu.memory_space<vmem>>
      tpu.wait_dma2 semaphore(%run_scoped3A_165 : memref<!tpu.dma_semaphore, #tpu.memory_space<semaphore_mem>>) src(%dma_wait3A_188 : memref<64x128xf32, #tpu.memory_space<vmem>>) dst(%dma_wait3A_184 : memref<64x128xf32, #tpu.memory_space<vmem_shared>>)
      tpu.yield
    }) : () -> ()
    %add3A_28 = arith.constant 512 : i32
    %add3A_29 = arith.addi %mul3A_3, %add3A_28 : i32
    %run_scoped3A_30 = arith.constant 0 : i32
    "tpu.region"() ({
      %run_scoped3A_165 = tpu.sem_alloc : memref<!tpu.dma_semaphore, #tpu.memory_space<semaphore_mem>>
      %dma_start3A_166 = arith.constant 0 : i32
      %dma_start3A_167 = arith.constant 0 : i32
      %dma_start3A_168 = tpu.memref_slice %arg8[%run_scoped3A_30, %dma_start3A_166, %dma_start3A_167] : memref<3x64x128xf32, #tpu.memory_space<vmem>> -> memref<1x64x128xf32, #tpu.memory_space<vmem>>
      %dma_start3A_169 = tpu.memref_squeeze %dma_start3A_168 : memref<1x64x128xf32, #tpu.memory_space<vmem>> -> memref<64x128xf32, #tpu.memory_space<vmem>>
      %dma_start3A_170 = arith.constant 0 : i32
      %dma_start3A_171 = tpu.memref_slice %arg9[%add3A_29, %dma_start3A_170] : memref<10112x128xf32, #tpu.memory_space<vmem_shared>> -> memref<64x128xf32, #tpu.memory_space<vmem_shared>>
      %dma_start3A_172 = arith.constant 0 : i32
      %dma_start3A_173 = tpu.memref_slice %arg9[%add3A_29, %dma_start3A_172] : memref<10112x128xf32, #tpu.memory_space<vmem_shared>> -> memref<64x128xf32, #tpu.memory_space<vmem_shared>>
      %dma_start3A_174 = arith.constant 0 : i32
      %dma_start3A_175 = arith.constant 0 : i32
      %dma_start3A_176 = tpu.memref_slice %arg8[%run_scoped3A_30, %dma_start3A_174, %dma_start3A_175] : memref<3x64x128xf32, #tpu.memory_space<vmem>> -> memref<1x64x128xf32, #tpu.memory_space<vmem>>
      %dma_start3A_177 = tpu.memref_squeeze %dma_start3A_176 : memref<1x64x128xf32, #tpu.memory_space<vmem>> -> memref<64x128xf32, #tpu.memory_space<vmem>>
      tpu.enqueue_dma source(%dma_start3A_177 : memref<64x128xf32, #tpu.memory_space<vmem>>) target(%dma_start3A_173 : memref<64x128xf32, #tpu.memory_space<vmem_shared>>) target_semaphore(%run_scoped3A_165 : memref<!tpu.dma_semaphore, #tpu.memory_space<semaphore_mem>>)
      %dma_wait3A = arith.constant 0 : i32
      %dma_wait3A_178 = arith.constant 0 : i32
      %dma_wait3A_179 = tpu.memref_slice %arg8[%run_scoped3A_30, %dma_wait3A, %dma_wait3A_178] : memref<3x64x128xf32, #tpu.memory_space<vmem>> -> memref<1x64x128xf32, #tpu.memory_space<vmem>>
      %dma_wait3A_180 = tpu.memref_squeeze %dma_wait3A_179 : memref<1x64x128xf32, #tpu.memory_space<vmem>> -> memref<64x128xf32, #tpu.memory_space<vmem>>
      %dma_wait3A_181 = arith.constant 0 : i32
      %dma_wait3A_182 = tpu.memref_slice %arg9[%add3A_29, %dma_wait3A_181] : memref<10112x128xf32, #tpu.memory_space<vmem_shared>> -> memref<64x128xf32, #tpu.memory_space<vmem_shared>>
      %dma_wait3A_183 = arith.constant 0 : i32
      %dma_wait3A_184 = tpu.memref_slice %arg9[%add3A_29, %dma_wait3A_183] : memref<10112x128xf32, #tpu.memory_space<vmem_shared>> -> memref<64x128xf32, #tpu.memory_space<vmem_shared>>
      %dma_wait3A_185 = arith.constant 0 : i32
      %dma_wait3A_186 = arith.constant 0 : i32
      %dma_wait3A_187 = tpu.memref_slice %arg8[%run_scoped3A_30, %dma_wait3A_185, %dma_wait3A_186] : memref<3x64x128xf32, #tpu.memory_space<vmem>> -> memref<1x64x128xf32, #tpu.memory_space<vmem>>
      %dma_wait3A_188 = tpu.memref_squeeze %dma_wait3A_187 : memref<1x64x128xf32, #tpu.memory_space<vmem>> -> memref<64x128xf32, #tpu.memory_space<vmem>>
      tpu.wait_dma2 semaphore(%run_scoped3A_165 : memref<!tpu.dma_semaphore, #tpu.memory_space<semaphore_mem>>) src(%dma_wait3A_188 : memref<64x128xf32, #tpu.memory_space<vmem>>) dst(%dma_wait3A_184 : memref<64x128xf32, #tpu.memory_space<vmem_shared>>)
      tpu.yield
    }) : () -> ()
    %add3A_31 = arith.constant 576 : i32
    %add3A_32 = arith.addi %mul3A_3, %add3A_31 : i32
    %run_scoped3A_33 = arith.constant 0 : i32
    "tpu.region"() ({
      %run_scoped3A_165 = tpu.sem_alloc : memref<!tpu.dma_semaphore, #tpu.memory_space<semaphore_mem>>
      %dma_start3A_166 = arith.constant 0 : i32
      %dma_start3A_167 = arith.constant 0 : i32
      %dma_start3A_168 = tpu.memref_slice %arg8[%run_scoped3A_33, %dma_start3A_166, %dma_start3A_167] : memref<3x64x128xf32, #tpu.memory_space<vmem>> -> memref<1x56x128xf32, #tpu.memory_space<vmem>>
      %dma_start3A_169 = tpu.memref_squeeze %dma_start3A_168 : memref<1x56x128xf32, #tpu.memory_space<vmem>> -> memref<56x128xf32, #tpu.memory_space<vmem>>
      %dma_start3A_170 = arith.constant 0 : i32
      %dma_start3A_171 = tpu.memref_slice %arg9[%add3A_32, %dma_start3A_170] : memref<10112x128xf32, #tpu.memory_space<vmem_shared>> -> memref<56x128xf32, #tpu.memory_space<vmem_shared>>
      %dma_start3A_172 = arith.constant 0 : i32
      %dma_start3A_173 = tpu.memref_slice %arg9[%add3A_32, %dma_start3A_172] : memref<10112x128xf32, #tpu.memory_space<vmem_shared>> -> memref<56x128xf32, #tpu.memory_space<vmem_shared>>
      %dma_start3A_174 = arith.constant 0 : i32
      %dma_start3A_175 = arith.constant 0 : i32
      %dma_start3A_176 = tpu.memref_slice %arg8[%run_scoped3A_33, %dma_start3A_174, %dma_start3A_175] : memref<3x64x128xf32, #tpu.memory_space<vmem>> -> memref<1x56x128xf32, #tpu.memory_space<vmem>>
      %dma_start3A_177 = tpu.memref_squeeze %dma_start3A_176 : memref<1x56x128xf32, #tpu.memory_space<vmem>> -> memref<56x128xf32, #tpu.memory_space<vmem>>
      tpu.enqueue_dma source(%dma_start3A_177 : memref<56x128xf32, #tpu.memory_space<vmem>>) target(%dma_start3A_173 : memref<56x128xf32, #tpu.memory_space<vmem_shared>>) target_semaphore(%run_scoped3A_165 : memref<!tpu.dma_semaphore, #tpu.memory_space<semaphore_mem>>)
      %dma_wait3A = arith.constant 0 : i32
      %dma_wait3A_178 = arith.constant 0 : i32
      %dma_wait3A_179 = tpu.memref_slice %arg8[%run_scoped3A_33, %dma_wait3A, %dma_wait3A_178] : memref<3x64x128xf32, #tpu.memory_space<vmem>> -> memref<1x56x128xf32, #tpu.memory_space<vmem>>
      %dma_wait3A_180 = tpu.memref_squeeze %dma_wait3A_179 : memref<1x56x128xf32, #tpu.memory_space<vmem>> -> memref<56x128xf32, #tpu.memory_space<vmem>>
      %dma_wait3A_181 = arith.constant 0 : i32
      %dma_wait3A_182 = tpu.memref_slice %arg9[%add3A_32, %dma_wait3A_181] : memref<10112x128xf32, #tpu.memory_space<vmem_shared>> -> memref<56x128xf32, #tpu.memory_space<vmem_shared>>
      %dma_wait3A_183 = arith.constant 0 : i32
      %dma_wait3A_184 = tpu.memref_slice %arg9[%add3A_32, %dma_wait3A_183] : memref<10112x128xf32, #tpu.memory_space<vmem_shared>> -> memref<56x128xf32, #tpu.memory_space<vmem_shared>>
      %dma_wait3A_185 = arith.constant 0 : i32
      %dma_wait3A_186 = arith.constant 0 : i32
      %dma_wait3A_187 = tpu.memref_slice %arg8[%run_scoped3A_33, %dma_wait3A_185, %dma_wait3A_186] : memref<3x64x128xf32, #tpu.memory_space<vmem>> -> memref<1x56x128xf32, #tpu.memory_space<vmem>>
      %dma_wait3A_188 = tpu.memref_squeeze %dma_wait3A_187 : memref<1x56x128xf32, #tpu.memory_space<vmem>> -> memref<56x128xf32, #tpu.memory_space<vmem>>
      tpu.wait_dma2 semaphore(%run_scoped3A_165 : memref<!tpu.dma_semaphore, #tpu.memory_space<semaphore_mem>>) src(%dma_wait3A_188 : memref<56x128xf32, #tpu.memory_space<vmem>>) dst(%dma_wait3A_184 : memref<56x128xf32, #tpu.memory_space<vmem_shared>>)
      tpu.yield
    }) : () -> ()
    "tpu.region"() ({
      %run_scoped3A_165 = tpu.sem_alloc : memref<!tpu.dma_semaphore, #tpu.memory_space<semaphore_mem>>
      %dma_start3A_166 = arith.constant 0 : i32
      %dma_start3A_167 = arith.constant 0 : i32
      %dma_start3A_168 = tpu.memref_slice %arg3[%add3A_1, %arg1, %dma_start3A_166, %dma_start3A_167] : memref<4x16x80x64xi32, #tpu.memory_space<hbm>> -> memref<1x1x80x64xi32, #tpu.memory_space<hbm>>
      %dma_start3A_169 = tpu.memref_squeeze %dma_start3A_168 : memref<1x1x80x64xi32, #tpu.memory_space<hbm>> -> memref<80x64xi32, #tpu.memory_space<hbm>>
      %dma_start3A_170 = arith.constant 0 : i32
      %dma_start3A_171 = arith.constant 0 : i32
      %dma_start3A_172 = tpu.memref_slice %arg3[%add3A_1, %arg1, %dma_start3A_170, %dma_start3A_171] : memref<4x16x80x64xi32, #tpu.memory_space<hbm>> -> memref<1x1x80x64xi32, #tpu.memory_space<hbm>>
      %dma_start3A_173 = tpu.memref_squeeze %dma_start3A_172 : memref<1x1x80x64xi32, #tpu.memory_space<hbm>> -> memref<80x64xi32, #tpu.memory_space<hbm>>
      tpu.enqueue_dma source(%dma_start3A_173 : memref<80x64xi32, #tpu.memory_space<hbm>>) target(%arg11 : memref<80x64xi32, #tpu.memory_space<vmem>>) target_semaphore(%run_scoped3A_165 : memref<!tpu.dma_semaphore, #tpu.memory_space<semaphore_mem>>)
      %dma_wait3A = arith.constant 0 : i32
      %dma_wait3A_174 = arith.constant 0 : i32
      %dma_wait3A_175 = tpu.memref_slice %arg3[%add3A_1, %arg1, %dma_wait3A, %dma_wait3A_174] : memref<4x16x80x64xi32, #tpu.memory_space<hbm>> -> memref<1x1x80x64xi32, #tpu.memory_space<hbm>>
      %dma_wait3A_176 = tpu.memref_squeeze %dma_wait3A_175 : memref<1x1x80x64xi32, #tpu.memory_space<hbm>> -> memref<80x64xi32, #tpu.memory_space<hbm>>
      %dma_wait3A_177 = arith.constant 0 : i32
      %dma_wait3A_178 = arith.constant 0 : i32
      %dma_wait3A_179 = tpu.memref_slice %arg3[%add3A_1, %arg1, %dma_wait3A_177, %dma_wait3A_178] : memref<4x16x80x64xi32, #tpu.memory_space<hbm>> -> memref<1x1x80x64xi32, #tpu.memory_space<hbm>>
      %dma_wait3A_180 = tpu.memref_squeeze %dma_wait3A_179 : memref<1x1x80x64xi32, #tpu.memory_space<hbm>> -> memref<80x64xi32, #tpu.memory_space<hbm>>
      tpu.wait_dma2 semaphore(%run_scoped3A_165 : memref<!tpu.dma_semaphore, #tpu.memory_space<semaphore_mem>>) src(%dma_wait3A_180 : memref<80x64xi32, #tpu.memory_space<hbm>>) dst(%arg11 : memref<80x64xi32, #tpu.memory_space<vmem>>)
      tpu.yield
    }) : () -> ()
    "tpu.region"() ({
      %run_scoped3A_165 = tpu.sem_alloc : memref<!tpu.dma_semaphore, #tpu.memory_space<semaphore_mem>>
      %dma_start3A_166 = arith.constant 0 : i32
      %dma_start3A_167 = arith.constant 0 : i32
      %dma_start3A_168 = tpu.memref_slice %arg4[%add3A_1, %arg1, %dma_start3A_166, %dma_start3A_167] : memref<4x16x80x64xi32, #tpu.memory_space<hbm>> -> memref<1x1x80x64xi32, #tpu.memory_space<hbm>>
      %dma_start3A_169 = tpu.memref_squeeze %dma_start3A_168 : memref<1x1x80x64xi32, #tpu.memory_space<hbm>> -> memref<80x64xi32, #tpu.memory_space<hbm>>
      %dma_start3A_170 = arith.constant 0 : i32
      %dma_start3A_171 = arith.constant 0 : i32
      %dma_start3A_172 = tpu.memref_slice %arg4[%add3A_1, %arg1, %dma_start3A_170, %dma_start3A_171] : memref<4x16x80x64xi32, #tpu.memory_space<hbm>> -> memref<1x1x80x64xi32, #tpu.memory_space<hbm>>
      %dma_start3A_173 = tpu.memref_squeeze %dma_start3A_172 : memref<1x1x80x64xi32, #tpu.memory_space<hbm>> -> memref<80x64xi32, #tpu.memory_space<hbm>>
      tpu.enqueue_dma source(%dma_start3A_173 : memref<80x64xi32, #tpu.memory_space<hbm>>) target(%arg7 : memref<80x64xi32, #tpu.memory_space<vmem>>) target_semaphore(%run_scoped3A_165 : memref<!tpu.dma_semaphore, #tpu.memory_space<semaphore_mem>>)
      %dma_wait3A = arith.constant 0 : i32
      %dma_wait3A_174 = arith.constant 0 : i32
      %dma_wait3A_175 = tpu.memref_slice %arg4[%add3A_1, %arg1, %dma_wait3A, %dma_wait3A_174] : memref<4x16x80x64xi32, #tpu.memory_space<hbm>> -> memref<1x1x80x64xi32, #tpu.memory_space<hbm>>
      %dma_wait3A_176 = tpu.memref_squeeze %dma_wait3A_175 : memref<1x1x80x64xi32, #tpu.memory_space<hbm>> -> memref<80x64xi32, #tpu.memory_space<hbm>>
      %dma_wait3A_177 = arith.constant 0 : i32
      %dma_wait3A_178 = arith.constant 0 : i32
      %dma_wait3A_179 = tpu.memref_slice %arg4[%add3A_1, %arg1, %dma_wait3A_177, %dma_wait3A_178] : memref<4x16x80x64xi32, #tpu.memory_space<hbm>> -> memref<1x1x80x64xi32, #tpu.memory_space<hbm>>
      %dma_wait3A_180 = tpu.memref_squeeze %dma_wait3A_179 : memref<1x1x80x64xi32, #tpu.memory_space<hbm>> -> memref<80x64xi32, #tpu.memory_space<hbm>>
      tpu.wait_dma2 semaphore(%run_scoped3A_165 : memref<!tpu.dma_semaphore, #tpu.memory_space<semaphore_mem>>) src(%dma_wait3A_180 : memref<80x64xi32, #tpu.memory_space<hbm>>) dst(%arg7 : memref<80x64xi32, #tpu.memory_space<vmem>>)
      tpu.yield
    }) : () -> ()
    %barrier3A = arith.constant 0 : index
    tpu.barrier barrier_id(%barrier3A)
    %dma_start3A = arith.constant 0 : i32
    %dma_start3A_34 = arith.constant 0 : i32
    %dma_start3A_35 = arith.constant 0 : i32
    %dma_start3A_36 = arith.constant 0 : i32
    %dma_start3A_37 = arith.constant 0 : i32
    %dma_start3A_38 = arith.constant 0 : i32
    %dma_start3A_39 = tpu.memref_slice %arg8[%dma_start3A_34, %dma_start3A_37, %dma_start3A_38] : memref<3x64x128xf32, #tpu.memory_space<vmem>> -> memref<1x64x128xf32, #tpu.memory_space<vmem>>
    %dma_start3A_40 = tpu.memref_squeeze %dma_start3A_39 : memref<1x64x128xf32, #tpu.memory_space<vmem>> -> memref<64x128xf32, #tpu.memory_space<vmem>>
    %dma_start3A_41 = arith.constant 0 : i32
    %dma_start3A_42 = tpu.memref_slice %arg11[%dma_start3A, %dma_start3A_41] : memref<80x64xi32, #tpu.memory_space<vmem>> -> memref<1x64xi32, #tpu.memory_space<vmem>>
    %dma_start3A_43 = tpu.memref_squeeze %dma_start3A_42 : memref<1x64xi32, #tpu.memory_space<vmem>> -> memref<64xi32, #tpu.memory_space<vmem>>
    %dma_start3A_44 = arith.constant 0 : i32
    %dma_start3A_45 = arith.constant 0 : i32
    %dma_start3A_46 = tpu.memref_slice %arg2[%dma_start3A_44, %dma_start3A_45] : memref<10000x128xf32, #tpu.memory_space<hbm>> -> memref<10000x128xf32, #tpu.memory_space<hbm>>
    %dma_start3A_47 = tpu.memref_slice %arg10[%dma_start3A_35, %dma_start3A_36] : memref<3x1x!tpu.dma_semaphore, #tpu.memory_space<semaphore_mem>> -> memref<1x1x!tpu.dma_semaphore, #tpu.memory_space<semaphore_mem>>
    %dma_start3A_48 = tpu.memref_squeeze %dma_start3A_47 : memref<1x1x!tpu.dma_semaphore, #tpu.memory_space<semaphore_mem>> -> memref<!tpu.dma_semaphore, #tpu.memory_space<semaphore_mem>>
    tpu.enqueue_indirect_dma source(%dma_start3A_46 : memref<10000x128xf32, #tpu.memory_space<hbm>>) target(%dma_start3A_40 : memref<64x128xf32, #tpu.memory_space<vmem>>) offsets(%dma_start3A_43 : memref<64xi32, #tpu.memory_space<vmem>>) semaphore(%dma_start3A_48 : memref<!tpu.dma_semaphore, #tpu.memory_space<semaphore_mem>>)
    %dma_start3A_49 = arith.constant 1 : i32
    %dma_start3A_50 = arith.constant 1 : i32
    %dma_start3A_51 = arith.constant 1 : i32
    %dma_start3A_52 = arith.constant 0 : i32
    %dma_start3A_53 = arith.constant 0 : i32
    %dma_start3A_54 = arith.constant 0 : i32
    %dma_start3A_55 = tpu.memref_slice %arg8[%dma_start3A_50, %dma_start3A_53, %dma_start3A_54] : memref<3x64x128xf32, #tpu.memory_space<vmem>> -> memref<1x64x128xf32, #tpu.memory_space<vmem>>
    %dma_start3A_56 = tpu.memref_squeeze %dma_start3A_55 : memref<1x64x128xf32, #tpu.memory_space<vmem>> -> memref<64x128xf32, #tpu.memory_space<vmem>>
    %dma_start3A_57 = arith.constant 0 : i32
    %dma_start3A_58 = tpu.memref_slice %arg11[%dma_start3A_49, %dma_start3A_57] : memref<80x64xi32, #tpu.memory_space<vmem>> -> memref<1x64xi32, #tpu.memory_space<vmem>>
    %dma_start3A_59 = tpu.memref_squeeze %dma_start3A_58 : memref<1x64xi32, #tpu.memory_space<vmem>> -> memref<64xi32, #tpu.memory_space<vmem>>
    %dma_start3A_60 = arith.constant 0 : i32
    %dma_start3A_61 = arith.constant 0 : i32
    %dma_start3A_62 = tpu.memref_slice %arg2[%dma_start3A_60, %dma_start3A_61] : memref<10000x128xf32, #tpu.memory_space<hbm>> -> memref<10000x128xf32, #tpu.memory_space<hbm>>
    %dma_start3A_63 = tpu.memref_slice %arg10[%dma_start3A_51, %dma_start3A_52] : memref<3x1x!tpu.dma_semaphore, #tpu.memory_space<semaphore_mem>> -> memref<1x1x!tpu.dma_semaphore, #tpu.memory_space<semaphore_mem>>
    %dma_start3A_64 = tpu.memref_squeeze %dma_start3A_63 : memref<1x1x!tpu.dma_semaphore, #tpu.memory_space<semaphore_mem>> -> memref<!tpu.dma_semaphore, #tpu.memory_space<semaphore_mem>>
    tpu.enqueue_indirect_dma source(%dma_start3A_62 : memref<10000x128xf32, #tpu.memory_space<hbm>>) target(%dma_start3A_56 : memref<64x128xf32, #tpu.memory_space<vmem>>) offsets(%dma_start3A_59 : memref<64xi32, #tpu.memory_space<vmem>>) semaphore(%dma_start3A_64 : memref<!tpu.dma_semaphore, #tpu.memory_space<semaphore_mem>>)
    %scan3A = arith.constant 0 : i32
    %scan3A_65 = arith.constant 0 : i32
    %scan3A_66 = arith.constant 80 : i32
    %scan3A_67 = arith.addi %scan3A_65, %scan3A_66 : i32
    %scan3A_68 = arith.constant 1 : i32
    scf.for %scan3A_165 = %scan3A_65 to %scan3A_67 step %scan3A_68  : i32 {
      %rem3A = arith.constant 3 : i32
      %rem3A_166 = arith.remsi %scan3A_165, %rem3A : i32
      %add3A_167 = arith.constant 3 : i32
      %add3A_168 = arith.addi %scan3A_165, %add3A_167 : i32
      %sub3A = arith.constant 1 : i32
      %sub3A_169 = arith.subi %add3A_168, %sub3A : i32
      %lt3A = arith.constant 80 : i32
      %lt3A_170 = arith.cmpi slt, %sub3A_169, %lt3A : i32
      %convert_element_type3A_171 = arith.extui %lt3A_170 : i1 to i32
      %cond3A_172 = arith.constant 0 : i32
      %cond3A_173 = arith.cmpi ne, %convert_element_type3A_171, %cond3A_172 : i32
      scf.if %cond3A_173 {
        %add3A_186 = arith.constant 3 : i32
        %add3A_187 = arith.addi %scan3A_165, %add3A_186 : i32
        %sub3A_188 = arith.constant 1 : i32
        %sub3A_189 = arith.subi %add3A_187, %sub3A_188 : i32
        %add3A_190 = arith.constant 3 : i32
        %add3A_191 = arith.addi %scan3A_165, %add3A_190 : i32
        %sub3A_192 = arith.constant 1 : i32
        %sub3A_193 = arith.subi %add3A_191, %sub3A_192 : i32
        %rem3A_194 = arith.constant 3 : i32
        %rem3A_195 = arith.remsi %sub3A_193, %rem3A_194 : i32
        %dma_start3A_196 = arith.constant 0 : i32
        %dma_start3A_197 = arith.constant 0 : i32
        %dma_start3A_198 = arith.constant 0 : i32
        %dma_start3A_199 = tpu.memref_slice %arg8[%rem3A_195, %dma_start3A_197, %dma_start3A_198] : memref<3x64x128xf32, #tpu.memory_space<vmem>> -> memref<1x64x128xf32, #tpu.memory_space<vmem>>
        %dma_start3A_200 = tpu.memref_squeeze %dma_start3A_199 : memref<1x64x128xf32, #tpu.memory_space<vmem>> -> memref<64x128xf32, #tpu.memory_space<vmem>>
        %dma_start3A_201 = arith.constant 0 : i32
        %dma_start3A_202 = tpu.memref_slice %arg11[%sub3A_189, %dma_start3A_201] : memref<80x64xi32, #tpu.memory_space<vmem>> -> memref<1x64xi32, #tpu.memory_space<vmem>>
        %dma_start3A_203 = tpu.memref_squeeze %dma_start3A_202 : memref<1x64xi32, #tpu.memory_space<vmem>> -> memref<64xi32, #tpu.memory_space<vmem>>
        %dma_start3A_204 = arith.constant 0 : i32
        %dma_start3A_205 = arith.constant 0 : i32
        %dma_start3A_206 = tpu.memref_slice %arg2[%dma_start3A_204, %dma_start3A_205] : memref<10000x128xf32, #tpu.memory_space<hbm>> -> memref<10000x128xf32, #tpu.memory_space<hbm>>
        %dma_start3A_207 = tpu.memref_slice %arg10[%rem3A_195, %dma_start3A_196] : memref<3x1x!tpu.dma_semaphore, #tpu.memory_space<semaphore_mem>> -> memref<1x1x!tpu.dma_semaphore, #tpu.memory_space<semaphore_mem>>
        %dma_start3A_208 = tpu.memref_squeeze %dma_start3A_207 : memref<1x1x!tpu.dma_semaphore, #tpu.memory_space<semaphore_mem>> -> memref<!tpu.dma_semaphore, #tpu.memory_space<semaphore_mem>>
        tpu.enqueue_indirect_dma source(%dma_start3A_206 : memref<10000x128xf32, #tpu.memory_space<hbm>>) target(%dma_start3A_200 : memref<64x128xf32, #tpu.memory_space<vmem>>) offsets(%dma_start3A_203 : memref<64xi32, #tpu.memory_space<vmem>>) semaphore(%dma_start3A_208 : memref<!tpu.dma_semaphore, #tpu.memory_space<semaphore_mem>>)
      } else {
      }
      %dma_wait3A = arith.constant 0 : i32
      %dma_wait3A_174 = arith.constant 0 : i32
      %dma_wait3A_175 = arith.constant 0 : i32
      %dma_wait3A_176 = tpu.memref_slice %arg8[%rem3A_166, %dma_wait3A_174, %dma_wait3A_175] : memref<3x64x128xf32, #tpu.memory_space<vmem>> -> memref<1x64x128xf32, #tpu.memory_space<vmem>>
      %dma_wait3A_177 = tpu.memref_squeeze %dma_wait3A_176 : memref<1x64x128xf32, #tpu.memory_space<vmem>> -> memref<64x128xf32, #tpu.memory_space<vmem>>
      %dma_wait3A_178 = arith.constant 0 : i32
      %dma_wait3A_179 = tpu.memref_slice %arg11[%scan3A_165, %dma_wait3A_178] : memref<80x64xi32, #tpu.memory_space<vmem>> -> memref<1x64xi32, #tpu.memory_space<vmem>>
      %dma_wait3A_180 = tpu.memref_squeeze %dma_wait3A_179 : memref<1x64xi32, #tpu.memory_space<vmem>> -> memref<64xi32, #tpu.memory_space<vmem>>
      %dma_wait3A_181 = arith.constant 0 : i32
      %dma_wait3A_182 = arith.constant 0 : i32
      %dma_wait3A_183 = tpu.memref_slice %arg2[%dma_wait3A_181, %dma_wait3A_182] : memref<10000x128xf32, #tpu.memory_space<hbm>> -> memref<10000x128xf32, #tpu.memory_space<hbm>>
      %dma_wait3A_184 = tpu.memref_slice %arg10[%rem3A_166, %dma_wait3A] : memref<3x1x!tpu.dma_semaphore, #tpu.memory_space<semaphore_mem>> -> memref<1x1x!tpu.dma_semaphore, #tpu.memory_space<semaphore_mem>>
      %dma_wait3A_185 = tpu.memref_squeeze %dma_wait3A_184 : memref<1x1x!tpu.dma_semaphore, #tpu.memory_space<semaphore_mem>> -> memref<!tpu.dma_semaphore, #tpu.memory_space<semaphore_mem>>
      tpu.wait_indirect_dma semaphore(%dma_wait3A_185 : memref<!tpu.dma_semaphore, #tpu.memory_space<semaphore_mem>>) src(%dma_wait3A_183 : memref<10000x128xf32, #tpu.memory_space<hbm>>) dst(%dma_wait3A_177 : memref<64x128xf32, #tpu.memory_space<vmem>>)
      "tpu.region"() ({
        %run_scoped3A_186 = tpu.sem_alloc : memref<!tpu.dma_semaphore, #tpu.memory_space<semaphore_mem>>
        %dma_start3A_187 = arith.constant 0 : i32
        %dma_start3A_188 = arith.constant 0 : i32
        %dma_start3A_189 = tpu.memref_slice %arg8[%rem3A_166, %dma_start3A_187, %dma_start3A_188] : memref<3x64x128xf32, #tpu.memory_space<vmem>> -> memref<1x64x128xf32, #tpu.memory_space<vmem>>
        %dma_start3A_190 = tpu.memref_squeeze %dma_start3A_189 : memref<1x64x128xf32, #tpu.memory_space<vmem>> -> memref<64x128xf32, #tpu.memory_space<vmem>>
        %dma_start3A_191 = arith.constant 0 : i32
        %dma_start3A_192 = tpu.memref_slice %arg7[%scan3A_165, %dma_start3A_191] : memref<80x64xi32, #tpu.memory_space<vmem>> -> memref<1x64xi32, #tpu.memory_space<vmem>>
        %dma_start3A_193 = tpu.memref_squeeze %dma_start3A_192 : memref<1x64xi32, #tpu.memory_space<vmem>> -> memref<64xi32, #tpu.memory_space<vmem>>
        %dma_start3A_194 = arith.constant 0 : i32
        %dma_start3A_195 = arith.constant 0 : i32
        %dma_start3A_196 = tpu.memref_slice %arg9[%dma_start3A_194, %dma_start3A_195] : memref<10112x128xf32, #tpu.memory_space<vmem_shared>> -> memref<10112x128xf32, #tpu.memory_space<vmem_shared>>
        tpu.enqueue_indirect_dma source(%dma_start3A_190 : memref<64x128xf32, #tpu.memory_space<vmem>>) target(%dma_start3A_196 : memref<10112x128xf32, #tpu.memory_space<vmem_shared>>) offsets(%dma_start3A_193 : memref<64xi32, #tpu.memory_space<vmem>>) semaphore(%run_scoped3A_186 : memref<!tpu.dma_semaphore, #tpu.memory_space<semaphore_mem>>) {add = true}
        %dma_wait3A_197 = arith.constant 0 : i32
        %dma_wait3A_198 = arith.constant 0 : i32
        %dma_wait3A_199 = tpu.memref_slice %arg8[%rem3A_166, %dma_wait3A_197, %dma_wait3A_198] : memref<3x64x128xf32, #tpu.memory_space<vmem>> -> memref<1x64x128xf32, #tpu.memory_space<vmem>>
        %dma_wait3A_200 = tpu.memref_squeeze %dma_wait3A_199 : memref<1x64x128xf32, #tpu.memory_space<vmem>> -> memref<64x128xf32, #tpu.memory_space<vmem>>
        %dma_wait3A_201 = arith.constant 0 : i32
        %dma_wait3A_202 = tpu.memref_slice %arg7[%scan3A_165, %dma_wait3A_201] : memref<80x64xi32, #tpu.memory_space<vmem>> -> memref<1x64xi32, #tpu.memory_space<vmem>>
        %dma_wait3A_203 = tpu.memref_squeeze %dma_wait3A_202 : memref<1x64xi32, #tpu.memory_space<vmem>> -> memref<64xi32, #tpu.memory_space<vmem>>
        %dma_wait3A_204 = arith.constant 0 : i32
        %dma_wait3A_205 = arith.constant 0 : i32
        %dma_wait3A_206 = tpu.memref_slice %arg9[%dma_wait3A_204, %dma_wait3A_205] : memref<10112x128xf32, #tpu.memory_space<vmem_shared>> -> memref<10112x128xf32, #tpu.memory_space<vmem_shared>>
        tpu.wait_indirect_dma semaphore(%run_scoped3A_186 : memref<!tpu.dma_semaphore, #tpu.memory_space<semaphore_mem>>) src(%dma_wait3A_200 : memref<64x128xf32, #tpu.memory_space<vmem>>) dst(%dma_wait3A_206 : memref<10112x128xf32, #tpu.memory_space<vmem_shared>>)
        tpu.yield
      }) : () -> ()
    }
    %scan3A_69 = arith.constant 80 : i32
    %barrier3A_70 = arith.constant 0 : index
    tpu.barrier barrier_id(%barrier3A_70)
    %mul3A_71 = arith.constant 624 : i32
    %mul3A_72 = arith.muli %arg1, %mul3A_71 : i32
    %mul3A_73 = arith.constant 624 : i32
    %mul3A_74 = arith.muli %arg1, %mul3A_73 : i32
    "tpu.region"() ({
      %run_scoped3A_165 = tpu.sem_alloc : memref<!tpu.dma_semaphore, #tpu.memory_space<semaphore_mem>>
      %dma_start3A_166 = arith.constant 0 : i32
      %dma_start3A_167 = tpu.memref_slice %arg6[%add3A_1, %mul3A_74, %dma_start3A_166] : memref<4x10000x128xf32, #tpu.memory_space<hbm>> -> memref<1x624x128xf32, #tpu.memory_space<hbm>>
      %dma_start3A_168 = tpu.memref_squeeze %dma_start3A_167 : memref<1x624x128xf32, #tpu.memory_space<hbm>> -> memref<624x128xf32, #tpu.memory_space<hbm>>
      %dma_start3A_169 = arith.constant 0 : i32
      %dma_start3A_170 = tpu.memref_slice %arg9[%mul3A_72, %dma_start3A_169] : memref<10112x128xf32, #tpu.memory_space<vmem_shared>> -> memref<624x128xf32, #tpu.memory_space<vmem_shared>>
      tpu.enqueue_dma source(%dma_start3A_170 : memref<624x128xf32, #tpu.memory_space<vmem_shared>>) target(%dma_start3A_168 : memref<624x128xf32, #tpu.memory_space<hbm>>) target_semaphore(%run_scoped3A_165 : memref<!tpu.dma_semaphore, #tpu.memory_space<semaphore_mem>>)
      %dma_wait3A = arith.constant 0 : i32
      %dma_wait3A_171 = tpu.memref_slice %arg6[%add3A_1, %mul3A_74, %dma_wait3A] : memref<4x10000x128xf32, #tpu.memory_space<hbm>> -> memref<1x624x128xf32, #tpu.memory_space<hbm>>
      %dma_wait3A_172 = tpu.memref_squeeze %dma_wait3A_171 : memref<1x624x128xf32, #tpu.memory_space<hbm>> -> memref<624x128xf32, #tpu.memory_space<hbm>>
      %dma_wait3A_173 = arith.constant 0 : i32
      %dma_wait3A_174 = tpu.memref_slice %arg9[%mul3A_72, %dma_wait3A_173] : memref<10112x128xf32, #tpu.memory_space<vmem_shared>> -> memref<624x128xf32, #tpu.memory_space<vmem_shared>>
      tpu.wait_dma2 semaphore(%run_scoped3A_165 : memref<!tpu.dma_semaphore, #tpu.memory_space<semaphore_mem>>) src(%dma_wait3A_174 : memref<624x128xf32, #tpu.memory_space<vmem_shared>>) dst(%dma_wait3A_172 : memref<624x128xf32, #tpu.memory_space<hbm>>)
      tpu.yield
    }) : () -> ()
    %eq3A = arith.constant 15 : i32
    %eq3A_75 = arith.cmpi eq, %arg1, %eq3A : i32
    %convert_element_type3A = arith.extui %eq3A_75 : i1 to i32
    %cond3A = arith.constant 0 : i32
    %cond3A_76 = arith.cmpi ne, %convert_element_type3A, %cond3A : i32
    scf.if %cond3A_76 {
      "tpu.region"() ({
        %run_scoped3A_165 = tpu.sem_alloc : memref<!tpu.dma_semaphore, #tpu.memory_space<semaphore_mem>>
        %dma_start3A_166 = arith.constant 9984 : i32
        %dma_start3A_167 = arith.constant 0 : i32
        %dma_start3A_168 = tpu.memref_slice %arg6[%add3A_1, %dma_start3A_166, %dma_start3A_167] : memref<4x10000x128xf32, #tpu.memory_space<hbm>> -> memref<1x16x128xf32, #tpu.memory_space<hbm>>
        %dma_start3A_169 = tpu.memref_squeeze %dma_start3A_168 : memref<1x16x128xf32, #tpu.memory_space<hbm>> -> memref<16x128xf32, #tpu.memory_space<hbm>>
        %dma_start3A_170 = arith.constant 9984 : i32
        %dma_start3A_171 = arith.constant 0 : i32
        %dma_start3A_172 = tpu.memref_slice %arg9[%dma_start3A_170, %dma_start3A_171] : memref<10112x128xf32, #tpu.memory_space<vmem_shared>> -> memref<16x128xf32, #tpu.memory_space<vmem_shared>>
        tpu.enqueue_dma source(%dma_start3A_172 : memref<16x128xf32, #tpu.memory_space<vmem_shared>>) target(%dma_start3A_169 : memref<16x128xf32, #tpu.memory_space<hbm>>) target_semaphore(%run_scoped3A_165 : memref<!tpu.dma_semaphore, #tpu.memory_space<semaphore_mem>>)
        %dma_wait3A = arith.constant 9984 : i32
        %dma_wait3A_173 = arith.constant 0 : i32
        %dma_wait3A_174 = tpu.memref_slice %arg6[%add3A_1, %dma_wait3A, %dma_wait3A_173] : memref<4x10000x128xf32, #tpu.memory_space<hbm>> -> memref<1x16x128xf32, #tpu.memory_space<hbm>>
        %dma_wait3A_175 = tpu.memref_squeeze %dma_wait3A_174 : memref<1x16x128xf32, #tpu.memory_space<hbm>> -> memref<16x128xf32, #tpu.memory_space<hbm>>
        %dma_wait3A_176 = arith.constant 9984 : i32
        %dma_wait3A_177 = arith.constant 0 : i32
        %dma_wait3A_178 = tpu.memref_slice %arg9[%dma_wait3A_176, %dma_wait3A_177] : memref<10112x128xf32, #tpu.memory_space<vmem_shared>> -> memref<16x128xf32, #tpu.memory_space<vmem_shared>>
        tpu.wait_dma2 semaphore(%run_scoped3A_165 : memref<!tpu.dma_semaphore, #tpu.memory_space<semaphore_mem>>) src(%dma_wait3A_178 : memref<16x128xf32, #tpu.memory_space<vmem_shared>>) dst(%dma_wait3A_175 : memref<16x128xf32, #tpu.memory_space<hbm>>)
        tpu.yield
      }) : () -> ()
    } else {
    }
    %barrier3A_77 = arith.constant 0 : index
    tpu.barrier barrier_id(%barrier3A_77)
    %mul3A_78 = arith.constant 2 : i32
    %mul3A_79 = arith.muli %arg0, %mul3A_78 : i32
    %add3A_80 = arith.constant 1 : i32
    %add3A_81 = arith.addi %mul3A_79, %add3A_80 : i32
    %run_scoped3A_82 = arith.constant 0 : i32
    "tpu.region"() ({
      %run_scoped3A_165 = tpu.sem_alloc : memref<!tpu.dma_semaphore, #tpu.memory_space<semaphore_mem>>
      %dma_start3A_166 = arith.constant 0 : i32
      %dma_start3A_167 = arith.constant 0 : i32
      %dma_start3A_168 = tpu.memref_slice %arg8[%run_scoped3A_82, %dma_start3A_166, %dma_start3A_167] : memref<3x64x128xf32, #tpu.memory_space<vmem>> -> memref<1x64x128xf32, #tpu.memory_space<vmem>>
      %dma_start3A_169 = tpu.memref_squeeze %dma_start3A_168 : memref<1x64x128xf32, #tpu.memory_space<vmem>> -> memref<64x128xf32, #tpu.memory_space<vmem>>
      %dma_start3A_170 = arith.constant 0 : i32
      %dma_start3A_171 = arith.constant 0 : i32
      %dma_start3A_172 = tpu.memref_slice %arg8[%run_scoped3A_82, %dma_start3A_170, %dma_start3A_171] : memref<3x64x128xf32, #tpu.memory_space<vmem>> -> memref<1x64x128xf32, #tpu.memory_space<vmem>>
      %dma_start3A_173 = tpu.memref_squeeze %dma_start3A_172 : memref<1x64x128xf32, #tpu.memory_space<vmem>> -> memref<64x128xf32, #tpu.memory_space<vmem>>
      tpu.enqueue_dma source(%arg5 : memref<64x128xf32, #tpu.memory_space<hbm>>) target(%dma_start3A_173 : memref<64x128xf32, #tpu.memory_space<vmem>>) target_semaphore(%run_scoped3A_165 : memref<!tpu.dma_semaphore, #tpu.memory_space<semaphore_mem>>)
      %dma_wait3A = arith.constant 0 : i32
      %dma_wait3A_174 = arith.constant 0 : i32
      %dma_wait3A_175 = tpu.memref_slice %arg8[%run_scoped3A_82, %dma_wait3A, %dma_wait3A_174] : memref<3x64x128xf32, #tpu.memory_space<vmem>> -> memref<1x64x128xf32, #tpu.memory_space<vmem>>
      %dma_wait3A_176 = tpu.memref_squeeze %dma_wait3A_175 : memref<1x64x128xf32, #tpu.memory_space<vmem>> -> memref<64x128xf32, #tpu.memory_space<vmem>>
      %dma_wait3A_177 = arith.constant 0 : i32
      %dma_wait3A_178 = arith.constant 0 : i32
      %dma_wait3A_179 = tpu.memref_slice %arg8[%run_scoped3A_82, %dma_wait3A_177, %dma_wait3A_178] : memref<3x64x128xf32, #tpu.memory_space<vmem>> -> memref<1x64x128xf32, #tpu.memory_space<vmem>>
      %dma_wait3A_180 = tpu.memref_squeeze %dma_wait3A_179 : memref<1x64x128xf32, #tpu.memory_space<vmem>> -> memref<64x128xf32, #tpu.memory_space<vmem>>
      tpu.wait_dma2 semaphore(%run_scoped3A_165 : memref<!tpu.dma_semaphore, #tpu.memory_space<semaphore_mem>>) src(%arg5 : memref<64x128xf32, #tpu.memory_space<hbm>>) dst(%dma_wait3A_180 : memref<64x128xf32, #tpu.memory_space<vmem>>)
      tpu.yield
    }) : () -> ()
    %mul3A_83 = arith.constant 632 : i32
    %mul3A_84 = arith.muli %arg1, %mul3A_83 : i32
    %add3A_85 = arith.constant 0 : i32
    %add3A_86 = arith.addi %mul3A_84, %add3A_85 : i32
    %run_scoped3A_87 = arith.constant 0 : i32
    "tpu.region"() ({
      %run_scoped3A_165 = tpu.sem_alloc : memref<!tpu.dma_semaphore, #tpu.memory_space<semaphore_mem>>
      %dma_start3A_166 = arith.constant 0 : i32
      %dma_start3A_167 = arith.constant 0 : i32
      %dma_start3A_168 = tpu.memref_slice %arg8[%run_scoped3A_87, %dma_start3A_166, %dma_start3A_167] : memref<3x64x128xf32, #tpu.memory_space<vmem>> -> memref<1x64x128xf32, #tpu.memory_space<vmem>>
      %dma_start3A_169 = tpu.memref_squeeze %dma_start3A_168 : memref<1x64x128xf32, #tpu.memory_space<vmem>> -> memref<64x128xf32, #tpu.memory_space<vmem>>
      %dma_start3A_170 = arith.constant 0 : i32
      %dma_start3A_171 = tpu.memref_slice %arg9[%add3A_86, %dma_start3A_170] : memref<10112x128xf32, #tpu.memory_space<vmem_shared>> -> memref<64x128xf32, #tpu.memory_space<vmem_shared>>
      %dma_start3A_172 = arith.constant 0 : i32
      %dma_start3A_173 = tpu.memref_slice %arg9[%add3A_86, %dma_start3A_172] : memref<10112x128xf32, #tpu.memory_space<vmem_shared>> -> memref<64x128xf32, #tpu.memory_space<vmem_shared>>
      %dma_start3A_174 = arith.constant 0 : i32
      %dma_start3A_175 = arith.constant 0 : i32
      %dma_start3A_176 = tpu.memref_slice %arg8[%run_scoped3A_87, %dma_start3A_174, %dma_start3A_175] : memref<3x64x128xf32, #tpu.memory_space<vmem>> -> memref<1x64x128xf32, #tpu.memory_space<vmem>>
      %dma_start3A_177 = tpu.memref_squeeze %dma_start3A_176 : memref<1x64x128xf32, #tpu.memory_space<vmem>> -> memref<64x128xf32, #tpu.memory_space<vmem>>
      tpu.enqueue_dma source(%dma_start3A_177 : memref<64x128xf32, #tpu.memory_space<vmem>>) target(%dma_start3A_173 : memref<64x128xf32, #tpu.memory_space<vmem_shared>>) target_semaphore(%run_scoped3A_165 : memref<!tpu.dma_semaphore, #tpu.memory_space<semaphore_mem>>)
      %dma_wait3A = arith.constant 0 : i32
      %dma_wait3A_178 = arith.constant 0 : i32
      %dma_wait3A_179 = tpu.memref_slice %arg8[%run_scoped3A_87, %dma_wait3A, %dma_wait3A_178] : memref<3x64x128xf32, #tpu.memory_space<vmem>> -> memref<1x64x128xf32, #tpu.memory_space<vmem>>
      %dma_wait3A_180 = tpu.memref_squeeze %dma_wait3A_179 : memref<1x64x128xf32, #tpu.memory_space<vmem>> -> memref<64x128xf32, #tpu.memory_space<vmem>>
      %dma_wait3A_181 = arith.constant 0 : i32
      %dma_wait3A_182 = tpu.memref_slice %arg9[%add3A_86, %dma_wait3A_181] : memref<10112x128xf32, #tpu.memory_space<vmem_shared>> -> memref<64x128xf32, #tpu.memory_space<vmem_shared>>
      %dma_wait3A_183 = arith.constant 0 : i32
      %dma_wait3A_184 = tpu.memref_slice %arg9[%add3A_86, %dma_wait3A_183] : memref<10112x128xf32, #tpu.memory_space<vmem_shared>> -> memref<64x128xf32, #tpu.memory_space<vmem_shared>>
      %dma_wait3A_185 = arith.constant 0 : i32
      %dma_wait3A_186 = arith.constant 0 : i32
      %dma_wait3A_187 = tpu.memref_slice %arg8[%run_scoped3A_87, %dma_wait3A_185, %dma_wait3A_186] : memref<3x64x128xf32, #tpu.memory_space<vmem>> -> memref<1x64x128xf32, #tpu.memory_space<vmem>>
      %dma_wait3A_188 = tpu.memref_squeeze %dma_wait3A_187 : memref<1x64x128xf32, #tpu.memory_space<vmem>> -> memref<64x128xf32, #tpu.memory_space<vmem>>
      tpu.wait_dma2 semaphore(%run_scoped3A_165 : memref<!tpu.dma_semaphore, #tpu.memory_space<semaphore_mem>>) src(%dma_wait3A_188 : memref<64x128xf32, #tpu.memory_space<vmem>>) dst(%dma_wait3A_184 : memref<64x128xf32, #tpu.memory_space<vmem_shared>>)
      tpu.yield
    }) : () -> ()
    %add3A_88 = arith.constant 64 : i32
    %add3A_89 = arith.addi %mul3A_84, %add3A_88 : i32
    %run_scoped3A_90 = arith.constant 0 : i32
    "tpu.region"() ({
      %run_scoped3A_165 = tpu.sem_alloc : memref<!tpu.dma_semaphore, #tpu.memory_space<semaphore_mem>>
      %dma_start3A_166 = arith.constant 0 : i32
      %dma_start3A_167 = arith.constant 0 : i32
      %dma_start3A_168 = tpu.memref_slice %arg8[%run_scoped3A_90, %dma_start3A_166, %dma_start3A_167] : memref<3x64x128xf32, #tpu.memory_space<vmem>> -> memref<1x64x128xf32, #tpu.memory_space<vmem>>
      %dma_start3A_169 = tpu.memref_squeeze %dma_start3A_168 : memref<1x64x128xf32, #tpu.memory_space<vmem>> -> memref<64x128xf32, #tpu.memory_space<vmem>>
      %dma_start3A_170 = arith.constant 0 : i32
      %dma_start3A_171 = tpu.memref_slice %arg9[%add3A_89, %dma_start3A_170] : memref<10112x128xf32, #tpu.memory_space<vmem_shared>> -> memref<64x128xf32, #tpu.memory_space<vmem_shared>>
      %dma_start3A_172 = arith.constant 0 : i32
      %dma_start3A_173 = tpu.memref_slice %arg9[%add3A_89, %dma_start3A_172] : memref<10112x128xf32, #tpu.memory_space<vmem_shared>> -> memref<64x128xf32, #tpu.memory_space<vmem_shared>>
      %dma_start3A_174 = arith.constant 0 : i32
      %dma_start3A_175 = arith.constant 0 : i32
      %dma_start3A_176 = tpu.memref_slice %arg8[%run_scoped3A_90, %dma_start3A_174, %dma_start3A_175] : memref<3x64x128xf32, #tpu.memory_space<vmem>> -> memref<1x64x128xf32, #tpu.memory_space<vmem>>
      %dma_start3A_177 = tpu.memref_squeeze %dma_start3A_176 : memref<1x64x128xf32, #tpu.memory_space<vmem>> -> memref<64x128xf32, #tpu.memory_space<vmem>>
      tpu.enqueue_dma source(%dma_start3A_177 : memref<64x128xf32, #tpu.memory_space<vmem>>) target(%dma_start3A_173 : memref<64x128xf32, #tpu.memory_space<vmem_shared>>) target_semaphore(%run_scoped3A_165 : memref<!tpu.dma_semaphore, #tpu.memory_space<semaphore_mem>>)
      %dma_wait3A = arith.constant 0 : i32
      %dma_wait3A_178 = arith.constant 0 : i32
      %dma_wait3A_179 = tpu.memref_slice %arg8[%run_scoped3A_90, %dma_wait3A, %dma_wait3A_178] : memref<3x64x128xf32, #tpu.memory_space<vmem>> -> memref<1x64x128xf32, #tpu.memory_space<vmem>>
      %dma_wait3A_180 = tpu.memref_squeeze %dma_wait3A_179 : memref<1x64x128xf32, #tpu.memory_space<vmem>> -> memref<64x128xf32, #tpu.memory_space<vmem>>
      %dma_wait3A_181 = arith.constant 0 : i32
      %dma_wait3A_182 = tpu.memref_slice %arg9[%add3A_89, %dma_wait3A_181] : memref<10112x128xf32, #tpu.memory_space<vmem_shared>> -> memref<64x128xf32, #tpu.memory_space<vmem_shared>>
      %dma_wait3A_183 = arith.constant 0 : i32
      %dma_wait3A_184 = tpu.memref_slice %arg9[%add3A_89, %dma_wait3A_183] : memref<10112x128xf32, #tpu.memory_space<vmem_shared>> -> memref<64x128xf32, #tpu.memory_space<vmem_shared>>
      %dma_wait3A_185 = arith.constant 0 : i32
      %dma_wait3A_186 = arith.constant 0 : i32
      %dma_wait3A_187 = tpu.memref_slice %arg8[%run_scoped3A_90, %dma_wait3A_185, %dma_wait3A_186] : memref<3x64x128xf32, #tpu.memory_space<vmem>> -> memref<1x64x128xf32, #tpu.memory_space<vmem>>
      %dma_wait3A_188 = tpu.memref_squeeze %dma_wait3A_187 : memref<1x64x128xf32, #tpu.memory_space<vmem>> -> memref<64x128xf32, #tpu.memory_space<vmem>>
      tpu.wait_dma2 semaphore(%run_scoped3A_165 : memref<!tpu.dma_semaphore, #tpu.memory_space<semaphore_mem>>) src(%dma_wait3A_188 : memref<64x128xf32, #tpu.memory_space<vmem>>) dst(%dma_wait3A_184 : memref<64x128xf32, #tpu.memory_space<vmem_shared>>)
      tpu.yield
    }) : () -> ()
    %add3A_91 = arith.constant 128 : i32
    %add3A_92 = arith.addi %mul3A_84, %add3A_91 : i32
    %run_scoped3A_93 = arith.constant 0 : i32
    "tpu.region"() ({
      %run_scoped3A_165 = tpu.sem_alloc : memref<!tpu.dma_semaphore, #tpu.memory_space<semaphore_mem>>
      %dma_start3A_166 = arith.constant 0 : i32
      %dma_start3A_167 = arith.constant 0 : i32
      %dma_start3A_168 = tpu.memref_slice %arg8[%run_scoped3A_93, %dma_start3A_166, %dma_start3A_167] : memref<3x64x128xf32, #tpu.memory_space<vmem>> -> memref<1x64x128xf32, #tpu.memory_space<vmem>>
      %dma_start3A_169 = tpu.memref_squeeze %dma_start3A_168 : memref<1x64x128xf32, #tpu.memory_space<vmem>> -> memref<64x128xf32, #tpu.memory_space<vmem>>
      %dma_start3A_170 = arith.constant 0 : i32
      %dma_start3A_171 = tpu.memref_slice %arg9[%add3A_92, %dma_start3A_170] : memref<10112x128xf32, #tpu.memory_space<vmem_shared>> -> memref<64x128xf32, #tpu.memory_space<vmem_shared>>
      %dma_start3A_172 = arith.constant 0 : i32
      %dma_start3A_173 = tpu.memref_slice %arg9[%add3A_92, %dma_start3A_172] : memref<10112x128xf32, #tpu.memory_space<vmem_shared>> -> memref<64x128xf32, #tpu.memory_space<vmem_shared>>
      %dma_start3A_174 = arith.constant 0 : i32
      %dma_start3A_175 = arith.constant 0 : i32
      %dma_start3A_176 = tpu.memref_slice %arg8[%run_scoped3A_93, %dma_start3A_174, %dma_start3A_175] : memref<3x64x128xf32, #tpu.memory_space<vmem>> -> memref<1x64x128xf32, #tpu.memory_space<vmem>>
      %dma_start3A_177 = tpu.memref_squeeze %dma_start3A_176 : memref<1x64x128xf32, #tpu.memory_space<vmem>> -> memref<64x128xf32, #tpu.memory_space<vmem>>
      tpu.enqueue_dma source(%dma_start3A_177 : memref<64x128xf32, #tpu.memory_space<vmem>>) target(%dma_start3A_173 : memref<64x128xf32, #tpu.memory_space<vmem_shared>>) target_semaphore(%run_scoped3A_165 : memref<!tpu.dma_semaphore, #tpu.memory_space<semaphore_mem>>)
      %dma_wait3A = arith.constant 0 : i32
      %dma_wait3A_178 = arith.constant 0 : i32
      %dma_wait3A_179 = tpu.memref_slice %arg8[%run_scoped3A_93, %dma_wait3A, %dma_wait3A_178] : memref<3x64x128xf32, #tpu.memory_space<vmem>> -> memref<1x64x128xf32, #tpu.memory_space<vmem>>
      %dma_wait3A_180 = tpu.memref_squeeze %dma_wait3A_179 : memref<1x64x128xf32, #tpu.memory_space<vmem>> -> memref<64x128xf32, #tpu.memory_space<vmem>>
      %dma_wait3A_181 = arith.constant 0 : i32
      %dma_wait3A_182 = tpu.memref_slice %arg9[%add3A_92, %dma_wait3A_181] : memref<10112x128xf32, #tpu.memory_space<vmem_shared>> -> memref<64x128xf32, #tpu.memory_space<vmem_shared>>
      %dma_wait3A_183 = arith.constant 0 : i32
      %dma_wait3A_184 = tpu.memref_slice %arg9[%add3A_92, %dma_wait3A_183] : memref<10112x128xf32, #tpu.memory_space<vmem_shared>> -> memref<64x128xf32, #tpu.memory_space<vmem_shared>>
      %dma_wait3A_185 = arith.constant 0 : i32
      %dma_wait3A_186 = arith.constant 0 : i32
      %dma_wait3A_187 = tpu.memref_slice %arg8[%run_scoped3A_93, %dma_wait3A_185, %dma_wait3A_186] : memref<3x64x128xf32, #tpu.memory_space<vmem>> -> memref<1x64x128xf32, #tpu.memory_space<vmem>>
      %dma_wait3A_188 = tpu.memref_squeeze %dma_wait3A_187 : memref<1x64x128xf32, #tpu.memory_space<vmem>> -> memref<64x128xf32, #tpu.memory_space<vmem>>
      tpu.wait_dma2 semaphore(%run_scoped3A_165 : memref<!tpu.dma_semaphore, #tpu.memory_space<semaphore_mem>>) src(%dma_wait3A_188 : memref<64x128xf32, #tpu.memory_space<vmem>>) dst(%dma_wait3A_184 : memref<64x128xf32, #tpu.memory_space<vmem_shared>>)
      tpu.yield
    }) : () -> ()
    %add3A_94 = arith.constant 192 : i32
    %add3A_95 = arith.addi %mul3A_84, %add3A_94 : i32
    %run_scoped3A_96 = arith.constant 0 : i32
    "tpu.region"() ({
      %run_scoped3A_165 = tpu.sem_alloc : memref<!tpu.dma_semaphore, #tpu.memory_space<semaphore_mem>>
      %dma_start3A_166 = arith.constant 0 : i32
      %dma_start3A_167 = arith.constant 0 : i32
      %dma_start3A_168 = tpu.memref_slice %arg8[%run_scoped3A_96, %dma_start3A_166, %dma_start3A_167] : memref<3x64x128xf32, #tpu.memory_space<vmem>> -> memref<1x64x128xf32, #tpu.memory_space<vmem>>
      %dma_start3A_169 = tpu.memref_squeeze %dma_start3A_168 : memref<1x64x128xf32, #tpu.memory_space<vmem>> -> memref<64x128xf32, #tpu.memory_space<vmem>>
      %dma_start3A_170 = arith.constant 0 : i32
      %dma_start3A_171 = tpu.memref_slice %arg9[%add3A_95, %dma_start3A_170] : memref<10112x128xf32, #tpu.memory_space<vmem_shared>> -> memref<64x128xf32, #tpu.memory_space<vmem_shared>>
      %dma_start3A_172 = arith.constant 0 : i32
      %dma_start3A_173 = tpu.memref_slice %arg9[%add3A_95, %dma_start3A_172] : memref<10112x128xf32, #tpu.memory_space<vmem_shared>> -> memref<64x128xf32, #tpu.memory_space<vmem_shared>>
      %dma_start3A_174 = arith.constant 0 : i32
      %dma_start3A_175 = arith.constant 0 : i32
      %dma_start3A_176 = tpu.memref_slice %arg8[%run_scoped3A_96, %dma_start3A_174, %dma_start3A_175] : memref<3x64x128xf32, #tpu.memory_space<vmem>> -> memref<1x64x128xf32, #tpu.memory_space<vmem>>
      %dma_start3A_177 = tpu.memref_squeeze %dma_start3A_176 : memref<1x64x128xf32, #tpu.memory_space<vmem>> -> memref<64x128xf32, #tpu.memory_space<vmem>>
      tpu.enqueue_dma source(%dma_start3A_177 : memref<64x128xf32, #tpu.memory_space<vmem>>) target(%dma_start3A_173 : memref<64x128xf32, #tpu.memory_space<vmem_shared>>) target_semaphore(%run_scoped3A_165 : memref<!tpu.dma_semaphore, #tpu.memory_space<semaphore_mem>>)
      %dma_wait3A = arith.constant 0 : i32
      %dma_wait3A_178 = arith.constant 0 : i32
      %dma_wait3A_179 = tpu.memref_slice %arg8[%run_scoped3A_96, %dma_wait3A, %dma_wait3A_178] : memref<3x64x128xf32, #tpu.memory_space<vmem>> -> memref<1x64x128xf32, #tpu.memory_space<vmem>>
      %dma_wait3A_180 = tpu.memref_squeeze %dma_wait3A_179 : memref<1x64x128xf32, #tpu.memory_space<vmem>> -> memref<64x128xf32, #tpu.memory_space<vmem>>
      %dma_wait3A_181 = arith.constant 0 : i32
      %dma_wait3A_182 = tpu.memref_slice %arg9[%add3A_95, %dma_wait3A_181] : memref<10112x128xf32, #tpu.memory_space<vmem_shared>> -> memref<64x128xf32, #tpu.memory_space<vmem_shared>>
      %dma_wait3A_183 = arith.constant 0 : i32
      %dma_wait3A_184 = tpu.memref_slice %arg9[%add3A_95, %dma_wait3A_183] : memref<10112x128xf32, #tpu.memory_space<vmem_shared>> -> memref<64x128xf32, #tpu.memory_space<vmem_shared>>
      %dma_wait3A_185 = arith.constant 0 : i32
      %dma_wait3A_186 = arith.constant 0 : i32
      %dma_wait3A_187 = tpu.memref_slice %arg8[%run_scoped3A_96, %dma_wait3A_185, %dma_wait3A_186] : memref<3x64x128xf32, #tpu.memory_space<vmem>> -> memref<1x64x128xf32, #tpu.memory_space<vmem>>
      %dma_wait3A_188 = tpu.memref_squeeze %dma_wait3A_187 : memref<1x64x128xf32, #tpu.memory_space<vmem>> -> memref<64x128xf32, #tpu.memory_space<vmem>>
      tpu.wait_dma2 semaphore(%run_scoped3A_165 : memref<!tpu.dma_semaphore, #tpu.memory_space<semaphore_mem>>) src(%dma_wait3A_188 : memref<64x128xf32, #tpu.memory_space<vmem>>) dst(%dma_wait3A_184 : memref<64x128xf32, #tpu.memory_space<vmem_shared>>)
      tpu.yield
    }) : () -> ()
    %add3A_97 = arith.constant 256 : i32
    %add3A_98 = arith.addi %mul3A_84, %add3A_97 : i32
    %run_scoped3A_99 = arith.constant 0 : i32
    "tpu.region"() ({
      %run_scoped3A_165 = tpu.sem_alloc : memref<!tpu.dma_semaphore, #tpu.memory_space<semaphore_mem>>
      %dma_start3A_166 = arith.constant 0 : i32
      %dma_start3A_167 = arith.constant 0 : i32
      %dma_start3A_168 = tpu.memref_slice %arg8[%run_scoped3A_99, %dma_start3A_166, %dma_start3A_167] : memref<3x64x128xf32, #tpu.memory_space<vmem>> -> memref<1x64x128xf32, #tpu.memory_space<vmem>>
      %dma_start3A_169 = tpu.memref_squeeze %dma_start3A_168 : memref<1x64x128xf32, #tpu.memory_space<vmem>> -> memref<64x128xf32, #tpu.memory_space<vmem>>
      %dma_start3A_170 = arith.constant 0 : i32
      %dma_start3A_171 = tpu.memref_slice %arg9[%add3A_98, %dma_start3A_170] : memref<10112x128xf32, #tpu.memory_space<vmem_shared>> -> memref<64x128xf32, #tpu.memory_space<vmem_shared>>
      %dma_start3A_172 = arith.constant 0 : i32
      %dma_start3A_173 = tpu.memref_slice %arg9[%add3A_98, %dma_start3A_172] : memref<10112x128xf32, #tpu.memory_space<vmem_shared>> -> memref<64x128xf32, #tpu.memory_space<vmem_shared>>
      %dma_start3A_174 = arith.constant 0 : i32
      %dma_start3A_175 = arith.constant 0 : i32
      %dma_start3A_176 = tpu.memref_slice %arg8[%run_scoped3A_99, %dma_start3A_174, %dma_start3A_175] : memref<3x64x128xf32, #tpu.memory_space<vmem>> -> memref<1x64x128xf32, #tpu.memory_space<vmem>>
      %dma_start3A_177 = tpu.memref_squeeze %dma_start3A_176 : memref<1x64x128xf32, #tpu.memory_space<vmem>> -> memref<64x128xf32, #tpu.memory_space<vmem>>
      tpu.enqueue_dma source(%dma_start3A_177 : memref<64x128xf32, #tpu.memory_space<vmem>>) target(%dma_start3A_173 : memref<64x128xf32, #tpu.memory_space<vmem_shared>>) target_semaphore(%run_scoped3A_165 : memref<!tpu.dma_semaphore, #tpu.memory_space<semaphore_mem>>)
      %dma_wait3A = arith.constant 0 : i32
      %dma_wait3A_178 = arith.constant 0 : i32
      %dma_wait3A_179 = tpu.memref_slice %arg8[%run_scoped3A_99, %dma_wait3A, %dma_wait3A_178] : memref<3x64x128xf32, #tpu.memory_space<vmem>> -> memref<1x64x128xf32, #tpu.memory_space<vmem>>
      %dma_wait3A_180 = tpu.memref_squeeze %dma_wait3A_179 : memref<1x64x128xf32, #tpu.memory_space<vmem>> -> memref<64x128xf32, #tpu.memory_space<vmem>>
      %dma_wait3A_181 = arith.constant 0 : i32
      %dma_wait3A_182 = tpu.memref_slice %arg9[%add3A_98, %dma_wait3A_181] : memref<10112x128xf32, #tpu.memory_space<vmem_shared>> -> memref<64x128xf32, #tpu.memory_space<vmem_shared>>
      %dma_wait3A_183 = arith.constant 0 : i32
      %dma_wait3A_184 = tpu.memref_slice %arg9[%add3A_98, %dma_wait3A_183] : memref<10112x128xf32, #tpu.memory_space<vmem_shared>> -> memref<64x128xf32, #tpu.memory_space<vmem_shared>>
      %dma_wait3A_185 = arith.constant 0 : i32
      %dma_wait3A_186 = arith.constant 0 : i32
      %dma_wait3A_187 = tpu.memref_slice %arg8[%run_scoped3A_99, %dma_wait3A_185, %dma_wait3A_186] : memref<3x64x128xf32, #tpu.memory_space<vmem>> -> memref<1x64x128xf32, #tpu.memory_space<vmem>>
      %dma_wait3A_188 = tpu.memref_squeeze %dma_wait3A_187 : memref<1x64x128xf32, #tpu.memory_space<vmem>> -> memref<64x128xf32, #tpu.memory_space<vmem>>
      tpu.wait_dma2 semaphore(%run_scoped3A_165 : memref<!tpu.dma_semaphore, #tpu.memory_space<semaphore_mem>>) src(%dma_wait3A_188 : memref<64x128xf32, #tpu.memory_space<vmem>>) dst(%dma_wait3A_184 : memref<64x128xf32, #tpu.memory_space<vmem_shared>>)
      tpu.yield
    }) : () -> ()
    %add3A_100 = arith.constant 320 : i32
    %add3A_101 = arith.addi %mul3A_84, %add3A_100 : i32
    %run_scoped3A_102 = arith.constant 0 : i32
    "tpu.region"() ({
      %run_scoped3A_165 = tpu.sem_alloc : memref<!tpu.dma_semaphore, #tpu.memory_space<semaphore_mem>>
      %dma_start3A_166 = arith.constant 0 : i32
      %dma_start3A_167 = arith.constant 0 : i32
      %dma_start3A_168 = tpu.memref_slice %arg8[%run_scoped3A_102, %dma_start3A_166, %dma_start3A_167] : memref<3x64x128xf32, #tpu.memory_space<vmem>> -> memref<1x64x128xf32, #tpu.memory_space<vmem>>
      %dma_start3A_169 = tpu.memref_squeeze %dma_start3A_168 : memref<1x64x128xf32, #tpu.memory_space<vmem>> -> memref<64x128xf32, #tpu.memory_space<vmem>>
      %dma_start3A_170 = arith.constant 0 : i32
      %dma_start3A_171 = tpu.memref_slice %arg9[%add3A_101, %dma_start3A_170] : memref<10112x128xf32, #tpu.memory_space<vmem_shared>> -> memref<64x128xf32, #tpu.memory_space<vmem_shared>>
      %dma_start3A_172 = arith.constant 0 : i32
      %dma_start3A_173 = tpu.memref_slice %arg9[%add3A_101, %dma_start3A_172] : memref<10112x128xf32, #tpu.memory_space<vmem_shared>> -> memref<64x128xf32, #tpu.memory_space<vmem_shared>>
      %dma_start3A_174 = arith.constant 0 : i32
      %dma_start3A_175 = arith.constant 0 : i32
      %dma_start3A_176 = tpu.memref_slice %arg8[%run_scoped3A_102, %dma_start3A_174, %dma_start3A_175] : memref<3x64x128xf32, #tpu.memory_space<vmem>> -> memref<1x64x128xf32, #tpu.memory_space<vmem>>
      %dma_start3A_177 = tpu.memref_squeeze %dma_start3A_176 : memref<1x64x128xf32, #tpu.memory_space<vmem>> -> memref<64x128xf32, #tpu.memory_space<vmem>>
      tpu.enqueue_dma source(%dma_start3A_177 : memref<64x128xf32, #tpu.memory_space<vmem>>) target(%dma_start3A_173 : memref<64x128xf32, #tpu.memory_space<vmem_shared>>) target_semaphore(%run_scoped3A_165 : memref<!tpu.dma_semaphore, #tpu.memory_space<semaphore_mem>>)
      %dma_wait3A = arith.constant 0 : i32
      %dma_wait3A_178 = arith.constant 0 : i32
      %dma_wait3A_179 = tpu.memref_slice %arg8[%run_scoped3A_102, %dma_wait3A, %dma_wait3A_178] : memref<3x64x128xf32, #tpu.memory_space<vmem>> -> memref<1x64x128xf32, #tpu.memory_space<vmem>>
      %dma_wait3A_180 = tpu.memref_squeeze %dma_wait3A_179 : memref<1x64x128xf32, #tpu.memory_space<vmem>> -> memref<64x128xf32, #tpu.memory_space<vmem>>
      %dma_wait3A_181 = arith.constant 0 : i32
      %dma_wait3A_182 = tpu.memref_slice %arg9[%add3A_101, %dma_wait3A_181] : memref<10112x128xf32, #tpu.memory_space<vmem_shared>> -> memref<64x128xf32, #tpu.memory_space<vmem_shared>>
      %dma_wait3A_183 = arith.constant 0 : i32
      %dma_wait3A_184 = tpu.memref_slice %arg9[%add3A_101, %dma_wait3A_183] : memref<10112x128xf32, #tpu.memory_space<vmem_shared>> -> memref<64x128xf32, #tpu.memory_space<vmem_shared>>
      %dma_wait3A_185 = arith.constant 0 : i32
      %dma_wait3A_186 = arith.constant 0 : i32
      %dma_wait3A_187 = tpu.memref_slice %arg8[%run_scoped3A_102, %dma_wait3A_185, %dma_wait3A_186] : memref<3x64x128xf32, #tpu.memory_space<vmem>> -> memref<1x64x128xf32, #tpu.memory_space<vmem>>
      %dma_wait3A_188 = tpu.memref_squeeze %dma_wait3A_187 : memref<1x64x128xf32, #tpu.memory_space<vmem>> -> memref<64x128xf32, #tpu.memory_space<vmem>>
      tpu.wait_dma2 semaphore(%run_scoped3A_165 : memref<!tpu.dma_semaphore, #tpu.memory_space<semaphore_mem>>) src(%dma_wait3A_188 : memref<64x128xf32, #tpu.memory_space<vmem>>) dst(%dma_wait3A_184 : memref<64x128xf32, #tpu.memory_space<vmem_shared>>)
      tpu.yield
    }) : () -> ()
    %add3A_103 = arith.constant 384 : i32
    %add3A_104 = arith.addi %mul3A_84, %add3A_103 : i32
    %run_scoped3A_105 = arith.constant 0 : i32
    "tpu.region"() ({
      %run_scoped3A_165 = tpu.sem_alloc : memref<!tpu.dma_semaphore, #tpu.memory_space<semaphore_mem>>
      %dma_start3A_166 = arith.constant 0 : i32
      %dma_start3A_167 = arith.constant 0 : i32
      %dma_start3A_168 = tpu.memref_slice %arg8[%run_scoped3A_105, %dma_start3A_166, %dma_start3A_167] : memref<3x64x128xf32, #tpu.memory_space<vmem>> -> memref<1x64x128xf32, #tpu.memory_space<vmem>>
      %dma_start3A_169 = tpu.memref_squeeze %dma_start3A_168 : memref<1x64x128xf32, #tpu.memory_space<vmem>> -> memref<64x128xf32, #tpu.memory_space<vmem>>
      %dma_start3A_170 = arith.constant 0 : i32
      %dma_start3A_171 = tpu.memref_slice %arg9[%add3A_104, %dma_start3A_170] : memref<10112x128xf32, #tpu.memory_space<vmem_shared>> -> memref<64x128xf32, #tpu.memory_space<vmem_shared>>
      %dma_start3A_172 = arith.constant 0 : i32
      %dma_start3A_173 = tpu.memref_slice %arg9[%add3A_104, %dma_start3A_172] : memref<10112x128xf32, #tpu.memory_space<vmem_shared>> -> memref<64x128xf32, #tpu.memory_space<vmem_shared>>
      %dma_start3A_174 = arith.constant 0 : i32
      %dma_start3A_175 = arith.constant 0 : i32
      %dma_start3A_176 = tpu.memref_slice %arg8[%run_scoped3A_105, %dma_start3A_174, %dma_start3A_175] : memref<3x64x128xf32, #tpu.memory_space<vmem>> -> memref<1x64x128xf32, #tpu.memory_space<vmem>>
      %dma_start3A_177 = tpu.memref_squeeze %dma_start3A_176 : memref<1x64x128xf32, #tpu.memory_space<vmem>> -> memref<64x128xf32, #tpu.memory_space<vmem>>
      tpu.enqueue_dma source(%dma_start3A_177 : memref<64x128xf32, #tpu.memory_space<vmem>>) target(%dma_start3A_173 : memref<64x128xf32, #tpu.memory_space<vmem_shared>>) target_semaphore(%run_scoped3A_165 : memref<!tpu.dma_semaphore, #tpu.memory_space<semaphore_mem>>)
      %dma_wait3A = arith.constant 0 : i32
      %dma_wait3A_178 = arith.constant 0 : i32
      %dma_wait3A_179 = tpu.memref_slice %arg8[%run_scoped3A_105, %dma_wait3A, %dma_wait3A_178] : memref<3x64x128xf32, #tpu.memory_space<vmem>> -> memref<1x64x128xf32, #tpu.memory_space<vmem>>
      %dma_wait3A_180 = tpu.memref_squeeze %dma_wait3A_179 : memref<1x64x128xf32, #tpu.memory_space<vmem>> -> memref<64x128xf32, #tpu.memory_space<vmem>>
      %dma_wait3A_181 = arith.constant 0 : i32
      %dma_wait3A_182 = tpu.memref_slice %arg9[%add3A_104, %dma_wait3A_181] : memref<10112x128xf32, #tpu.memory_space<vmem_shared>> -> memref<64x128xf32, #tpu.memory_space<vmem_shared>>
      %dma_wait3A_183 = arith.constant 0 : i32
      %dma_wait3A_184 = tpu.memref_slice %arg9[%add3A_104, %dma_wait3A_183] : memref<10112x128xf32, #tpu.memory_space<vmem_shared>> -> memref<64x128xf32, #tpu.memory_space<vmem_shared>>
      %dma_wait3A_185 = arith.constant 0 : i32
      %dma_wait3A_186 = arith.constant 0 : i32
      %dma_wait3A_187 = tpu.memref_slice %arg8[%run_scoped3A_105, %dma_wait3A_185, %dma_wait3A_186] : memref<3x64x128xf32, #tpu.memory_space<vmem>> -> memref<1x64x128xf32, #tpu.memory_space<vmem>>
      %dma_wait3A_188 = tpu.memref_squeeze %dma_wait3A_187 : memref<1x64x128xf32, #tpu.memory_space<vmem>> -> memref<64x128xf32, #tpu.memory_space<vmem>>
      tpu.wait_dma2 semaphore(%run_scoped3A_165 : memref<!tpu.dma_semaphore, #tpu.memory_space<semaphore_mem>>) src(%dma_wait3A_188 : memref<64x128xf32, #tpu.memory_space<vmem>>) dst(%dma_wait3A_184 : memref<64x128xf32, #tpu.memory_space<vmem_shared>>)
      tpu.yield
    }) : () -> ()
    %add3A_106 = arith.constant 448 : i32
    %add3A_107 = arith.addi %mul3A_84, %add3A_106 : i32
    %run_scoped3A_108 = arith.constant 0 : i32
    "tpu.region"() ({
      %run_scoped3A_165 = tpu.sem_alloc : memref<!tpu.dma_semaphore, #tpu.memory_space<semaphore_mem>>
      %dma_start3A_166 = arith.constant 0 : i32
      %dma_start3A_167 = arith.constant 0 : i32
      %dma_start3A_168 = tpu.memref_slice %arg8[%run_scoped3A_108, %dma_start3A_166, %dma_start3A_167] : memref<3x64x128xf32, #tpu.memory_space<vmem>> -> memref<1x64x128xf32, #tpu.memory_space<vmem>>
      %dma_start3A_169 = tpu.memref_squeeze %dma_start3A_168 : memref<1x64x128xf32, #tpu.memory_space<vmem>> -> memref<64x128xf32, #tpu.memory_space<vmem>>
      %dma_start3A_170 = arith.constant 0 : i32
      %dma_start3A_171 = tpu.memref_slice %arg9[%add3A_107, %dma_start3A_170] : memref<10112x128xf32, #tpu.memory_space<vmem_shared>> -> memref<64x128xf32, #tpu.memory_space<vmem_shared>>
      %dma_start3A_172 = arith.constant 0 : i32
      %dma_start3A_173 = tpu.memref_slice %arg9[%add3A_107, %dma_start3A_172] : memref<10112x128xf32, #tpu.memory_space<vmem_shared>> -> memref<64x128xf32, #tpu.memory_space<vmem_shared>>
      %dma_start3A_174 = arith.constant 0 : i32
      %dma_start3A_175 = arith.constant 0 : i32
      %dma_start3A_176 = tpu.memref_slice %arg8[%run_scoped3A_108, %dma_start3A_174, %dma_start3A_175] : memref<3x64x128xf32, #tpu.memory_space<vmem>> -> memref<1x64x128xf32, #tpu.memory_space<vmem>>
      %dma_start3A_177 = tpu.memref_squeeze %dma_start3A_176 : memref<1x64x128xf32, #tpu.memory_space<vmem>> -> memref<64x128xf32, #tpu.memory_space<vmem>>
      tpu.enqueue_dma source(%dma_start3A_177 : memref<64x128xf32, #tpu.memory_space<vmem>>) target(%dma_start3A_173 : memref<64x128xf32, #tpu.memory_space<vmem_shared>>) target_semaphore(%run_scoped3A_165 : memref<!tpu.dma_semaphore, #tpu.memory_space<semaphore_mem>>)
      %dma_wait3A = arith.constant 0 : i32
      %dma_wait3A_178 = arith.constant 0 : i32
      %dma_wait3A_179 = tpu.memref_slice %arg8[%run_scoped3A_108, %dma_wait3A, %dma_wait3A_178] : memref<3x64x128xf32, #tpu.memory_space<vmem>> -> memref<1x64x128xf32, #tpu.memory_space<vmem>>
      %dma_wait3A_180 = tpu.memref_squeeze %dma_wait3A_179 : memref<1x64x128xf32, #tpu.memory_space<vmem>> -> memref<64x128xf32, #tpu.memory_space<vmem>>
      %dma_wait3A_181 = arith.constant 0 : i32
      %dma_wait3A_182 = tpu.memref_slice %arg9[%add3A_107, %dma_wait3A_181] : memref<10112x128xf32, #tpu.memory_space<vmem_shared>> -> memref<64x128xf32, #tpu.memory_space<vmem_shared>>
      %dma_wait3A_183 = arith.constant 0 : i32
      %dma_wait3A_184 = tpu.memref_slice %arg9[%add3A_107, %dma_wait3A_183] : memref<10112x128xf32, #tpu.memory_space<vmem_shared>> -> memref<64x128xf32, #tpu.memory_space<vmem_shared>>
      %dma_wait3A_185 = arith.constant 0 : i32
      %dma_wait3A_186 = arith.constant 0 : i32
      %dma_wait3A_187 = tpu.memref_slice %arg8[%run_scoped3A_108, %dma_wait3A_185, %dma_wait3A_186] : memref<3x64x128xf32, #tpu.memory_space<vmem>> -> memref<1x64x128xf32, #tpu.memory_space<vmem>>
      %dma_wait3A_188 = tpu.memref_squeeze %dma_wait3A_187 : memref<1x64x128xf32, #tpu.memory_space<vmem>> -> memref<64x128xf32, #tpu.memory_space<vmem>>
      tpu.wait_dma2 semaphore(%run_scoped3A_165 : memref<!tpu.dma_semaphore, #tpu.memory_space<semaphore_mem>>) src(%dma_wait3A_188 : memref<64x128xf32, #tpu.memory_space<vmem>>) dst(%dma_wait3A_184 : memref<64x128xf32, #tpu.memory_space<vmem_shared>>)
      tpu.yield
    }) : () -> ()
    %add3A_109 = arith.constant 512 : i32
    %add3A_110 = arith.addi %mul3A_84, %add3A_109 : i32
    %run_scoped3A_111 = arith.constant 0 : i32
    "tpu.region"() ({
      %run_scoped3A_165 = tpu.sem_alloc : memref<!tpu.dma_semaphore, #tpu.memory_space<semaphore_mem>>
      %dma_start3A_166 = arith.constant 0 : i32
      %dma_start3A_167 = arith.constant 0 : i32
      %dma_start3A_168 = tpu.memref_slice %arg8[%run_scoped3A_111, %dma_start3A_166, %dma_start3A_167] : memref<3x64x128xf32, #tpu.memory_space<vmem>> -> memref<1x64x128xf32, #tpu.memory_space<vmem>>
      %dma_start3A_169 = tpu.memref_squeeze %dma_start3A_168 : memref<1x64x128xf32, #tpu.memory_space<vmem>> -> memref<64x128xf32, #tpu.memory_space<vmem>>
      %dma_start3A_170 = arith.constant 0 : i32
      %dma_start3A_171 = tpu.memref_slice %arg9[%add3A_110, %dma_start3A_170] : memref<10112x128xf32, #tpu.memory_space<vmem_shared>> -> memref<64x128xf32, #tpu.memory_space<vmem_shared>>
      %dma_start3A_172 = arith.constant 0 : i32
      %dma_start3A_173 = tpu.memref_slice %arg9[%add3A_110, %dma_start3A_172] : memref<10112x128xf32, #tpu.memory_space<vmem_shared>> -> memref<64x128xf32, #tpu.memory_space<vmem_shared>>
      %dma_start3A_174 = arith.constant 0 : i32
      %dma_start3A_175 = arith.constant 0 : i32
      %dma_start3A_176 = tpu.memref_slice %arg8[%run_scoped3A_111, %dma_start3A_174, %dma_start3A_175] : memref<3x64x128xf32, #tpu.memory_space<vmem>> -> memref<1x64x128xf32, #tpu.memory_space<vmem>>
      %dma_start3A_177 = tpu.memref_squeeze %dma_start3A_176 : memref<1x64x128xf32, #tpu.memory_space<vmem>> -> memref<64x128xf32, #tpu.memory_space<vmem>>
      tpu.enqueue_dma source(%dma_start3A_177 : memref<64x128xf32, #tpu.memory_space<vmem>>) target(%dma_start3A_173 : memref<64x128xf32, #tpu.memory_space<vmem_shared>>) target_semaphore(%run_scoped3A_165 : memref<!tpu.dma_semaphore, #tpu.memory_space<semaphore_mem>>)
      %dma_wait3A = arith.constant 0 : i32
      %dma_wait3A_178 = arith.constant 0 : i32
      %dma_wait3A_179 = tpu.memref_slice %arg8[%run_scoped3A_111, %dma_wait3A, %dma_wait3A_178] : memref<3x64x128xf32, #tpu.memory_space<vmem>> -> memref<1x64x128xf32, #tpu.memory_space<vmem>>
      %dma_wait3A_180 = tpu.memref_squeeze %dma_wait3A_179 : memref<1x64x128xf32, #tpu.memory_space<vmem>> -> memref<64x128xf32, #tpu.memory_space<vmem>>
      %dma_wait3A_181 = arith.constant 0 : i32
      %dma_wait3A_182 = tpu.memref_slice %arg9[%add3A_110, %dma_wait3A_181] : memref<10112x128xf32, #tpu.memory_space<vmem_shared>> -> memref<64x128xf32, #tpu.memory_space<vmem_shared>>
      %dma_wait3A_183 = arith.constant 0 : i32
      %dma_wait3A_184 = tpu.memref_slice %arg9[%add3A_110, %dma_wait3A_183] : memref<10112x128xf32, #tpu.memory_space<vmem_shared>> -> memref<64x128xf32, #tpu.memory_space<vmem_shared>>
      %dma_wait3A_185 = arith.constant 0 : i32
      %dma_wait3A_186 = arith.constant 0 : i32
      %dma_wait3A_187 = tpu.memref_slice %arg8[%run_scoped3A_111, %dma_wait3A_185, %dma_wait3A_186] : memref<3x64x128xf32, #tpu.memory_space<vmem>> -> memref<1x64x128xf32, #tpu.memory_space<vmem>>
      %dma_wait3A_188 = tpu.memref_squeeze %dma_wait3A_187 : memref<1x64x128xf32, #tpu.memory_space<vmem>> -> memref<64x128xf32, #tpu.memory_space<vmem>>
      tpu.wait_dma2 semaphore(%run_scoped3A_165 : memref<!tpu.dma_semaphore, #tpu.memory_space<semaphore_mem>>) src(%dma_wait3A_188 : memref<64x128xf32, #tpu.memory_space<vmem>>) dst(%dma_wait3A_184 : memref<64x128xf32, #tpu.memory_space<vmem_shared>>)
      tpu.yield
    }) : () -> ()
    %add3A_112 = arith.constant 576 : i32
    %add3A_113 = arith.addi %mul3A_84, %add3A_112 : i32
    %run_scoped3A_114 = arith.constant 0 : i32
    "tpu.region"() ({
      %run_scoped3A_165 = tpu.sem_alloc : memref<!tpu.dma_semaphore, #tpu.memory_space<semaphore_mem>>
      %dma_start3A_166 = arith.constant 0 : i32
      %dma_start3A_167 = arith.constant 0 : i32
      %dma_start3A_168 = tpu.memref_slice %arg8[%run_scoped3A_114, %dma_start3A_166, %dma_start3A_167] : memref<3x64x128xf32, #tpu.memory_space<vmem>> -> memref<1x56x128xf32, #tpu.memory_space<vmem>>
      %dma_start3A_169 = tpu.memref_squeeze %dma_start3A_168 : memref<1x56x128xf32, #tpu.memory_space<vmem>> -> memref<56x128xf32, #tpu.memory_space<vmem>>
      %dma_start3A_170 = arith.constant 0 : i32
      %dma_start3A_171 = tpu.memref_slice %arg9[%add3A_113, %dma_start3A_170] : memref<10112x128xf32, #tpu.memory_space<vmem_shared>> -> memref<56x128xf32, #tpu.memory_space<vmem_shared>>
      %dma_start3A_172 = arith.constant 0 : i32
      %dma_start3A_173 = tpu.memref_slice %arg9[%add3A_113, %dma_start3A_172] : memref<10112x128xf32, #tpu.memory_space<vmem_shared>> -> memref<56x128xf32, #tpu.memory_space<vmem_shared>>
      %dma_start3A_174 = arith.constant 0 : i32
      %dma_start3A_175 = arith.constant 0 : i32
      %dma_start3A_176 = tpu.memref_slice %arg8[%run_scoped3A_114, %dma_start3A_174, %dma_start3A_175] : memref<3x64x128xf32, #tpu.memory_space<vmem>> -> memref<1x56x128xf32, #tpu.memory_space<vmem>>
      %dma_start3A_177 = tpu.memref_squeeze %dma_start3A_176 : memref<1x56x128xf32, #tpu.memory_space<vmem>> -> memref<56x128xf32, #tpu.memory_space<vmem>>
      tpu.enqueue_dma source(%dma_start3A_177 : memref<56x128xf32, #tpu.memory_space<vmem>>) target(%dma_start3A_173 : memref<56x128xf32, #tpu.memory_space<vmem_shared>>) target_semaphore(%run_scoped3A_165 : memref<!tpu.dma_semaphore, #tpu.memory_space<semaphore_mem>>)
      %dma_wait3A = arith.constant 0 : i32
      %dma_wait3A_178 = arith.constant 0 : i32
      %dma_wait3A_179 = tpu.memref_slice %arg8[%run_scoped3A_114, %dma_wait3A, %dma_wait3A_178] : memref<3x64x128xf32, #tpu.memory_space<vmem>> -> memref<1x56x128xf32, #tpu.memory_space<vmem>>
      %dma_wait3A_180 = tpu.memref_squeeze %dma_wait3A_179 : memref<1x56x128xf32, #tpu.memory_space<vmem>> -> memref<56x128xf32, #tpu.memory_space<vmem>>
      %dma_wait3A_181 = arith.constant 0 : i32
      %dma_wait3A_182 = tpu.memref_slice %arg9[%add3A_113, %dma_wait3A_181] : memref<10112x128xf32, #tpu.memory_space<vmem_shared>> -> memref<56x128xf32, #tpu.memory_space<vmem_shared>>
      %dma_wait3A_183 = arith.constant 0 : i32
      %dma_wait3A_184 = tpu.memref_slice %arg9[%add3A_113, %dma_wait3A_183] : memref<10112x128xf32, #tpu.memory_space<vmem_shared>> -> memref<56x128xf32, #tpu.memory_space<vmem_shared>>
      %dma_wait3A_185 = arith.constant 0 : i32
      %dma_wait3A_186 = arith.constant 0 : i32
      %dma_wait3A_187 = tpu.memref_slice %arg8[%run_scoped3A_114, %dma_wait3A_185, %dma_wait3A_186] : memref<3x64x128xf32, #tpu.memory_space<vmem>> -> memref<1x56x128xf32, #tpu.memory_space<vmem>>
      %dma_wait3A_188 = tpu.memref_squeeze %dma_wait3A_187 : memref<1x56x128xf32, #tpu.memory_space<vmem>> -> memref<56x128xf32, #tpu.memory_space<vmem>>
      tpu.wait_dma2 semaphore(%run_scoped3A_165 : memref<!tpu.dma_semaphore, #tpu.memory_space<semaphore_mem>>) src(%dma_wait3A_188 : memref<56x128xf32, #tpu.memory_space<vmem>>) dst(%dma_wait3A_184 : memref<56x128xf32, #tpu.memory_space<vmem_shared>>)
      tpu.yield
    }) : () -> ()
    "tpu.region"() ({
      %run_scoped3A_165 = tpu.sem_alloc : memref<!tpu.dma_semaphore, #tpu.memory_space<semaphore_mem>>
      %dma_start3A_166 = arith.constant 0 : i32
      %dma_start3A_167 = arith.constant 0 : i32
      %dma_start3A_168 = tpu.memref_slice %arg3[%add3A_81, %arg1, %dma_start3A_166, %dma_start3A_167] : memref<4x16x80x64xi32, #tpu.memory_space<hbm>> -> memref<1x1x80x64xi32, #tpu.memory_space<hbm>>
      %dma_start3A_169 = tpu.memref_squeeze %dma_start3A_168 : memref<1x1x80x64xi32, #tpu.memory_space<hbm>> -> memref<80x64xi32, #tpu.memory_space<hbm>>
      %dma_start3A_170 = arith.constant 0 : i32
      %dma_start3A_171 = arith.constant 0 : i32
      %dma_start3A_172 = tpu.memref_slice %arg3[%add3A_81, %arg1, %dma_start3A_170, %dma_start3A_171] : memref<4x16x80x64xi32, #tpu.memory_space<hbm>> -> memref<1x1x80x64xi32, #tpu.memory_space<hbm>>
      %dma_start3A_173 = tpu.memref_squeeze %dma_start3A_172 : memref<1x1x80x64xi32, #tpu.memory_space<hbm>> -> memref<80x64xi32, #tpu.memory_space<hbm>>
      tpu.enqueue_dma source(%dma_start3A_173 : memref<80x64xi32, #tpu.memory_space<hbm>>) target(%arg11 : memref<80x64xi32, #tpu.memory_space<vmem>>) target_semaphore(%run_scoped3A_165 : memref<!tpu.dma_semaphore, #tpu.memory_space<semaphore_mem>>)
      %dma_wait3A = arith.constant 0 : i32
      %dma_wait3A_174 = arith.constant 0 : i32
      %dma_wait3A_175 = tpu.memref_slice %arg3[%add3A_81, %arg1, %dma_wait3A, %dma_wait3A_174] : memref<4x16x80x64xi32, #tpu.memory_space<hbm>> -> memref<1x1x80x64xi32, #tpu.memory_space<hbm>>
      %dma_wait3A_176 = tpu.memref_squeeze %dma_wait3A_175 : memref<1x1x80x64xi32, #tpu.memory_space<hbm>> -> memref<80x64xi32, #tpu.memory_space<hbm>>
      %dma_wait3A_177 = arith.constant 0 : i32
      %dma_wait3A_178 = arith.constant 0 : i32
      %dma_wait3A_179 = tpu.memref_slice %arg3[%add3A_81, %arg1, %dma_wait3A_177, %dma_wait3A_178] : memref<4x16x80x64xi32, #tpu.memory_space<hbm>> -> memref<1x1x80x64xi32, #tpu.memory_space<hbm>>
      %dma_wait3A_180 = tpu.memref_squeeze %dma_wait3A_179 : memref<1x1x80x64xi32, #tpu.memory_space<hbm>> -> memref<80x64xi32, #tpu.memory_space<hbm>>
      tpu.wait_dma2 semaphore(%run_scoped3A_165 : memref<!tpu.dma_semaphore, #tpu.memory_space<semaphore_mem>>) src(%dma_wait3A_180 : memref<80x64xi32, #tpu.memory_space<hbm>>) dst(%arg11 : memref<80x64xi32, #tpu.memory_space<vmem>>)
      tpu.yield
    }) : () -> ()
    "tpu.region"() ({
      %run_scoped3A_165 = tpu.sem_alloc : memref<!tpu.dma_semaphore, #tpu.memory_space<semaphore_mem>>
      %dma_start3A_166 = arith.constant 0 : i32
      %dma_start3A_167 = arith.constant 0 : i32
      %dma_start3A_168 = tpu.memref_slice %arg4[%add3A_81, %arg1, %dma_start3A_166, %dma_start3A_167] : memref<4x16x80x64xi32, #tpu.memory_space<hbm>> -> memref<1x1x80x64xi32, #tpu.memory_space<hbm>>
      %dma_start3A_169 = tpu.memref_squeeze %dma_start3A_168 : memref<1x1x80x64xi32, #tpu.memory_space<hbm>> -> memref<80x64xi32, #tpu.memory_space<hbm>>
      %dma_start3A_170 = arith.constant 0 : i32
      %dma_start3A_171 = arith.constant 0 : i32
      %dma_start3A_172 = tpu.memref_slice %arg4[%add3A_81, %arg1, %dma_start3A_170, %dma_start3A_171] : memref<4x16x80x64xi32, #tpu.memory_space<hbm>> -> memref<1x1x80x64xi32, #tpu.memory_space<hbm>>
      %dma_start3A_173 = tpu.memref_squeeze %dma_start3A_172 : memref<1x1x80x64xi32, #tpu.memory_space<hbm>> -> memref<80x64xi32, #tpu.memory_space<hbm>>
      tpu.enqueue_dma source(%dma_start3A_173 : memref<80x64xi32, #tpu.memory_space<hbm>>) target(%arg7 : memref<80x64xi32, #tpu.memory_space<vmem>>) target_semaphore(%run_scoped3A_165 : memref<!tpu.dma_semaphore, #tpu.memory_space<semaphore_mem>>)
      %dma_wait3A = arith.constant 0 : i32
      %dma_wait3A_174 = arith.constant 0 : i32
      %dma_wait3A_175 = tpu.memref_slice %arg4[%add3A_81, %arg1, %dma_wait3A, %dma_wait3A_174] : memref<4x16x80x64xi32, #tpu.memory_space<hbm>> -> memref<1x1x80x64xi32, #tpu.memory_space<hbm>>
      %dma_wait3A_176 = tpu.memref_squeeze %dma_wait3A_175 : memref<1x1x80x64xi32, #tpu.memory_space<hbm>> -> memref<80x64xi32, #tpu.memory_space<hbm>>
      %dma_wait3A_177 = arith.constant 0 : i32
      %dma_wait3A_178 = arith.constant 0 : i32
      %dma_wait3A_179 = tpu.memref_slice %arg4[%add3A_81, %arg1, %dma_wait3A_177, %dma_wait3A_178] : memref<4x16x80x64xi32, #tpu.memory_space<hbm>> -> memref<1x1x80x64xi32, #tpu.memory_space<hbm>>
      %dma_wait3A_180 = tpu.memref_squeeze %dma_wait3A_179 : memref<1x1x80x64xi32, #tpu.memory_space<hbm>> -> memref<80x64xi32, #tpu.memory_space<hbm>>
      tpu.wait_dma2 semaphore(%run_scoped3A_165 : memref<!tpu.dma_semaphore, #tpu.memory_space<semaphore_mem>>) src(%dma_wait3A_180 : memref<80x64xi32, #tpu.memory_space<hbm>>) dst(%arg7 : memref<80x64xi32, #tpu.memory_space<vmem>>)
      tpu.yield
    }) : () -> ()
    %barrier3A_115 = arith.constant 0 : index
    tpu.barrier barrier_id(%barrier3A_115)
    %dma_start3A_116 = arith.constant 0 : i32
    %dma_start3A_117 = arith.constant 0 : i32
    %dma_start3A_118 = arith.constant 0 : i32
    %dma_start3A_119 = arith.constant 0 : i32
    %dma_start3A_120 = arith.constant 0 : i32
    %dma_start3A_121 = arith.constant 0 : i32
    %dma_start3A_122 = tpu.memref_slice %arg8[%dma_start3A_117, %dma_start3A_120, %dma_start3A_121] : memref<3x64x128xf32, #tpu.memory_space<vmem>> -> memref<1x64x128xf32, #tpu.memory_space<vmem>>
    %dma_start3A_123 = tpu.memref_squeeze %dma_start3A_122 : memref<1x64x128xf32, #tpu.memory_space<vmem>> -> memref<64x128xf32, #tpu.memory_space<vmem>>
    %dma_start3A_124 = arith.constant 0 : i32
    %dma_start3A_125 = tpu.memref_slice %arg11[%dma_start3A_116, %dma_start3A_124] : memref<80x64xi32, #tpu.memory_space<vmem>> -> memref<1x64xi32, #tpu.memory_space<vmem>>
    %dma_start3A_126 = tpu.memref_squeeze %dma_start3A_125 : memref<1x64xi32, #tpu.memory_space<vmem>> -> memref<64xi32, #tpu.memory_space<vmem>>
    %dma_start3A_127 = arith.constant 0 : i32
    %dma_start3A_128 = arith.constant 0 : i32
    %dma_start3A_129 = tpu.memref_slice %arg2[%dma_start3A_127, %dma_start3A_128] : memref<10000x128xf32, #tpu.memory_space<hbm>> -> memref<10000x128xf32, #tpu.memory_space<hbm>>
    %dma_start3A_130 = tpu.memref_slice %arg10[%dma_start3A_118, %dma_start3A_119] : memref<3x1x!tpu.dma_semaphore, #tpu.memory_space<semaphore_mem>> -> memref<1x1x!tpu.dma_semaphore, #tpu.memory_space<semaphore_mem>>
    %dma_start3A_131 = tpu.memref_squeeze %dma_start3A_130 : memref<1x1x!tpu.dma_semaphore, #tpu.memory_space<semaphore_mem>> -> memref<!tpu.dma_semaphore, #tpu.memory_space<semaphore_mem>>
    tpu.enqueue_indirect_dma source(%dma_start3A_129 : memref<10000x128xf32, #tpu.memory_space<hbm>>) target(%dma_start3A_123 : memref<64x128xf32, #tpu.memory_space<vmem>>) offsets(%dma_start3A_126 : memref<64xi32, #tpu.memory_space<vmem>>) semaphore(%dma_start3A_131 : memref<!tpu.dma_semaphore, #tpu.memory_space<semaphore_mem>>)
    %dma_start3A_132 = arith.constant 1 : i32
    %dma_start3A_133 = arith.constant 1 : i32
    %dma_start3A_134 = arith.constant 1 : i32
    %dma_start3A_135 = arith.constant 0 : i32
    %dma_start3A_136 = arith.constant 0 : i32
    %dma_start3A_137 = arith.constant 0 : i32
    %dma_start3A_138 = tpu.memref_slice %arg8[%dma_start3A_133, %dma_start3A_136, %dma_start3A_137] : memref<3x64x128xf32, #tpu.memory_space<vmem>> -> memref<1x64x128xf32, #tpu.memory_space<vmem>>
    %dma_start3A_139 = tpu.memref_squeeze %dma_start3A_138 : memref<1x64x128xf32, #tpu.memory_space<vmem>> -> memref<64x128xf32, #tpu.memory_space<vmem>>
    %dma_start3A_140 = arith.constant 0 : i32
    %dma_start3A_141 = tpu.memref_slice %arg11[%dma_start3A_132, %dma_start3A_140] : memref<80x64xi32, #tpu.memory_space<vmem>> -> memref<1x64xi32, #tpu.memory_space<vmem>>
    %dma_start3A_142 = tpu.memref_squeeze %dma_start3A_141 : memref<1x64xi32, #tpu.memory_space<vmem>> -> memref<64xi32, #tpu.memory_space<vmem>>
    %dma_start3A_143 = arith.constant 0 : i32
    %dma_start3A_144 = arith.constant 0 : i32
    %dma_start3A_145 = tpu.memref_slice %arg2[%dma_start3A_143, %dma_start3A_144] : memref<10000x128xf32, #tpu.memory_space<hbm>> -> memref<10000x128xf32, #tpu.memory_space<hbm>>
    %dma_start3A_146 = tpu.memref_slice %arg10[%dma_start3A_134, %dma_start3A_135] : memref<3x1x!tpu.dma_semaphore, #tpu.memory_space<semaphore_mem>> -> memref<1x1x!tpu.dma_semaphore, #tpu.memory_space<semaphore_mem>>
    %dma_start3A_147 = tpu.memref_squeeze %dma_start3A_146 : memref<1x1x!tpu.dma_semaphore, #tpu.memory_space<semaphore_mem>> -> memref<!tpu.dma_semaphore, #tpu.memory_space<semaphore_mem>>
    tpu.enqueue_indirect_dma source(%dma_start3A_145 : memref<10000x128xf32, #tpu.memory_space<hbm>>) target(%dma_start3A_139 : memref<64x128xf32, #tpu.memory_space<vmem>>) offsets(%dma_start3A_142 : memref<64xi32, #tpu.memory_space<vmem>>) semaphore(%dma_start3A_147 : memref<!tpu.dma_semaphore, #tpu.memory_space<semaphore_mem>>)
    %scan3A_148 = arith.constant 0 : i32
    %scan3A_149 = arith.constant 0 : i32
    %scan3A_150 = arith.constant 80 : i32
    %scan3A_151 = arith.addi %scan3A_149, %scan3A_150 : i32
    %scan3A_152 = arith.constant 1 : i32
    scf.for %scan3A_165 = %scan3A_149 to %scan3A_151 step %scan3A_152  : i32 {
      %rem3A = arith.constant 3 : i32
      %rem3A_166 = arith.remsi %scan3A_165, %rem3A : i32
      %add3A_167 = arith.constant 3 : i32
      %add3A_168 = arith.addi %scan3A_165, %add3A_167 : i32
      %sub3A = arith.constant 1 : i32
      %sub3A_169 = arith.subi %add3A_168, %sub3A : i32
      %lt3A = arith.constant 80 : i32
      %lt3A_170 = arith.cmpi slt, %sub3A_169, %lt3A : i32
      %convert_element_type3A_171 = arith.extui %lt3A_170 : i1 to i32
      %cond3A_172 = arith.constant 0 : i32
      %cond3A_173 = arith.cmpi ne, %convert_element_type3A_171, %cond3A_172 : i32
      scf.if %cond3A_173 {
        %add3A_186 = arith.constant 3 : i32
        %add3A_187 = arith.addi %scan3A_165, %add3A_186 : i32
        %sub3A_188 = arith.constant 1 : i32
        %sub3A_189 = arith.subi %add3A_187, %sub3A_188 : i32
        %add3A_190 = arith.constant 3 : i32
        %add3A_191 = arith.addi %scan3A_165, %add3A_190 : i32
        %sub3A_192 = arith.constant 1 : i32
        %sub3A_193 = arith.subi %add3A_191, %sub3A_192 : i32
        %rem3A_194 = arith.constant 3 : i32
        %rem3A_195 = arith.remsi %sub3A_193, %rem3A_194 : i32
        %dma_start3A_196 = arith.constant 0 : i32
        %dma_start3A_197 = arith.constant 0 : i32
        %dma_start3A_198 = arith.constant 0 : i32
        %dma_start3A_199 = tpu.memref_slice %arg8[%rem3A_195, %dma_start3A_197, %dma_start3A_198] : memref<3x64x128xf32, #tpu.memory_space<vmem>> -> memref<1x64x128xf32, #tpu.memory_space<vmem>>
        %dma_start3A_200 = tpu.memref_squeeze %dma_start3A_199 : memref<1x64x128xf32, #tpu.memory_space<vmem>> -> memref<64x128xf32, #tpu.memory_space<vmem>>
        %dma_start3A_201 = arith.constant 0 : i32
        %dma_start3A_202 = tpu.memref_slice %arg11[%sub3A_189, %dma_start3A_201] : memref<80x64xi32, #tpu.memory_space<vmem>> -> memref<1x64xi32, #tpu.memory_space<vmem>>
        %dma_start3A_203 = tpu.memref_squeeze %dma_start3A_202 : memref<1x64xi32, #tpu.memory_space<vmem>> -> memref<64xi32, #tpu.memory_space<vmem>>
        %dma_start3A_204 = arith.constant 0 : i32
        %dma_start3A_205 = arith.constant 0 : i32
        %dma_start3A_206 = tpu.memref_slice %arg2[%dma_start3A_204, %dma_start3A_205] : memref<10000x128xf32, #tpu.memory_space<hbm>> -> memref<10000x128xf32, #tpu.memory_space<hbm>>
        %dma_start3A_207 = tpu.memref_slice %arg10[%rem3A_195, %dma_start3A_196] : memref<3x1x!tpu.dma_semaphore, #tpu.memory_space<semaphore_mem>> -> memref<1x1x!tpu.dma_semaphore, #tpu.memory_space<semaphore_mem>>
        %dma_start3A_208 = tpu.memref_squeeze %dma_start3A_207 : memref<1x1x!tpu.dma_semaphore, #tpu.memory_space<semaphore_mem>> -> memref<!tpu.dma_semaphore, #tpu.memory_space<semaphore_mem>>
        tpu.enqueue_indirect_dma source(%dma_start3A_206 : memref<10000x128xf32, #tpu.memory_space<hbm>>) target(%dma_start3A_200 : memref<64x128xf32, #tpu.memory_space<vmem>>) offsets(%dma_start3A_203 : memref<64xi32, #tpu.memory_space<vmem>>) semaphore(%dma_start3A_208 : memref<!tpu.dma_semaphore, #tpu.memory_space<semaphore_mem>>)
      } else {
      }
      %dma_wait3A = arith.constant 0 : i32
      %dma_wait3A_174 = arith.constant 0 : i32
      %dma_wait3A_175 = arith.constant 0 : i32
      %dma_wait3A_176 = tpu.memref_slice %arg8[%rem3A_166, %dma_wait3A_174, %dma_wait3A_175] : memref<3x64x128xf32, #tpu.memory_space<vmem>> -> memref<1x64x128xf32, #tpu.memory_space<vmem>>
      %dma_wait3A_177 = tpu.memref_squeeze %dma_wait3A_176 : memref<1x64x128xf32, #tpu.memory_space<vmem>> -> memref<64x128xf32, #tpu.memory_space<vmem>>
      %dma_wait3A_178 = arith.constant 0 : i32
      %dma_wait3A_179 = tpu.memref_slice %arg11[%scan3A_165, %dma_wait3A_178] : memref<80x64xi32, #tpu.memory_space<vmem>> -> memref<1x64xi32, #tpu.memory_space<vmem>>
      %dma_wait3A_180 = tpu.memref_squeeze %dma_wait3A_179 : memref<1x64xi32, #tpu.memory_space<vmem>> -> memref<64xi32, #tpu.memory_space<vmem>>
      %dma_wait3A_181 = arith.constant 0 : i32
      %dma_wait3A_182 = arith.constant 0 : i32
      %dma_wait3A_183 = tpu.memref_slice %arg2[%dma_wait3A_181, %dma_wait3A_182] : memref<10000x128xf32, #tpu.memory_space<hbm>> -> memref<10000x128xf32, #tpu.memory_space<hbm>>
      %dma_wait3A_184 = tpu.memref_slice %arg10[%rem3A_166, %dma_wait3A] : memref<3x1x!tpu.dma_semaphore, #tpu.memory_space<semaphore_mem>> -> memref<1x1x!tpu.dma_semaphore, #tpu.memory_space<semaphore_mem>>
      %dma_wait3A_185 = tpu.memref_squeeze %dma_wait3A_184 : memref<1x1x!tpu.dma_semaphore, #tpu.memory_space<semaphore_mem>> -> memref<!tpu.dma_semaphore, #tpu.memory_space<semaphore_mem>>
      tpu.wait_indirect_dma semaphore(%dma_wait3A_185 : memref<!tpu.dma_semaphore, #tpu.memory_space<semaphore_mem>>) src(%dma_wait3A_183 : memref<10000x128xf32, #tpu.memory_space<hbm>>) dst(%dma_wait3A_177 : memref<64x128xf32, #tpu.memory_space<vmem>>)
      "tpu.region"() ({
        %run_scoped3A_186 = tpu.sem_alloc : memref<!tpu.dma_semaphore, #tpu.memory_space<semaphore_mem>>
        %dma_start3A_187 = arith.constant 0 : i32
        %dma_start3A_188 = arith.constant 0 : i32
        %dma_start3A_189 = tpu.memref_slice %arg8[%rem3A_166, %dma_start3A_187, %dma_start3A_188] : memref<3x64x128xf32, #tpu.memory_space<vmem>> -> memref<1x64x128xf32, #tpu.memory_space<vmem>>
        %dma_start3A_190 = tpu.memref_squeeze %dma_start3A_189 : memref<1x64x128xf32, #tpu.memory_space<vmem>> -> memref<64x128xf32, #tpu.memory_space<vmem>>
        %dma_start3A_191 = arith.constant 0 : i32
        %dma_start3A_192 = tpu.memref_slice %arg7[%scan3A_165, %dma_start3A_191] : memref<80x64xi32, #tpu.memory_space<vmem>> -> memref<1x64xi32, #tpu.memory_space<vmem>>
        %dma_start3A_193 = tpu.memref_squeeze %dma_start3A_192 : memref<1x64xi32, #tpu.memory_space<vmem>> -> memref<64xi32, #tpu.memory_space<vmem>>
        %dma_start3A_194 = arith.constant 0 : i32
        %dma_start3A_195 = arith.constant 0 : i32
        %dma_start3A_196 = tpu.memref_slice %arg9[%dma_start3A_194, %dma_start3A_195] : memref<10112x128xf32, #tpu.memory_space<vmem_shared>> -> memref<10112x128xf32, #tpu.memory_space<vmem_shared>>
        tpu.enqueue_indirect_dma source(%dma_start3A_190 : memref<64x128xf32, #tpu.memory_space<vmem>>) target(%dma_start3A_196 : memref<10112x128xf32, #tpu.memory_space<vmem_shared>>) offsets(%dma_start3A_193 : memref<64xi32, #tpu.memory_space<vmem>>) semaphore(%run_scoped3A_186 : memref<!tpu.dma_semaphore, #tpu.memory_space<semaphore_mem>>) {add = true}
        %dma_wait3A_197 = arith.constant 0 : i32
        %dma_wait3A_198 = arith.constant 0 : i32
        %dma_wait3A_199 = tpu.memref_slice %arg8[%rem3A_166, %dma_wait3A_197, %dma_wait3A_198] : memref<3x64x128xf32, #tpu.memory_space<vmem>> -> memref<1x64x128xf32, #tpu.memory_space<vmem>>
        %dma_wait3A_200 = tpu.memref_squeeze %dma_wait3A_199 : memref<1x64x128xf32, #tpu.memory_space<vmem>> -> memref<64x128xf32, #tpu.memory_space<vmem>>
        %dma_wait3A_201 = arith.constant 0 : i32
        %dma_wait3A_202 = tpu.memref_slice %arg7[%scan3A_165, %dma_wait3A_201] : memref<80x64xi32, #tpu.memory_space<vmem>> -> memref<1x64xi32, #tpu.memory_space<vmem>>
        %dma_wait3A_203 = tpu.memref_squeeze %dma_wait3A_202 : memref<1x64xi32, #tpu.memory_space<vmem>> -> memref<64xi32, #tpu.memory_space<vmem>>
        %dma_wait3A_204 = arith.constant 0 : i32
        %dma_wait3A_205 = arith.constant 0 : i32
        %dma_wait3A_206 = tpu.memref_slice %arg9[%dma_wait3A_204, %dma_wait3A_205] : memref<10112x128xf32, #tpu.memory_space<vmem_shared>> -> memref<10112x128xf32, #tpu.memory_space<vmem_shared>>
        tpu.wait_indirect_dma semaphore(%run_scoped3A_186 : memref<!tpu.dma_semaphore, #tpu.memory_space<semaphore_mem>>) src(%dma_wait3A_200 : memref<64x128xf32, #tpu.memory_space<vmem>>) dst(%dma_wait3A_206 : memref<10112x128xf32, #tpu.memory_space<vmem_shared>>)
        tpu.yield
      }) : () -> ()
    }
    %scan3A_153 = arith.constant 80 : i32
    %barrier3A_154 = arith.constant 0 : index
    tpu.barrier barrier_id(%barrier3A_154)
    %mul3A_155 = arith.constant 624 : i32
    %mul3A_156 = arith.muli %arg1, %mul3A_155 : i32
    %mul3A_157 = arith.constant 624 : i32
    %mul3A_158 = arith.muli %arg1, %mul3A_157 : i32
    "tpu.region"() ({
      %run_scoped3A_165 = tpu.sem_alloc : memref<!tpu.dma_semaphore, #tpu.memory_space<semaphore_mem>>
      %dma_start3A_166 = arith.constant 0 : i32
      %dma_start3A_167 = tpu.memref_slice %arg6[%add3A_81, %mul3A_158, %dma_start3A_166] : memref<4x10000x128xf32, #tpu.memory_space<hbm>> -> memref<1x624x128xf32, #tpu.memory_space<hbm>>
      %dma_start3A_168 = tpu.memref_squeeze %dma_start3A_167 : memref<1x624x128xf32, #tpu.memory_space<hbm>> -> memref<624x128xf32, #tpu.memory_space<hbm>>
      %dma_start3A_169 = arith.constant 0 : i32
      %dma_start3A_170 = tpu.memref_slice %arg9[%mul3A_156, %dma_start3A_169] : memref<10112x128xf32, #tpu.memory_space<vmem_shared>> -> memref<624x128xf32, #tpu.memory_space<vmem_shared>>
      tpu.enqueue_dma source(%dma_start3A_170 : memref<624x128xf32, #tpu.memory_space<vmem_shared>>) target(%dma_start3A_168 : memref<624x128xf32, #tpu.memory_space<hbm>>) target_semaphore(%run_scoped3A_165 : memref<!tpu.dma_semaphore, #tpu.memory_space<semaphore_mem>>)
      %dma_wait3A = arith.constant 0 : i32
      %dma_wait3A_171 = tpu.memref_slice %arg6[%add3A_81, %mul3A_158, %dma_wait3A] : memref<4x10000x128xf32, #tpu.memory_space<hbm>> -> memref<1x624x128xf32, #tpu.memory_space<hbm>>
      %dma_wait3A_172 = tpu.memref_squeeze %dma_wait3A_171 : memref<1x624x128xf32, #tpu.memory_space<hbm>> -> memref<624x128xf32, #tpu.memory_space<hbm>>
      %dma_wait3A_173 = arith.constant 0 : i32
      %dma_wait3A_174 = tpu.memref_slice %arg9[%mul3A_156, %dma_wait3A_173] : memref<10112x128xf32, #tpu.memory_space<vmem_shared>> -> memref<624x128xf32, #tpu.memory_space<vmem_shared>>
      tpu.wait_dma2 semaphore(%run_scoped3A_165 : memref<!tpu.dma_semaphore, #tpu.memory_space<semaphore_mem>>) src(%dma_wait3A_174 : memref<624x128xf32, #tpu.memory_space<vmem_shared>>) dst(%dma_wait3A_172 : memref<624x128xf32, #tpu.memory_space<hbm>>)
      tpu.yield
    }) : () -> ()
    %eq3A_159 = arith.constant 15 : i32
    %eq3A_160 = arith.cmpi eq, %arg1, %eq3A_159 : i32
    %convert_element_type3A_161 = arith.extui %eq3A_160 : i1 to i32
    %cond3A_162 = arith.constant 0 : i32
    %cond3A_163 = arith.cmpi ne, %convert_element_type3A_161, %cond3A_162 : i32
    scf.if %cond3A_163 {
      "tpu.region"() ({
        %run_scoped3A_165 = tpu.sem_alloc : memref<!tpu.dma_semaphore, #tpu.memory_space<semaphore_mem>>
        %dma_start3A_166 = arith.constant 9984 : i32
        %dma_start3A_167 = arith.constant 0 : i32
        %dma_start3A_168 = tpu.memref_slice %arg6[%add3A_81, %dma_start3A_166, %dma_start3A_167] : memref<4x10000x128xf32, #tpu.memory_space<hbm>> -> memref<1x16x128xf32, #tpu.memory_space<hbm>>
        %dma_start3A_169 = tpu.memref_squeeze %dma_start3A_168 : memref<1x16x128xf32, #tpu.memory_space<hbm>> -> memref<16x128xf32, #tpu.memory_space<hbm>>
        %dma_start3A_170 = arith.constant 9984 : i32
        %dma_start3A_171 = arith.constant 0 : i32
        %dma_start3A_172 = tpu.memref_slice %arg9[%dma_start3A_170, %dma_start3A_171] : memref<10112x128xf32, #tpu.memory_space<vmem_shared>> -> memref<16x128xf32, #tpu.memory_space<vmem_shared>>
        tpu.enqueue_dma source(%dma_start3A_172 : memref<16x128xf32, #tpu.memory_space<vmem_shared>>) target(%dma_start3A_169 : memref<16x128xf32, #tpu.memory_space<hbm>>) target_semaphore(%run_scoped3A_165 : memref<!tpu.dma_semaphore, #tpu.memory_space<semaphore_mem>>)
        %dma_wait3A = arith.constant 9984 : i32
        %dma_wait3A_173 = arith.constant 0 : i32
        %dma_wait3A_174 = tpu.memref_slice %arg6[%add3A_81, %dma_wait3A, %dma_wait3A_173] : memref<4x10000x128xf32, #tpu.memory_space<hbm>> -> memref<1x16x128xf32, #tpu.memory_space<hbm>>
        %dma_wait3A_175 = tpu.memref_squeeze %dma_wait3A_174 : memref<1x16x128xf32, #tpu.memory_space<hbm>> -> memref<16x128xf32, #tpu.memory_space<hbm>>
        %dma_wait3A_176 = arith.constant 9984 : i32
        %dma_wait3A_177 = arith.constant 0 : i32
        %dma_wait3A_178 = tpu.memref_slice %arg9[%dma_wait3A_176, %dma_wait3A_177] : memref<10112x128xf32, #tpu.memory_space<vmem_shared>> -> memref<16x128xf32, #tpu.memory_space<vmem_shared>>
        tpu.wait_dma2 semaphore(%run_scoped3A_165 : memref<!tpu.dma_semaphore, #tpu.memory_space<semaphore_mem>>) src(%dma_wait3A_178 : memref<16x128xf32, #tpu.memory_space<vmem_shared>>) dst(%dma_wait3A_175 : memref<16x128xf32, #tpu.memory_space<hbm>>)
        tpu.yield
      }) : () -> ()
    } else {
    }
    %barrier3A_164 = arith.constant 0 : index
    tpu.barrier barrier_id(%barrier3A_164)
    return
  }
}

module attributes {stable_mosaic.version = 14 : i64} {
  func.func @_dense_body(%arg0: i32, %arg1: memref<1000x128xf32, #tpu.memory_space<vmem>>, %arg2: memref<4x1000x128xf32, #tpu.memory_space<vmem>>, %arg3: memref<4x1000x128xf32, #tpu.memory_space<vmem>>, %arg4: memref<128x128xf32, #tpu.memory_space<vmem>>, %arg5: memref<4x128x128xf32, #tpu.memory_space<vmem>>, %arg6: memref<1x128xf32, #tpu.memory_space<vmem>>, %arg7: memref<1x128xf32, #tpu.memory_space<vmem>>, %arg8: memref<1x128xf32, #tpu.memory_space<vmem>>, %arg9: memref<1000x128xf32, #tpu.memory_space<vmem>>) attributes {dimension_semantics = [#tpu.dimension_semantics<arbitrary>], iteration_bounds = array<i64: 10>, scalar_prefetch = 0 : i64, scratch_operands = 0 : i64, tpu.core_type = #tpu.core_type<tc>, window_params = [{transform_indices = @transform_0, window_bounds = array<i64: 1000, 128>}, {transform_indices = @transform_1, window_bounds = array<i64: 4, 1000, 128>}, {transform_indices = @transform_2, window_bounds = array<i64: 4, 1000, 128>}, {pipeline_mode = #tpu.pipeline_mode<synchronous>, transform_indices = @transform_3, window_bounds = array<i64: 128, 128>}, {pipeline_mode = #tpu.pipeline_mode<synchronous>, transform_indices = @transform_4, window_bounds = array<i64: 4, 128, 128>}, {pipeline_mode = #tpu.pipeline_mode<synchronous>, transform_indices = @transform_5, window_bounds = array<i64: 1, 128>}, {pipeline_mode = #tpu.pipeline_mode<synchronous>, transform_indices = @transform_6, window_bounds = array<i64: 1, 128>}, {pipeline_mode = #tpu.pipeline_mode<synchronous>, transform_indices = @transform_7, window_bounds = array<i64: 1, 128>}, {transform_indices = @transform_8, window_bounds = array<i64: 1000, 128>}]} {
    %get3A = arith.constant 0 : index
    %get3A_0 = arith.constant 0 : index
    %get3A_1 = vector.load %arg1[%get3A, %get3A_0] : memref<1000x128xf32, #tpu.memory_space<vmem>>, vector<1000x128xf32>
    %get3A_2 = arith.constant 0 : index
    %get3A_3 = arith.constant 0 : index
    %get3A_4 = vector.load %arg4[%get3A_2, %get3A_3] : memref<128x128xf32, #tpu.memory_space<vmem>>, vector<128x128xf32>
    %dot_general3A = arith.constant dense<0.000000e+00> : vector<1000x128xf32>
    %dot_general3A_5 = tpu.matmul %get3A_1, %get3A_4, %dot_general3A {dimension_numbers = #tpu.dot_dimension_numbers<[1], [0], [0], [1], [0, 0, 1, 1], [], []>, transpose_lhs_hint = false} : vector<1000x128xf32>, vector<128x128xf32>, vector<1000x128xf32> -> vector<1000x128xf32>
    %get3A_6 = arith.constant 0 : index
    %get3A_7 = arith.constant 0 : index
    %get3A_8 = vector.load %arg6[%get3A_6, %get3A_7] : memref<1x128xf32, #tpu.memory_space<vmem>>, vector<1x128xf32>
    %add3A = vector.broadcast %get3A_8 : vector<1x128xf32> to vector<1000x128xf32>
    %add3A_9 = arith.addf %dot_general3A_5, %add3A : vector<1000x128xf32>
    %get3A_10 = arith.constant 0 : index
    %get3A_11 = arith.constant 0 : index
    %get3A_12 = arith.constant 0 : index
    %get3A_13 = vector.load %arg3[%get3A_10, %get3A_11, %get3A_12] : memref<4x1000x128xf32, #tpu.memory_space<vmem>>, vector<1x1000x1xf32>
    %get3A_14 = vector.shape_cast %get3A_13 : vector<1x1000x1xf32> to vector<1000x1xf32>
    %max3A = arith.constant 1.000000e+00 : f32
    %max3A_15 = vector.broadcast %max3A : f32 to vector<1000x1xf32>
    %max3A_16 = arith.maximumf %get3A_14, %max3A_15 : vector<1000x1xf32>
    %div3A = arith.constant 1.000000e+00 : f32
    %div3A_17 = vector.broadcast %div3A : f32 to vector<1000x1xf32>
    %div3A_18 = arith.divf %div3A_17, %max3A_16 : vector<1000x1xf32>
    %get3A_19 = arith.constant 0 : index
    %get3A_20 = arith.constant 0 : index
    %get3A_21 = arith.constant 0 : index
    %get3A_22 = vector.load %arg2[%get3A_19, %get3A_20, %get3A_21] : memref<4x1000x128xf32, #tpu.memory_space<vmem>>, vector<1x1000x128xf32>
    %get3A_23 = vector.shape_cast %get3A_22 : vector<1x1000x128xf32> to vector<1000x128xf32>
    %mul3A = vector.broadcast %div3A_18 : vector<1000x1xf32> to vector<1000x128xf32>
    %mul3A_24 = arith.mulf %get3A_23, %mul3A : vector<1000x128xf32>
    %get3A_25 = arith.constant 0 : index
    %get3A_26 = arith.constant 0 : index
    %get3A_27 = arith.constant 0 : index
    %get3A_28 = vector.load %arg5[%get3A_25, %get3A_26, %get3A_27] : memref<4x128x128xf32, #tpu.memory_space<vmem>>, vector<1x128x128xf32>
    %get3A_29 = vector.shape_cast %get3A_28 : vector<1x128x128xf32> to vector<128x128xf32>
    %dot_general3A_30 = arith.constant dense<0.000000e+00> : vector<1000x128xf32>
    %dot_general3A_31 = tpu.matmul %mul3A_24, %get3A_29, %dot_general3A_30 {dimension_numbers = #tpu.dot_dimension_numbers<[1], [0], [0], [1], [0, 0, 1, 1], [], []>, transpose_lhs_hint = false} : vector<1000x128xf32>, vector<128x128xf32>, vector<1000x128xf32> -> vector<1000x128xf32>
    %add3A_32 = arith.addf %add3A_9, %dot_general3A_31 : vector<1000x128xf32>
    %get3A_33 = arith.constant 1 : index
    %get3A_34 = arith.constant 0 : index
    %get3A_35 = arith.constant 0 : index
    %get3A_36 = vector.load %arg3[%get3A_33, %get3A_34, %get3A_35] : memref<4x1000x128xf32, #tpu.memory_space<vmem>>, vector<1x1000x1xf32>
    %get3A_37 = vector.shape_cast %get3A_36 : vector<1x1000x1xf32> to vector<1000x1xf32>
    %max3A_38 = arith.constant 1.000000e+00 : f32
    %max3A_39 = vector.broadcast %max3A_38 : f32 to vector<1000x1xf32>
    %max3A_40 = arith.maximumf %get3A_37, %max3A_39 : vector<1000x1xf32>
    %div3A_41 = arith.constant 1.000000e+00 : f32
    %div3A_42 = vector.broadcast %div3A_41 : f32 to vector<1000x1xf32>
    %div3A_43 = arith.divf %div3A_42, %max3A_40 : vector<1000x1xf32>
    %get3A_44 = arith.constant 1 : index
    %get3A_45 = arith.constant 0 : index
    %get3A_46 = arith.constant 0 : index
    %get3A_47 = vector.load %arg2[%get3A_44, %get3A_45, %get3A_46] : memref<4x1000x128xf32, #tpu.memory_space<vmem>>, vector<1x1000x128xf32>
    %get3A_48 = vector.shape_cast %get3A_47 : vector<1x1000x128xf32> to vector<1000x128xf32>
    %mul3A_49 = vector.broadcast %div3A_43 : vector<1000x1xf32> to vector<1000x128xf32>
    %mul3A_50 = arith.mulf %get3A_48, %mul3A_49 : vector<1000x128xf32>
    %get3A_51 = arith.constant 1 : index
    %get3A_52 = arith.constant 0 : index
    %get3A_53 = arith.constant 0 : index
    %get3A_54 = vector.load %arg5[%get3A_51, %get3A_52, %get3A_53] : memref<4x128x128xf32, #tpu.memory_space<vmem>>, vector<1x128x128xf32>
    %get3A_55 = vector.shape_cast %get3A_54 : vector<1x128x128xf32> to vector<128x128xf32>
    %dot_general3A_56 = arith.constant dense<0.000000e+00> : vector<1000x128xf32>
    %dot_general3A_57 = tpu.matmul %mul3A_50, %get3A_55, %dot_general3A_56 {dimension_numbers = #tpu.dot_dimension_numbers<[1], [0], [0], [1], [0, 0, 1, 1], [], []>, transpose_lhs_hint = false} : vector<1000x128xf32>, vector<128x128xf32>, vector<1000x128xf32> -> vector<1000x128xf32>
    %add3A_58 = arith.addf %add3A_32, %dot_general3A_57 : vector<1000x128xf32>
    %get3A_59 = arith.constant 2 : index
    %get3A_60 = arith.constant 0 : index
    %get3A_61 = arith.constant 0 : index
    %get3A_62 = vector.load %arg3[%get3A_59, %get3A_60, %get3A_61] : memref<4x1000x128xf32, #tpu.memory_space<vmem>>, vector<1x1000x1xf32>
    %get3A_63 = vector.shape_cast %get3A_62 : vector<1x1000x1xf32> to vector<1000x1xf32>
    %max3A_64 = arith.constant 1.000000e+00 : f32
    %max3A_65 = vector.broadcast %max3A_64 : f32 to vector<1000x1xf32>
    %max3A_66 = arith.maximumf %get3A_63, %max3A_65 : vector<1000x1xf32>
    %div3A_67 = arith.constant 1.000000e+00 : f32
    %div3A_68 = vector.broadcast %div3A_67 : f32 to vector<1000x1xf32>
    %div3A_69 = arith.divf %div3A_68, %max3A_66 : vector<1000x1xf32>
    %get3A_70 = arith.constant 2 : index
    %get3A_71 = arith.constant 0 : index
    %get3A_72 = arith.constant 0 : index
    %get3A_73 = vector.load %arg2[%get3A_70, %get3A_71, %get3A_72] : memref<4x1000x128xf32, #tpu.memory_space<vmem>>, vector<1x1000x128xf32>
    %get3A_74 = vector.shape_cast %get3A_73 : vector<1x1000x128xf32> to vector<1000x128xf32>
    %mul3A_75 = vector.broadcast %div3A_69 : vector<1000x1xf32> to vector<1000x128xf32>
    %mul3A_76 = arith.mulf %get3A_74, %mul3A_75 : vector<1000x128xf32>
    %get3A_77 = arith.constant 2 : index
    %get3A_78 = arith.constant 0 : index
    %get3A_79 = arith.constant 0 : index
    %get3A_80 = vector.load %arg5[%get3A_77, %get3A_78, %get3A_79] : memref<4x128x128xf32, #tpu.memory_space<vmem>>, vector<1x128x128xf32>
    %get3A_81 = vector.shape_cast %get3A_80 : vector<1x128x128xf32> to vector<128x128xf32>
    %dot_general3A_82 = arith.constant dense<0.000000e+00> : vector<1000x128xf32>
    %dot_general3A_83 = tpu.matmul %mul3A_76, %get3A_81, %dot_general3A_82 {dimension_numbers = #tpu.dot_dimension_numbers<[1], [0], [0], [1], [0, 0, 1, 1], [], []>, transpose_lhs_hint = false} : vector<1000x128xf32>, vector<128x128xf32>, vector<1000x128xf32> -> vector<1000x128xf32>
    %add3A_84 = arith.addf %add3A_58, %dot_general3A_83 : vector<1000x128xf32>
    %get3A_85 = arith.constant 3 : index
    %get3A_86 = arith.constant 0 : index
    %get3A_87 = arith.constant 0 : index
    %get3A_88 = vector.load %arg3[%get3A_85, %get3A_86, %get3A_87] : memref<4x1000x128xf32, #tpu.memory_space<vmem>>, vector<1x1000x1xf32>
    %get3A_89 = vector.shape_cast %get3A_88 : vector<1x1000x1xf32> to vector<1000x1xf32>
    %max3A_90 = arith.constant 1.000000e+00 : f32
    %max3A_91 = vector.broadcast %max3A_90 : f32 to vector<1000x1xf32>
    %max3A_92 = arith.maximumf %get3A_89, %max3A_91 : vector<1000x1xf32>
    %div3A_93 = arith.constant 1.000000e+00 : f32
    %div3A_94 = vector.broadcast %div3A_93 : f32 to vector<1000x1xf32>
    %div3A_95 = arith.divf %div3A_94, %max3A_92 : vector<1000x1xf32>
    %get3A_96 = arith.constant 3 : index
    %get3A_97 = arith.constant 0 : index
    %get3A_98 = arith.constant 0 : index
    %get3A_99 = vector.load %arg2[%get3A_96, %get3A_97, %get3A_98] : memref<4x1000x128xf32, #tpu.memory_space<vmem>>, vector<1x1000x128xf32>
    %get3A_100 = vector.shape_cast %get3A_99 : vector<1x1000x128xf32> to vector<1000x128xf32>
    %mul3A_101 = vector.broadcast %div3A_95 : vector<1000x1xf32> to vector<1000x128xf32>
    %mul3A_102 = arith.mulf %get3A_100, %mul3A_101 : vector<1000x128xf32>
    %get3A_103 = arith.constant 3 : index
    %get3A_104 = arith.constant 0 : index
    %get3A_105 = arith.constant 0 : index
    %get3A_106 = vector.load %arg5[%get3A_103, %get3A_104, %get3A_105] : memref<4x128x128xf32, #tpu.memory_space<vmem>>, vector<1x128x128xf32>
    %get3A_107 = vector.shape_cast %get3A_106 : vector<1x128x128xf32> to vector<128x128xf32>
    %dot_general3A_108 = arith.constant dense<0.000000e+00> : vector<1000x128xf32>
    %dot_general3A_109 = tpu.matmul %mul3A_102, %get3A_107, %dot_general3A_108 {dimension_numbers = #tpu.dot_dimension_numbers<[1], [0], [0], [1], [0, 0, 1, 1], [], []>, transpose_lhs_hint = false} : vector<1000x128xf32>, vector<128x128xf32>, vector<1000x128xf32> -> vector<1000x128xf32>
    %add3A_110 = arith.addf %add3A_84, %dot_general3A_109 : vector<1000x128xf32>
    %get3A_111 = arith.constant 0 : index
    %get3A_112 = arith.constant 0 : index
    %get3A_113 = vector.load %arg7[%get3A_111, %get3A_112] : memref<1x128xf32, #tpu.memory_space<vmem>>, vector<1x128xf32>
    %mul3A_114 = vector.broadcast %get3A_113 : vector<1x128xf32> to vector<1000x128xf32>
    %mul3A_115 = arith.mulf %add3A_110, %mul3A_114 : vector<1000x128xf32>
    %get3A_116 = arith.constant 0 : index
    %get3A_117 = arith.constant 0 : index
    %get3A_118 = vector.load %arg8[%get3A_116, %get3A_117] : memref<1x128xf32, #tpu.memory_space<vmem>>, vector<1x128xf32>
    %add3A_119 = vector.broadcast %get3A_118 : vector<1x128xf32> to vector<1000x128xf32>
    %add3A_120 = arith.addf %mul3A_115, %add3A_119 : vector<1000x128xf32>
    %gt3A = arith.constant 0.000000e+00 : f32
    %gt3A_121 = vector.broadcast %gt3A : f32 to vector<1000x128xf32>
    %gt3A_122 = arith.cmpf ogt, %add3A_120, %gt3A_121 : vector<1000x128xf32>
    %min3A = arith.constant 0.000000e+00 : f32
    %min3A_123 = vector.broadcast %min3A : f32 to vector<1000x128xf32>
    %min3A_124 = arith.minimumf %add3A_120, %min3A_123 : vector<1000x128xf32>
    %exp3A = math.exp %min3A_124 : vector<1000x128xf32>
    %sub3A = arith.constant 1.000000e+00 : f32
    %sub3A_125 = vector.broadcast %sub3A : f32 to vector<1000x128xf32>
    %sub3A_126 = arith.subf %exp3A, %sub3A_125 : vector<1000x128xf32>
    %select_n3A = arith.select %gt3A_122, %add3A_120, %sub3A_126 : vector<1000x128xi1>, vector<1000x128xf32>
    %swap3A = arith.constant 0 : index
    %swap3A_127 = arith.constant 0 : index
    %swap3A_128 = vector.load %arg9[%swap3A, %swap3A_127] : memref<1000x128xf32, #tpu.memory_space<vmem>>, vector<1000x128xf32>
    tpu.vector_store %arg9[%swap3A, %swap3A_127], %select_n3A {strides = array<i32>} : memref<1000x128xf32, #tpu.memory_space<vmem>>, vector<1000x128xf32>,
    return
  }
  func.func @transform_0(%arg0: i32) -> (i32, i32) {
    %c0_i32 = arith.constant 0 : i32
    %c0_i32_0 = arith.constant 0 : i32
    return %arg0, %c0_i32 : i32, i32
  }
  func.func @transform_1(%arg0: i32) -> (i32, i32, i32) {
    %c0_i32 = arith.constant 0 : i32
    %c0_i32_0 = arith.constant 0 : i32
    %c0_i32_1 = arith.constant 0 : i32
    return %c0_i32, %arg0, %c0_i32_0 : i32, i32, i32
  }
  func.func @transform_2(%arg0: i32) -> (i32, i32, i32) {
    %c0_i32 = arith.constant 0 : i32
    %c0_i32_0 = arith.constant 0 : i32
    %c0_i32_1 = arith.constant 0 : i32
    return %c0_i32, %arg0, %c0_i32_0 : i32, i32, i32
  }
  func.func @transform_3(%arg0: i32) -> (i32, i32) {
    %c0_i32 = arith.constant 0 : i32
    %c0_i32_0 = arith.constant 0 : i32
    %c0_i32_1 = arith.constant 0 : i32
    return %c0_i32, %c0_i32_0 : i32, i32
  }
  func.func @transform_4(%arg0: i32) -> (i32, i32, i32) {
    %c0_i32 = arith.constant 0 : i32
    %c0_i32_0 = arith.constant 0 : i32
    %c0_i32_1 = arith.constant 0 : i32
    %c0_i32_2 = arith.constant 0 : i32
    return %c0_i32, %c0_i32_0, %c0_i32_1 : i32, i32, i32
  }
  func.func @transform_5(%arg0: i32) -> (i32, i32) {
    %c0_i32 = arith.constant 0 : i32
    %c0_i32_0 = arith.constant 0 : i32
    %c0_i32_1 = arith.constant 0 : i32
    return %c0_i32, %c0_i32_0 : i32, i32
  }
  func.func @transform_6(%arg0: i32) -> (i32, i32) {
    %c0_i32 = arith.constant 0 : i32
    %c0_i32_0 = arith.constant 0 : i32
    %c0_i32_1 = arith.constant 0 : i32
    return %c0_i32, %c0_i32_0 : i32, i32
  }
  func.func @transform_7(%arg0: i32) -> (i32, i32) {
    %c0_i32 = arith.constant 0 : i32
    %c0_i32_0 = arith.constant 0 : i32
    %c0_i32_1 = arith.constant 0 : i32
    return %c0_i32, %c0_i32_0 : i32, i32
  }
  func.func @transform_8(%arg0: i32) -> (i32, i32) {
    %c0_i32 = arith.constant 0 : i32
    %c0_i32_0 = arith.constant 0 : i32
    return %arg0, %c0_i32 : i32, i32
  }
}

module attributes {stable_mosaic.version = 14 : i64} {
  func.func @_dense_body(%arg0: i32, %arg1: memref<1000x128xf32, #tpu.memory_space<vmem>>, %arg2: memref<4x1000x128xf32, #tpu.memory_space<vmem>>, %arg3: memref<4x1000x128xf32, #tpu.memory_space<vmem>>, %arg4: memref<128x128xf32, #tpu.memory_space<vmem>>, %arg5: memref<4x128x128xf32, #tpu.memory_space<vmem>>, %arg6: memref<1x128xf32, #tpu.memory_space<vmem>>, %arg7: memref<1x128xf32, #tpu.memory_space<vmem>>, %arg8: memref<1x128xf32, #tpu.memory_space<vmem>>, %arg9: memref<1000x128xf32, #tpu.memory_space<vmem>>) attributes {dimension_semantics = [#tpu.dimension_semantics<arbitrary>], iteration_bounds = array<i64: 10>, scalar_prefetch = 0 : i64, scratch_operands = 0 : i64, tpu.core_type = #tpu.core_type<tc>, window_params = [{transform_indices = @transform_0, window_bounds = array<i64: 1000, 128>}, {transform_indices = @transform_1, window_bounds = array<i64: 4, 1000, 128>}, {transform_indices = @transform_2, window_bounds = array<i64: 4, 1000, 128>}, {pipeline_mode = #tpu.pipeline_mode<synchronous>, transform_indices = @transform_3, window_bounds = array<i64: 128, 128>}, {pipeline_mode = #tpu.pipeline_mode<synchronous>, transform_indices = @transform_4, window_bounds = array<i64: 4, 128, 128>}, {pipeline_mode = #tpu.pipeline_mode<synchronous>, transform_indices = @transform_5, window_bounds = array<i64: 1, 128>}, {pipeline_mode = #tpu.pipeline_mode<synchronous>, transform_indices = @transform_6, window_bounds = array<i64: 1, 128>}, {pipeline_mode = #tpu.pipeline_mode<synchronous>, transform_indices = @transform_7, window_bounds = array<i64: 1, 128>}, {transform_indices = @transform_8, window_bounds = array<i64: 1000, 128>}]} {
    %get3A = arith.constant 0 : index
    %get3A_0 = arith.constant 0 : index
    %get3A_1 = vector.load %arg1[%get3A, %get3A_0] : memref<1000x128xf32, #tpu.memory_space<vmem>>, vector<1000x128xf32>
    %get3A_2 = arith.constant 0 : index
    %get3A_3 = arith.constant 0 : index
    %get3A_4 = vector.load %arg4[%get3A_2, %get3A_3] : memref<128x128xf32, #tpu.memory_space<vmem>>, vector<128x128xf32>
    %dot_general3A = arith.constant dense<0.000000e+00> : vector<1000x128xf32>
    %dot_general3A_5 = tpu.matmul %get3A_1, %get3A_4, %dot_general3A {dimension_numbers = #tpu.dot_dimension_numbers<[1], [0], [0], [1], [0, 0, 1, 1], [], []>, transpose_lhs_hint = false} : vector<1000x128xf32>, vector<128x128xf32>, vector<1000x128xf32> -> vector<1000x128xf32>
    %get3A_6 = arith.constant 0 : index
    %get3A_7 = arith.constant 0 : index
    %get3A_8 = vector.load %arg6[%get3A_6, %get3A_7] : memref<1x128xf32, #tpu.memory_space<vmem>>, vector<1x128xf32>
    %add3A = vector.broadcast %get3A_8 : vector<1x128xf32> to vector<1000x128xf32>
    %add3A_9 = arith.addf %dot_general3A_5, %add3A : vector<1000x128xf32>
    %get3A_10 = arith.constant 0 : index
    %get3A_11 = arith.constant 0 : index
    %get3A_12 = arith.constant 0 : index
    %get3A_13 = vector.load %arg3[%get3A_10, %get3A_11, %get3A_12] : memref<4x1000x128xf32, #tpu.memory_space<vmem>>, vector<1x1000x1xf32>
    %get3A_14 = vector.shape_cast %get3A_13 : vector<1x1000x1xf32> to vector<1000x1xf32>
    %max3A = arith.constant 1.000000e+00 : f32
    %max3A_15 = vector.broadcast %max3A : f32 to vector<1000x1xf32>
    %max3A_16 = arith.maximumf %get3A_14, %max3A_15 : vector<1000x1xf32>
    %div3A = arith.constant 1.000000e+00 : f32
    %div3A_17 = vector.broadcast %div3A : f32 to vector<1000x1xf32>
    %div3A_18 = arith.divf %div3A_17, %max3A_16 : vector<1000x1xf32>
    %get3A_19 = arith.constant 0 : index
    %get3A_20 = arith.constant 0 : index
    %get3A_21 = arith.constant 0 : index
    %get3A_22 = vector.load %arg2[%get3A_19, %get3A_20, %get3A_21] : memref<4x1000x128xf32, #tpu.memory_space<vmem>>, vector<1x1000x128xf32>
    %get3A_23 = vector.shape_cast %get3A_22 : vector<1x1000x128xf32> to vector<1000x128xf32>
    %mul3A = vector.broadcast %div3A_18 : vector<1000x1xf32> to vector<1000x128xf32>
    %mul3A_24 = arith.mulf %get3A_23, %mul3A : vector<1000x128xf32>
    %get3A_25 = arith.constant 0 : index
    %get3A_26 = arith.constant 0 : index
    %get3A_27 = arith.constant 0 : index
    %get3A_28 = vector.load %arg5[%get3A_25, %get3A_26, %get3A_27] : memref<4x128x128xf32, #tpu.memory_space<vmem>>, vector<1x128x128xf32>
    %get3A_29 = vector.shape_cast %get3A_28 : vector<1x128x128xf32> to vector<128x128xf32>
    %dot_general3A_30 = arith.constant dense<0.000000e+00> : vector<1000x128xf32>
    %dot_general3A_31 = tpu.matmul %mul3A_24, %get3A_29, %dot_general3A_30 {dimension_numbers = #tpu.dot_dimension_numbers<[1], [0], [0], [1], [0, 0, 1, 1], [], []>, transpose_lhs_hint = false} : vector<1000x128xf32>, vector<128x128xf32>, vector<1000x128xf32> -> vector<1000x128xf32>
    %add3A_32 = arith.addf %add3A_9, %dot_general3A_31 : vector<1000x128xf32>
    %get3A_33 = arith.constant 1 : index
    %get3A_34 = arith.constant 0 : index
    %get3A_35 = arith.constant 0 : index
    %get3A_36 = vector.load %arg3[%get3A_33, %get3A_34, %get3A_35] : memref<4x1000x128xf32, #tpu.memory_space<vmem>>, vector<1x1000x1xf32>
    %get3A_37 = vector.shape_cast %get3A_36 : vector<1x1000x1xf32> to vector<1000x1xf32>
    %max3A_38 = arith.constant 1.000000e+00 : f32
    %max3A_39 = vector.broadcast %max3A_38 : f32 to vector<1000x1xf32>
    %max3A_40 = arith.maximumf %get3A_37, %max3A_39 : vector<1000x1xf32>
    %div3A_41 = arith.constant 1.000000e+00 : f32
    %div3A_42 = vector.broadcast %div3A_41 : f32 to vector<1000x1xf32>
    %div3A_43 = arith.divf %div3A_42, %max3A_40 : vector<1000x1xf32>
    %get3A_44 = arith.constant 1 : index
    %get3A_45 = arith.constant 0 : index
    %get3A_46 = arith.constant 0 : index
    %get3A_47 = vector.load %arg2[%get3A_44, %get3A_45, %get3A_46] : memref<4x1000x128xf32, #tpu.memory_space<vmem>>, vector<1x1000x128xf32>
    %get3A_48 = vector.shape_cast %get3A_47 : vector<1x1000x128xf32> to vector<1000x128xf32>
    %mul3A_49 = vector.broadcast %div3A_43 : vector<1000x1xf32> to vector<1000x128xf32>
    %mul3A_50 = arith.mulf %get3A_48, %mul3A_49 : vector<1000x128xf32>
    %get3A_51 = arith.constant 1 : index
    %get3A_52 = arith.constant 0 : index
    %get3A_53 = arith.constant 0 : index
    %get3A_54 = vector.load %arg5[%get3A_51, %get3A_52, %get3A_53] : memref<4x128x128xf32, #tpu.memory_space<vmem>>, vector<1x128x128xf32>
    %get3A_55 = vector.shape_cast %get3A_54 : vector<1x128x128xf32> to vector<128x128xf32>
    %dot_general3A_56 = arith.constant dense<0.000000e+00> : vector<1000x128xf32>
    %dot_general3A_57 = tpu.matmul %mul3A_50, %get3A_55, %dot_general3A_56 {dimension_numbers = #tpu.dot_dimension_numbers<[1], [0], [0], [1], [0, 0, 1, 1], [], []>, transpose_lhs_hint = false} : vector<1000x128xf32>, vector<128x128xf32>, vector<1000x128xf32> -> vector<1000x128xf32>
    %add3A_58 = arith.addf %add3A_32, %dot_general3A_57 : vector<1000x128xf32>
    %get3A_59 = arith.constant 2 : index
    %get3A_60 = arith.constant 0 : index
    %get3A_61 = arith.constant 0 : index
    %get3A_62 = vector.load %arg3[%get3A_59, %get3A_60, %get3A_61] : memref<4x1000x128xf32, #tpu.memory_space<vmem>>, vector<1x1000x1xf32>
    %get3A_63 = vector.shape_cast %get3A_62 : vector<1x1000x1xf32> to vector<1000x1xf32>
    %max3A_64 = arith.constant 1.000000e+00 : f32
    %max3A_65 = vector.broadcast %max3A_64 : f32 to vector<1000x1xf32>
    %max3A_66 = arith.maximumf %get3A_63, %max3A_65 : vector<1000x1xf32>
    %div3A_67 = arith.constant 1.000000e+00 : f32
    %div3A_68 = vector.broadcast %div3A_67 : f32 to vector<1000x1xf32>
    %div3A_69 = arith.divf %div3A_68, %max3A_66 : vector<1000x1xf32>
    %get3A_70 = arith.constant 2 : index
    %get3A_71 = arith.constant 0 : index
    %get3A_72 = arith.constant 0 : index
    %get3A_73 = vector.load %arg2[%get3A_70, %get3A_71, %get3A_72] : memref<4x1000x128xf32, #tpu.memory_space<vmem>>, vector<1x1000x128xf32>
    %get3A_74 = vector.shape_cast %get3A_73 : vector<1x1000x128xf32> to vector<1000x128xf32>
    %mul3A_75 = vector.broadcast %div3A_69 : vector<1000x1xf32> to vector<1000x128xf32>
    %mul3A_76 = arith.mulf %get3A_74, %mul3A_75 : vector<1000x128xf32>
    %get3A_77 = arith.constant 2 : index
    %get3A_78 = arith.constant 0 : index
    %get3A_79 = arith.constant 0 : index
    %get3A_80 = vector.load %arg5[%get3A_77, %get3A_78, %get3A_79] : memref<4x128x128xf32, #tpu.memory_space<vmem>>, vector<1x128x128xf32>
    %get3A_81 = vector.shape_cast %get3A_80 : vector<1x128x128xf32> to vector<128x128xf32>
    %dot_general3A_82 = arith.constant dense<0.000000e+00> : vector<1000x128xf32>
    %dot_general3A_83 = tpu.matmul %mul3A_76, %get3A_81, %dot_general3A_82 {dimension_numbers = #tpu.dot_dimension_numbers<[1], [0], [0], [1], [0, 0, 1, 1], [], []>, transpose_lhs_hint = false} : vector<1000x128xf32>, vector<128x128xf32>, vector<1000x128xf32> -> vector<1000x128xf32>
    %add3A_84 = arith.addf %add3A_58, %dot_general3A_83 : vector<1000x128xf32>
    %get3A_85 = arith.constant 3 : index
    %get3A_86 = arith.constant 0 : index
    %get3A_87 = arith.constant 0 : index
    %get3A_88 = vector.load %arg3[%get3A_85, %get3A_86, %get3A_87] : memref<4x1000x128xf32, #tpu.memory_space<vmem>>, vector<1x1000x1xf32>
    %get3A_89 = vector.shape_cast %get3A_88 : vector<1x1000x1xf32> to vector<1000x1xf32>
    %max3A_90 = arith.constant 1.000000e+00 : f32
    %max3A_91 = vector.broadcast %max3A_90 : f32 to vector<1000x1xf32>
    %max3A_92 = arith.maximumf %get3A_89, %max3A_91 : vector<1000x1xf32>
    %div3A_93 = arith.constant 1.000000e+00 : f32
    %div3A_94 = vector.broadcast %div3A_93 : f32 to vector<1000x1xf32>
    %div3A_95 = arith.divf %div3A_94, %max3A_92 : vector<1000x1xf32>
    %get3A_96 = arith.constant 3 : index
    %get3A_97 = arith.constant 0 : index
    %get3A_98 = arith.constant 0 : index
    %get3A_99 = vector.load %arg2[%get3A_96, %get3A_97, %get3A_98] : memref<4x1000x128xf32, #tpu.memory_space<vmem>>, vector<1x1000x128xf32>
    %get3A_100 = vector.shape_cast %get3A_99 : vector<1x1000x128xf32> to vector<1000x128xf32>
    %mul3A_101 = vector.broadcast %div3A_95 : vector<1000x1xf32> to vector<1000x128xf32>
    %mul3A_102 = arith.mulf %get3A_100, %mul3A_101 : vector<1000x128xf32>
    %get3A_103 = arith.constant 3 : index
    %get3A_104 = arith.constant 0 : index
    %get3A_105 = arith.constant 0 : index
    %get3A_106 = vector.load %arg5[%get3A_103, %get3A_104, %get3A_105] : memref<4x128x128xf32, #tpu.memory_space<vmem>>, vector<1x128x128xf32>
    %get3A_107 = vector.shape_cast %get3A_106 : vector<1x128x128xf32> to vector<128x128xf32>
    %dot_general3A_108 = arith.constant dense<0.000000e+00> : vector<1000x128xf32>
    %dot_general3A_109 = tpu.matmul %mul3A_102, %get3A_107, %dot_general3A_108 {dimension_numbers = #tpu.dot_dimension_numbers<[1], [0], [0], [1], [0, 0, 1, 1], [], []>, transpose_lhs_hint = false} : vector<1000x128xf32>, vector<128x128xf32>, vector<1000x128xf32> -> vector<1000x128xf32>
    %add3A_110 = arith.addf %add3A_84, %dot_general3A_109 : vector<1000x128xf32>
    %swap3A = arith.constant 0 : index
    %swap3A_111 = arith.constant 0 : index
    %swap3A_112 = vector.load %arg9[%swap3A, %swap3A_111] : memref<1000x128xf32, #tpu.memory_space<vmem>>, vector<1000x128xf32>
    tpu.vector_store %arg9[%swap3A, %swap3A_111], %add3A_110 {strides = array<i32>} : memref<1000x128xf32, #tpu.memory_space<vmem>>, vector<1000x128xf32>,
    return
  }
  func.func @transform_0(%arg0: i32) -> (i32, i32) {
    %c0_i32 = arith.constant 0 : i32
    %c0_i32_0 = arith.constant 0 : i32
    return %arg0, %c0_i32 : i32, i32
  }
  func.func @transform_1(%arg0: i32) -> (i32, i32, i32) {
    %c0_i32 = arith.constant 0 : i32
    %c0_i32_0 = arith.constant 0 : i32
    %c0_i32_1 = arith.constant 0 : i32
    return %c0_i32, %arg0, %c0_i32_0 : i32, i32, i32
  }
  func.func @transform_2(%arg0: i32) -> (i32, i32, i32) {
    %c0_i32 = arith.constant 0 : i32
    %c0_i32_0 = arith.constant 0 : i32
    %c0_i32_1 = arith.constant 0 : i32
    return %c0_i32, %arg0, %c0_i32_0 : i32, i32, i32
  }
  func.func @transform_3(%arg0: i32) -> (i32, i32) {
    %c0_i32 = arith.constant 0 : i32
    %c0_i32_0 = arith.constant 0 : i32
    %c0_i32_1 = arith.constant 0 : i32
    return %c0_i32, %c0_i32_0 : i32, i32
  }
  func.func @transform_4(%arg0: i32) -> (i32, i32, i32) {
    %c0_i32 = arith.constant 0 : i32
    %c0_i32_0 = arith.constant 0 : i32
    %c0_i32_1 = arith.constant 0 : i32
    %c0_i32_2 = arith.constant 0 : i32
    return %c0_i32, %c0_i32_0, %c0_i32_1 : i32, i32, i32
  }
  func.func @transform_5(%arg0: i32) -> (i32, i32) {
    %c0_i32 = arith.constant 0 : i32
    %c0_i32_0 = arith.constant 0 : i32
    %c0_i32_1 = arith.constant 0 : i32
    return %c0_i32, %c0_i32_0 : i32, i32
  }
  func.func @transform_6(%arg0: i32) -> (i32, i32) {
    %c0_i32 = arith.constant 0 : i32
    %c0_i32_0 = arith.constant 0 : i32
    %c0_i32_1 = arith.constant 0 : i32
    return %c0_i32, %c0_i32_0 : i32, i32
  }
  func.func @transform_7(%arg0: i32) -> (i32, i32) {
    %c0_i32 = arith.constant 0 : i32
    %c0_i32_0 = arith.constant 0 : i32
    %c0_i32_1 = arith.constant 0 : i32
    return %c0_i32, %c0_i32_0 : i32, i32
  }
  func.func @transform_8(%arg0: i32) -> (i32, i32) {
    %c0_i32 = arith.constant 0 : i32
    %c0_i32_0 = arith.constant 0 : i32
    return %arg0, %c0_i32 : i32, i32
  }
}

</mosaic_0001>

<sc_bundles>
// kernel: kernel.10.cloned.1.call-start
scs
__scs_entry_jumppad:
0x0: {  	(pc) =	sbr.rel $0x88, $3  }
0x1: {  	(tag) =	ssettag $0x0;
	lr =	simm.s32 $0x1  }
0x2: {  	[smem:$0x3F97] =	sst lr;
	_ =	strace $0xD0000000  }
0x3: {  	_ = 	snop  }
0x4: {  	_ = 	snop  }
0x5: {  	_ = 	snop  }
0x6: {  	_ = 	snop  }
0x7: {  	_ = 	snop  }
__scs_overlays_trampoline_lowered:
0x8: {  	[smem:$0x3FA6] =	sst s0  }
0x9: {  	[smem:$0x3FA7] =	sst s1  }
0xa: {  	[smem:$0x3FA8] =	sst s2  }
0xb: {  	[smem:$0x3FA9] =	sst s3  }
0xc: {  	[smem:$0x3FAA] =	sst s4  }
0xd: {  	[smem:$0x3FAB] =	sst s5  }
0xe: {  	[smem:$0x3FAC] =	sst s6  }
0xf: {  	[smem:$0x3FAD] =	sst s7  }
0x10: {  	[smem:$0x3FAE] =	sst s8  }
0x11: {  	[smem:$0x3FAF] =	sst s9;
	s0 =	simm.s32 @!p0 $0x0  }
0x12: {  	s1 =	sld [smem:$0x3F95];
	s0 =	simm.s32 @p0 $0x1  }
0x13: {  	[smem:$0x3FB0] =	sst s0;
	s0 =	simm.s32 @!p1 $0x0  }
0x14: {  	s2 =	sld [smem:$0x3F94];
	s0 =	simm.s32 @p1 $0x1  }
0x15: {  	[smem:$0x3FB1] =	sst s0;
	s0 =	simm.s32 @!p2 $0x0  }
0x16: {  	s3 =	sld [smem:$0x3FDB];
	s0 =	simm.s32 @p2 $0x1  }
0x17: {  	s4 =	simm.s32 $0x1BF5;
	[smem:$0x3FB3] =	sst s0  }
0x18: {  	s0 =	sld [smem:$0x3F96];
	_ =	swait.ge [sflag:s4], $0x0  }
0x19: {  	s7 =	sld [smem:$0x3F97]  }
0x1a: {  	s8 =	sadd.s32 $0xFFFFE003, lr  }
0x1b: {  	s9 =	sadd.s32 $0xFFFFFEF7, lr;
	s5 =	simm.s32 $0xFFFFFFFF;
	p2 =	slt.u32 s8, $0xFFFFF086  }
0x1c: {  	p1 =	slt.u32 s9, $0xF7A;
	s5 =	simm.s32 @!p2 $0x0  }
0x1d: {  	s5 =	simm.s32 @p1 $0x1;
	p0 =	seq.s32 s7, s2  }
0x1e: {  	s7 =	smul.u32 @!p0 $0xF7A, s2;
	p2 =	seq.s32 @!p0 s5, $0x0  }
0x1f: {  	s9 =	smul.u32 $0xF7A, s1;
	s8 =	simm.s32 @!p0 $0x1BF5;
	p2 =	por !p2, p0  }
0x20: {  	[sflag:s8] =	ssyncset.s32 @!p0 $0xFFFFF086;
	s6 =	sadd.s32 @!p0 s3, s7;
	s7 =	simm.s32 @!p0 $0x108  }
0x21: {  	s3 =	sadd.s32 s3, s9;
	s6 =	sadd.s32 @!p0 $0x88, s6;
	s7 =	simm.s32 @p2 $0x1082  }
0x22: {  	[simem:s7], [sflag:s8] =	dma.local @!p0 [hbm:s6], $0xF7A  }
0x23: {  	s9 =	sor.u32 $0xD0000000, s2;
	s6 =	simm.s32 $0x108;
	_ =	swait.ge @!p0 [sflag:s8], $0x0  }
0x24: {  	s3 =	sadd.s32 $0x88, s3;
	s6 =	simm.s32 @!p1 $0x1082;
	[sflag:s4] =	ssyncset.s32 $0xFFFFF086  }
0x25: {  	[simem:s6], [sflag:s4] =	dma.local [hbm:s3], $0xF7A  }
0x26: {  	[smem:$0x3F97] =	sst s1;
	(tag) =	ssettag s2;
	_ =	strace s9  }
0x27: {  	s1 =	sld [smem:$0x3FA7]  }
0x28: {  	s2 =	sld [smem:$0x3FA8]  }
0x29: {  	s4 =	sld [smem:$0x3FAA]  }
0x2a: {  	p0 =	seq.s32 s5, $0x0;
	s5 =	sld [smem:$0x3FAB]  }
0x2b: {  	s6 =	sld [smem:$0x3FAC]  }
0x2c: {  	s7 =	sld [smem:$0x3FAD]  }
0x2d: {  	s3 =	simm.s32 $0x108;
	s8 =	sld [smem:$0x3FAE]  }
0x2e: {  	s3 =	simm.s32 @!p0 $0x1082;
	s9 =	sld [smem:$0x3FAF]  }
0x2f: {  	lr =	sadd.s32 s0, s3;
	s0 =	sld [smem:$0x3FA6]  }
0x30: {  	s3 =	sld [smem:$0x3FA9]  }
0x31: {  	[smem:$0x3FB2] =	sst s10  }
0x32: {  	s10 =	sld [smem:$0x3FB0];
	_ =	sdelay $0x3  }
0x33: {  	p0 =	seq.s32 s10, $0x1;
	s10 =	sld [smem:$0x3FB2];
	_ =	sdelay $0x3  }
0x34: {  	[smem:$0x3FB2] =	sst s10  }
0x35: {  	s10 =	sld [smem:$0x3FB1];
	_ =	sdelay $0x3  }
0x36: {  	p1 =	seq.s32 s10, $0x1;
	s10 =	sld [smem:$0x3FB2];
	_ =	sdelay $0x3  }
0x37: {  	[smem:$0x3FB2] =	sst s10  }
0x38: {  	s10 =	sld [smem:$0x3FB3]  }
0x39: {  	_ = 	snop;
	(pc) =	sbr.ind lr, $3  }
0x3a: {  	_ = 	snop  }
0x3b: {  	_ = 	snop  }
0x3c: {  	p2 =	seq.s32 s10, $0x1;
	s10 =	sld [smem:$0x3FB2]  }
0x3d: {  	_ =	shalt  }
0x3e: {  	_ =	shalt  }
0x3f: {  	_ =	shalt  }
0x40: {  	_ =	shalt  }
0x41: {  	_ =	shalt  }
0x42: {  	_ =	shalt  }
0x43: {  	_ =	shalt  }
0x44: {  	_ =	shalt  }
0x45: {  	_ =	shalt  }
0x46: {  	_ =	shalt  }
0x47: {  	_ =	shalt  }
0x48: {  	_ =	shalt  }
0x49: {  	_ =	shalt  }
0x4a: {  	_ =	shalt  }
0x4b: {  	_ =	shalt  }
0x4c: {  	_ =	shalt  }
0x4d: {  	_ =	shalt  }
0x4e: {  	_ =	shalt  }
0x4f: {  	_ =	shalt  }
0x50: {  	_ =	shalt  }
0x51: {  	_ =	shalt  }
0x52: {  	_ =	shalt  }
0x53: {  	_ =	shalt  }
0x54: {  	_ =	shalt  }
0x55: {  	_ =	shalt  }
0x56: {  	_ =	shalt  }
0x57: {  	_ =	shalt  }
0x58: {  	_ =	shalt  }
0x59: {  	_ =	shalt  }
0x5a: {  	_ =	shalt  }
0x5b: {  	_ =	shalt  }
0x5c: {  	_ =	shalt  }
0x5d: {  	_ =	shalt  }
0x5e: {  	_ =	shalt  }
0x5f: {  	_ =	shalt  }
0x60: {  	_ =	shalt  }
0x61: {  	_ =	shalt  }
0x62: {  	_ =	shalt  }
0x63: {  	_ =	shalt  }
0x64: {  	_ =	shalt  }
0x65: {  	_ =	shalt  }
0x66: {  	_ =	shalt  }
0x67: {  	_ =	shalt  }
0x68: {  	_ =	shalt  }
0x69: {  	_ =	shalt  }
0x6a: {  	_ =	shalt  }
0x6b: {  	_ =	shalt  }
0x6c: {  	_ =	shalt  }
0x6d: {  	_ =	shalt  }
0x6e: {  	_ =	shalt  }
0x6f: {  	_ =	shalt  }
0x70: {  	_ =	shalt  }
0x71: {  	_ =	shalt  }
0x72: {  	_ =	shalt  }
0x73: {  	_ =	shalt  }
0x74: {  	_ =	shalt  }
0x75: {  	_ =	shalt  }
0x76: {  	_ =	shalt  }
0x77: {  	_ =	shalt  }
0x78: {  	_ =	shalt  }
0x79: {  	_ =	shalt  }
0x7a: {  	_ =	shalt  }
0x7b: {  	_ =	shalt  }
0x7c: {  	_ =	shalt  }
0x7d: {  	_ =	shalt  }
0x7e: {  	_ =	shalt  }
0x7f: {  	_ =	shalt  }
0x80: {  	_ =	shalt  }
0x81: {  	_ =	shalt  }
0x82: {  	_ =	shalt  }
0x83: {  	_ =	shalt  }
0x84: {  	_ =	shalt  }
0x85: {  	_ =	shalt  }
0x86: {  	_ =	shalt  }
0x87: {  	_ =	shalt  }
.Lfunc_end0:
.L_simem_size_0:
called_computation.1_lowered:
.L_overlay_start_0:
0x88: {  	s2 =	sld [smem:$0x3FD9]  }
0x89: {  	s3 =	sld [smem:$0x3FFE];
	_ =	sdelay $0x1  }
0x8a: {  	s1 =	srdreg.scid  }
0x8b: {  	s0 =	sand.u32 $0x1, s1  }
0x8c: {  	s17 =	sshll.u32 s0, $0xA;
	s2 =	sadd.s32 s3, s2  }
0x8d: {  	s2 =	sadd.s32 s2, s17  }
0x8e: {  	[smem:$0x3FBE] =	sst s2  }
0x8f: {  	_ = 	snop  }
0x90: {  	s2 =	sld [smem:$0x3FC8];
	(tm) =	ssettm $0x1  }
0x91: {  	s18 =	sld [smem:$0x3FFB];
	_ =	sdelay $0x3  }
0x92: {  	_ =	strace s18  }
0x93: {  	s3 =	sld [smem:$0x3FFC];
	_ =	sdelay $0x3  }
0x94: {  	_ =	strace s3  }
0x95: {  	s3 =	sld [smem:$0x3FFD];
	_ =	sdelay $0x3  }
0x96: {  	_ =	strace s3  }
0x97: {  	_ =	strace $0x8FFFFFFF  }
0x98: {  	s19 =	sld [smem:$0x3FDB];
	_ =	sdelay $0x1  }
0x99: {  	s4 =	simm.s32 $_scs_section_size  }
0x9a: {  	s5 =	simm.s32 $_size__tile_overlayer_lowered;
	s6 =	simm.s32 $_tile_overlayer_lowered  }
0x9b: {  	s22 =	simm.s32 $0x1BFF;
	s21 =	sshll.u32 s6, $0x1;
	s3 =	sadd.s32 s4, s19  }
0x9c: {  	s7 =	simm.s32 $0x0;
	s20 =	sshll.u32 s5, $0x1;
	s5 =	sadd.s32 s21, s3  }
0x9d: {  	[timem:s7], [sflag:s22] =	dma.local [hbm:s5], s20  }
0x9e: {  	_ =	swait.ge [sflag:s22], s20  }
0x9f: {  	s4 =	ssub.s32 $0x0, s20;
	[sflag:s22] =	ssyncset.done $0x0  }
0xa0: {  	[sflag:s22] =	ssyncadd.s32 s4;
	_ =	sdelay $0x1  }
0xa1: {  	s23 =	simm.s32 $0x1B8B  }
0xa2: {  	_ =	swait.ge [sflag:s23], $0x1  }
0xa3: {  	[sflag:s23] =	ssyncset.done $0x0  }
0xa4: {  	s25 =	simm.s32 $0x1B8E;
	s24 =	sld [smem:$0x3FFE];
	[sflag:s23] =	ssyncadd.s32 $0xFFFFFFFF  }
0xa5: {  	s26 =	simm.s32 $execute0_lowered;
	[smem:$0x3FD2] =	sst s25  }
0xa6: {  	s5 =	sshll.u32 s26, $0x1;
	_ =	strace $0x80000046;
	[dreg:$0x1] =	wrdreg $0xFFFFFFFF  }
0xa7: {  	s28 =	simm.s32 $_size_execute0_lowered;
	s3 =	sadd.s32 s3, s5;
	[dreg:$0x0] =	wrdreg $0x0  }
0xa8: {  	s5 =	sshll.u32 s28, $0x1;
	[dreg:$0x2] =	wrdreg s3  }
0xa9: {  	[dreg:$0x3] =	wrdreg s5  }
0xaa: {  	[dreg:$0x4] =	wrdreg $0xC0  }
0xab: {  	_ =	task [dreg:s7], $0x5FFFF  }
0xac: {  	[dreg:$0x1] =	wrdreg $0xFFFFFFFF  }
0xad: {  	[dreg:$0x0] =	wrdreg $0x60  }
0xae: {  	[dreg:$0x2] =	wrdreg s2  }
0xaf: {  	[dreg:$0x3] =	wrdreg s24  }
0xb0: {  	[dreg:$0x4] =	wrdreg $0x88000  }
0xb1: {  	[dreg:$0x5] =	wrdreg $0xA  }
0xb2: {  	_ =	task.clear_ibuf [dreg:s7], $0x6FFFF;
	_ =	strace $0x90000046  }
0xb3: {  	s29 =	simm.s32 $0xA;
	_ =	strace $0x80000048  }
0xb4: {  	_ =	swait.ge [sflag:s29], $0x1  }
0xb5: {  	[sflag:s29] =	ssyncadd.s32 $0xFFFFFFFF  }
0xb6: {  	_ =	strace $0x90000048  }
0xb7: {  	_ =	sfence  }
0xb8: {  	s30 =	sld [smem:$0x0];
	_ =	sdelay $0x2  }
0xb9: {  	s31 =	sshll.u32 s1, $0xD;
	s1 =	sshrl.u32 s1, $0x2  }
0xba: {  	s3 =	sand.u32 $0x4000, s31;
	s1 =	sadd.s32 s1, s30  }
0xbb: {  	s0 =	sor.u32 s3, s0;
	s1 =	sshll.u32 s1, $0x11  }
0xbc: {  	s0 =	sor.u32 s1, s0  }
0xbd: {  	s0 =	sadd.s32 $0x8F2B, s0  }
0xbe: {  	[sflag:s0] =	ssyncadd.remote.s32 $0x1  }
0xbf: {  	_ =	sfence.sel $0xFFFF  }
0xc0: {  	[dreg:$0x0] =	wrdreg $0xFFFFFFFF;
	(pc) =	sbr.abs _section_cstart, $3  }
0xc1: {  	[dreg:$0x1] =	wrdreg $0xFFFFFFFF  }
0xc2: {  	_ =	task.clear_ibuf [dreg:s7], $0x2FFFF;
	_ =	strace $0x9FFFFFFF  }
0xc3: {  	(tm) =	ssettm $0x7FFFFFFF  }
tec
execute0_lowered:
.L_overlay_start_1:
0x0: {  	(tag) =	ssettag $0x1  }
0x1: {  	s1 =	rddreg [dreg:$0x0]  }
0x2: {  	s0 =	rddreg [dreg:$0x1]  }
0x3: {  	s2 =	rddreg [dreg:$0x2];
	s3 =	simm.s32 $0x0  }
0x4: {  	s22 =	srdreg.scid;
	s4 =	stileid.u32;
	s28 =	simm.s32 $0x2800  }
0x5: {  	s29 =	simm.s32 $0x4;
	s30 =	simm.s32 $0x1C400;
	s6 =	smul.u32 $0x4F000, s4  }
0x6: {  	s31 =	simm.s32 $0x40;
	[smem:$0x7FF] =	sst s3;
	s17 =	smul.u32 $0x2800, s4  }
0x7: {  	s14 =	sadd.s32 $0x16C00, s0;
	s3 =	sand.u32 $0x1, s22;
	s20 =	smul.u32 $0x13800, s4  }
0x8: {  	s15 =	sadd.s32 $0x2C00, s0;
	s5 =	sadd.s32 $0x2AC00, s0;
	s22 =	smul.u32 $0x4E000, s4  }
0x9: {  	s0 =	sadd.s32 $0x2B000, s0;
	p0 =	sne.s32 s4, $0xF;
	s11 =	smul.u32 $0x50000, s3  }
0xa: {  	s7 =	ssub.s32 $0x2, s3;
	s19 =	smul.u32 $0x271000, s3;
	s3 =	sshllo.u32 s3, $0x1  }
0xb: {  	s4 =	simm.s32 $0x1C480;
	_ =	strace $0x80000047;
	s21 =	smul.u32 $0x28000, s3  }
0xc: {  	s8 =	sshrl.u32 s7, $0x1;
	s6 =	sshrl.u32 s6, $0x2;
	s3 =	smul.u32 $0x138800, s3  }
0xd: {  	s16 =	ssub.s32 s7, s8;
	s6 =	sadd.s32 s6, s2;
	s12 =	sadd.s32 s17, s11  }
0xe: {  	s7 =	sadd.s32 s20, s19;
	s26 =	sadd.s32 $0x2000, s6;
	s23 =	sadd.s32 $0x4000, s6  }
0xf: {  	s9 =	sadd.s32 $0x6000, s6;
	s10 =	sadd.s32 $0x8000, s6;
	s11 =	sadd.s32 $0xA000, s6  }
0x10: {  	s18 =	sshrl.u32 s12, $0x3;
	s12 =	sadd.s32 $0xC000, s6;
	s17 =	sadd.s32 s17, s21  }
0x11: {  	s8 =	sshrl.u32 s7, $0x3;
	[dreg:$0x4] =	wrdreg s23;
	s24 =	sadd.s32 s14, s18  }
0x12: {  	s25 =	sadd.s32 s15, s18;
	s17 =	sshrl.u32 s17, $0x3;
	[dreg:$0x5] =	wrdreg s24  }
0x13: {  	s7 =	sadd.s32 s20, s3;
	[dreg:$0x6] =	wrdreg s25;
	s23 =	sadd.s32 s14, s17  }
0x14: {  	s20 =	sshrl.u32 s19, $0x3;
	s24 =	sadd.s32 s15, s17;
	[dreg:$0x7] =	wrdreg s23  }
0x15: {  	s25 =	sadd.s32 s0, s8;
	s14 =	sshrl.u32 s7, $0x3;
	[dreg:$0x8] =	wrdreg s24  }
0x16: {  	s8 =	sshrl.u32 s22, $0x2;
	[dreg:$0x9] =	wrdreg s25;
	s21 =	sadd.s32 s0, s14  }
0x17: {  	s17 =	sadd.s32 s0, s20;
	s22 =	sadd.s32 s8, s2;
	[dreg:$0xa] =	wrdreg s21  }
0x18: {  	s13 =	sadd.s32 $0xE000, s6;
	s23 =	sadd.s32 $0x27000, s17;
	[dreg:$0xb] =	wrdreg s22  }
0x19: {  	s3 =	sshrl.u32 s3, $0x3;
	s24 =	smax.u32 s16, $0x1;
	[dreg:$0xc] =	wrdreg s23  }
0x1a: {  	s0 =	sadd.s32 s0, s3;
	s25 =	sadd.s32 $0x138000, s2;
	[dreg:$0xe] =	wrdreg s24  }
0x1b: {  	s18 =	sadd.s32 $0x10000, s6;
	s0 =	sadd.s32 $0x27000, s0;
	[dreg:$0xf] =	wrdreg s25  }
0x1c: {  	s14 =	simm.s32 $0x0;
	s21 =	sadd.s32 $0x12000, s6;
	[dreg:$0xd] =	wrdreg s0  }
.LBB2_1:
0x1d: {  	s0 =	simm.s32 $0x0  }
0x1e: {  	[tilespmem:s28], [sflag:$0x4] =	stream.linear.gather [hbm4b:s5+s0], $0x2000, $0x38;
	[tilespmem:$0x1EC00] =	vst v63  }
0x1f: {  	_ =	swait.ge [sflag:s29], $0x2000  }
0x20: {  	[sflag:s29] =	ssyncset.done $0x0  }
0x21: {  	[sflag:s29] =	ssyncadd.s32 $0xFFFFE000  }
0x22: {  	[spmem:s6] =	stream.linear.scatter [tilespmem:s28], [sflag:$0x4], $0x2000, $0x38;
	[tilespmem:$0x1EC00] =	vst v63  }
0x23: {  	_ =	swait.ge [sflag:s29], $0x2000  }
0x24: {  	[sflag:s29] =	ssyncset.done $0x0  }
0x25: {  	[sflag:s29] =	ssyncadd.s32 $0xFFFFE000  }
0x26: {  	[spmem:s26] =	stream.linear.scatter [tilespmem:s28], [sflag:$0x4], $0x2000, $0x38;
	[tilespmem:$0x1EC00] =	vst v63  }
0x27: {  	_ =	swait.ge [sflag:s29], $0x2000  }
0x28: {  	[sflag:s29] =	ssyncset.done $0x0  }
0x29: {  	s3 =	rddreg [dreg:$0x4];
	[sflag:s29] =	ssyncadd.s32 $0xFFFFE000  }
0x2a: {  	[spmem:s3] =	stream.linear.scatter [tilespmem:s28], [sflag:$0x4], $0x2000, $0x38;
	[tilespmem:$0x1EC00] =	vst v63  }
0x2b: {  	_ =	swait.ge [sflag:s29], $0x2000  }
0x2c: {  	[sflag:s29] =	ssyncset.done $0x0  }
0x2d: {  	[sflag:s29] =	ssyncadd.s32 $0xFFFFE000  }
0x2e: {  	[spmem:s9] =	stream.linear.scatter [tilespmem:s28], [sflag:$0x4], $0x2000, $0x38;
	[tilespmem:$0x1EC00] =	vst v63  }
0x2f: {  	_ =	swait.ge [sflag:s29], $0x2000  }
0x30: {  	[sflag:s29] =	ssyncset.done $0x0  }
0x31: {  	[sflag:s29] =	ssyncadd.s32 $0xFFFFE000  }
0x32: {  	[spmem:s10] =	stream.linear.scatter [tilespmem:s28], [sflag:$0x4], $0x2000, $0x38;
	[tilespmem:$0x1EC00] =	vst v63  }
0x33: {  	_ =	swait.ge [sflag:s29], $0x2000  }
0x34: {  	[sflag:s29] =	ssyncset.done $0x0  }
0x35: {  	[sflag:s29] =	ssyncadd.s32 $0xFFFFE000  }
0x36: {  	[spmem:s11] =	stream.linear.scatter [tilespmem:s28], [sflag:$0x4], $0x2000, $0x38;
	[tilespmem:$0x1EC00] =	vst v63  }
0x37: {  	_ =	swait.ge [sflag:s29], $0x2000  }
0x38: {  	[sflag:s29] =	ssyncset.done $0x0  }
0x39: {  	[sflag:s29] =	ssyncadd.s32 $0xFFFFE000  }
0x3a: {  	[spmem:s12] =	stream.linear.scatter [tilespmem:s28], [sflag:$0x4], $0x2000, $0x38;
	[tilespmem:$0x1EC00] =	vst v63  }
0x3b: {  	_ =	swait.ge [sflag:s29], $0x2000  }
0x3c: {  	[sflag:s29] =	ssyncset.done $0x0  }
0x3d: {  	[sflag:s29] =	ssyncadd.s32 $0xFFFFE000  }
0x3e: {  	[spmem:s13] =	stream.linear.scatter [tilespmem:s28], [sflag:$0x4], $0x2000, $0x38;
	[tilespmem:$0x1EC00] =	vst v63  }
0x3f: {  	_ =	swait.ge [sflag:s29], $0x2000  }
0x40: {  	[sflag:s29] =	ssyncset.done $0x0  }
0x41: {  	[sflag:s29] =	ssyncadd.s32 $0xFFFFE000  }
0x42: {  	[spmem:s18] =	stream.linear.scatter [tilespmem:s28], [sflag:$0x4], $0x2000, $0x38;
	[tilespmem:$0x1EC00] =	vst v63  }
0x43: {  	_ =	swait.ge [sflag:s29], $0x2000  }
0x44: {  	[sflag:s29] =	ssyncset.done $0x0  }
0x45: {  	[sflag:s29] =	ssyncadd.s32 $0xFFFFE000  }
0x46: {  	[spmem:s21] =	stream.linear.scatter [tilespmem:s28], [sflag:$0x4], $0x1C00, $0x38;
	[tilespmem:$0x1EC00] =	vst v63  }
0x47: {  	_ =	swait.ge [sflag:s29], $0x1C00  }
0x48: {  	[sflag:s29] =	ssyncset.done $0x0  }
0x49: {  	s20 =	rddreg [dreg:$0x5];
	[sflag:s29] =	ssyncadd.s32 $0xFFFFE400  }
0x4a: {  	[tilespmem:s30], [sflag:$0x4] =	stream.linear.gather [hbm4b:s20+s0], $0x2800, $0x38;
	[tilespmem:$0x1EC00] =	vst v63  }
0x4b: {  	_ =	swait.ge [sflag:s29], $0x2800  }
0x4c: {  	[sflag:s29] =	ssyncset.done $0x0  }
0x4d: {  	s22 =	rddreg [dreg:$0x6];
	[sflag:s29] =	ssyncadd.s32 $0xFFFFD800  }
0x4e: {  	[tilespmem:s0], [sflag:$0x4] =	stream.linear.gather [hbm4b:s22+s0], $0x2800, $0x38;
	[tilespmem:$0x1EC00] =	vst v63  }
0x4f: {  	p1 =	por $0x0, $0x0;
	s0 =	simm.s32 $0x2  }
0x50: {  	s24 =	simm.s32 $0x0;
	_ =	swait.ge [sflag:s29], $0x2800;
	s0 =	smul.u32 @!p1 $0xAB, s0  }
0x51: {  	s3 =	smul.u32 $0xAB, s24;
	[sflag:s29] =	ssyncset.done $0x0  }
0x52: {  	[sflag:s29] =	ssyncadd.s32 $0xFFFFD800;
	s0 =	sshrl.u32 @!p1 s0, $0x9  }
0x53: {  	s3 =	sshrl.u32 s3, $0x9;
	[bflag:$0x0] =	sbarrier.arrive $0xFFFF;
	s0 =	sand.u32 @!p1 $0x7F, s0  }
0x54: {  	[tilespmem:s28], [sflag:$0x1] =	stream.indirect.gather [hbm4b:s1+s31], $0x80, s30, s31, $0xb8;
	[tilespmem:$0x1EC00] =	vst v63  }
0x55: {  	s23 =	simm.s32 $0x4800;
	s3 =	sand.u32 $0x7F, s3;
	s0 =	smul.u32 @!p1 $0x3, s0  }
0x56: {  	[tilespmem:s23], [sflag:$0x2] =	stream.indirect.gather [hbm4b:s1+s31], $0x80, s4, s31, $0xb8;
	[tilespmem:$0x1EC00] =	vst v63  }
0x57: {  	s3 =	smul.u32 $0x3, s3;
	s0 =	ssub.s32 @!p1 $0x2, s0  }
0x58: {  	s15 =	simm.s32 $0x1C500;
	s0 =	sand.u32 @!p1 $0xFF, s0  }
0x59: {  	s16 =	simm.s32 @!p1 $0x40;
	s3 =	ssub.s32 $0x0, s3;
	s17 =	sshll.u32 @!p1 s0, $0xD  }
0x5a: {  	s3 =	sand.u32 $0xFF, s3;
	s0 =	sadd.s32 @!p1 $0x1, s0;
	s17 =	sadd.s32 @!p1 $0x2800, s17  }
0x5b: {  	[tilespmem:s17], [sflag:s0] =	stream.indirect.gather @!p1 [hbm4b:s1+s16], $0x80, s15, s16, $0xb8;
	[tilespmem:$0x1EC00] =	vst v63  }
0x5c: {  	s25 =	sadd.s32 $0x1, s3;
	s22 =	simm.s32 $0x3;
	p1 =	por $0x0, $0x0  }
0x5d: {  	s17 =	simm.s32 $0x1;
	_ =	swait.ge [sflag:s25], $0x2000;
	s15 =	smul.u32 @!p1 $0xAB, s22  }
0x5e: {  	s19 =	simm.s32 $0x4;
	s20 =	smul.u32 $0xAB, s17;
	[sflag:s25] =	ssyncset.done $0x0  }
0x5f: {  	s3 =	sshll.u32 s3, $0xD;
	s16 =	simm.s32 $0x1C580;
	[sflag:s25] =	ssyncadd.s32 $0xFFFFE000  }
0x60: {  	s23 =	sshrl.u32 @!p1 s15, $0x9;
	s15 =	simm.s32 $0x80;
	s0 =	sshrl.u32 s20, $0x9  }
0x61: {  	s20 =	simm.s32 $0x0;
	s24 =	sand.u32 @!p1 $0x7F, s23;
	s23 =	sadd.s32 $0x2800, s3  }
.LBB2_2:
0x62: {  	s0 =	sand.u32 $0x7F, s0;
	s3 =	smul.u32 @!p1 $0x3, s24;
	s24 =	smov.u32 s19  }
0x63: {  	s19 =	sadd.s32 $0x1, s19;
	s25 =	smov.u32 s20;
	s20 =	smov.u32 s15  }
0x64: {  	[spmem:s2] =	stream.indirect.scatter.add.f32 [tilespmem:s23], [sflag:$0x4], $0x80, s25, s31, $0xb8;
	[tilespmem:$0x1EC00] =	vst v63  }
0x65: {  	s0 =	smul.u32 $0x3, s0  }
0x66: {  	p2 =	sne.s32 s19, $0x52;
	s3 =	ssub.s32 @!p1 s22, s3;
	_ =	swait.ge [sflag:s29], $0x2000  }
0x67: {  	s22 =	simm.s32 @!p1 $0x40;
	s3 =	sand.u32 @!p1 $0xFF, s3;
	[sflag:s29] =	ssyncset.done $0x0  }
0x68: {  	s0 =	ssub.s32 s17, s0;
	s17 =	sshll.u32 @!p1 s3, $0xD;
	s3 =	sadd.s32 @!p1 $0x1, s3  }
0x69: {  	s0 =	sand.u32 $0xFF, s0;
	s17 =	sadd.s32 @!p1 $0x2800, s17;
	[sflag:s29] =	ssyncadd.s32 $0xFFFFE000  }
0x6a: {  	[tilespmem:s17], [sflag:s3] =	stream.indirect.gather @!p1 [hbm4b:s1+s22], $0x80, s16, s22, $0xb8;
	[tilespmem:$0x1EC00] =	vst v63  }
0x6b: {  	s17 =	sadd.s32 $0xFFFFFFFE, s24;
	s3 =	sshll.u32 s0, $0xD;
	s0 =	sadd.s32 $0x1, s0  }
.Ltmp0:
0x6c: {  	p1 =	sgt.u32 s17, $0x4D;
	_ =	swait.ge [sflag:s0], $0x2000;
	(pc) =	sbr.rel @p2 .LBB2_2-.Ltmp0, $4  }
0x6d: {  	s23 =	smul.u32 @!p1 $0xAB, s24;
	[sflag:s0] =	ssyncset.done $0x0  }
0x6e: {  	s22 =	smov.u32 s24;
	s25 =	smul.u32 $0xAB, s17;
	[sflag:s0] =	ssyncadd.s32 $0xFFFFE000  }
0x6f: {  	s15 =	sadd.s32 $0x80, s15;
	s16 =	sadd.s32 $0x80, s16;
	s23 =	sshrl.u32 @!p1 s23, $0x9  }
0x70: {  	s0 =	sshrl.u32 s25, $0x9;
	s24 =	sand.u32 @!p1 $0x7F, s23;
	s23 =	sadd.s32 $0x2800, s3  }
0x71: {  	s0 =	sand.u32 $0x7F, s0;
	s3 =	smul.u32 @!p1 $0x3, s24  }
0x72: {  	[spmem:s2] =	stream.indirect.scatter.add.f32 [tilespmem:s23], [sflag:$0x4], $0x80, s20, s31, $0xb8;
	[tilespmem:$0x1EC00] =	vst v63  }
0x73: {  	s0 =	smul.u32 $0x3, s0;
	_ =	swait.ge [sflag:s29], $0x2000;
	s3 =	ssub.s32 @!p1 s22, s3  }
0x74: {  	s19 =	simm.s32 @!p1 $0x40;
	[sflag:s29] =	ssyncset.done $0x0;
	s3 =	sand.u32 @!p1 $0xFF, s3  }
0x75: {  	s0 =	ssub.s32 s17, s0;
	[sflag:s29] =	ssyncadd.s32 $0xFFFFE000;
	s17 =	sshll.u32 @!p1 s3, $0xD  }
0x76: {  	s3 =	sadd.s32 @!p1 $0x1, s3;
	s0 =	sand.u32 $0xFF, s0;
	s17 =	sadd.s32 @!p1 $0x2800, s17  }
0x77: {  	[tilespmem:s17], [sflag:s3] =	stream.indirect.gather @!p1 [hbm4b:s1+s19], $0x80, s16, s19, $0xb8;
	[tilespmem:$0x1EC00] =	vst v63  }
0x78: {  	s16 =	sadd.s32 $0x1, s0  }
0x79: {  	_ =	swait.ge [sflag:s16], $0x2000  }
0x7a: {  	s0 =	sshll.u32 s0, $0xD;
	[sflag:s16] =	ssyncset.done $0x0  }
0x7b: {  	s0 =	sadd.s32 $0x2800, s0;
	[sflag:s16] =	ssyncadd.s32 $0xFFFFE000  }
0x7c: {  	[spmem:s2] =	stream.indirect.scatter.add.f32 [tilespmem:s0], [sflag:$0x4], $0x80, s15, s31, $0xb8;
	[tilespmem:$0x1EC00] =	vst v63  }
0x7d: {  	_ =	swait.ge [sflag:s29], $0x2000  }
0x7e: {  	[sflag:s29] =	ssyncset.done $0x0  }
0x7f: {  	[sflag:s29] =	ssyncadd.s32 $0xFFFFE000  }
0x80: {  	s17 =	stileid.u32;
	[bflag:$0x0] =	sbarrier.arrive $0xFFFF  }
0x81: {  	s0 =	sshll.u32 s17, $0x6;
	s19 =	rddreg [dreg:$0xb]  }
0x82: {  	s15 =	sor.u32 $0x1C04, s0;
	s20 =	rddreg [dreg:$0x9];
	s16 =	sshrl.u32 s19, $0x3  }
0x83: {  	[hbm:s20], [sflag:s15] =	dma.local [spmem:s16], $0x2700  }
0x84: {  	_ =	swait.ge [sflag:s29], $0x2700  }
0x85: {  	[sflag:s29] =	ssyncset.done $0x0;
	s0 =	rddreg [dreg:$0xf]  }
0x86: {  	[sflag:s29] =	ssyncadd.s32 $0xFFFFD900;
	s17 =	sshrl.u32 @!p0 s0, $0x3;
	s0 =	rddreg [dreg:$0xc]  }
0x87: {  	[hbm:s0], [sflag:s15] =	dma.local @!p0 [spmem:s17], $0x100  }
0x88: {  	s0 =	simm.s32 @!p0 $0x4  }
0x89: {  	_ =	swait.ge @!p0 [sflag:s0], $0x100  }
0x8a: {  	[sflag:s0] =	ssyncset.done @!p0 $0x0  }
0x8b: {  	[sflag:s0] =	ssyncadd.s32 @!p0 $0xFFFFFF00  }
0x8c: {  	s19 =	simm.s32 $0x0;
	[bflag:$0x0] =	sbarrier.arrive $0xFFFF  }
0x8d: {  	[tilespmem:s28], [sflag:$0x4] =	stream.linear.gather [hbm4b:s5+s19], $0x2000, $0x38;
	[tilespmem:$0x1EC00] =	vst v63  }
0x8e: {  	_ =	swait.ge [sflag:s29], $0x2000  }
0x8f: {  	[sflag:s29] =	ssyncset.done $0x0  }
0x90: {  	[sflag:s29] =	ssyncadd.s32 $0xFFFFE000  }
0x91: {  	[spmem:s6] =	stream.linear.scatter [tilespmem:s28], [sflag:$0x4], $0x2000, $0x38;
	[tilespmem:$0x1EC00] =	vst v63  }
0x92: {  	_ =	swait.ge [sflag:s29], $0x2000  }
0x93: {  	[sflag:s29] =	ssyncset.done $0x0  }
0x94: {  	[sflag:s29] =	ssyncadd.s32 $0xFFFFE000  }
0x95: {  	[spmem:s26] =	stream.linear.scatter [tilespmem:s28], [sflag:$0x4], $0x2000, $0x38;
	[tilespmem:$0x1EC00] =	vst v63  }
0x96: {  	_ =	swait.ge [sflag:s29], $0x2000  }
0x97: {  	[sflag:s29] =	ssyncset.done $0x0  }
0x98: {  	s22 =	rddreg [dreg:$0x4];
	[sflag:s29] =	ssyncadd.s32 $0xFFFFE000  }
0x99: {  	[spmem:s22] =	stream.linear.scatter [tilespmem:s28], [sflag:$0x4], $0x2000, $0x38;
	[tilespmem:$0x1EC00] =	vst v63  }
0x9a: {  	_ =	swait.ge [sflag:s29], $0x2000  }
0x9b: {  	[sflag:s29] =	ssyncset.done $0x0  }
0x9c: {  	[sflag:s29] =	ssyncadd.s32 $0xFFFFE000  }
0x9d: {  	[spmem:s9] =	stream.linear.scatter [tilespmem:s28], [sflag:$0x4], $0x2000, $0x38;
	[tilespmem:$0x1EC00] =	vst v63  }
0x9e: {  	_ =	swait.ge [sflag:s29], $0x2000  }
0x9f: {  	[sflag:s29] =	ssyncset.done $0x0  }
0xa0: {  	[sflag:s29] =	ssyncadd.s32 $0xFFFFE000  }
0xa1: {  	[spmem:s10] =	stream.linear.scatter [tilespmem:s28], [sflag:$0x4], $0x2000, $0x38;
	[tilespmem:$0x1EC00] =	vst v63  }
0xa2: {  	_ =	swait.ge [sflag:s29], $0x2000  }
0xa3: {  	[sflag:s29] =	ssyncset.done $0x0  }
0xa4: {  	[sflag:s29] =	ssyncadd.s32 $0xFFFFE000  }
0xa5: {  	[spmem:s11] =	stream.linear.scatter [tilespmem:s28], [sflag:$0x4], $0x2000, $0x38;
	[tilespmem:$0x1EC00] =	vst v63  }
0xa6: {  	_ =	swait.ge [sflag:s29], $0x2000  }
0xa7: {  	[sflag:s29] =	ssyncset.done $0x0  }
0xa8: {  	[sflag:s29] =	ssyncadd.s32 $0xFFFFE000  }
0xa9: {  	[spmem:s12] =	stream.linear.scatter [tilespmem:s28], [sflag:$0x4], $0x2000, $0x38;
	[tilespmem:$0x1EC00] =	vst v63  }
0xaa: {  	_ =	swait.ge [sflag:s29], $0x2000  }
0xab: {  	[sflag:s29] =	ssyncset.done $0x0  }
0xac: {  	[sflag:s29] =	ssyncadd.s32 $0xFFFFE000  }
0xad: {  	[spmem:s13] =	stream.linear.scatter [tilespmem:s28], [sflag:$0x4], $0x2000, $0x38;
	[tilespmem:$0x1EC00] =	vst v63  }
0xae: {  	_ =	swait.ge [sflag:s29], $0x2000  }
0xaf: {  	[sflag:s29] =	ssyncset.done $0x0  }
0xb0: {  	[sflag:s29] =	ssyncadd.s32 $0xFFFFE000  }
0xb1: {  	[spmem:s18] =	stream.linear.scatter [tilespmem:s28], [sflag:$0x4], $0x2000, $0x38;
	[tilespmem:$0x1EC00] =	vst v63  }
0xb2: {  	_ =	swait.ge [sflag:s29], $0x2000  }
0xb3: {  	p1 =	por $0x0, $0x0;
	s0 =	simm.s32 $0x2;
	[sflag:s29] =	ssyncset.done $0x0  }
0xb4: {  	s0 =	smul.u32 @!p1 $0xAB, s0;
	[sflag:s29] =	ssyncadd.s32 $0xFFFFE000  }
0xb5: {  	[spmem:s21] =	stream.linear.scatter [tilespmem:s28], [sflag:$0x4], $0x1C00, $0x38;
	[tilespmem:$0x1EC00] =	vst v63  }
0xb6: {  	_ =	swait.ge [sflag:s29], $0x1C00  }
0xb7: {  	s8 =	smov.u32 s26;
	s0 =	sshrl.u32 @!p1 s0, $0x9;
	[sflag:s29] =	ssyncset.done $0x0  }
0xb8: {  	s26 =	simm.s32 $0x0;
	s23 =	rddreg [dreg:$0x7];
	[sflag:s29] =	ssyncadd.s32 $0xFFFFE400  }
0xb9: {  	[tilespmem:s30], [sflag:$0x4] =	stream.linear.gather [hbm4b:s23+s19], $0x2800, $0x38;
	[tilespmem:$0x1EC00] =	vst v63  }
0xba: {  	s0 =	sand.u32 @!p1 $0x7F, s0;
	s3 =	smul.u32 $0xAB, s26;
	_ =	swait.ge [sflag:s29], $0x2800  }
0xbb: {  	s7 =	smov.u32 s5;
	s0 =	smul.u32 @!p1 $0x3, s0;
	[sflag:s29] =	ssyncset.done $0x0  }
0xbc: {  	s3 =	sshrl.u32 s3, $0x9;
	s24 =	rddreg [dreg:$0x8];
	[sflag:s29] =	ssyncadd.s32 $0xFFFFD800  }
0xbd: {  	[tilespmem:s19], [sflag:$0x4] =	stream.linear.gather [hbm4b:s24+s19], $0x2800, $0x38;
	[tilespmem:$0x1EC00] =	vst v63  }
0xbe: {  	s25 =	simm.s32 $0x4800;
	s3 =	sand.u32 $0x7F, s3;
	_ =	swait.ge [sflag:s29], $0x2800  }
0xbf: {  	s0 =	ssub.s32 @!p1 $0x2, s0;
	s3 =	smul.u32 $0x3, s3;
	[sflag:s29] =	ssyncset.done $0x0  }
0xc0: {  	s20 =	simm.s32 $0x1C500;
	s0 =	sand.u32 @!p1 $0xFF, s0;
	[sflag:s29] =	ssyncadd.s32 $0xFFFFD800  }
0xc1: {  	s22 =	simm.s32 @!p1 $0x40;
	s3 =	ssub.s32 $0x0, s3;
	[bflag:$0x0] =	sbarrier.arrive $0xFFFF  }
0xc2: {  	[tilespmem:s28], [sflag:$0x1] =	stream.indirect.gather [hbm4b:s1+s31], $0x80, s30, s31, $0xb8;
	[tilespmem:$0x1EC00] =	vst v63  }
0xc3: {  	s3 =	sand.u32 $0xFF, s3;
	s23 =	sshll.u32 @!p1 s0, $0xD;
	s24 =	simm.s32 $0x1  }
0xc4: {  	[tilespmem:s25], [sflag:$0x2] =	stream.indirect.gather [hbm4b:s1+s31], $0x80, s4, s31, $0xb8;
	[tilespmem:$0x1EC00] =	vst v63  }
0xc5: {  	s0 =	sadd.s32 @!p1 $0x1, s0;
	s23 =	sadd.s32 @!p1 $0x2800, s23;
	s26 =	smul.u32 $0xAB, s24  }
0xc6: {  	[tilespmem:s23], [sflag:s0] =	stream.indirect.gather @!p1 [hbm4b:s1+s22], $0x80, s20, s22, $0xb8;
	[tilespmem:$0x1EC00] =	vst v63  }
0xc7: {  	s25 =	simm.s32 $0x3;
	s4 =	sadd.s32 $0x1, s3;
	p1 =	por $0x0, $0x0  }
0xc8: {  	s5 =	sshll.u32 s3, $0xD;
	_ =	swait.ge [sflag:s4], $0x2000;
	s20 =	smul.u32 @!p1 $0xAB, s25  }
0xc9: {  	s3 =	sshrl.u32 s26, $0x9;
	s23 =	simm.s32 $0x4;
	[sflag:s4] =	ssyncset.done $0x0  }
0xca: {  	s22 =	simm.s32 $0x1C580;
	[sflag:s4] =	ssyncadd.s32 $0xFFFFE000;
	s0 =	sshrl.u32 @!p1 s20, $0x9  }
0xcb: {  	s20 =	simm.s32 $0x80;
	s26 =	sand.u32 @!p1 $0x7F, s0;
	s0 =	sadd.s32 $0x2800, s5  }
.LBB2_4:
0xcc: {  	s3 =	sand.u32 $0x7F, s3;
	s4 =	smul.u32 @!p1 $0x3, s26;
	s26 =	smov.u32 s23  }
0xcd: {  	s23 =	sadd.s32 $0x1, s23;
	s5 =	smov.u32 s19;
	s19 =	smov.u32 s20  }
0xce: {  	[spmem:s2] =	stream.indirect.scatter.add.f32 [tilespmem:s0], [sflag:$0x4], $0x80, s5, s31, $0xb8;
	[tilespmem:$0x1EC00] =	vst v63  }
0xcf: {  	s0 =	smul.u32 $0x3, s3  }
0xd0: {  	p2 =	sne.s32 s23, $0x52;
	s3 =	ssub.s32 @!p1 s25, s4;
	_ =	swait.ge [sflag:s29], $0x2000  }
0xd1: {  	s4 =	simm.s32 @!p1 $0x40;
	s3 =	sand.u32 @!p1 $0xFF, s3;
	[sflag:s29] =	ssyncset.done $0x0  }
0xd2: {  	s0 =	ssub.s32 s24, s0;
	s5 =	sshll.u32 @!p1 s3, $0xD;
	s3 =	sadd.s32 @!p1 $0x1, s3  }
0xd3: {  	s0 =	sand.u32 $0xFF, s0;
	s5 =	sadd.s32 @!p1 $0x2800, s5;
	[sflag:s29] =	ssyncadd.s32 $0xFFFFE000  }
0xd4: {  	[tilespmem:s5], [sflag:s3] =	stream.indirect.gather @!p1 [hbm4b:s1+s4], $0x80, s22, s4, $0xb8;
	[tilespmem:$0x1EC00] =	vst v63  }
0xd5: {  	s24 =	sadd.s32 $0xFFFFFFFE, s26;
	s4 =	sshll.u32 s0, $0xD;
	s0 =	sadd.s32 $0x1, s0  }
.Ltmp1:
0xd6: {  	p1 =	sgt.u32 s24, $0x4D;
	_ =	swait.ge [sflag:s0], $0x2000;
	(pc) =	sbr.rel @p2 .LBB2_4-.Ltmp1, $4  }
0xd7: {  	s3 =	smul.u32 @!p1 $0xAB, s26;
	[sflag:s0] =	ssyncset.done $0x0  }
0xd8: {  	s25 =	smov.u32 s26;
	s5 =	smul.u32 $0xAB, s24;
	[sflag:s0] =	ssyncadd.s32 $0xFFFFE000  }
0xd9: {  	s20 =	sadd.s32 $0x80, s20;
	s22 =	sadd.s32 $0x80, s22;
	s0 =	sshrl.u32 @!p1 s3, $0x9  }
0xda: {  	s3 =	sshrl.u32 s5, $0x9;
	s26 =	sand.u32 @!p1 $0x7F, s0;
	s0 =	sadd.s32 $0x2800, s4  }
0xdb: {  	s3 =	sand.u32 $0x7F, s3;
	s4 =	smul.u32 @!p1 $0x3, s26  }
0xdc: {  	[spmem:s2] =	stream.indirect.scatter.add.f32 [tilespmem:s0], [sflag:$0x4], $0x80, s19, s31, $0xb8;
	[tilespmem:$0x1EC00] =	vst v63  }
0xdd: {  	s23 =	smul.u32 $0x3, s3  }
0xde: {  	_ =	swait.ge [sflag:s29], $0x2000;
	s3 =	ssub.s32 @!p1 s25, s4;
	s4 =	simm.s32 @!p1 $0x40  }
0xdf: {  	[sflag:s29] =	ssyncset.done $0x0;
	s3 =	sand.u32 @!p1 $0xFF, s3;
	s0 =	ssub.s32 s24, s23  }
0xe0: {  	[sflag:s29] =	ssyncadd.s32 $0xFFFFE000;
	s5 =	sshll.u32 @!p1 s3, $0xD;
	s0 =	sand.u32 $0xFF, s0  }
0xe1: {  	s3 =	sadd.s32 @!p1 $0x1, s3;
	s5 =	sadd.s32 @!p1 $0x2800, s5;
	s24 =	sadd.s32 $0x1, s0  }
0xe2: {  	[tilespmem:s5], [sflag:s3] =	stream.indirect.gather @!p1 [hbm4b:s1+s4], $0x80, s22, s4, $0xb8;
	[tilespmem:$0x1EC00] =	vst v63  }
0xe3: {  	_ =	swait.ge [sflag:s24], $0x2000  }
0xe4: {  	s0 =	sshll.u32 s0, $0xD;
	[sflag:s24] =	ssyncset.done $0x0  }
0xe5: {  	s0 =	sadd.s32 $0x2800, s0;
	[sflag:s24] =	ssyncadd.s32 $0xFFFFE000  }
0xe6: {  	[spmem:s2] =	stream.indirect.scatter.add.f32 [tilespmem:s0], [sflag:$0x4], $0x80, s20, s31, $0xb8;
	[tilespmem:$0x1EC00] =	vst v63  }
0xe7: {  	_ =	swait.ge [sflag:s29], $0x2000  }
0xe8: {  	[sflag:s29] =	ssyncset.done $0x0  }
0xe9: {  	[sflag:s29] =	ssyncadd.s32 $0xFFFFE000  }
0xea: {  	[bflag:$0x0] =	sbarrier.arrive $0xFFFF  }
0xeb: {  	s25 =	rddreg [dreg:$0xa]  }
0xec: {  	[hbm:s25], [sflag:s15] =	dma.local [spmem:s16], $0x2700  }
0xed: {  	_ =	swait.ge [sflag:s29], $0x2700  }
0xee: {  	[sflag:s29] =	ssyncset.done $0x0  }
0xef: {  	s0 =	rddreg [dreg:$0xd];
	[sflag:s29] =	ssyncadd.s32 $0xFFFFD900  }
0xf0: {  	[hbm:s0], [sflag:s15] =	dma.local @!p0 [spmem:s17], $0x100  }
0xf1: {  	s0 =	simm.s32 @!p0 $0x4  }
0xf2: {  	_ =	swait.ge @!p0 [sflag:s0], $0x100  }
0xf3: {  	s14 =	sadd.s32 $0x1, s14;
	s26 =	rddreg [dreg:$0xe]  }
0xf4: {  	p1 =	sne.s32 s14, s26  }
.Ltmp2:
0xf5: {  	_ = 	snop;
	(pc) =	sbr.rel @p1 .LBB2_1-.Ltmp2, $4  }
0xf6: {  	[sflag:s0] =	ssyncset.done @!p0 $0x0  }
0xf7: {  	[sflag:s0] =	ssyncadd.s32 @!p0 $0xFFFFFF00  }
0xf8: {  	[bflag:$0x0] =	sbarrier.arrive $0xFFFF  }
0xf9: {  	s5 =	smov.u32 s7;
	s4 =	simm.s32 $0x1C480;
	s26 =	smov.u32 s8  }
0xfa: {  	_ =	sfence.sel $0x180000  }
0xfb: {  	[bflag:$0x0] =	sbarrier.arrive $0xFFFF  }
0xfc: {  	_ =	strace $0x90000047  }
0xfd: {  	s0 =	stileid.u32;
	[bflag:$0x2] =	sbarrier.arrive $0xFFFF  }
0xfe: {  	p0 =	sne.s32 s0, $0x0;
	s0 =	rddreg [dreg:$0x3]  }
0xff: {  	s0 =	sadd.s32 @!p0 $0x100000, s0  }
0x100: {  	[sflag:s0] =	ssyncadd.tile.s32 @!p0 $0x1;
	_ =	shalt  }
.Lfunc_end2:
_tile_overlayer_lowered:
.L_overlay_start_2:
0x101: {  	(tag) =	ssettag $0x2  }
0x102: {  	s0 =	rddreg [dreg:$0x0];
	s2 =	stileid.u32  }
0x103: {  	s1 =	rddreg [dreg:$0x1];
	p0 =	sne.s32 s2, $0x0  }
0x104: {  	s3 =	rddreg [dreg:$0x2];
	[bflag:$0x3] =	sbarrier.arrive $0xFFFF;
	s2 =	simm.s32 @!p0 $0x1C04  }
0x105: {  	[timem:s3], [sflag:s2] =	dma.local @!p0 [hbm:s0], s1  }
0x106: {  	s0 =	simm.s32 @!p0 $0x4  }
0x107: {  	_ =	swait.ge @!p0 [sflag:s0], s1  }
0x108: {  	s1 =	ssub.s32 @!p0 $0x0, s1;
	[sflag:s0] =	ssyncset.done @!p0 $0x0  }
0x109: {  	[sflag:s0] =	ssyncadd.s32 @!p0 s1  }
0x10a: {  	[bflag:$0x3] =	sbarrier.arrive $0xFFFF  }
0x10b: {  	_ =	shalt  }

// kernel: kernel.13.cloned.1.call-start
scs
__scs_entry_jumppad:
0x0: {  	(pc) =	sbr.rel $0x88, $3  }
0x1: {  	(tag) =	ssettag $0x0;
	lr =	simm.s32 $0x1  }
0x2: {  	[smem:$0x3F97] =	sst lr;
	_ =	strace $0xD0000000  }
0x3: {  	_ = 	snop  }
0x4: {  	_ = 	snop  }
0x5: {  	_ = 	snop  }
0x6: {  	_ = 	snop  }
0x7: {  	_ = 	snop  }
__scs_overlays_trampoline_lowered:
0x8: {  	[smem:$0x3FA6] =	sst s0  }
0x9: {  	[smem:$0x3FA7] =	sst s1  }
0xa: {  	[smem:$0x3FA8] =	sst s2  }
0xb: {  	[smem:$0x3FA9] =	sst s3  }
0xc: {  	[smem:$0x3FAA] =	sst s4  }
0xd: {  	[smem:$0x3FAB] =	sst s5  }
0xe: {  	[smem:$0x3FAC] =	sst s6  }
0xf: {  	[smem:$0x3FAD] =	sst s7  }
0x10: {  	[smem:$0x3FAE] =	sst s8  }
0x11: {  	[smem:$0x3FAF] =	sst s9;
	s0 =	simm.s32 @!p0 $0x0  }
0x12: {  	s1 =	sld [smem:$0x3F95];
	s0 =	simm.s32 @p0 $0x1  }
0x13: {  	[smem:$0x3FB0] =	sst s0;
	s0 =	simm.s32 @!p1 $0x0  }
0x14: {  	s2 =	sld [smem:$0x3F94];
	s0 =	simm.s32 @p1 $0x1  }
0x15: {  	[smem:$0x3FB1] =	sst s0;
	s0 =	simm.s32 @!p2 $0x0  }
0x16: {  	s3 =	sld [smem:$0x3FDB];
	s0 =	simm.s32 @p2 $0x1  }
0x17: {  	s4 =	simm.s32 $0x1BF5;
	[smem:$0x3FB3] =	sst s0  }
0x18: {  	s0 =	sld [smem:$0x3F96];
	_ =	swait.ge [sflag:s4], $0x0  }
0x19: {  	s7 =	sld [smem:$0x3F97]  }
0x1a: {  	s8 =	sadd.s32 $0xFFFFE003, lr  }
0x1b: {  	s9 =	sadd.s32 $0xFFFFFEF7, lr;
	s5 =	simm.s32 $0xFFFFFFFF;
	p2 =	slt.u32 s8, $0xFFFFF086  }
0x1c: {  	p1 =	slt.u32 s9, $0xF7A;
	s5 =	simm.s32 @!p2 $0x0  }
0x1d: {  	s5 =	simm.s32 @p1 $0x1;
	p0 =	seq.s32 s7, s2  }
0x1e: {  	s7 =	smul.u32 @!p0 $0xF7A, s2;
	p2 =	seq.s32 @!p0 s5, $0x0  }
0x1f: {  	s9 =	smul.u32 $0xF7A, s1;
	s8 =	simm.s32 @!p0 $0x1BF5;
	p2 =	por !p2, p0  }
0x20: {  	[sflag:s8] =	ssyncset.s32 @!p0 $0xFFFFF086;
	s6 =	sadd.s32 @!p0 s3, s7;
	s7 =	simm.s32 @!p0 $0x108  }
0x21: {  	s3 =	sadd.s32 s3, s9;
	s6 =	sadd.s32 @!p0 $0x88, s6;
	s7 =	simm.s32 @p2 $0x1082  }
0x22: {  	[simem:s7], [sflag:s8] =	dma.local @!p0 [hbm:s6], $0xF7A  }
0x23: {  	s9 =	sor.u32 $0xD0000000, s2;
	s6 =	simm.s32 $0x108;
	_ =	swait.ge @!p0 [sflag:s8], $0x0  }
0x24: {  	s3 =	sadd.s32 $0x88, s3;
	s6 =	simm.s32 @!p1 $0x1082;
	[sflag:s4] =	ssyncset.s32 $0xFFFFF086  }
0x25: {  	[simem:s6], [sflag:s4] =	dma.local [hbm:s3], $0xF7A  }
0x26: {  	[smem:$0x3F97] =	sst s1;
	(tag) =	ssettag s2;
	_ =	strace s9  }
0x27: {  	s1 =	sld [smem:$0x3FA7]  }
0x28: {  	s2 =	sld [smem:$0x3FA8]  }
0x29: {  	s4 =	sld [smem:$0x3FAA]  }
0x2a: {  	p0 =	seq.s32 s5, $0x0;
	s5 =	sld [smem:$0x3FAB]  }
0x2b: {  	s6 =	sld [smem:$0x3FAC]  }
0x2c: {  	s7 =	sld [smem:$0x3FAD]  }
0x2d: {  	s3 =	simm.s32 $0x108;
	s8 =	sld [smem:$0x3FAE]  }
0x2e: {  	s3 =	simm.s32 @!p0 $0x1082;
	s9 =	sld [smem:$0x3FAF]  }
0x2f: {  	lr =	sadd.s32 s0, s3;
	s0 =	sld [smem:$0x3FA6]  }
0x30: {  	s3 =	sld [smem:$0x3FA9]  }
0x31: {  	[smem:$0x3FB2] =	sst s10  }
0x32: {  	s10 =	sld [smem:$0x3FB0];
	_ =	sdelay $0x3  }
0x33: {  	p0 =	seq.s32 s10, $0x1;
	s10 =	sld [smem:$0x3FB2];
	_ =	sdelay $0x3  }
0x34: {  	[smem:$0x3FB2] =	sst s10  }
0x35: {  	s10 =	sld [smem:$0x3FB1];
	_ =	sdelay $0x3  }
0x36: {  	p1 =	seq.s32 s10, $0x1;
	s10 =	sld [smem:$0x3FB2];
	_ =	sdelay $0x3  }
0x37: {  	[smem:$0x3FB2] =	sst s10  }
0x38: {  	s10 =	sld [smem:$0x3FB3]  }
0x39: {  	_ = 	snop;
	(pc) =	sbr.ind lr, $3  }
0x3a: {  	_ = 	snop  }
0x3b: {  	_ = 	snop  }
0x3c: {  	p2 =	seq.s32 s10, $0x1;
	s10 =	sld [smem:$0x3FB2]  }
0x3d: {  	_ =	shalt  }
0x3e: {  	_ =	shalt  }
0x3f: {  	_ =	shalt  }
0x40: {  	_ =	shalt  }
0x41: {  	_ =	shalt  }
0x42: {  	_ =	shalt  }
0x43: {  	_ =	shalt  }
0x44: {  	_ =	shalt  }
0x45: {  	_ =	shalt  }
0x46: {  	_ =	shalt  }
0x47: {  	_ =	shalt  }
0x48: {  	_ =	shalt  }
0x49: {  	_ =	shalt  }
0x4a: {  	_ =	shalt  }
0x4b: {  	_ =	shalt  }
0x4c: {  	_ =	shalt  }
0x4d: {  	_ =	shalt  }
0x4e: {  	_ =	shalt  }
0x4f: {  	_ =	shalt  }
0x50: {  	_ =	shalt  }
0x51: {  	_ =	shalt  }
0x52: {  	_ =	shalt  }
0x53: {  	_ =	shalt  }
0x54: {  	_ =	shalt  }
0x55: {  	_ =	shalt  }
0x56: {  	_ =	shalt  }
0x57: {  	_ =	shalt  }
0x58: {  	_ =	shalt  }
0x59: {  	_ =	shalt  }
0x5a: {  	_ =	shalt  }
0x5b: {  	_ =	shalt  }
0x5c: {  	_ =	shalt  }
0x5d: {  	_ =	shalt  }
0x5e: {  	_ =	shalt  }
0x5f: {  	_ =	shalt  }
0x60: {  	_ =	shalt  }
0x61: {  	_ =	shalt  }
0x62: {  	_ =	shalt  }
0x63: {  	_ =	shalt  }
0x64: {  	_ =	shalt  }
0x65: {  	_ =	shalt  }
0x66: {  	_ =	shalt  }
0x67: {  	_ =	shalt  }
0x68: {  	_ =	shalt  }
0x69: {  	_ =	shalt  }
0x6a: {  	_ =	shalt  }
0x6b: {  	_ =	shalt  }
0x6c: {  	_ =	shalt  }
0x6d: {  	_ =	shalt  }
0x6e: {  	_ =	shalt  }
0x6f: {  	_ =	shalt  }
0x70: {  	_ =	shalt  }
0x71: {  	_ =	shalt  }
0x72: {  	_ =	shalt  }
0x73: {  	_ =	shalt  }
0x74: {  	_ =	shalt  }
0x75: {  	_ =	shalt  }
0x76: {  	_ =	shalt  }
0x77: {  	_ =	shalt  }
0x78: {  	_ =	shalt  }
0x79: {  	_ =	shalt  }
0x7a: {  	_ =	shalt  }
0x7b: {  	_ =	shalt  }
0x7c: {  	_ =	shalt  }
0x7d: {  	_ =	shalt  }
0x7e: {  	_ =	shalt  }
0x7f: {  	_ =	shalt  }
0x80: {  	_ =	shalt  }
0x81: {  	_ =	shalt  }
0x82: {  	_ =	shalt  }
0x83: {  	_ =	shalt  }
0x84: {  	_ =	shalt  }
0x85: {  	_ =	shalt  }
0x86: {  	_ =	shalt  }
0x87: {  	_ =	shalt  }
.Lfunc_end0:
.L_simem_size_0:
called_computation.2_lowered:
.L_overlay_start_0:
0x88: {  	s2 =	sld [smem:$0x3FD9]  }
0x89: {  	s3 =	sld [smem:$0x3FFE];
	_ =	sdelay $0x1  }
0x8a: {  	s1 =	srdreg.scid  }
0x8b: {  	s0 =	sand.u32 $0x1, s1  }
0x8c: {  	s17 =	sshll.u32 s0, $0xA;
	s2 =	sadd.s32 s3, s2  }
0x8d: {  	s2 =	sadd.s32 s2, s17  }
0x8e: {  	[smem:$0x3FBE] =	sst s2  }
0x8f: {  	_ = 	snop  }
0x90: {  	s2 =	sld [smem:$0x3FD0];
	(tm) =	ssettm $0x1  }
0x91: {  	s18 =	sld [smem:$0x3FFB];
	_ =	sdelay $0x3  }
0x92: {  	_ =	strace s18  }
0x93: {  	s3 =	sld [smem:$0x3FFC];
	_ =	sdelay $0x3  }
0x94: {  	_ =	strace s3  }
0x95: {  	s3 =	sld [smem:$0x3FFD];
	_ =	sdelay $0x3  }
0x96: {  	_ =	strace s3  }
0x97: {  	_ =	strace $0x8FFFFFFF  }
0x98: {  	s19 =	sld [smem:$0x3FDB];
	_ =	sdelay $0x1  }
0x99: {  	s4 =	simm.s32 $_scs_section_size  }
0x9a: {  	s5 =	simm.s32 $_size__tile_overlayer_lowered;
	s6 =	simm.s32 $_tile_overlayer_lowered  }
0x9b: {  	s22 =	simm.s32 $0x1BFF;
	s21 =	sshll.u32 s6, $0x1;
	s3 =	sadd.s32 s4, s19  }
0x9c: {  	s7 =	simm.s32 $0x0;
	s20 =	sshll.u32 s5, $0x1;
	s5 =	sadd.s32 s21, s3  }
0x9d: {  	[timem:s7], [sflag:s22] =	dma.local [hbm:s5], s20  }
0x9e: {  	_ =	swait.ge [sflag:s22], s20  }
0x9f: {  	s4 =	ssub.s32 $0x0, s20;
	[sflag:s22] =	ssyncset.done $0x0  }
0xa0: {  	[sflag:s22] =	ssyncadd.s32 s4;
	_ =	sdelay $0x1  }
0xa1: {  	s23 =	simm.s32 $0x1B8B  }
0xa2: {  	_ =	swait.ge [sflag:s23], $0x1  }
0xa3: {  	[sflag:s23] =	ssyncset.done $0x0  }
0xa4: {  	s25 =	simm.s32 $0x1B8E;
	s24 =	sld [smem:$0x3FFE];
	[sflag:s23] =	ssyncadd.s32 $0xFFFFFFFF  }
0xa5: {  	s26 =	simm.s32 $execute0_lowered;
	[smem:$0x3FD2] =	sst s25  }
0xa6: {  	s5 =	sshll.u32 s26, $0x1;
	_ =	strace $0x8000004C;
	[dreg:$0x1] =	wrdreg $0xFFFFFFFF  }
0xa7: {  	s28 =	simm.s32 $_size_execute0_lowered;
	s3 =	sadd.s32 s3, s5;
	[dreg:$0x0] =	wrdreg $0x0  }
0xa8: {  	s5 =	sshll.u32 s28, $0x1;
	[dreg:$0x2] =	wrdreg s3  }
0xa9: {  	[dreg:$0x3] =	wrdreg s5  }
0xaa: {  	[dreg:$0x4] =	wrdreg $0xC0  }
0xab: {  	_ =	task [dreg:s7], $0x5FFFF  }
0xac: {  	[dreg:$0x1] =	wrdreg $0xFFFFFFFF  }
0xad: {  	[dreg:$0x0] =	wrdreg $0x60  }
0xae: {  	[dreg:$0x2] =	wrdreg s2  }
0xaf: {  	[dreg:$0x3] =	wrdreg s24  }
0xb0: {  	[dreg:$0x4] =	wrdreg $0x88000  }
0xb1: {  	[dreg:$0x5] =	wrdreg $0x9  }
0xb2: {  	_ =	task.clear_ibuf [dreg:s7], $0x6FFFF;
	_ =	strace $0x9000004C  }
0xb3: {  	s29 =	simm.s32 $0x9;
	_ =	strace $0x8000004E  }
0xb4: {  	_ =	swait.ge [sflag:s29], $0x1  }
0xb5: {  	[sflag:s29] =	ssyncadd.s32 $0xFFFFFFFF  }
0xb6: {  	_ =	strace $0x9000004E  }
0xb7: {  	_ =	sfence  }
0xb8: {  	s30 =	sld [smem:$0x0];
	_ =	sdelay $0x2  }
0xb9: {  	s31 =	sshll.u32 s1, $0xD;
	s1 =	sshrl.u32 s1, $0x2  }
0xba: {  	s3 =	sand.u32 $0x4000, s31;
	s1 =	sadd.s32 s1, s30  }
0xbb: {  	s0 =	sor.u32 s3, s0;
	s1 =	sshll.u32 s1, $0x11  }
0xbc: {  	s0 =	sor.u32 s1, s0  }
0xbd: {  	s0 =	sadd.s32 $0x8F2B, s0  }
0xbe: {  	[sflag:s0] =	ssyncadd.remote.s32 $0x1  }
0xbf: {  	_ =	sfence.sel $0xFFFF  }
0xc0: {  	[dreg:$0x0] =	wrdreg $0xFFFFFFFF;
	(pc) =	sbr.abs _section_cstart, $3  }
0xc1: {  	[dreg:$0x1] =	wrdreg $0xFFFFFFFF  }
0xc2: {  	_ =	task.clear_ibuf [dreg:s7], $0x2FFFF;
	_ =	strace $0x9FFFFFFF  }
0xc3: {  	(tm) =	ssettm $0x7FFFFFFF  }
tec
execute0_lowered:
.L_overlay_start_1:
0x0: {  	(tag) =	ssettag $0x1  }
0x1: {  	s1 =	rddreg [dreg:$0x0]  }
0x2: {  	s0 =	rddreg [dreg:$0x1]  }
0x3: {  	s2 =	rddreg [dreg:$0x2];
	s3 =	simm.s32 $0x0  }
0x4: {  	s22 =	srdreg.scid;
	s4 =	stileid.u32;
	s28 =	simm.s32 $0x2800  }
0x5: {  	s29 =	simm.s32 $0x4;
	s30 =	simm.s32 $0x1C400;
	s6 =	smul.u32 $0x4F000, s4  }
0x6: {  	s31 =	simm.s32 $0x40;
	[smem:$0x7FF] =	sst s3;
	s17 =	smul.u32 $0x2800, s4  }
0x7: {  	s14 =	sadd.s32 $0x16C00, s0;
	s3 =	sand.u32 $0x1, s22;
	s20 =	smul.u32 $0x13800, s4  }
0x8: {  	s15 =	sadd.s32 $0x2C00, s0;
	s5 =	sadd.s32 $0x2AC00, s0;
	s22 =	smul.u32 $0x4E000, s4  }
0x9: {  	s0 =	sadd.s32 $0x2B000, s0;
	p0 =	sne.s32 s4, $0xF;
	s11 =	smul.u32 $0x50000, s3  }
0xa: {  	s7 =	ssub.s32 $0x2, s3;
	s19 =	smul.u32 $0x271000, s3;
	s3 =	sshllo.u32 s3, $0x1  }
0xb: {  	s4 =	simm.s32 $0x1C480;
	_ =	strace $0x8000004D;
	s21 =	smul.u32 $0x28000, s3  }
0xc: {  	s8 =	sshrl.u32 s7, $0x1;
	s6 =	sshrl.u32 s6, $0x2;
	s3 =	smul.u32 $0x138800, s3  }
0xd: {  	s16 =	ssub.s32 s7, s8;
	s6 =	sadd.s32 s6, s2;
	s12 =	sadd.s32 s17, s11  }
0xe: {  	s7 =	sadd.s32 s20, s19;
	s26 =	sadd.s32 $0x2000, s6;
	s23 =	sadd.s32 $0x4000, s6  }
0xf: {  	s9 =	sadd.s32 $0x6000, s6;
	s10 =	sadd.s32 $0x8000, s6;
	s11 =	sadd.s32 $0xA000, s6  }
0x10: {  	s18 =	sshrl.u32 s12, $0x3;
	s12 =	sadd.s32 $0xC000, s6;
	s17 =	sadd.s32 s17, s21  }
0x11: {  	s8 =	sshrl.u32 s7, $0x3;
	[dreg:$0x4] =	wrdreg s23;
	s24 =	sadd.s32 s14, s18  }
0x12: {  	s25 =	sadd.s32 s15, s18;
	s17 =	sshrl.u32 s17, $0x3;
	[dreg:$0x5] =	wrdreg s24  }
0x13: {  	s7 =	sadd.s32 s20, s3;
	[dreg:$0x6] =	wrdreg s25;
	s23 =	sadd.s32 s14, s17  }
0x14: {  	s20 =	sshrl.u32 s19, $0x3;
	s24 =	sadd.s32 s15, s17;
	[dreg:$0x7] =	wrdreg s23  }
0x15: {  	s25 =	sadd.s32 s0, s8;
	s14 =	sshrl.u32 s7, $0x3;
	[dreg:$0x8] =	wrdreg s24  }
0x16: {  	s8 =	sshrl.u32 s22, $0x2;
	[dreg:$0x9] =	wrdreg s25;
	s21 =	sadd.s32 s0, s14  }
0x17: {  	s17 =	sadd.s32 s0, s20;
	s22 =	sadd.s32 s8, s2;
	[dreg:$0xa] =	wrdreg s21  }
0x18: {  	s13 =	sadd.s32 $0xE000, s6;
	s23 =	sadd.s32 $0x27000, s17;
	[dreg:$0xb] =	wrdreg s22  }
0x19: {  	s3 =	sshrl.u32 s3, $0x3;
	s24 =	smax.u32 s16, $0x1;
	[dreg:$0xc] =	wrdreg s23  }
0x1a: {  	s0 =	sadd.s32 s0, s3;
	s25 =	sadd.s32 $0x138000, s2;
	[dreg:$0xe] =	wrdreg s24  }
0x1b: {  	s18 =	sadd.s32 $0x10000, s6;
	s0 =	sadd.s32 $0x27000, s0;
	[dreg:$0xf] =	wrdreg s25  }
0x1c: {  	s14 =	simm.s32 $0x0;
	s21 =	sadd.s32 $0x12000, s6;
	[dreg:$0xd] =	wrdreg s0  }
.LBB2_1:
0x1d: {  	s0 =	simm.s32 $0x0  }
0x1e: {  	[tilespmem:s28], [sflag:$0x4] =	stream.linear.gather [hbm4b:s5+s0], $0x2000, $0x38;
	[tilespmem:$0x1EC00] =	vst v63  }
0x1f: {  	_ =	swait.ge [sflag:s29], $0x2000  }
0x20: {  	[sflag:s29] =	ssyncset.done $0x0  }
0x21: {  	[sflag:s29] =	ssyncadd.s32 $0xFFFFE000  }
0x22: {  	[spmem:s6] =	stream.linear.scatter [tilespmem:s28], [sflag:$0x4], $0x2000, $0x38;
	[tilespmem:$0x1EC00] =	vst v63  }
0x23: {  	_ =	swait.ge [sflag:s29], $0x2000  }
0x24: {  	[sflag:s29] =	ssyncset.done $0x0  }
0x25: {  	[sflag:s29] =	ssyncadd.s32 $0xFFFFE000  }
0x26: {  	[spmem:s26] =	stream.linear.scatter [tilespmem:s28], [sflag:$0x4], $0x2000, $0x38;
	[tilespmem:$0x1EC00] =	vst v63  }
0x27: {  	_ =	swait.ge [sflag:s29], $0x2000  }
0x28: {  	[sflag:s29] =	ssyncset.done $0x0  }
0x29: {  	s3 =	rddreg [dreg:$0x4];
	[sflag:s29] =	ssyncadd.s32 $0xFFFFE000  }
0x2a: {  	[spmem:s3] =	stream.linear.scatter [tilespmem:s28], [sflag:$0x4], $0x2000, $0x38;
	[tilespmem:$0x1EC00] =	vst v63  }
0x2b: {  	_ =	swait.ge [sflag:s29], $0x2000  }
0x2c: {  	[sflag:s29] =	ssyncset.done $0x0  }
0x2d: {  	[sflag:s29] =	ssyncadd.s32 $0xFFFFE000  }
0x2e: {  	[spmem:s9] =	stream.linear.scatter [tilespmem:s28], [sflag:$0x4], $0x2000, $0x38;
	[tilespmem:$0x1EC00] =	vst v63  }
0x2f: {  	_ =	swait.ge [sflag:s29], $0x2000  }
0x30: {  	[sflag:s29] =	ssyncset.done $0x0  }
0x31: {  	[sflag:s29] =	ssyncadd.s32 $0xFFFFE000  }
0x32: {  	[spmem:s10] =	stream.linear.scatter [tilespmem:s28], [sflag:$0x4], $0x2000, $0x38;
	[tilespmem:$0x1EC00] =	vst v63  }
0x33: {  	_ =	swait.ge [sflag:s29], $0x2000  }
0x34: {  	[sflag:s29] =	ssyncset.done $0x0  }
0x35: {  	[sflag:s29] =	ssyncadd.s32 $0xFFFFE000  }
0x36: {  	[spmem:s11] =	stream.linear.scatter [tilespmem:s28], [sflag:$0x4], $0x2000, $0x38;
	[tilespmem:$0x1EC00] =	vst v63  }
0x37: {  	_ =	swait.ge [sflag:s29], $0x2000  }
0x38: {  	[sflag:s29] =	ssyncset.done $0x0  }
0x39: {  	[sflag:s29] =	ssyncadd.s32 $0xFFFFE000  }
0x3a: {  	[spmem:s12] =	stream.linear.scatter [tilespmem:s28], [sflag:$0x4], $0x2000, $0x38;
	[tilespmem:$0x1EC00] =	vst v63  }
0x3b: {  	_ =	swait.ge [sflag:s29], $0x2000  }
0x3c: {  	[sflag:s29] =	ssyncset.done $0x0  }
0x3d: {  	[sflag:s29] =	ssyncadd.s32 $0xFFFFE000  }
0x3e: {  	[spmem:s13] =	stream.linear.scatter [tilespmem:s28], [sflag:$0x4], $0x2000, $0x38;
	[tilespmem:$0x1EC00] =	vst v63  }
0x3f: {  	_ =	swait.ge [sflag:s29], $0x2000  }
0x40: {  	[sflag:s29] =	ssyncset.done $0x0  }
0x41: {  	[sflag:s29] =	ssyncadd.s32 $0xFFFFE000  }
0x42: {  	[spmem:s18] =	stream.linear.scatter [tilespmem:s28], [sflag:$0x4], $0x2000, $0x38;
	[tilespmem:$0x1EC00] =	vst v63  }
0x43: {  	_ =	swait.ge [sflag:s29], $0x2000  }
0x44: {  	[sflag:s29] =	ssyncset.done $0x0  }
0x45: {  	[sflag:s29] =	ssyncadd.s32 $0xFFFFE000  }
0x46: {  	[spmem:s21] =	stream.linear.scatter [tilespmem:s28], [sflag:$0x4], $0x1C00, $0x38;
	[tilespmem:$0x1EC00] =	vst v63  }
0x47: {  	_ =	swait.ge [sflag:s29], $0x1C00  }
0x48: {  	[sflag:s29] =	ssyncset.done $0x0  }
0x49: {  	s20 =	rddreg [dreg:$0x5];
	[sflag:s29] =	ssyncadd.s32 $0xFFFFE400  }
0x4a: {  	[tilespmem:s30], [sflag:$0x4] =	stream.linear.gather [hbm4b:s20+s0], $0x2800, $0x38;
	[tilespmem:$0x1EC00] =	vst v63  }
0x4b: {  	_ =	swait.ge [sflag:s29], $0x2800  }
0x4c: {  	[sflag:s29] =	ssyncset.done $0x0  }
0x4d: {  	s22 =	rddreg [dreg:$0x6];
	[sflag:s29] =	ssyncadd.s32 $0xFFFFD800  }
0x4e: {  	[tilespmem:s0], [sflag:$0x4] =	stream.linear.gather [hbm4b:s22+s0], $0x2800, $0x38;
	[tilespmem:$0x1EC00] =	vst v63  }
0x4f: {  	p1 =	por $0x0, $0x0;
	s0 =	simm.s32 $0x2  }
0x50: {  	s24 =	simm.s32 $0x0;
	_ =	swait.ge [sflag:s29], $0x2800;
	s0 =	smul.u32 @!p1 $0xAB, s0  }
0x51: {  	s3 =	smul.u32 $0xAB, s24;
	[sflag:s29] =	ssyncset.done $0x0  }
0x52: {  	[sflag:s29] =	ssyncadd.s32 $0xFFFFD800;
	s0 =	sshrl.u32 @!p1 s0, $0x9  }
0x53: {  	s3 =	sshrl.u32 s3, $0x9;
	[bflag:$0x0] =	sbarrier.arrive $0xFFFF;
	s0 =	sand.u32 @!p1 $0x7F, s0  }
0x54: {  	[tilespmem:s28], [sflag:$0x1] =	stream.indirect.gather [hbm4b:s1+s31], $0x80, s30, s31, $0xb8;
	[tilespmem:$0x1EC00] =	vst v63  }
0x55: {  	s23 =	simm.s32 $0x4800;
	s3 =	sand.u32 $0x7F, s3;
	s0 =	smul.u32 @!p1 $0x3, s0  }
0x56: {  	[tilespmem:s23], [sflag:$0x2] =	stream.indirect.gather [hbm4b:s1+s31], $0x80, s4, s31, $0xb8;
	[tilespmem:$0x1EC00] =	vst v63  }
0x57: {  	s3 =	smul.u32 $0x3, s3;
	s0 =	ssub.s32 @!p1 $0x2, s0  }
0x58: {  	s15 =	simm.s32 $0x1C500;
	s0 =	sand.u32 @!p1 $0xFF, s0  }
0x59: {  	s16 =	simm.s32 @!p1 $0x40;
	s3 =	ssub.s32 $0x0, s3;
	s17 =	sshll.u32 @!p1 s0, $0xD  }
0x5a: {  	s3 =	sand.u32 $0xFF, s3;
	s0 =	sadd.s32 @!p1 $0x1, s0;
	s17 =	sadd.s32 @!p1 $0x2800, s17  }
0x5b: {  	[tilespmem:s17], [sflag:s0] =	stream.indirect.gather @!p1 [hbm4b:s1+s16], $0x80, s15, s16, $0xb8;
	[tilespmem:$0x1EC00] =	vst v63  }
0x5c: {  	s25 =	sadd.s32 $0x1, s3;
	s22 =	simm.s32 $0x3;
	p1 =	por $0x0, $0x0  }
0x5d: {  	s17 =	simm.s32 $0x1;
	_ =	swait.ge [sflag:s25], $0x2000;
	s15 =	smul.u32 @!p1 $0xAB, s22  }
0x5e: {  	s19 =	simm.s32 $0x4;
	s20 =	smul.u32 $0xAB, s17;
	[sflag:s25] =	ssyncset.done $0x0  }
0x5f: {  	s3 =	sshll.u32 s3, $0xD;
	s16 =	simm.s32 $0x1C580;
	[sflag:s25] =	ssyncadd.s32 $0xFFFFE000  }
0x60: {  	s23 =	sshrl.u32 @!p1 s15, $0x9;
	s15 =	simm.s32 $0x80;
	s0 =	sshrl.u32 s20, $0x9  }
0x61: {  	s20 =	simm.s32 $0x0;
	s24 =	sand.u32 @!p1 $0x7F, s23;
	s23 =	sadd.s32 $0x2800, s3  }
.LBB2_2:
0x62: {  	s0 =	sand.u32 $0x7F, s0;
	s3 =	smul.u32 @!p1 $0x3, s24;
	s24 =	smov.u32 s19  }
0x63: {  	s19 =	sadd.s32 $0x1, s19;
	s25 =	smov.u32 s20;
	s20 =	smov.u32 s15  }
0x64: {  	[spmem:s2] =	stream.indirect.scatter.add.f32 [tilespmem:s23], [sflag:$0x4], $0x80, s25, s31, $0xb8;
	[tilespmem:$0x1EC00] =	vst v63  }
0x65: {  	s0 =	smul.u32 $0x3, s0  }
0x66: {  	p2 =	sne.s32 s19, $0x52;
	s3 =	ssub.s32 @!p1 s22, s3;
	_ =	swait.ge [sflag:s29], $0x2000  }
0x67: {  	s22 =	simm.s32 @!p1 $0x40;
	s3 =	sand.u32 @!p1 $0xFF, s3;
	[sflag:s29] =	ssyncset.done $0x0  }
0x68: {  	s0 =	ssub.s32 s17, s0;
	s17 =	sshll.u32 @!p1 s3, $0xD;
	s3 =	sadd.s32 @!p1 $0x1, s3  }
0x69: {  	s0 =	sand.u32 $0xFF, s0;
	s17 =	sadd.s32 @!p1 $0x2800, s17;
	[sflag:s29] =	ssyncadd.s32 $0xFFFFE000  }
0x6a: {  	[tilespmem:s17], [sflag:s3] =	stream.indirect.gather @!p1 [hbm4b:s1+s22], $0x80, s16, s22, $0xb8;
	[tilespmem:$0x1EC00] =	vst v63  }
0x6b: {  	s17 =	sadd.s32 $0xFFFFFFFE, s24;
	s3 =	sshll.u32 s0, $0xD;
	s0 =	sadd.s32 $0x1, s0  }
.Ltmp0:
0x6c: {  	p1 =	sgt.u32 s17, $0x4D;
	_ =	swait.ge [sflag:s0], $0x2000;
	(pc) =	sbr.rel @p2 .LBB2_2-.Ltmp0, $4  }
0x6d: {  	s23 =	smul.u32 @!p1 $0xAB, s24;
	[sflag:s0] =	ssyncset.done $0x0  }
0x6e: {  	s22 =	smov.u32 s24;
	s25 =	smul.u32 $0xAB, s17;
	[sflag:s0] =	ssyncadd.s32 $0xFFFFE000  }
0x6f: {  	s15 =	sadd.s32 $0x80, s15;
	s16 =	sadd.s32 $0x80, s16;
	s23 =	sshrl.u32 @!p1 s23, $0x9  }
0x70: {  	s0 =	sshrl.u32 s25, $0x9;
	s24 =	sand.u32 @!p1 $0x7F, s23;
	s23 =	sadd.s32 $0x2800, s3  }
0x71: {  	s0 =	sand.u32 $0x7F, s0;
	s3 =	smul.u32 @!p1 $0x3, s24  }
0x72: {  	[spmem:s2] =	stream.indirect.scatter.add.f32 [tilespmem:s23], [sflag:$0x4], $0x80, s20, s31, $0xb8;
	[tilespmem:$0x1EC00] =	vst v63  }
0x73: {  	s0 =	smul.u32 $0x3, s0;
	_ =	swait.ge [sflag:s29], $0x2000;
	s3 =	ssub.s32 @!p1 s22, s3  }
0x74: {  	s19 =	simm.s32 @!p1 $0x40;
	[sflag:s29] =	ssyncset.done $0x0;
	s3 =	sand.u32 @!p1 $0xFF, s3  }
0x75: {  	s0 =	ssub.s32 s17, s0;
	[sflag:s29] =	ssyncadd.s32 $0xFFFFE000;
	s17 =	sshll.u32 @!p1 s3, $0xD  }
0x76: {  	s3 =	sadd.s32 @!p1 $0x1, s3;
	s0 =	sand.u32 $0xFF, s0;
	s17 =	sadd.s32 @!p1 $0x2800, s17  }
0x77: {  	[tilespmem:s17], [sflag:s3] =	stream.indirect.gather @!p1 [hbm4b:s1+s19], $0x80, s16, s19, $0xb8;
	[tilespmem:$0x1EC00] =	vst v63  }
0x78: {  	s16 =	sadd.s32 $0x1, s0  }
0x79: {  	_ =	swait.ge [sflag:s16], $0x2000  }
0x7a: {  	s0 =	sshll.u32 s0, $0xD;
	[sflag:s16] =	ssyncset.done $0x0  }
0x7b: {  	s0 =	sadd.s32 $0x2800, s0;
	[sflag:s16] =	ssyncadd.s32 $0xFFFFE000  }
0x7c: {  	[spmem:s2] =	stream.indirect.scatter.add.f32 [tilespmem:s0], [sflag:$0x4], $0x80, s15, s31, $0xb8;
	[tilespmem:$0x1EC00] =	vst v63  }
0x7d: {  	_ =	swait.ge [sflag:s29], $0x2000  }
0x7e: {  	[sflag:s29] =	ssyncset.done $0x0  }
0x7f: {  	[sflag:s29] =	ssyncadd.s32 $0xFFFFE000  }
0x80: {  	s17 =	stileid.u32;
	[bflag:$0x0] =	sbarrier.arrive $0xFFFF  }
0x81: {  	s0 =	sshll.u32 s17, $0x6;
	s19 =	rddreg [dreg:$0xb]  }
0x82: {  	s15 =	sor.u32 $0x1C04, s0;
	s20 =	rddreg [dreg:$0x9];
	s16 =	sshrl.u32 s19, $0x3  }
0x83: {  	[hbm:s20], [sflag:s15] =	dma.local [spmem:s16], $0x2700  }
0x84: {  	_ =	swait.ge [sflag:s29], $0x2700  }
0x85: {  	[sflag:s29] =	ssyncset.done $0x0;
	s0 =	rddreg [dreg:$0xf]  }
0x86: {  	[sflag:s29] =	ssyncadd.s32 $0xFFFFD900;
	s17 =	sshrl.u32 @!p0 s0, $0x3;
	s0 =	rddreg [dreg:$0xc]  }
0x87: {  	[hbm:s0], [sflag:s15] =	dma.local @!p0 [spmem:s17], $0x100  }
0x88: {  	s0 =	simm.s32 @!p0 $0x4  }
0x89: {  	_ =	swait.ge @!p0 [sflag:s0], $0x100  }
0x8a: {  	[sflag:s0] =	ssyncset.done @!p0 $0x0  }
0x8b: {  	[sflag:s0] =	ssyncadd.s32 @!p0 $0xFFFFFF00  }
0x8c: {  	s19 =	simm.s32 $0x0;
	[bflag:$0x0] =	sbarrier.arrive $0xFFFF  }
0x8d: {  	[tilespmem:s28], [sflag:$0x4] =	stream.linear.gather [hbm4b:s5+s19], $0x2000, $0x38;
	[tilespmem:$0x1EC00] =	vst v63  }
0x8e: {  	_ =	swait.ge [sflag:s29], $0x2000  }
0x8f: {  	[sflag:s29] =	ssyncset.done $0x0  }
0x90: {  	[sflag:s29] =	ssyncadd.s32 $0xFFFFE000  }
0x91: {  	[spmem:s6] =	stream.linear.scatter [tilespmem:s28], [sflag:$0x4], $0x2000, $0x38;
	[tilespmem:$0x1EC00] =	vst v63  }
0x92: {  	_ =	swait.ge [sflag:s29], $0x2000  }
0x93: {  	[sflag:s29] =	ssyncset.done $0x0  }
0x94: {  	[sflag:s29] =	ssyncadd.s32 $0xFFFFE000  }
0x95: {  	[spmem:s26] =	stream.linear.scatter [tilespmem:s28], [sflag:$0x4], $0x2000, $0x38;
	[tilespmem:$0x1EC00] =	vst v63  }
0x96: {  	_ =	swait.ge [sflag:s29], $0x2000  }
0x97: {  	[sflag:s29] =	ssyncset.done $0x0  }
0x98: {  	s22 =	rddreg [dreg:$0x4];
	[sflag:s29] =	ssyncadd.s32 $0xFFFFE000  }
0x99: {  	[spmem:s22] =	stream.linear.scatter [tilespmem:s28], [sflag:$0x4], $0x2000, $0x38;
	[tilespmem:$0x1EC00] =	vst v63  }
0x9a: {  	_ =	swait.ge [sflag:s29], $0x2000  }
0x9b: {  	[sflag:s29] =	ssyncset.done $0x0  }
0x9c: {  	[sflag:s29] =	ssyncadd.s32 $0xFFFFE000  }
0x9d: {  	[spmem:s9] =	stream.linear.scatter [tilespmem:s28], [sflag:$0x4], $0x2000, $0x38;
	[tilespmem:$0x1EC00] =	vst v63  }
0x9e: {  	_ =	swait.ge [sflag:s29], $0x2000  }
0x9f: {  	[sflag:s29] =	ssyncset.done $0x0  }
0xa0: {  	[sflag:s29] =	ssyncadd.s32 $0xFFFFE000  }
0xa1: {  	[spmem:s10] =	stream.linear.scatter [tilespmem:s28], [sflag:$0x4], $0x2000, $0x38;
	[tilespmem:$0x1EC00] =	vst v63  }
0xa2: {  	_ =	swait.ge [sflag:s29], $0x2000  }
0xa3: {  	[sflag:s29] =	ssyncset.done $0x0  }
0xa4: {  	[sflag:s29] =	ssyncadd.s32 $0xFFFFE000  }
0xa5: {  	[spmem:s11] =	stream.linear.scatter [tilespmem:s28], [sflag:$0x4], $0x2000, $0x38;
	[tilespmem:$0x1EC00] =	vst v63  }
0xa6: {  	_ =	swait.ge [sflag:s29], $0x2000  }
0xa7: {  	[sflag:s29] =	ssyncset.done $0x0  }
0xa8: {  	[sflag:s29] =	ssyncadd.s32 $0xFFFFE000  }
0xa9: {  	[spmem:s12] =	stream.linear.scatter [tilespmem:s28], [sflag:$0x4], $0x2000, $0x38;
	[tilespmem:$0x1EC00] =	vst v63  }
0xaa: {  	_ =	swait.ge [sflag:s29], $0x2000  }
0xab: {  	[sflag:s29] =	ssyncset.done $0x0  }
0xac: {  	[sflag:s29] =	ssyncadd.s32 $0xFFFFE000  }
0xad: {  	[spmem:s13] =	stream.linear.scatter [tilespmem:s28], [sflag:$0x4], $0x2000, $0x38;
	[tilespmem:$0x1EC00] =	vst v63  }
0xae: {  	_ =	swait.ge [sflag:s29], $0x2000  }
0xaf: {  	[sflag:s29] =	ssyncset.done $0x0  }
0xb0: {  	[sflag:s29] =	ssyncadd.s32 $0xFFFFE000  }
0xb1: {  	[spmem:s18] =	stream.linear.scatter [tilespmem:s28], [sflag:$0x4], $0x2000, $0x38;
	[tilespmem:$0x1EC00] =	vst v63  }
0xb2: {  	_ =	swait.ge [sflag:s29], $0x2000  }
0xb3: {  	p1 =	por $0x0, $0x0;
	s0 =	simm.s32 $0x2;
	[sflag:s29] =	ssyncset.done $0x0  }
0xb4: {  	s0 =	smul.u32 @!p1 $0xAB, s0;
	[sflag:s29] =	ssyncadd.s32 $0xFFFFE000  }
0xb5: {  	[spmem:s21] =	stream.linear.scatter [tilespmem:s28], [sflag:$0x4], $0x1C00, $0x38;
	[tilespmem:$0x1EC00] =	vst v63  }
0xb6: {  	_ =	swait.ge [sflag:s29], $0x1C00  }
0xb7: {  	s8 =	smov.u32 s26;
	s0 =	sshrl.u32 @!p1 s0, $0x9;
	[sflag:s29] =	ssyncset.done $0x0  }
0xb8: {  	s26 =	simm.s32 $0x0;
	s23 =	rddreg [dreg:$0x7];
	[sflag:s29] =	ssyncadd.s32 $0xFFFFE400  }
0xb9: {  	[tilespmem:s30], [sflag:$0x4] =	stream.linear.gather [hbm4b:s23+s19], $0x2800, $0x38;
	[tilespmem:$0x1EC00] =	vst v63  }
0xba: {  	s0 =	sand.u32 @!p1 $0x7F, s0;
	s3 =	smul.u32 $0xAB, s26;
	_ =	swait.ge [sflag:s29], $0x2800  }
0xbb: {  	s7 =	smov.u32 s5;
	s0 =	smul.u32 @!p1 $0x3, s0;
	[sflag:s29] =	ssyncset.done $0x0  }
0xbc: {  	s3 =	sshrl.u32 s3, $0x9;
	s24 =	rddreg [dreg:$0x8];
	[sflag:s29] =	ssyncadd.s32 $0xFFFFD800  }
0xbd: {  	[tilespmem:s19], [sflag:$0x4] =	stream.linear.gather [hbm4b:s24+s19], $0x2800, $0x38;
	[tilespmem:$0x1EC00] =	vst v63  }
0xbe: {  	s25 =	simm.s32 $0x4800;
	s3 =	sand.u32 $0x7F, s3;
	_ =	swait.ge [sflag:s29], $0x2800  }
0xbf: {  	s0 =	ssub.s32 @!p1 $0x2, s0;
	s3 =	smul.u32 $0x3, s3;
	[sflag:s29] =	ssyncset.done $0x0  }
0xc0: {  	s20 =	simm.s32 $0x1C500;
	s0 =	sand.u32 @!p1 $0xFF, s0;
	[sflag:s29] =	ssyncadd.s32 $0xFFFFD800  }
0xc1: {  	s22 =	simm.s32 @!p1 $0x40;
	s3 =	ssub.s32 $0x0, s3;
	[bflag:$0x0] =	sbarrier.arrive $0xFFFF  }
0xc2: {  	[tilespmem:s28], [sflag:$0x1] =	stream.indirect.gather [hbm4b:s1+s31], $0x80, s30, s31, $0xb8;
	[tilespmem:$0x1EC00] =	vst v63  }
0xc3: {  	s3 =	sand.u32 $0xFF, s3;
	s23 =	sshll.u32 @!p1 s0, $0xD;
	s24 =	simm.s32 $0x1  }
0xc4: {  	[tilespmem:s25], [sflag:$0x2] =	stream.indirect.gather [hbm4b:s1+s31], $0x80, s4, s31, $0xb8;
	[tilespmem:$0x1EC00] =	vst v63  }
0xc5: {  	s0 =	sadd.s32 @!p1 $0x1, s0;
	s23 =	sadd.s32 @!p1 $0x2800, s23;
	s26 =	smul.u32 $0xAB, s24  }
0xc6: {  	[tilespmem:s23], [sflag:s0] =	stream.indirect.gather @!p1 [hbm4b:s1+s22], $0x80, s20, s22, $0xb8;
	[tilespmem:$0x1EC00] =	vst v63  }
0xc7: {  	s25 =	simm.s32 $0x3;
	s4 =	sadd.s32 $0x1, s3;
	p1 =	por $0x0, $0x0  }
0xc8: {  	s5 =	sshll.u32 s3, $0xD;
	_ =	swait.ge [sflag:s4], $0x2000;
	s20 =	smul.u32 @!p1 $0xAB, s25  }
0xc9: {  	s3 =	sshrl.u32 s26, $0x9;
	s23 =	simm.s32 $0x4;
	[sflag:s4] =	ssyncset.done $0x0  }
0xca: {  	s22 =	simm.s32 $0x1C580;
	[sflag:s4] =	ssyncadd.s32 $0xFFFFE000;
	s0 =	sshrl.u32 @!p1 s20, $0x9  }
0xcb: {  	s20 =	simm.s32 $0x80;
	s26 =	sand.u32 @!p1 $0x7F, s0;
	s0 =	sadd.s32 $0x2800, s5  }
.LBB2_4:
0xcc: {  	s3 =	sand.u32 $0x7F, s3;
	s4 =	smul.u32 @!p1 $0x3, s26;
	s26 =	smov.u32 s23  }
0xcd: {  	s23 =	sadd.s32 $0x1, s23;
	s5 =	smov.u32 s19;
	s19 =	smov.u32 s20  }
0xce: {  	[spmem:s2] =	stream.indirect.scatter.add.f32 [tilespmem:s0], [sflag:$0x4], $0x80, s5, s31, $0xb8;
	[tilespmem:$0x1EC00] =	vst v63  }
0xcf: {  	s0 =	smul.u32 $0x3, s3  }
0xd0: {  	p2 =	sne.s32 s23, $0x52;
	s3 =	ssub.s32 @!p1 s25, s4;
	_ =	swait.ge [sflag:s29], $0x2000  }
0xd1: {  	s4 =	simm.s32 @!p1 $0x40;
	s3 =	sand.u32 @!p1 $0xFF, s3;
	[sflag:s29] =	ssyncset.done $0x0  }
0xd2: {  	s0 =	ssub.s32 s24, s0;
	s5 =	sshll.u32 @!p1 s3, $0xD;
	s3 =	sadd.s32 @!p1 $0x1, s3  }
0xd3: {  	s0 =	sand.u32 $0xFF, s0;
	s5 =	sadd.s32 @!p1 $0x2800, s5;
	[sflag:s29] =	ssyncadd.s32 $0xFFFFE000  }
0xd4: {  	[tilespmem:s5], [sflag:s3] =	stream.indirect.gather @!p1 [hbm4b:s1+s4], $0x80, s22, s4, $0xb8;
	[tilespmem:$0x1EC00] =	vst v63  }
0xd5: {  	s24 =	sadd.s32 $0xFFFFFFFE, s26;
	s4 =	sshll.u32 s0, $0xD;
	s0 =	sadd.s32 $0x1, s0  }
.Ltmp1:
0xd6: {  	p1 =	sgt.u32 s24, $0x4D;
	_ =	swait.ge [sflag:s0], $0x2000;
	(pc) =	sbr.rel @p2 .LBB2_4-.Ltmp1, $4  }
0xd7: {  	s3 =	smul.u32 @!p1 $0xAB, s26;
	[sflag:s0] =	ssyncset.done $0x0  }
0xd8: {  	s25 =	smov.u32 s26;
	s5 =	smul.u32 $0xAB, s24;
	[sflag:s0] =	ssyncadd.s32 $0xFFFFE000  }
0xd9: {  	s20 =	sadd.s32 $0x80, s20;
	s22 =	sadd.s32 $0x80, s22;
	s0 =	sshrl.u32 @!p1 s3, $0x9  }
0xda: {  	s3 =	sshrl.u32 s5, $0x9;
	s26 =	sand.u32 @!p1 $0x7F, s0;
	s0 =	sadd.s32 $0x2800, s4  }
0xdb: {  	s3 =	sand.u32 $0x7F, s3;
	s4 =	smul.u32 @!p1 $0x3, s26  }
0xdc: {  	[spmem:s2] =	stream.indirect.scatter.add.f32 [tilespmem:s0], [sflag:$0x4], $0x80, s19, s31, $0xb8;
	[tilespmem:$0x1EC00] =	vst v63  }
0xdd: {  	s23 =	smul.u32 $0x3, s3  }
0xde: {  	_ =	swait.ge [sflag:s29], $0x2000;
	s3 =	ssub.s32 @!p1 s25, s4;
	s4 =	simm.s32 @!p1 $0x40  }
0xdf: {  	[sflag:s29] =	ssyncset.done $0x0;
	s3 =	sand.u32 @!p1 $0xFF, s3;
	s0 =	ssub.s32 s24, s23  }
0xe0: {  	[sflag:s29] =	ssyncadd.s32 $0xFFFFE000;
	s5 =	sshll.u32 @!p1 s3, $0xD;
	s0 =	sand.u32 $0xFF, s0  }
0xe1: {  	s3 =	sadd.s32 @!p1 $0x1, s3;
	s5 =	sadd.s32 @!p1 $0x2800, s5;
	s24 =	sadd.s32 $0x1, s0  }
0xe2: {  	[tilespmem:s5], [sflag:s3] =	stream.indirect.gather @!p1 [hbm4b:s1+s4], $0x80, s22, s4, $0xb8;
	[tilespmem:$0x1EC00] =	vst v63  }
0xe3: {  	_ =	swait.ge [sflag:s24], $0x2000  }
0xe4: {  	s0 =	sshll.u32 s0, $0xD;
	[sflag:s24] =	ssyncset.done $0x0  }
0xe5: {  	s0 =	sadd.s32 $0x2800, s0;
	[sflag:s24] =	ssyncadd.s32 $0xFFFFE000  }
0xe6: {  	[spmem:s2] =	stream.indirect.scatter.add.f32 [tilespmem:s0], [sflag:$0x4], $0x80, s20, s31, $0xb8;
	[tilespmem:$0x1EC00] =	vst v63  }
0xe7: {  	_ =	swait.ge [sflag:s29], $0x2000  }
0xe8: {  	[sflag:s29] =	ssyncset.done $0x0  }
0xe9: {  	[sflag:s29] =	ssyncadd.s32 $0xFFFFE000  }
0xea: {  	[bflag:$0x0] =	sbarrier.arrive $0xFFFF  }
0xeb: {  	s25 =	rddreg [dreg:$0xa]  }
0xec: {  	[hbm:s25], [sflag:s15] =	dma.local [spmem:s16], $0x2700  }
0xed: {  	_ =	swait.ge [sflag:s29], $0x2700  }
0xee: {  	[sflag:s29] =	ssyncset.done $0x0  }
0xef: {  	s0 =	rddreg [dreg:$0xd];
	[sflag:s29] =	ssyncadd.s32 $0xFFFFD900  }
0xf0: {  	[hbm:s0], [sflag:s15] =	dma.local @!p0 [spmem:s17], $0x100  }
0xf1: {  	s0 =	simm.s32 @!p0 $0x4  }
0xf2: {  	_ =	swait.ge @!p0 [sflag:s0], $0x100  }
0xf3: {  	s14 =	sadd.s32 $0x1, s14;
	s26 =	rddreg [dreg:$0xe]  }
0xf4: {  	p1 =	sne.s32 s14, s26  }
.Ltmp2:
0xf5: {  	_ = 	snop;
	(pc) =	sbr.rel @p1 .LBB2_1-.Ltmp2, $4  }
0xf6: {  	[sflag:s0] =	ssyncset.done @!p0 $0x0  }
0xf7: {  	[sflag:s0] =	ssyncadd.s32 @!p0 $0xFFFFFF00  }
0xf8: {  	[bflag:$0x0] =	sbarrier.arrive $0xFFFF  }
0xf9: {  	s5 =	smov.u32 s7;
	s4 =	simm.s32 $0x1C480;
	s26 =	smov.u32 s8  }
0xfa: {  	_ =	sfence.sel $0x180000  }
0xfb: {  	[bflag:$0x0] =	sbarrier.arrive $0xFFFF  }
0xfc: {  	_ =	strace $0x9000004D  }
0xfd: {  	s0 =	stileid.u32;
	[bflag:$0x2] =	sbarrier.arrive $0xFFFF  }
0xfe: {  	p0 =	sne.s32 s0, $0x0;
	s0 =	rddreg [dreg:$0x3]  }
0xff: {  	s0 =	sadd.s32 @!p0 $0x100000, s0  }
0x100: {  	[sflag:s0] =	ssyncadd.tile.s32 @!p0 $0x1;
	_ =	shalt  }
.Lfunc_end2:
_tile_overlayer_lowered:
.L_overlay_start_2:
0x101: {  	(tag) =	ssettag $0x2  }
0x102: {  	s0 =	rddreg [dreg:$0x0];
	s2 =	stileid.u32  }
0x103: {  	s1 =	rddreg [dreg:$0x1];
	p0 =	sne.s32 s2, $0x0  }
0x104: {  	s3 =	rddreg [dreg:$0x2];
	[bflag:$0x3] =	sbarrier.arrive $0xFFFF;
	s2 =	simm.s32 @!p0 $0x1C04  }
0x105: {  	[timem:s3], [sflag:s2] =	dma.local @!p0 [hbm:s0], s1  }
0x106: {  	s0 =	simm.s32 @!p0 $0x4  }
0x107: {  	_ =	swait.ge @!p0 [sflag:s0], s1  }
0x108: {  	s1 =	ssub.s32 @!p0 $0x0, s1;
	[sflag:s0] =	ssyncset.done @!p0 $0x0  }
0x109: {  	[sflag:s0] =	ssyncadd.s32 @!p0 s1  }
0x10a: {  	[bflag:$0x3] =	sbarrier.arrive $0xFFFF  }
0x10b: {  	_ =	shalt  }

// kernel: kernel.7.cloned.1.call-start
scs
__scs_entry_jumppad:
0x0: {  	(pc) =	sbr.rel $0x88, $3  }
0x1: {  	(tag) =	ssettag $0x0;
	lr =	simm.s32 $0x1  }
0x2: {  	[smem:$0x3F97] =	sst lr;
	_ =	strace $0xD0000000  }
0x3: {  	_ = 	snop  }
0x4: {  	_ = 	snop  }
0x5: {  	_ = 	snop  }
0x6: {  	_ = 	snop  }
0x7: {  	_ = 	snop  }
__scs_overlays_trampoline_lowered:
0x8: {  	[smem:$0x3FA6] =	sst s0  }
0x9: {  	[smem:$0x3FA7] =	sst s1  }
0xa: {  	[smem:$0x3FA8] =	sst s2  }
0xb: {  	[smem:$0x3FA9] =	sst s3  }
0xc: {  	[smem:$0x3FAA] =	sst s4  }
0xd: {  	[smem:$0x3FAB] =	sst s5  }
0xe: {  	[smem:$0x3FAC] =	sst s6  }
0xf: {  	[smem:$0x3FAD] =	sst s7  }
0x10: {  	[smem:$0x3FAE] =	sst s8  }
0x11: {  	[smem:$0x3FAF] =	sst s9;
	s0 =	simm.s32 @!p0 $0x0  }
0x12: {  	s1 =	sld [smem:$0x3F95];
	s0 =	simm.s32 @p0 $0x1  }
0x13: {  	[smem:$0x3FB0] =	sst s0;
	s0 =	simm.s32 @!p1 $0x0  }
0x14: {  	s2 =	sld [smem:$0x3F94];
	s0 =	simm.s32 @p1 $0x1  }
0x15: {  	[smem:$0x3FB1] =	sst s0;
	s0 =	simm.s32 @!p2 $0x0  }
0x16: {  	s3 =	sld [smem:$0x3FDB];
	s0 =	simm.s32 @p2 $0x1  }
0x17: {  	s4 =	simm.s32 $0x1BF5;
	[smem:$0x3FB3] =	sst s0  }
0x18: {  	s0 =	sld [smem:$0x3F96];
	_ =	swait.ge [sflag:s4], $0x0  }
0x19: {  	s7 =	sld [smem:$0x3F97]  }
0x1a: {  	s8 =	sadd.s32 $0xFFFFE003, lr  }
0x1b: {  	s9 =	sadd.s32 $0xFFFFFEF7, lr;
	s5 =	simm.s32 $0xFFFFFFFF;
	p2 =	slt.u32 s8, $0xFFFFF086  }
0x1c: {  	p1 =	slt.u32 s9, $0xF7A;
	s5 =	simm.s32 @!p2 $0x0  }
0x1d: {  	s5 =	simm.s32 @p1 $0x1;
	p0 =	seq.s32 s7, s2  }
0x1e: {  	s7 =	smul.u32 @!p0 $0xF7A, s2;
	p2 =	seq.s32 @!p0 s5, $0x0  }
0x1f: {  	s9 =	smul.u32 $0xF7A, s1;
	s8 =	simm.s32 @!p0 $0x1BF5;
	p2 =	por !p2, p0  }
0x20: {  	[sflag:s8] =	ssyncset.s32 @!p0 $0xFFFFF086;
	s6 =	sadd.s32 @!p0 s3, s7;
	s7 =	simm.s32 @!p0 $0x108  }
0x21: {  	s3 =	sadd.s32 s3, s9;
	s6 =	sadd.s32 @!p0 $0x88, s6;
	s7 =	simm.s32 @p2 $0x1082  }
0x22: {  	[simem:s7], [sflag:s8] =	dma.local @!p0 [hbm:s6], $0xF7A  }
0x23: {  	s9 =	sor.u32 $0xD0000000, s2;
	s6 =	simm.s32 $0x108;
	_ =	swait.ge @!p0 [sflag:s8], $0x0  }
0x24: {  	s3 =	sadd.s32 $0x88, s3;
	s6 =	simm.s32 @!p1 $0x1082;
	[sflag:s4] =	ssyncset.s32 $0xFFFFF086  }
0x25: {  	[simem:s6], [sflag:s4] =	dma.local [hbm:s3], $0xF7A  }
0x26: {  	[smem:$0x3F97] =	sst s1;
	(tag) =	ssettag s2;
	_ =	strace s9  }
0x27: {  	s1 =	sld [smem:$0x3FA7]  }
0x28: {  	s2 =	sld [smem:$0x3FA8]  }
0x29: {  	s4 =	sld [smem:$0x3FAA]  }
0x2a: {  	p0 =	seq.s32 s5, $0x0;
	s5 =	sld [smem:$0x3FAB]  }
0x2b: {  	s6 =	sld [smem:$0x3FAC]  }
0x2c: {  	s7 =	sld [smem:$0x3FAD]  }
0x2d: {  	s3 =	simm.s32 $0x108;
	s8 =	sld [smem:$0x3FAE]  }
0x2e: {  	s3 =	simm.s32 @!p0 $0x1082;
	s9 =	sld [smem:$0x3FAF]  }
0x2f: {  	lr =	sadd.s32 s0, s3;
	s0 =	sld [smem:$0x3FA6]  }
0x30: {  	s3 =	sld [smem:$0x3FA9]  }
0x31: {  	[smem:$0x3FB2] =	sst s10  }
0x32: {  	s10 =	sld [smem:$0x3FB0];
	_ =	sdelay $0x3  }
0x33: {  	p0 =	seq.s32 s10, $0x1;
	s10 =	sld [smem:$0x3FB2];
	_ =	sdelay $0x3  }
0x34: {  	[smem:$0x3FB2] =	sst s10  }
0x35: {  	s10 =	sld [smem:$0x3FB1];
	_ =	sdelay $0x3  }
0x36: {  	p1 =	seq.s32 s10, $0x1;
	s10 =	sld [smem:$0x3FB2];
	_ =	sdelay $0x3  }
0x37: {  	[smem:$0x3FB2] =	sst s10  }
0x38: {  	s10 =	sld [smem:$0x3FB3]  }
0x39: {  	_ = 	snop;
	(pc) =	sbr.ind lr, $3  }
0x3a: {  	_ = 	snop  }
0x3b: {  	_ = 	snop  }
0x3c: {  	p2 =	seq.s32 s10, $0x1;
	s10 =	sld [smem:$0x3FB2]  }
0x3d: {  	_ =	shalt  }
0x3e: {  	_ =	shalt  }
0x3f: {  	_ =	shalt  }
0x40: {  	_ =	shalt  }
0x41: {  	_ =	shalt  }
0x42: {  	_ =	shalt  }
0x43: {  	_ =	shalt  }
0x44: {  	_ =	shalt  }
0x45: {  	_ =	shalt  }
0x46: {  	_ =	shalt  }
0x47: {  	_ =	shalt  }
0x48: {  	_ =	shalt  }
0x49: {  	_ =	shalt  }
0x4a: {  	_ =	shalt  }
0x4b: {  	_ =	shalt  }
0x4c: {  	_ =	shalt  }
0x4d: {  	_ =	shalt  }
0x4e: {  	_ =	shalt  }
0x4f: {  	_ =	shalt  }
0x50: {  	_ =	shalt  }
0x51: {  	_ =	shalt  }
0x52: {  	_ =	shalt  }
0x53: {  	_ =	shalt  }
0x54: {  	_ =	shalt  }
0x55: {  	_ =	shalt  }
0x56: {  	_ =	shalt  }
0x57: {  	_ =	shalt  }
0x58: {  	_ =	shalt  }
0x59: {  	_ =	shalt  }
0x5a: {  	_ =	shalt  }
0x5b: {  	_ =	shalt  }
0x5c: {  	_ =	shalt  }
0x5d: {  	_ =	shalt  }
0x5e: {  	_ =	shalt  }
0x5f: {  	_ =	shalt  }
0x60: {  	_ =	shalt  }
0x61: {  	_ =	shalt  }
0x62: {  	_ =	shalt  }
0x63: {  	_ =	shalt  }
0x64: {  	_ =	shalt  }
0x65: {  	_ =	shalt  }
0x66: {  	_ =	shalt  }
0x67: {  	_ =	shalt  }
0x68: {  	_ =	shalt  }
0x69: {  	_ =	shalt  }
0x6a: {  	_ =	shalt  }
0x6b: {  	_ =	shalt  }
0x6c: {  	_ =	shalt  }
0x6d: {  	_ =	shalt  }
0x6e: {  	_ =	shalt  }
0x6f: {  	_ =	shalt  }
0x70: {  	_ =	shalt  }
0x71: {  	_ =	shalt  }
0x72: {  	_ =	shalt  }
0x73: {  	_ =	shalt  }
0x74: {  	_ =	shalt  }
0x75: {  	_ =	shalt  }
0x76: {  	_ =	shalt  }
0x77: {  	_ =	shalt  }
0x78: {  	_ =	shalt  }
0x79: {  	_ =	shalt  }
0x7a: {  	_ =	shalt  }
0x7b: {  	_ =	shalt  }
0x7c: {  	_ =	shalt  }
0x7d: {  	_ =	shalt  }
0x7e: {  	_ =	shalt  }
0x7f: {  	_ =	shalt  }
0x80: {  	_ =	shalt  }
0x81: {  	_ =	shalt  }
0x82: {  	_ =	shalt  }
0x83: {  	_ =	shalt  }
0x84: {  	_ =	shalt  }
0x85: {  	_ =	shalt  }
0x86: {  	_ =	shalt  }
0x87: {  	_ =	shalt  }
.Lfunc_end0:
.L_simem_size_0:
called_computation_lowered:
.L_overlay_start_0:
0x88: {  	s2 =	sld [smem:$0x3FD9]  }
0x89: {  	s3 =	sld [smem:$0x3FFE];
	_ =	sdelay $0x1  }
0x8a: {  	s1 =	srdreg.scid  }
0x8b: {  	s0 =	sand.u32 $0x1, s1  }
0x8c: {  	s17 =	sshll.u32 s0, $0xA;
	s2 =	sadd.s32 s3, s2  }
0x8d: {  	s2 =	sadd.s32 s2, s17  }
0x8e: {  	[smem:$0x3FBE] =	sst s2  }
0x8f: {  	_ = 	snop  }
0x90: {  	s18 =	sld [smem:$0x3FD0];
	(tm) =	ssettm $0x1  }
0x91: {  	s19 =	sld [smem:$0x3FFB];
	_ =	sdelay $0x3  }
0x92: {  	_ =	strace s19  }
0x93: {  	s2 =	sld [smem:$0x3FFC];
	_ =	sdelay $0x3  }
0x94: {  	_ =	strace s2  }
0x95: {  	s2 =	sld [smem:$0x3FFD];
	_ =	sdelay $0x3  }
0x96: {  	_ =	strace s2  }
0x97: {  	_ =	strace $0x8FFFFFFF  }
0x98: {  	s20 =	sld [smem:$0x3FDB];
	_ =	sdelay $0x1  }
0x99: {  	s4 =	simm.s32 $_scs_section_size  }
0x9a: {  	s5 =	simm.s32 $_size__tile_overlayer_lowered;
	s6 =	simm.s32 $_tile_overlayer_lowered  }
0x9b: {  	s7 =	simm.s32 $0x1BFF;
	s21 =	sshll.u32 s6, $0x1;
	s4 =	sadd.s32 s4, s20  }
0x9c: {  	s22 =	simm.s32 $0x0;
	s5 =	sshll.u32 s5, $0x1;
	s6 =	sadd.s32 s21, s4  }
0x9d: {  	[timem:s22], [sflag:s7] =	dma.local [hbm:s6], s5  }
0x9e: {  	_ =	swait.ge [sflag:s7], s5  }
0x9f: {  	s5 =	ssub.s32 $0x0, s5;
	[sflag:s7] =	ssyncset.done $0x0  }
0xa0: {  	[sflag:s7] =	ssyncadd.s32 s5;
	_ =	sdelay $0x1  }
0xa1: {  	s23 =	simm.s32 $0x1B8B  }
0xa2: {  	_ =	swait.ge [sflag:s23], $0x1  }
0xa3: {  	[sflag:s23] =	ssyncset.done $0x0  }
0xa4: {  	[sflag:s23] =	ssyncadd.s32 $0xFFFFFFFF  }
0xa5: {  	s5 =	sld [smem:$0x0]  }
0xa6: {  	s6 =	sand.u32 $0xFFFFFFFE, s1  }
0xa7: {  	p0 =	sne.s32 s1, s6  }
0xa8: {  	s6 =	sshll.u32 @p0 s6, $0xE  }
0xa9: {  	s6 =	sadd.s32 @p0 $0x11B8D, s6;
	s7 =	sshll.u32 @p0 s5, $0x11  }
0xaa: {  	s6 =	sor.u32 @p0 s7, s6  }
0xab: {  	[sflag:s6] =	ssyncadd.remote.s32 @p0 $0x1;
	_ =	sdelay $0x1  }
0xac: {  	s6 =	simm.s32 @p0 $0x1B8D  }
0xad: {  	_ =	swait.eq @p0 [sflag:s6], $0x1  }
0xae: {  	[sflag:s6] =	ssyncadd.s32 @p0 $0xFFFFFFFF  }
0xaf: {  	s7 =	sshll.u32 @!p0 s1, $0xE  }
0xb0: {  	s7 =	sor.u32 @!p0 $0x4000, s7;
	s6 =	simm.s32 @!p0 $0x1B8D  }
0xb1: {  	s5 =	sshll.u32 @!p0 s5, $0x11;
	s7 =	sadd.s32 @!p0 $0x11B8D, s7;
	_ =	swait.eq @!p0 [sflag:s6], $0x1  }
0xb2: {  	s5 =	sor.u32 @!p0 s5, s7;
	[sflag:s6] =	ssyncadd.s32 @!p0 $0xFFFFFFFF  }
0xb3: {  	s25 =	simm.s32 $0x1B8E;
	s24 =	sld [smem:$0x3FFE];
	[sflag:s5] =	ssyncadd.remote.s32 @!p0 $0x1  }
0xb4: {  	s26 =	simm.s32 $execute0_lowered;
	[smem:$0x3FD2] =	sst s25  }
0xb5: {  	s6 =	sshll.u32 s26, $0x1;
	_ =	strace $0x80000049;
	[dreg:$0x1] =	wrdreg $0xFFFFFFFF  }
0xb6: {  	s28 =	simm.s32 $_size_execute0_lowered;
	s4 =	sadd.s32 s4, s6;
	[dreg:$0x0] =	wrdreg $0x0  }
0xb7: {  	s6 =	sshll.u32 s28, $0x1;
	[dreg:$0x2] =	wrdreg s4  }
0xb8: {  	[dreg:$0x3] =	wrdreg s6  }
0xb9: {  	[dreg:$0x4] =	wrdreg $0xC0  }
0xba: {  	_ =	task [dreg:s22], $0x5FFFF  }
0xbb: {  	[dreg:$0x1] =	wrdreg $0xFFFFFFFF  }
0xbc: {  	[dreg:$0x0] =	wrdreg $0x60  }
0xbd: {  	[dreg:$0x2] =	wrdreg s24  }
0xbe: {  	[dreg:$0x3] =	wrdreg s18  }
0xbf: {  	[dreg:$0x4] =	wrdreg $0x0  }
0xc0: {  	[dreg:$0x5] =	wrdreg $0x9  }
0xc1: {  	_ =	task.clear_ibuf [dreg:s22], $0x6FFFF;
	_ =	strace $0x90000049  }
0xc2: {  	s29 =	simm.s32 $0x9;
	_ =	strace $0x8000004B  }
0xc3: {  	_ =	swait.ge [sflag:s29], $0x1  }
0xc4: {  	[sflag:s29] =	ssyncadd.s32 $0xFFFFFFFF  }
0xc5: {  	_ =	strace $0x9000004B  }
0xc6: {  	_ =	sfence  }
0xc7: {  	s30 =	sld [smem:$0x0];
	_ =	sdelay $0x2  }
0xc8: {  	s31 =	sshll.u32 s1, $0xD;
	s1 =	sshrl.u32 s1, $0x2  }
0xc9: {  	s4 =	sand.u32 $0x4000, s31;
	s1 =	sadd.s32 s1, s30  }
0xca: {  	s0 =	sor.u32 s4, s0;
	s1 =	sshll.u32 s1, $0x11  }
0xcb: {  	s0 =	sor.u32 s1, s0  }
0xcc: {  	s0 =	sadd.s32 $0x8F2B, s0  }
0xcd: {  	[sflag:s0] =	ssyncadd.remote.s32 $0x1  }
0xce: {  	_ =	sfence.sel $0xFFFF  }
0xcf: {  	[dreg:$0x0] =	wrdreg $0xFFFFFFFF;
	(pc) =	sbr.abs _section_cstart, $3  }
0xd0: {  	[dreg:$0x1] =	wrdreg $0xFFFFFFFF  }
0xd1: {  	_ =	task.clear_ibuf [dreg:s22], $0x2FFFF;
	_ =	strace $0x9FFFFFFF  }
0xd2: {  	(tm) =	ssettm $0x7FFFFFFF  }
0xd3: {  	_ =	shalt  }
tec
execute0_lowered:
.L_overlay_start_1:
0x0: {  	(tag) =	ssettag $0x1  }
0x1: {  	s0 =	rddreg [dreg:$0x0]  }
0x2: {  	s3 =	rddreg [dreg:$0x2];
	s4 =	simm.s32 $0x0  }
0x3: {  	s1 =	srdreg.scid;
	s26 =	stileid.u32;
	s28 =	simm.s32 $0x13C00  }
0x4: {  	s29 =	simm.s32 $0x40;
	s30 =	simm.s32 $0x0;
	s2 =	smul.u32 $0x4F000, s26  }
0x5: {  	[smem:$0x7FF] =	sst s4;
	s1 =	sand.u32 $0x1, s1;
	s22 =	smul.u32 $0x2800, s26  }
0x6: {  	s20 =	sadd.s32 $0x2C00, s0;
	s5 =	sadd.s32 $0x2AC00, s0;
	s21 =	smul.u32 $0x13800, s26  }
0x7: {  	s0 =	sadd.s32 $0xC7400, s0;
	p0 =	sne.s32 s26, $0xF;
	s15 =	smul.u32 $0x50000, s1  }
0x8: {  	s6 =	ssub.s32 $0x2, s1;
	s18 =	smul.u32 $0x271000, s1;
	s1 =	sshllo.u32 s1, $0x1  }
0x9: {  	_ =	strace $0x8000004A;
	s7 =	sshrl.u32 s6, $0x1;
	s17 =	smul.u32 $0x28000, s1  }
0xa: {  	s2 =	sshrl.u32 s2, $0x2;
	s1 =	smul.u32 $0x138800, s1;
	s24 =	ssub.s32 s6, s7  }
0xb: {  	s6 =	sadd.s32 s2, s3;
	s16 =	sadd.s32 s22, s15;
	s19 =	sadd.s32 s21, s18  }
0xc: {  	s18 =	sshrl.u32 s18, $0x3;
	s7 =	sadd.s32 $0x2000, s6;
	s8 =	sadd.s32 $0x4000, s6  }
0xd: {  	s9 =	sadd.s32 $0x6000, s6;
	s10 =	sadd.s32 $0x8000, s6;
	s11 =	sadd.s32 $0xA000, s6  }
0xe: {  	s12 =	sadd.s32 $0xC000, s6;
	s13 =	sadd.s32 $0xE000, s6;
	s14 =	sadd.s32 $0x10000, s6  }
0xf: {  	s15 =	sadd.s32 $0x12000, s6;
	s16 =	sshrl.u32 s16, $0x3;
	s19 =	sshrl.u32 s19, $0x3  }
0x10: {  	s2 =	sadd.s32 s22, s17;
	s22 =	smul.u32 $0x4E000, s26;
	s25 =	sadd.s32 s0, s18  }
0x11: {  	s31 =	sadd.s32 s21, s1;
	s1 =	sshrl.u32 s1, $0x3;
	s21 =	sadd.s32 $0x138000, s3  }
0x12: {  	s24 =	smax.u32 s24, $0x1;
	s26 =	simm.s32 $0x1;
	s16 =	sadd.s32 s20, s16  }
0x13: {  	s17 =	sadd.s32 s0, s19;
	s19 =	sadd.s32 $0x27000, s25;
	s2 =	sshrl.u32 s2, $0x3  }
0x14: {  	s1 =	sadd.s32 s0, s1;
	s25 =	simm.s32 $0x16400;
	[dreg:$0x4] =	wrdreg s16  }
0x15: {  	s23 =	sshrl.u32 s22, $0x2;
	s20 =	sadd.s32 s20, s2;
	s2 =	sshrl.u32 s31, $0x3  }
0x16: {  	s18 =	sadd.s32 s23, s3;
	s22 =	sadd.s32 s0, s2;
	s23 =	sadd.s32 $0x27000, s1  }
.LBB2_1:
0x17: {  	[tilespmem:s25], [sflag:$0x1] =	stream.linear.gather [hbm4b:s5+s4], $0x2000, $0x38;
	[tilespmem:$0x18400] =	vst v63  }
0x18: {  	_ =	swait.ge [sflag:s26], $0x2000  }
0x19: {  	[sflag:s26] =	ssyncset.done $0x0  }
0x1a: {  	[sflag:s26] =	ssyncadd.s32 $0xFFFFE000  }
0x1b: {  	[spmem:s6] =	stream.linear.scatter [tilespmem:s25], [sflag:$0x1], $0x2000, $0x38;
	[tilespmem:$0x18400] =	vst v63  }
0x1c: {  	_ =	swait.ge [sflag:s26], $0x2000  }
0x1d: {  	[sflag:s26] =	ssyncset.done $0x0  }
0x1e: {  	[sflag:s26] =	ssyncadd.s32 $0xFFFFE000  }
0x1f: {  	[spmem:s7] =	stream.linear.scatter [tilespmem:s25], [sflag:$0x1], $0x2000, $0x38;
	[tilespmem:$0x18400] =	vst v63  }
0x20: {  	_ =	swait.ge [sflag:s26], $0x2000  }
0x21: {  	[sflag:s26] =	ssyncset.done $0x0  }
0x22: {  	[sflag:s26] =	ssyncadd.s32 $0xFFFFE000  }
0x23: {  	[spmem:s8] =	stream.linear.scatter [tilespmem:s25], [sflag:$0x1], $0x2000, $0x38;
	[tilespmem:$0x18400] =	vst v63  }
0x24: {  	_ =	swait.ge [sflag:s26], $0x2000  }
0x25: {  	[sflag:s26] =	ssyncset.done $0x0  }
0x26: {  	[sflag:s26] =	ssyncadd.s32 $0xFFFFE000  }
0x27: {  	[spmem:s9] =	stream.linear.scatter [tilespmem:s25], [sflag:$0x1], $0x2000, $0x38;
	[tilespmem:$0x18400] =	vst v63  }
0x28: {  	_ =	swait.ge [sflag:s26], $0x2000  }
0x29: {  	[sflag:s26] =	ssyncset.done $0x0  }
0x2a: {  	[sflag:s26] =	ssyncadd.s32 $0xFFFFE000  }
0x2b: {  	[spmem:s10] =	stream.linear.scatter [tilespmem:s25], [sflag:$0x1], $0x2000, $0x38;
	[tilespmem:$0x18400] =	vst v63  }
0x2c: {  	_ =	swait.ge [sflag:s26], $0x2000  }
0x2d: {  	[sflag:s26] =	ssyncset.done $0x0  }
0x2e: {  	[sflag:s26] =	ssyncadd.s32 $0xFFFFE000  }
0x2f: {  	[spmem:s11] =	stream.linear.scatter [tilespmem:s25], [sflag:$0x1], $0x2000, $0x38;
	[tilespmem:$0x18400] =	vst v63  }
0x30: {  	_ =	swait.ge [sflag:s26], $0x2000  }
0x31: {  	[sflag:s26] =	ssyncset.done $0x0  }
0x32: {  	[sflag:s26] =	ssyncadd.s32 $0xFFFFE000  }
0x33: {  	[spmem:s12] =	stream.linear.scatter [tilespmem:s25], [sflag:$0x1], $0x2000, $0x38;
	[tilespmem:$0x18400] =	vst v63  }
0x34: {  	_ =	swait.ge [sflag:s26], $0x2000  }
0x35: {  	[sflag:s26] =	ssyncset.done $0x0  }
0x36: {  	[sflag:s26] =	ssyncadd.s32 $0xFFFFE000  }
0x37: {  	[spmem:s13] =	stream.linear.scatter [tilespmem:s25], [sflag:$0x1], $0x2000, $0x38;
	[tilespmem:$0x18400] =	vst v63  }
0x38: {  	_ =	swait.ge [sflag:s26], $0x2000  }
0x39: {  	[sflag:s26] =	ssyncset.done $0x0  }
0x3a: {  	[sflag:s26] =	ssyncadd.s32 $0xFFFFE000  }
0x3b: {  	[spmem:s14] =	stream.linear.scatter [tilespmem:s25], [sflag:$0x1], $0x2000, $0x38;
	[tilespmem:$0x18400] =	vst v63  }
0x3c: {  	_ =	swait.ge [sflag:s26], $0x2000  }
0x3d: {  	[sflag:s26] =	ssyncset.done $0x0  }
0x3e: {  	[sflag:s26] =	ssyncadd.s32 $0xFFFFE000  }
0x3f: {  	[spmem:s15] =	stream.linear.scatter [tilespmem:s25], [sflag:$0x1], $0x1C00, $0x38;
	[tilespmem:$0x18400] =	vst v63  }
0x40: {  	_ =	swait.ge [sflag:s26], $0x1C00  }
0x41: {  	[sflag:s26] =	ssyncset.done $0x0  }
0x42: {  	s0 =	rddreg [dreg:$0x4];
	[sflag:s26] =	ssyncadd.s32 $0xFFFFE400  }
0x43: {  	[tilespmem:s28], [sflag:$0x1] =	stream.linear.gather [hbm4b:s0+s4], $0x2800, $0x38;
	[tilespmem:$0x18400] =	vst v63  }
0x44: {  	_ =	swait.ge [sflag:s26], $0x2800  }
0x45: {  	[sflag:s26] =	ssyncset.done $0x0  }
0x46: {  	[sflag:s26] =	ssyncadd.s32 $0xFFFFD800  }
0x47: {  	s16 =	rddreg [dreg:$0x1]  }
0x48: {  	[tilespmem:s25], [sflag:$0x1] =	stream.linear.gather [hbm4b:s16+s4], $0x2000, $0x38;
	[tilespmem:$0x18400] =	vst v63  }
0x49: {  	_ =	swait.ge [sflag:s26], $0x2000  }
0x4a: {  	[sflag:s26] =	ssyncset.done $0x0  }
0x4b: {  	[sflag:s26] =	ssyncadd.s32 $0xFFFFE000  }
0x4c: {  	s31 =	simm.s32 $0x13C00;
	[bflag:$0x0] =	sbarrier.arrive $0xFFFF  }
0x4d: {  	[spmem:s3] =	stream.indirect.scatter.add.f32 [tilespmem:s25], [sflag:$0x1], $0x80, s31, s29, $0xb8;
	[tilespmem:$0x18400] =	vst v63  }
0x4e: {  	s0 =	simm.s32 $0x200;
	_ =	swait.ge [sflag:s26], $0x2000  }
.LBB2_2:
0x4f: {  	s1 =	sshra.s32 s0, $0x2;
	[sflag:s26] =	ssyncset.done $0x0;
	p1 =	sne.s32 s0, $0x9E00  }
.Ltmp0:
0x50: {  	s1 =	sadd.s32 $0x13C00, s1;
	[sflag:s26] =	ssyncadd.s32 $0xFFFFE000;
	(pc) =	sbr.rel @p1 .LBB2_2-.Ltmp0, $3  }
0x51: {  	[spmem:s3] =	stream.indirect.scatter.add.f32 [tilespmem:s25], [sflag:$0x1], $0x80, s1, s29, $0xb8;
	[tilespmem:$0x18400] =	vst v63  }
0x52: {  	s0 =	sadd.s32 $0x200, s0;
	_ =	sdelay $0x1  }
0x53: {  	_ =	swait.ge [sflag:s26], $0x2000  }
0x54: {  	[sflag:s26] =	ssyncset.done $0x0;
	s0 =	stileid.u32  }
0x55: {  	[sflag:s26] =	ssyncadd.s32 $0xFFFFE000;
	s0 =	sshll.u32 s0, $0x6  }
0x56: {  	[bflag:$0x0] =	sbarrier.arrive $0xFFFF;
	s31 =	sor.u32 $0x1C01, s0;
	s0 =	sshrl.u32 s18, $0x3  }
0x57: {  	[hbm:s17], [sflag:s31] =	dma.local [spmem:s0], $0x2700  }
0x58: {  	_ =	swait.ge [sflag:s26], $0x2700  }
0x59: {  	[sflag:s26] =	ssyncset.done $0x0  }
0x5a: {  	s2 =	sshrl.u32 @!p0 s21, $0x3;
	s1 =	simm.s32 @!p0 $0x1;
	[sflag:s26] =	ssyncadd.s32 $0xFFFFD900  }
0x5b: {  	[hbm:s19], [sflag:s31] =	dma.local @!p0 [spmem:s2], $0x100  }
0x5c: {  	_ =	swait.ge @!p0 [sflag:s1], $0x100  }
0x5d: {  	[sflag:s1] =	ssyncset.done @!p0 $0x0  }
0x5e: {  	[sflag:s1] =	ssyncadd.s32 @!p0 $0xFFFFFF00  }
0x5f: {  	s1 =	simm.s32 $0x0;
	[bflag:$0x0] =	sbarrier.arrive $0xFFFF  }
0x60: {  	[tilespmem:s25], [sflag:$0x1] =	stream.linear.gather [hbm4b:s5+s1], $0x2000, $0x38;
	[tilespmem:$0x18400] =	vst v63  }
0x61: {  	_ =	swait.ge [sflag:s26], $0x2000  }
0x62: {  	[sflag:s26] =	ssyncset.done $0x0  }
0x63: {  	[sflag:s26] =	ssyncadd.s32 $0xFFFFE000  }
0x64: {  	[spmem:s6] =	stream.linear.scatter [tilespmem:s25], [sflag:$0x1], $0x2000, $0x38;
	[tilespmem:$0x18400] =	vst v63  }
0x65: {  	_ =	swait.ge [sflag:s26], $0x2000  }
0x66: {  	[sflag:s26] =	ssyncset.done $0x0  }
0x67: {  	[sflag:s26] =	ssyncadd.s32 $0xFFFFE000  }
0x68: {  	[spmem:s7] =	stream.linear.scatter [tilespmem:s25], [sflag:$0x1], $0x2000, $0x38;
	[tilespmem:$0x18400] =	vst v63  }
0x69: {  	_ =	swait.ge [sflag:s26], $0x2000  }
0x6a: {  	[sflag:s26] =	ssyncset.done $0x0  }
0x6b: {  	[sflag:s26] =	ssyncadd.s32 $0xFFFFE000  }
0x6c: {  	[spmem:s8] =	stream.linear.scatter [tilespmem:s25], [sflag:$0x1], $0x2000, $0x38;
	[tilespmem:$0x18400] =	vst v63  }
0x6d: {  	_ =	swait.ge [sflag:s26], $0x2000  }
0x6e: {  	[sflag:s26] =	ssyncset.done $0x0  }
0x6f: {  	[sflag:s26] =	ssyncadd.s32 $0xFFFFE000  }
0x70: {  	[spmem:s9] =	stream.linear.scatter [tilespmem:s25], [sflag:$0x1], $0x2000, $0x38;
	[tilespmem:$0x18400] =	vst v63  }
0x71: {  	_ =	swait.ge [sflag:s26], $0x2000  }
0x72: {  	[sflag:s26] =	ssyncset.done $0x0  }
0x73: {  	[sflag:s26] =	ssyncadd.s32 $0xFFFFE000  }
0x74: {  	[spmem:s10] =	stream.linear.scatter [tilespmem:s25], [sflag:$0x1], $0x2000, $0x38;
	[tilespmem:$0x18400] =	vst v63  }
0x75: {  	_ =	swait.ge [sflag:s26], $0x2000  }
0x76: {  	[sflag:s26] =	ssyncset.done $0x0  }
0x77: {  	[sflag:s26] =	ssyncadd.s32 $0xFFFFE000  }
0x78: {  	[spmem:s11] =	stream.linear.scatter [tilespmem:s25], [sflag:$0x1], $0x2000, $0x38;
	[tilespmem:$0x18400] =	vst v63  }
0x79: {  	_ =	swait.ge [sflag:s26], $0x2000  }
0x7a: {  	[sflag:s26] =	ssyncset.done $0x0  }
0x7b: {  	[sflag:s26] =	ssyncadd.s32 $0xFFFFE000  }
0x7c: {  	[spmem:s12] =	stream.linear.scatter [tilespmem:s25], [sflag:$0x1], $0x2000, $0x38;
	[tilespmem:$0x18400] =	vst v63  }
0x7d: {  	_ =	swait.ge [sflag:s26], $0x2000  }
0x7e: {  	[sflag:s26] =	ssyncset.done $0x0  }
0x7f: {  	[sflag:s26] =	ssyncadd.s32 $0xFFFFE000  }
0x80: {  	[spmem:s13] =	stream.linear.scatter [tilespmem:s25], [sflag:$0x1], $0x2000, $0x38;
	[tilespmem:$0x18400] =	vst v63  }
0x81: {  	_ =	swait.ge [sflag:s26], $0x2000  }
0x82: {  	[sflag:s26] =	ssyncset.done $0x0  }
0x83: {  	[sflag:s26] =	ssyncadd.s32 $0xFFFFE000  }
0x84: {  	[spmem:s14] =	stream.linear.scatter [tilespmem:s25], [sflag:$0x1], $0x2000, $0x38;
	[tilespmem:$0x18400] =	vst v63  }
0x85: {  	_ =	swait.ge [sflag:s26], $0x2000  }
0x86: {  	[sflag:s26] =	ssyncset.done $0x0  }
0x87: {  	[sflag:s26] =	ssyncadd.s32 $0xFFFFE000  }
0x88: {  	[spmem:s15] =	stream.linear.scatter [tilespmem:s25], [sflag:$0x1], $0x1C00, $0x38;
	[tilespmem:$0x18400] =	vst v63  }
0x89: {  	_ =	swait.ge [sflag:s26], $0x1C00  }
0x8a: {  	[sflag:s26] =	ssyncset.done $0x0  }
0x8b: {  	[sflag:s26] =	ssyncadd.s32 $0xFFFFE400  }
0x8c: {  	[tilespmem:s28], [sflag:$0x1] =	stream.linear.gather [hbm4b:s20+s1], $0x2800, $0x38;
	[tilespmem:$0x18400] =	vst v63  }
0x8d: {  	_ =	swait.ge [sflag:s26], $0x2800  }
0x8e: {  	[sflag:s26] =	ssyncset.done $0x0  }
0x8f: {  	[sflag:s26] =	ssyncadd.s32 $0xFFFFD800  }
0x90: {  	s16 =	rddreg [dreg:$0x1]  }
0x91: {  	[tilespmem:s25], [sflag:$0x1] =	stream.linear.gather [hbm4b:s16+s1], $0x2000, $0x38;
	[tilespmem:$0x18400] =	vst v63  }
0x92: {  	_ =	swait.ge [sflag:s26], $0x2000  }
0x93: {  	[sflag:s26] =	ssyncset.done $0x0  }
0x94: {  	[sflag:s26] =	ssyncadd.s32 $0xFFFFE000  }
0x95: {  	s16 =	simm.s32 $0x13C00;
	[bflag:$0x0] =	sbarrier.arrive $0xFFFF  }
0x96: {  	[spmem:s3] =	stream.indirect.scatter.add.f32 [tilespmem:s25], [sflag:$0x1], $0x80, s16, s29, $0xb8;
	[tilespmem:$0x18400] =	vst v63  }
0x97: {  	s1 =	simm.s32 $0x200;
	_ =	swait.ge [sflag:s26], $0x2000  }
.LBB2_4:
0x98: {  	s16 =	sshra.s32 s1, $0x2;
	[sflag:s26] =	ssyncset.done $0x0;
	p1 =	sne.s32 s1, $0x9E00  }
.Ltmp1:
0x99: {  	s16 =	sadd.s32 $0x13C00, s16;
	[sflag:s26] =	ssyncadd.s32 $0xFFFFE000;
	(pc) =	sbr.rel @p1 .LBB2_4-.Ltmp1, $3  }
0x9a: {  	[spmem:s3] =	stream.indirect.scatter.add.f32 [tilespmem:s25], [sflag:$0x1], $0x80, s16, s29, $0xb8;
	[tilespmem:$0x18400] =	vst v63  }
0x9b: {  	s1 =	sadd.s32 $0x200, s1;
	_ =	sdelay $0x1  }
0x9c: {  	_ =	swait.ge [sflag:s26], $0x2000  }
0x9d: {  	[sflag:s26] =	ssyncset.done $0x0  }
0x9e: {  	[sflag:s26] =	ssyncadd.s32 $0xFFFFE000  }
0x9f: {  	[bflag:$0x0] =	sbarrier.arrive $0xFFFF  }
0xa0: {  	[hbm:s22], [sflag:s31] =	dma.local [spmem:s0], $0x2700  }
0xa1: {  	_ =	swait.ge [sflag:s26], $0x2700  }
0xa2: {  	s30 =	sadd.s32 $0x1, s30;
	[sflag:s26] =	ssyncset.done $0x0  }
0xa3: {  	p1 =	sne.s32 s30, s24;
	s0 =	simm.s32 @!p0 $0x1;
	[sflag:s26] =	ssyncadd.s32 $0xFFFFD900  }
0xa4: {  	[hbm:s23], [sflag:s31] =	dma.local @!p0 [spmem:s2], $0x100  }
.Ltmp2:
0xa5: {  	_ =	swait.ge @!p0 [sflag:s0], $0x100;
	(pc) =	sbr.rel @p1 .LBB2_1-.Ltmp2, $3  }
0xa6: {  	[sflag:s0] =	ssyncset.done @!p0 $0x0  }
0xa7: {  	[sflag:s0] =	ssyncadd.s32 @!p0 $0xFFFFFF00  }
0xa8: {  	[bflag:$0x0] =	sbarrier.arrive $0xFFFF;
	_ =	sdelay $0x1  }
0xa9: {  	_ =	sfence.sel $0x180000  }
0xaa: {  	[bflag:$0x0] =	sbarrier.arrive $0xFFFF  }
0xab: {  	_ =	strace $0x9000004A  }
0xac: {  	s0 =	stileid.u32;
	[bflag:$0x2] =	sbarrier.arrive $0xFFFF  }
0xad: {  	p0 =	sne.s32 s0, $0x0;
	s0 =	rddreg [dreg:$0x3]  }
0xae: {  	s0 =	sadd.s32 @!p0 $0x100000, s0  }
0xaf: {  	[sflag:s0] =	ssyncadd.tile.s32 @!p0 $0x1;
	_ =	shalt  }
.Lfunc_end2:
_tile_overlayer_lowered:
.L_overlay_start_2:
0xb0: {  	(tag) =	ssettag $0x2  }
0xb1: {  	s0 =	rddreg [dreg:$0x0];
	s2 =	stileid.u32  }
0xb2: {  	s1 =	rddreg [dreg:$0x1];
	p0 =	sne.s32 s2, $0x0  }
0xb3: {  	s3 =	rddreg [dreg:$0x2];
	[bflag:$0x3] =	sbarrier.arrive $0xFFFF;
	s2 =	simm.s32 @!p0 $0x1C01  }
0xb4: {  	[timem:s3], [sflag:s2] =	dma.local @!p0 [hbm:s0], s1  }
0xb5: {  	s0 =	simm.s32 @!p0 $0x1  }
0xb6: {  	_ =	swait.ge @!p0 [sflag:s0], s1  }
0xb7: {  	s1 =	ssub.s32 @!p0 $0x0, s1;
	[sflag:s0] =	ssyncset.done @!p0 $0x0  }
0xb8: {  	[sflag:s0] =	ssyncadd.s32 @!p0 s1  }
0xb9: {  	[bflag:$0x3] =	sbarrier.arrive $0xFFFF  }
0xba: {  	_ =	shalt  }

</sc_bundles>
